<compile_context>
chip_gen: v7x
topology: tpu7x:2x2x1
jax: 0.10.2.dev20260603
libtpu: 0.0.44.dev20260713+nightly
codegen_flags: <defaults>
</compile_context>

<pallas_src>
import functools
import jax
import jax.numpy as jnp
import numpy as np
from jax import lax
from jax.experimental import pallas as pl
from jax.experimental.pallas import tpu as pltpu
from jax.experimental.pallas import tpu_sc as plsc

S, B, D, H, E, K, DFF = 2048, 1, 768, 12, 8, 2, 3072
NC, NS, L = 2, 16, 16
NW = NC * NS
TOKW = S // NW
RTILE = 128
NT = S * K // RTILE + E
R = NT * RTILE
RT = 256


def _ln_jnp(x, w, b):
    x32 = x.astype(jnp.float32)
    m = jnp.mean(x32, axis=-1, keepdims=True)
    v = jnp.var(x32, axis=-1, keepdims=True)
    return ((x32 - m) / jnp.sqrt(v + 1e-5) * w + b).astype(x.dtype)


def _attn_jnp(x, in_w, in_b, out_w, out_b):
    s_, b_, d_ = x.shape
    dh = d_ // H
    qkv = x @ in_w.T + in_b
    q, k, v = jnp.split(qkv, 3, axis=-1)

    def rs(t):
        return t.reshape(s_, b_ * H, dh).transpose(1, 0, 2)

    q, k, v = rs(q), rs(k), rs(v)
    scores = (q @ k.transpose(0, 2, 1)) / np.sqrt(dh)
    a = jax.nn.softmax(scores, axis=-1)
    o = (a @ v).transpose(1, 0, 2).reshape(s_, b_, d_)
    return o @ out_w.T + out_b


def _routing_exact(x, in_proj_w, in_proj_b, out_proj_w, out_proj_b,
                   ln1_w, ln1_b, ln2_w, ln2_b, gate_w):
    x_after = x + _attn_jnp(_ln_jnp(x, ln1_w, ln1_b), in_proj_w, in_proj_b,
                            out_proj_w, out_proj_b)
    flat = _ln_jnp(x_after, ln2_w, ln2_b).reshape(-1, D)
    router_logits = flat @ gate_w.T
    rw = jax.nn.softmax(router_logits.astype(jnp.float32), axis=1)
    rw_top, sel = jax.lax.top_k(rw, K)
    rw_top = rw_top / jnp.sum(rw_top, axis=-1, keepdims=True)
    return x_after, flat, router_logits, rw_top.astype(flat.dtype), sel


def _lane_iota():
    return jax.lax.broadcasted_iota(jnp.int32, (L,), 0)


def _lane_extract(vec, e):
    return jnp.sum(jnp.where(_lane_iota() == e, vec, 0))


def _hist_body(sel0_hbm, sel1_hbm, hist_hbm, sel0_v, sel1_v, hist_v, sem):
    wid = lax.axis_index("s") * NC + lax.axis_index("c")
    base = wid * TOKW
    pltpu.sync_copy(sel0_hbm.at[pl.ds(base, TOKW)], sel0_v)
    pltpu.sync_copy(sel1_hbm.at[pl.ds(base, TOKW)], sel1_v)
    lane = _lane_iota()
    hist = jnp.zeros((L,), jnp.int32)
    for sv in (sel0_v, sel1_v):
        for c in range(TOKW // L):
            e16 = sv[pl.ds(c * L, L)]
            for e in range(E):
                pop = plsc.all_reduce_population_count(e16 == e)
                hist = hist + jnp.where(lane == e, pop, 0)
    hist_v[...] = hist
    pltpu.sync_copy(hist_v, hist_hbm.at[wid])


def _hist_stage(sel0, sel1):
    mesh = plsc.VectorSubcoreMesh(core_axis_name="c", subcore_axis_name="s")
    f = pl.kernel(
        _hist_body,
        out_type=jax.ShapeDtypeStruct((NW, L), jnp.int32),
        mesh=mesh,
        scratch_types=[
            pltpu.VMEM((TOKW,), jnp.int32),
            pltpu.VMEM((TOKW,), jnp.int32),
            pltpu.VMEM((L,), jnp.int32),
            pltpu.SemaphoreType.DMA,
        ],
        compiler_params=pltpu.CompilerParams(needs_layout_passes=False),
    )
    return f(sel0, sel1)


def _dispatch_body(sel0_hbm, sel1_hbm, hid_hbm, hist_hbm,
                   gath_hbm, te_hbm, p0_hbm, p1_hbm,
                   sel0_v, sel1_v, p0_v, p1_v, allhist_v, rows_v,
                   te_v, sem):
    wid = lax.axis_index("s") * NC + lax.axis_index("c")
    base = wid * TOKW
    pltpu.sync_copy(sel0_hbm.at[pl.ds(base, TOKW)], sel0_v)
    pltpu.sync_copy(sel1_hbm.at[pl.ds(base, TOKW)], sel1_v)
    pltpu.sync_copy(hist_hbm, allhist_v)
    lane = _lane_iota()

    csum = jnp.zeros((L,), jnp.int32)
    mybase = jnp.zeros((L,), jnp.int32)
    for w in range(NW):
        vec = allhist_v[w]
        csum = csum + vec
        mybase = mybase + jnp.where(w < wid, vec, 0)
    padded = jnp.bitwise_and(csum + (RTILE - 1), ~(RTILE - 1))
    po = plsc.cumsum(padded) - padded
    off = po + mybase

    pltpu.sync_copy(hid_hbm.at[pl.ds(base, TOKW)], rows_v)
    for sv, pv in ((sel0_v, p0_v), (sel1_v, p1_v)):
        for c in range(TOKW // L):
            e16 = sv[pl.ds(c * L, L)]
            pos = jnp.zeros((L,), jnp.int32)
            for e in range(E):
                m = e16 == e
                cnt = plsc.cumsum(m.astype(jnp.int32))
                base_e = _lane_extract(off, e)
                pos = jnp.where(m, base_e + cnt - 1, pos)
                pop = plsc.all_reduce_population_count(m)
                off = off + jnp.where(lane == e, pop, 0)
            pv[pl.ds(c * L, L)] = pos
            pltpu.async_copy(rows_v.at[pl.ds(c * L, L)],
                             gath_hbm.at[pos], sem).wait()
    pltpu.sync_copy(p0_v, p0_hbm.at[pl.ds(base, TOKW)])
    pltpu.sync_copy(p1_v, p1_hbm.at[pl.ds(base, TOKW)])

    te_v[...] = padded
    pltpu.sync_copy(te_v, te_hbm.at[wid])


def _dispatch_stage(sel0, sel1, hidden):
    hist = _hist_stage(sel0, sel1)
    mesh = plsc.VectorSubcoreMesh(core_axis_name="c", subcore_axis_name="s")
    f = pl.kernel(
        _dispatch_body,
        out_type=[
            jax.ShapeDtypeStruct((R, D), jnp.float32),
            jax.ShapeDtypeStruct((NW, L), jnp.int32),
            jax.ShapeDtypeStruct((S, ), jnp.int32),
            jax.ShapeDtypeStruct((S, ), jnp.int32),
        ],
        mesh=mesh,
        scratch_types=[
            pltpu.VMEM((TOKW,), jnp.int32),
            pltpu.VMEM((TOKW,), jnp.int32),
            pltpu.VMEM((TOKW,), jnp.int32),
            pltpu.VMEM((TOKW,), jnp.int32),
            pltpu.VMEM((NW, L), jnp.int32),
            pltpu.VMEM((TOKW, D), jnp.float32),
            pltpu.VMEM((L,), jnp.int32),
            pltpu.SemaphoreType.DMA,
        ],
        compiler_params=pltpu.CompilerParams(needs_layout_passes=False),
    )
    return f(sel0, sel1, hidden, hist)


def _ffn_body(te_ref, x_ref, wfc_ref, bfc_ref, wp_ref, bp_ref, out_ref):
    xb = x_ref[...].astype(jnp.bfloat16)
    h = jax.lax.dot_general(xb, wfc_ref[0], (((1,), (1,)), ((), ())),
                            preferred_element_type=jnp.float32) + bfc_ref[0]
    h = h * jax.nn.sigmoid(1.702 * h)
    o = jax.lax.dot_general(h.astype(jnp.bfloat16), wp_ref[0],
                            (((1,), (1,)), ((), ())),
                            preferred_element_type=jnp.float32) + bp_ref[0]
    out_ref[...] = o


def _ffn_stage(tile_expert, gathered, wfc16, bfc, wp16, bp):
    grid_spec = pltpu.PrefetchScalarGridSpec(
        num_scalar_prefetch=1,
        grid=(NT,),
        in_specs=[
            pl.BlockSpec((RTILE, D), lambda t, te: (t, 0)),
            pl.BlockSpec((1, DFF, D), lambda t, te: (te[t], 0, 0)),
            pl.BlockSpec((1, 1, DFF), lambda t, te: (te[t], 0, 0)),
            pl.BlockSpec((1, D, DFF), lambda t, te: (te[t], 0, 0)),
            pl.BlockSpec((1, 1, D), lambda t, te: (te[t], 0, 0)),
        ],
        out_specs=pl.BlockSpec((RTILE, D), lambda t, te: (t, 0)),
    )
    return pl.pallas_call(
        _ffn_body,
        grid_spec=grid_spec,
        out_shape=jax.ShapeDtypeStruct((R, D), jnp.float32),
    )(tile_expert, gathered, wfc16, bfc, wp16, bp)


def _gather_body(ffn_hbm, p0_hbm, p1_hbm, r0_hbm, r1_hbm,
                 p0_v, p1_v, r0_v, r1_v, sem):
    wid = lax.axis_index("s") * NC + lax.axis_index("c")
    base = wid * TOKW
    pltpu.sync_copy(p0_hbm.at[pl.ds(base, TOKW)], p0_v)
    pltpu.sync_copy(p1_hbm.at[pl.ds(base, TOKW)], p1_v)
    pltpu.async_copy(ffn_hbm.at[p0_v], r0_v, sem).wait()
    pltpu.async_copy(ffn_hbm.at[p1_v], r1_v, sem).wait()
    pltpu.sync_copy(r0_v, r0_hbm.at[pl.ds(base, TOKW)])
    pltpu.sync_copy(r1_v, r1_hbm.at[pl.ds(base, TOKW)])


def _gather_stage(ffn_out, p0, p1):
    mesh = plsc.VectorSubcoreMesh(core_axis_name="c", subcore_axis_name="s")
    f = pl.kernel(
        _gather_body,
        out_type=[
            jax.ShapeDtypeStruct((S, D), jnp.float32),
            jax.ShapeDtypeStruct((S, D), jnp.float32),
        ],
        mesh=mesh,
        scratch_types=[
            pltpu.VMEM((TOKW,), jnp.int32),
            pltpu.VMEM((TOKW,), jnp.int32),
            pltpu.VMEM((TOKW, D), jnp.float32),
            pltpu.VMEM((TOKW, D), jnp.float32),
            pltpu.SemaphoreType.DMA,
        ],
        compiler_params=pltpu.CompilerParams(needs_layout_passes=False),
    )
    return f(ffn_out, p0, p1)


def _combine_body(xa_ref, r0_ref, r1_ref, w0_ref, w1_ref, out_ref):
    out_ref[...] = (xa_ref[...] + w0_ref[...] * r0_ref[...]
                    + w1_ref[...] * r1_ref[...])


def _combine_stage(x_after2d, r0, r1, w0, w1):
    return pl.pallas_call(
        _combine_body,
        grid=(S // RT,),
        in_specs=[
            pl.BlockSpec((RT, D), lambda i: (i, 0)),
            pl.BlockSpec((RT, D), lambda i: (i, 0)),
            pl.BlockSpec((RT, D), lambda i: (i, 0)),
            pl.BlockSpec((RT, 1), lambda i: (i, 0)),
            pl.BlockSpec((RT, 1), lambda i: (i, 0)),
        ],
        out_specs=pl.BlockSpec((RT, D), lambda i: (i, 0)),
        out_shape=jax.ShapeDtypeStruct((S, D), jnp.float32),
    )(x_after2d, r0, r1, w0, w1)


def kernel(x, in_proj_w, in_proj_b, out_proj_w, out_proj_b, ln1_w, ln1_b,
           ln2_w, ln2_b, gate_w, W_fc, b_fc, W_proj, b_proj):
    x_after, flat, router_logits, rw_top, sel = _routing_exact(
        x, in_proj_w, in_proj_b, out_proj_w, out_proj_b,
        ln1_w, ln1_b, ln2_w, ln2_b, gate_w)

    sel0 = sel[:, 0] + 0
    sel1 = sel[:, 1] + 0
    gathered, padded_hist, p0, p1 = _dispatch_stage(sel0, sel1, flat)
    pt = jnp.cumsum(padded_hist[0, :E] >> 7)
    ti = jnp.arange(NT, dtype=jnp.int32)
    tile_expert = jnp.sum((ti[:, None] >= pt[None, :E - 1]).astype(jnp.int32),
                          axis=1)
    ffn_out = _ffn_stage(tile_expert, gathered,
                         W_fc.astype(jnp.bfloat16), b_fc.reshape(E, 1, DFF),
                         W_proj.astype(jnp.bfloat16), b_proj.reshape(E, 1, D))
    r0, r1 = _gather_stage(ffn_out, p0, p1)
    out = _combine_stage(x_after.reshape(S, D), r0, r1,
                         rw_top[:, :1] + 0.0,
                         rw_top[:, 1:] + 0.0)
    return (out.reshape(S, B, D), router_logits, rw_top, sel)

# --- scband reference (transcript-rebuilt; emitter-appended) ---
"""Pipeline reference for scband-mo-eresidual-attention-block-52364241273505 (READ-ONLY COPY).

The authoritative reference and input builder live on the scoring server;
editing this copy changes nothing except your own understanding.
"""

import jax, jax.numpy as jnp
import numpy as np

S, B, D, H, E, K, DFF = 2048, 1, 768, 12, 8, 2, 3072


def setup_inputs(seed: int = 0) -> dict:
    key = jax.random.key(seed)
    ks = jax.random.split(key, 8)
    s = 0.02
    return {
        "x": jax.random.normal(ks[0], (S, B, D), dtype=jnp.float32),
        "in_proj_w": jax.random.normal(ks[1], (3 * D, D), dtype=jnp.float32) * s,
        "in_proj_b": jnp.zeros((3 * D,), dtype=jnp.float32),
        "out_proj_w": jax.random.normal(ks[2], (D, D), dtype=jnp.float32) * s,
        "out_proj_b": jnp.zeros((D,), dtype=jnp.float32),
        "ln1_w": jnp.ones((D,), dtype=jnp.float32),
        "ln1_b": jnp.zeros((D,), dtype=jnp.float32),
        "ln2_w": jnp.ones((D,), dtype=jnp.float32),
        "ln2_b": jnp.zeros((D,), dtype=jnp.float32),
        "gate_w": jax.random.normal(ks[3], (E, D), dtype=jnp.float32) * s,
        "W_fc": jax.random.normal(ks[4], (E, DFF, D), dtype=jnp.float32) * s,
        "b_fc": jnp.zeros((E, DFF), dtype=jnp.float32),
        "W_proj": jax.random.normal(ks[5], (E, D, DFF), dtype=jnp.float32) * s,
        "b_proj": jnp.zeros((E, D), dtype=jnp.float32),
    }


def _ln(x, w, b):
    x32 = x.astype(jnp.float32)
    m = jnp.mean(x32, axis=-1, keepdims=True)
    v = jnp.var(x32, axis=-1, keepdims=True)
    return ((x32 - m) / jnp.sqrt(v + 1e-5) * w + b).astype(x.dtype)


def _attn(x, in_w, in_b, out_w, out_b):
    s_, b_, d_ = x.shape
    dh = d_ // H
    qkv = x @ in_w.T + in_b
    q, k, v = jnp.split(qkv, 3, axis=-1)

    def rs(t):
        return t.reshape(s_, b_ * H, dh).transpose(1, 0, 2)

    q, k, v = rs(q), rs(k), rs(v)
    scores = (q @ k.transpose(0, 2, 1)) / np.sqrt(dh)
    a = jax.nn.softmax(scores, axis=-1)
    o = (a @ v).transpose(1, 0, 2).reshape(s_, b_, d_)
    return o @ out_w.T + out_b


def reference(x, in_proj_w, in_proj_b, out_proj_w, out_proj_b, ln1_w, ln1_b, ln2_w, ln2_b, gate_w, W_fc, b_fc, W_proj, b_proj):
    x_after = x + _attn(_ln(x, ln1_w, ln1_b), in_proj_w, in_proj_b, out_proj_w, out_proj_b)
    hidden = _ln(x_after, ln2_w, ln2_b)
    flat = hidden.reshape(-1, D)
    router_logits = flat @ gate_w.T
    rw = jax.nn.softmax(router_logits.astype(jnp.float32), axis=1)
    rw_top, sel = jax.lax.top_k(rw, K)
    rw_top = rw_top / jnp.sum(rw_top, axis=-1, keepdims=True)
    rw_top = rw_top.astype(flat.dtype)
    final = jnp.zeros_like(flat)
    for e in range(E):
        w_e = jnp.sum(rw_top * (sel == e).astype(rw_top.dtype), axis=1)
        h = flat @ W_fc[e].T + b_fc[e]
        h = h * jax.nn.sigmoid(1.702 * h)
        oe = h @ W_proj[e].T + b_proj[e]
        final = final + oe * w_e[:, None]
    output = x_after + final.reshape(S, B, D)
    return (output, router_logits, rw_top, sel)

if __name__ == "__main__":
    import jax
    _d = setup_inputs()
    print(jax.jit(kernel)(*tuple(_d.values())))

</pallas_src>

<mosaic_0001>
#map = affine_map<(d0, d1) -> (0)>
#map1 = affine_map<(d0, d1) -> (0, 0)>
module attributes {stable_mosaic.version = 14 : i64} {
  func.func @_hist_body(%arg0: i32, %arg1: i32, %arg2: memref<2048xi32, #tpu.memory_space<hbm>>, %arg3: memref<2048xi32, #tpu.memory_space<hbm>>, %arg4: memref<32x16xi32, #tpu.memory_space<hbm>>, %arg5: memref<64xi32, #tpu.memory_space<vmem>>, %arg6: memref<64xi32, #tpu.memory_space<vmem>>, %arg7: memref<16xi32, #tpu.memory_space<vmem>>, %arg8: memref<!tpu.dma_semaphore, #tpu.memory_space<semaphore_mem>>) attributes {dimension_semantics = [#tpu.dimension_semantics<core_parallel>, #tpu.dimension_semantics<subcore_parallel>], iteration_bounds = array<i64: 2, 16>, scalar_prefetch = 0 : i64, scratch_operands = 4 : i64, tpu.core_type = #tpu.core_type<sc_vector_subcore>, window_params = [{transform_indices = #map}, {transform_indices = #map}, {transform_indices = #map1}]} {
    %mul3A = arith.constant 2 : i32
    %mul3A_0 = arith.muli %arg1, %mul3A : i32
    %add3A = arith.addi %mul3A_0, %arg0 : i32
    %mul3A_1 = arith.constant 64 : i32
    %mul3A_2 = arith.muli %add3A, %mul3A_1 : i32
    "tpu.region"() ({
      %run_scoped3A = tpu.sem_alloc : memref<!tpu.dma_semaphore, #tpu.memory_space<semaphore_mem>>
      %dma_start3A = tpu.memref_slice %arg2[%mul3A_2] : memref<2048xi32, #tpu.memory_space<hbm>> -> memref<64xi32, #tpu.memory_space<hbm>>
      %dma_start3A_720 = tpu.memref_slice %arg2[%mul3A_2] : memref<2048xi32, #tpu.memory_space<hbm>> -> memref<64xi32, #tpu.memory_space<hbm>>
      tpu.enqueue_dma source(%dma_start3A_720 : memref<64xi32, #tpu.memory_space<hbm>>) target(%arg5 : memref<64xi32, #tpu.memory_space<vmem>>) target_semaphore(%run_scoped3A : memref<!tpu.dma_semaphore, #tpu.memory_space<semaphore_mem>>)
      %dma_wait3A = tpu.memref_slice %arg2[%mul3A_2] : memref<2048xi32, #tpu.memory_space<hbm>> -> memref<64xi32, #tpu.memory_space<hbm>>
      %dma_wait3A_721 = tpu.memref_slice %arg2[%mul3A_2] : memref<2048xi32, #tpu.memory_space<hbm>> -> memref<64xi32, #tpu.memory_space<hbm>>
      tpu.wait_dma2 semaphore(%run_scoped3A : memref<!tpu.dma_semaphore, #tpu.memory_space<semaphore_mem>>) src(%dma_wait3A_721 : memref<64xi32, #tpu.memory_space<hbm>>) dst(%arg5 : memref<64xi32, #tpu.memory_space<vmem>>)
      tpu.yield
    }) : () -> ()
    "tpu.region"() ({
      %run_scoped3A = tpu.sem_alloc : memref<!tpu.dma_semaphore, #tpu.memory_space<semaphore_mem>>
      %dma_start3A = tpu.memref_slice %arg3[%mul3A_2] : memref<2048xi32, #tpu.memory_space<hbm>> -> memref<64xi32, #tpu.memory_space<hbm>>
      %dma_start3A_720 = tpu.memref_slice %arg3[%mul3A_2] : memref<2048xi32, #tpu.memory_space<hbm>> -> memref<64xi32, #tpu.memory_space<hbm>>
      tpu.enqueue_dma source(%dma_start3A_720 : memref<64xi32, #tpu.memory_space<hbm>>) target(%arg6 : memref<64xi32, #tpu.memory_space<vmem>>) target_semaphore(%run_scoped3A : memref<!tpu.dma_semaphore, #tpu.memory_space<semaphore_mem>>)
      %dma_wait3A = tpu.memref_slice %arg3[%mul3A_2] : memref<2048xi32, #tpu.memory_space<hbm>> -> memref<64xi32, #tpu.memory_space<hbm>>
      %dma_wait3A_721 = tpu.memref_slice %arg3[%mul3A_2] : memref<2048xi32, #tpu.memory_space<hbm>> -> memref<64xi32, #tpu.memory_space<hbm>>
      tpu.wait_dma2 semaphore(%run_scoped3A : memref<!tpu.dma_semaphore, #tpu.memory_space<semaphore_mem>>) src(%dma_wait3A_721 : memref<64xi32, #tpu.memory_space<hbm>>) dst(%arg6 : memref<64xi32, #tpu.memory_space<vmem>>)
      tpu.yield
    }) : () -> ()
    %iota3A = tpu.iota {dimensions = array<i32: 0>} : vector<16xi32>
    %broadcast_in_dim3A = arith.constant 0 : i32
    %broadcast_in_dim3A_3 = vector.broadcast %broadcast_in_dim3A : i32 to vector<16xi32>
    %get3A = arith.constant 0 : index
    %get3A_4 = tpu.vector_load %arg5[%get3A] {strides = array<i32>} : memref<64xi32, #tpu.memory_space<vmem>>, vector<16xi32>,
    %eq3A = arith.constant 0 : i32
    %eq3A_5 = vector.broadcast %eq3A : i32 to vector<16xi32>
    %eq3A_6 = arith.cmpi eq, %get3A_4, %eq3A_5 : vector<16xi32>
    %all_reduce_population_count3A = tpu.all_reduce %eq3A_6 {dim = 0 : i64, kind = #tpu.reduction_kind<sum>} : vector<16xi1> -> vector<16xi32>
    %eq3A_7 = arith.constant 0 : i32
    %eq3A_8 = vector.broadcast %eq3A_7 : i32 to vector<16xi32>
    %eq3A_9 = arith.cmpi eq, %iota3A, %eq3A_8 : vector<16xi32>
    %jit3A = arith.constant 0 : i32
    %broadcast_in_dim3A_10 = vector.broadcast %jit3A : i32 to vector<16xi32>
    %select_n3A = arith.select %eq3A_9, %all_reduce_population_count3A, %broadcast_in_dim3A_10 : vector<16xi1>, vector<16xi32>
    %add3A_11 = arith.addi %broadcast_in_dim3A_3, %select_n3A : vector<16xi32>
    %eq3A_12 = arith.constant 1 : i32
    %eq3A_13 = vector.broadcast %eq3A_12 : i32 to vector<16xi32>
    %eq3A_14 = arith.cmpi eq, %get3A_4, %eq3A_13 : vector<16xi32>
    %all_reduce_population_count3A_15 = tpu.all_reduce %eq3A_14 {dim = 0 : i64, kind = #tpu.reduction_kind<sum>} : vector<16xi1> -> vector<16xi32>
    %eq3A_16 = arith.constant 1 : i32
    %eq3A_17 = vector.broadcast %eq3A_16 : i32 to vector<16xi32>
    %eq3A_18 = arith.cmpi eq, %iota3A, %eq3A_17 : vector<16xi32>
    %jit3A_19 = arith.constant 0 : i32
    %broadcast_in_dim3A_20 = vector.broadcast %jit3A_19 : i32 to vector<16xi32>
    %select_n3A_21 = arith.select %eq3A_18, %all_reduce_population_count3A_15, %broadcast_in_dim3A_20 : vector<16xi1>, vector<16xi32>
    %add3A_22 = arith.addi %add3A_11, %select_n3A_21 : vector<16xi32>
    %eq3A_23 = arith.constant 2 : i32
    %eq3A_24 = vector.broadcast %eq3A_23 : i32 to vector<16xi32>
    %eq3A_25 = arith.cmpi eq, %get3A_4, %eq3A_24 : vector<16xi32>
    %all_reduce_population_count3A_26 = tpu.all_reduce %eq3A_25 {dim = 0 : i64, kind = #tpu.reduction_kind<sum>} : vector<16xi1> -> vector<16xi32>
    %eq3A_27 = arith.constant 2 : i32
    %eq3A_28 = vector.broadcast %eq3A_27 : i32 to vector<16xi32>
    %eq3A_29 = arith.cmpi eq, %iota3A, %eq3A_28 : vector<16xi32>
    %jit3A_30 = arith.constant 0 : i32
    %broadcast_in_dim3A_31 = vector.broadcast %jit3A_30 : i32 to vector<16xi32>
    %select_n3A_32 = arith.select %eq3A_29, %all_reduce_population_count3A_26, %broadcast_in_dim3A_31 : vector<16xi1>, vector<16xi32>
    %add3A_33 = arith.addi %add3A_22, %select_n3A_32 : vector<16xi32>
    %eq3A_34 = arith.constant 3 : i32
    %eq3A_35 = vector.broadcast %eq3A_34 : i32 to vector<16xi32>
    %eq3A_36 = arith.cmpi eq, %get3A_4, %eq3A_35 : vector<16xi32>
    %all_reduce_population_count3A_37 = tpu.all_reduce %eq3A_36 {dim = 0 : i64, kind = #tpu.reduction_kind<sum>} : vector<16xi1> -> vector<16xi32>
    %eq3A_38 = arith.constant 3 : i32
    %eq3A_39 = vector.broadcast %eq3A_38 : i32 to vector<16xi32>
    %eq3A_40 = arith.cmpi eq, %iota3A, %eq3A_39 : vector<16xi32>
    %jit3A_41 = arith.constant 0 : i32
    %broadcast_in_dim3A_42 = vector.broadcast %jit3A_41 : i32 to vector<16xi32>
    %select_n3A_43 = arith.select %eq3A_40, %all_reduce_population_count3A_37, %broadcast_in_dim3A_42 : vector<16xi1>, vector<16xi32>
    %add3A_44 = arith.addi %add3A_33, %select_n3A_43 : vector<16xi32>
    %eq3A_45 = arith.constant 4 : i32
    %eq3A_46 = vector.broadcast %eq3A_45 : i32 to vector<16xi32>
    %eq3A_47 = arith.cmpi eq, %get3A_4, %eq3A_46 : vector<16xi32>
    %all_reduce_population_count3A_48 = tpu.all_reduce %eq3A_47 {dim = 0 : i64, kind = #tpu.reduction_kind<sum>} : vector<16xi1> -> vector<16xi32>
    %eq3A_49 = arith.constant 4 : i32
    %eq3A_50 = vector.broadcast %eq3A_49 : i32 to vector<16xi32>
    %eq3A_51 = arith.cmpi eq, %iota3A, %eq3A_50 : vector<16xi32>
    %jit3A_52 = arith.constant 0 : i32
    %broadcast_in_dim3A_53 = vector.broadcast %jit3A_52 : i32 to vector<16xi32>
    %select_n3A_54 = arith.select %eq3A_51, %all_reduce_population_count3A_48, %broadcast_in_dim3A_53 : vector<16xi1>, vector<16xi32>
    %add3A_55 = arith.addi %add3A_44, %select_n3A_54 : vector<16xi32>
    %eq3A_56 = arith.constant 5 : i32
    %eq3A_57 = vector.broadcast %eq3A_56 : i32 to vector<16xi32>
    %eq3A_58 = arith.cmpi eq, %get3A_4, %eq3A_57 : vector<16xi32>
    %all_reduce_population_count3A_59 = tpu.all_reduce %eq3A_58 {dim = 0 : i64, kind = #tpu.reduction_kind<sum>} : vector<16xi1> -> vector<16xi32>
    %eq3A_60 = arith.constant 5 : i32
    %eq3A_61 = vector.broadcast %eq3A_60 : i32 to vector<16xi32>
    %eq3A_62 = arith.cmpi eq, %iota3A, %eq3A_61 : vector<16xi32>
    %jit3A_63 = arith.constant 0 : i32
    %broadcast_in_dim3A_64 = vector.broadcast %jit3A_63 : i32 to vector<16xi32>
    %select_n3A_65 = arith.select %eq3A_62, %all_reduce_population_count3A_59, %broadcast_in_dim3A_64 : vector<16xi1>, vector<16xi32>
    %add3A_66 = arith.addi %add3A_55, %select_n3A_65 : vector<16xi32>
    %eq3A_67 = arith.constant 6 : i32
    %eq3A_68 = vector.broadcast %eq3A_67 : i32 to vector<16xi32>
    %eq3A_69 = arith.cmpi eq, %get3A_4, %eq3A_68 : vector<16xi32>
    %all_reduce_population_count3A_70 = tpu.all_reduce %eq3A_69 {dim = 0 : i64, kind = #tpu.reduction_kind<sum>} : vector<16xi1> -> vector<16xi32>
    %eq3A_71 = arith.constant 6 : i32
    %eq3A_72 = vector.broadcast %eq3A_71 : i32 to vector<16xi32>
    %eq3A_73 = arith.cmpi eq, %iota3A, %eq3A_72 : vector<16xi32>
    %jit3A_74 = arith.constant 0 : i32
    %broadcast_in_dim3A_75 = vector.broadcast %jit3A_74 : i32 to vector<16xi32>
    %select_n3A_76 = arith.select %eq3A_73, %all_reduce_population_count3A_70, %broadcast_in_dim3A_75 : vector<16xi1>, vector<16xi32>
    %add3A_77 = arith.addi %add3A_66, %select_n3A_76 : vector<16xi32>
    %eq3A_78 = arith.constant 7 : i32
    %eq3A_79 = vector.broadcast %eq3A_78 : i32 to vector<16xi32>
    %eq3A_80 = arith.cmpi eq, %get3A_4, %eq3A_79 : vector<16xi32>
    %all_reduce_population_count3A_81 = tpu.all_reduce %eq3A_80 {dim = 0 : i64, kind = #tpu.reduction_kind<sum>} : vector<16xi1> -> vector<16xi32>
    %eq3A_82 = arith.constant 7 : i32
    %eq3A_83 = vector.broadcast %eq3A_82 : i32 to vector<16xi32>
    %eq3A_84 = arith.cmpi eq, %iota3A, %eq3A_83 : vector<16xi32>
    %jit3A_85 = arith.constant 0 : i32
    %broadcast_in_dim3A_86 = vector.broadcast %jit3A_85 : i32 to vector<16xi32>
    %select_n3A_87 = arith.select %eq3A_84, %all_reduce_population_count3A_81, %broadcast_in_dim3A_86 : vector<16xi1>, vector<16xi32>
    %add3A_88 = arith.addi %add3A_77, %select_n3A_87 : vector<16xi32>
    %get3A_89 = arith.constant 16 : index
    %get3A_90 = tpu.vector_load %arg5[%get3A_89] {strides = array<i32>} : memref<64xi32, #tpu.memory_space<vmem>>, vector<16xi32>,
    %eq3A_91 = arith.constant 0 : i32
    %eq3A_92 = vector.broadcast %eq3A_91 : i32 to vector<16xi32>
    %eq3A_93 = arith.cmpi eq, %get3A_90, %eq3A_92 : vector<16xi32>
    %all_reduce_population_count3A_94 = tpu.all_reduce %eq3A_93 {dim = 0 : i64, kind = #tpu.reduction_kind<sum>} : vector<16xi1> -> vector<16xi32>
    %eq3A_95 = arith.constant 0 : i32
    %eq3A_96 = vector.broadcast %eq3A_95 : i32 to vector<16xi32>
    %eq3A_97 = arith.cmpi eq, %iota3A, %eq3A_96 : vector<16xi32>
    %jit3A_98 = arith.constant 0 : i32
    %broadcast_in_dim3A_99 = vector.broadcast %jit3A_98 : i32 to vector<16xi32>
    %select_n3A_100 = arith.select %eq3A_97, %all_reduce_population_count3A_94, %broadcast_in_dim3A_99 : vector<16xi1>, vector<16xi32>
    %add3A_101 = arith.addi %add3A_88, %select_n3A_100 : vector<16xi32>
    %eq3A_102 = arith.constant 1 : i32
    %eq3A_103 = vector.broadcast %eq3A_102 : i32 to vector<16xi32>
    %eq3A_104 = arith.cmpi eq, %get3A_90, %eq3A_103 : vector<16xi32>
    %all_reduce_population_count3A_105 = tpu.all_reduce %eq3A_104 {dim = 0 : i64, kind = #tpu.reduction_kind<sum>} : vector<16xi1> -> vector<16xi32>
    %eq3A_106 = arith.constant 1 : i32
    %eq3A_107 = vector.broadcast %eq3A_106 : i32 to vector<16xi32>
    %eq3A_108 = arith.cmpi eq, %iota3A, %eq3A_107 : vector<16xi32>
    %jit3A_109 = arith.constant 0 : i32
    %broadcast_in_dim3A_110 = vector.broadcast %jit3A_109 : i32 to vector<16xi32>
    %select_n3A_111 = arith.select %eq3A_108, %all_reduce_population_count3A_105, %broadcast_in_dim3A_110 : vector<16xi1>, vector<16xi32>
    %add3A_112 = arith.addi %add3A_101, %select_n3A_111 : vector<16xi32>
    %eq3A_113 = arith.constant 2 : i32
    %eq3A_114 = vector.broadcast %eq3A_113 : i32 to vector<16xi32>
    %eq3A_115 = arith.cmpi eq, %get3A_90, %eq3A_114 : vector<16xi32>
    %all_reduce_population_count3A_116 = tpu.all_reduce %eq3A_115 {dim = 0 : i64, kind = #tpu.reduction_kind<sum>} : vector<16xi1> -> vector<16xi32>
    %eq3A_117 = arith.constant 2 : i32
    %eq3A_118 = vector.broadcast %eq3A_117 : i32 to vector<16xi32>
    %eq3A_119 = arith.cmpi eq, %iota3A, %eq3A_118 : vector<16xi32>
    %jit3A_120 = arith.constant 0 : i32
    %broadcast_in_dim3A_121 = vector.broadcast %jit3A_120 : i32 to vector<16xi32>
    %select_n3A_122 = arith.select %eq3A_119, %all_reduce_population_count3A_116, %broadcast_in_dim3A_121 : vector<16xi1>, vector<16xi32>
    %add3A_123 = arith.addi %add3A_112, %select_n3A_122 : vector<16xi32>
    %eq3A_124 = arith.constant 3 : i32
    %eq3A_125 = vector.broadcast %eq3A_124 : i32 to vector<16xi32>
    %eq3A_126 = arith.cmpi eq, %get3A_90, %eq3A_125 : vector<16xi32>
    %all_reduce_population_count3A_127 = tpu.all_reduce %eq3A_126 {dim = 0 : i64, kind = #tpu.reduction_kind<sum>} : vector<16xi1> -> vector<16xi32>
    %eq3A_128 = arith.constant 3 : i32
    %eq3A_129 = vector.broadcast %eq3A_128 : i32 to vector<16xi32>
    %eq3A_130 = arith.cmpi eq, %iota3A, %eq3A_129 : vector<16xi32>
    %jit3A_131 = arith.constant 0 : i32
    %broadcast_in_dim3A_132 = vector.broadcast %jit3A_131 : i32 to vector<16xi32>
    %select_n3A_133 = arith.select %eq3A_130, %all_reduce_population_count3A_127, %broadcast_in_dim3A_132 : vector<16xi1>, vector<16xi32>
    %add3A_134 = arith.addi %add3A_123, %select_n3A_133 : vector<16xi32>
    %eq3A_135 = arith.constant 4 : i32
    %eq3A_136 = vector.broadcast %eq3A_135 : i32 to vector<16xi32>
    %eq3A_137 = arith.cmpi eq, %get3A_90, %eq3A_136 : vector<16xi32>
    %all_reduce_population_count3A_138 = tpu.all_reduce %eq3A_137 {dim = 0 : i64, kind = #tpu.reduction_kind<sum>} : vector<16xi1> -> vector<16xi32>
    %eq3A_139 = arith.constant 4 : i32
    %eq3A_140 = vector.broadcast %eq3A_139 : i32 to vector<16xi32>
    %eq3A_141 = arith.cmpi eq, %iota3A, %eq3A_140 : vector<16xi32>
    %jit3A_142 = arith.constant 0 : i32
    %broadcast_in_dim3A_143 = vector.broadcast %jit3A_142 : i32 to vector<16xi32>
    %select_n3A_144 = arith.select %eq3A_141, %all_reduce_population_count3A_138, %broadcast_in_dim3A_143 : vector<16xi1>, vector<16xi32>
    %add3A_145 = arith.addi %add3A_134, %select_n3A_144 : vector<16xi32>
    %eq3A_146 = arith.constant 5 : i32
    %eq3A_147 = vector.broadcast %eq3A_146 : i32 to vector<16xi32>
    %eq3A_148 = arith.cmpi eq, %get3A_90, %eq3A_147 : vector<16xi32>
    %all_reduce_population_count3A_149 = tpu.all_reduce %eq3A_148 {dim = 0 : i64, kind = #tpu.reduction_kind<sum>} : vector<16xi1> -> vector<16xi32>
    %eq3A_150 = arith.constant 5 : i32
    %eq3A_151 = vector.broadcast %eq3A_150 : i32 to vector<16xi32>
    %eq3A_152 = arith.cmpi eq, %iota3A, %eq3A_151 : vector<16xi32>
    %jit3A_153 = arith.constant 0 : i32
    %broadcast_in_dim3A_154 = vector.broadcast %jit3A_153 : i32 to vector<16xi32>
    %select_n3A_155 = arith.select %eq3A_152, %all_reduce_population_count3A_149, %broadcast_in_dim3A_154 : vector<16xi1>, vector<16xi32>
    %add3A_156 = arith.addi %add3A_145, %select_n3A_155 : vector<16xi32>
    %eq3A_157 = arith.constant 6 : i32
    %eq3A_158 = vector.broadcast %eq3A_157 : i32 to vector<16xi32>
    %eq3A_159 = arith.cmpi eq, %get3A_90, %eq3A_158 : vector<16xi32>
    %all_reduce_population_count3A_160 = tpu.all_reduce %eq3A_159 {dim = 0 : i64, kind = #tpu.reduction_kind<sum>} : vector<16xi1> -> vector<16xi32>
    %eq3A_161 = arith.constant 6 : i32
    %eq3A_162 = vector.broadcast %eq3A_161 : i32 to vector<16xi32>
    %eq3A_163 = arith.cmpi eq, %iota3A, %eq3A_162 : vector<16xi32>
    %jit3A_164 = arith.constant 0 : i32
    %broadcast_in_dim3A_165 = vector.broadcast %jit3A_164 : i32 to vector<16xi32>
    %select_n3A_166 = arith.select %eq3A_163, %all_reduce_population_count3A_160, %broadcast_in_dim3A_165 : vector<16xi1>, vector<16xi32>
    %add3A_167 = arith.addi %add3A_156, %select_n3A_166 : vector<16xi32>
    %eq3A_168 = arith.constant 7 : i32
    %eq3A_169 = vector.broadcast %eq3A_168 : i32 to vector<16xi32>
    %eq3A_170 = arith.cmpi eq, %get3A_90, %eq3A_169 : vector<16xi32>
    %all_reduce_population_count3A_171 = tpu.all_reduce %eq3A_170 {dim = 0 : i64, kind = #tpu.reduction_kind<sum>} : vector<16xi1> -> vector<16xi32>
    %eq3A_172 = arith.constant 7 : i32
    %eq3A_173 = vector.broadcast %eq3A_172 : i32 to vector<16xi32>
    %eq3A_174 = arith.cmpi eq, %iota3A, %eq3A_173 : vector<16xi32>
    %jit3A_175 = arith.constant 0 : i32
    %broadcast_in_dim3A_176 = vector.broadcast %jit3A_175 : i32 to vector<16xi32>
    %select_n3A_177 = arith.select %eq3A_174, %all_reduce_population_count3A_171, %broadcast_in_dim3A_176 : vector<16xi1>, vector<16xi32>
    %add3A_178 = arith.addi %add3A_167, %select_n3A_177 : vector<16xi32>
    %get3A_179 = arith.constant 32 : index
    %get3A_180 = tpu.vector_load %arg5[%get3A_179] {strides = array<i32>} : memref<64xi32, #tpu.memory_space<vmem>>, vector<16xi32>,
    %eq3A_181 = arith.constant 0 : i32
    %eq3A_182 = vector.broadcast %eq3A_181 : i32 to vector<16xi32>
    %eq3A_183 = arith.cmpi eq, %get3A_180, %eq3A_182 : vector<16xi32>
    %all_reduce_population_count3A_184 = tpu.all_reduce %eq3A_183 {dim = 0 : i64, kind = #tpu.reduction_kind<sum>} : vector<16xi1> -> vector<16xi32>
    %eq3A_185 = arith.constant 0 : i32
    %eq3A_186 = vector.broadcast %eq3A_185 : i32 to vector<16xi32>
    %eq3A_187 = arith.cmpi eq, %iota3A, %eq3A_186 : vector<16xi32>
    %jit3A_188 = arith.constant 0 : i32
    %broadcast_in_dim3A_189 = vector.broadcast %jit3A_188 : i32 to vector<16xi32>
    %select_n3A_190 = arith.select %eq3A_187, %all_reduce_population_count3A_184, %broadcast_in_dim3A_189 : vector<16xi1>, vector<16xi32>
    %add3A_191 = arith.addi %add3A_178, %select_n3A_190 : vector<16xi32>
    %eq3A_192 = arith.constant 1 : i32
    %eq3A_193 = vector.broadcast %eq3A_192 : i32 to vector<16xi32>
    %eq3A_194 = arith.cmpi eq, %get3A_180, %eq3A_193 : vector<16xi32>
    %all_reduce_population_count3A_195 = tpu.all_reduce %eq3A_194 {dim = 0 : i64, kind = #tpu.reduction_kind<sum>} : vector<16xi1> -> vector<16xi32>
    %eq3A_196 = arith.constant 1 : i32
    %eq3A_197 = vector.broadcast %eq3A_196 : i32 to vector<16xi32>
    %eq3A_198 = arith.cmpi eq, %iota3A, %eq3A_197 : vector<16xi32>
    %jit3A_199 = arith.constant 0 : i32
    %broadcast_in_dim3A_200 = vector.broadcast %jit3A_199 : i32 to vector<16xi32>
    %select_n3A_201 = arith.select %eq3A_198, %all_reduce_population_count3A_195, %broadcast_in_dim3A_200 : vector<16xi1>, vector<16xi32>
    %add3A_202 = arith.addi %add3A_191, %select_n3A_201 : vector<16xi32>
    %eq3A_203 = arith.constant 2 : i32
    %eq3A_204 = vector.broadcast %eq3A_203 : i32 to vector<16xi32>
    %eq3A_205 = arith.cmpi eq, %get3A_180, %eq3A_204 : vector<16xi32>
    %all_reduce_population_count3A_206 = tpu.all_reduce %eq3A_205 {dim = 0 : i64, kind = #tpu.reduction_kind<sum>} : vector<16xi1> -> vector<16xi32>
    %eq3A_207 = arith.constant 2 : i32
    %eq3A_208 = vector.broadcast %eq3A_207 : i32 to vector<16xi32>
    %eq3A_209 = arith.cmpi eq, %iota3A, %eq3A_208 : vector<16xi32>
    %jit3A_210 = arith.constant 0 : i32
    %broadcast_in_dim3A_211 = vector.broadcast %jit3A_210 : i32 to vector<16xi32>
    %select_n3A_212 = arith.select %eq3A_209, %all_reduce_population_count3A_206, %broadcast_in_dim3A_211 : vector<16xi1>, vector<16xi32>
    %add3A_213 = arith.addi %add3A_202, %select_n3A_212 : vector<16xi32>
    %eq3A_214 = arith.constant 3 : i32
    %eq3A_215 = vector.broadcast %eq3A_214 : i32 to vector<16xi32>
    %eq3A_216 = arith.cmpi eq, %get3A_180, %eq3A_215 : vector<16xi32>
    %all_reduce_population_count3A_217 = tpu.all_reduce %eq3A_216 {dim = 0 : i64, kind = #tpu.reduction_kind<sum>} : vector<16xi1> -> vector<16xi32>
    %eq3A_218 = arith.constant 3 : i32
    %eq3A_219 = vector.broadcast %eq3A_218 : i32 to vector<16xi32>
    %eq3A_220 = arith.cmpi eq, %iota3A, %eq3A_219 : vector<16xi32>
    %jit3A_221 = arith.constant 0 : i32
    %broadcast_in_dim3A_222 = vector.broadcast %jit3A_221 : i32 to vector<16xi32>
    %select_n3A_223 = arith.select %eq3A_220, %all_reduce_population_count3A_217, %broadcast_in_dim3A_222 : vector<16xi1>, vector<16xi32>
    %add3A_224 = arith.addi %add3A_213, %select_n3A_223 : vector<16xi32>
    %eq3A_225 = arith.constant 4 : i32
    %eq3A_226 = vector.broadcast %eq3A_225 : i32 to vector<16xi32>
    %eq3A_227 = arith.cmpi eq, %get3A_180, %eq3A_226 : vector<16xi32>
    %all_reduce_population_count3A_228 = tpu.all_reduce %eq3A_227 {dim = 0 : i64, kind = #tpu.reduction_kind<sum>} : vector<16xi1> -> vector<16xi32>
    %eq3A_229 = arith.constant 4 : i32
    %eq3A_230 = vector.broadcast %eq3A_229 : i32 to vector<16xi32>
    %eq3A_231 = arith.cmpi eq, %iota3A, %eq3A_230 : vector<16xi32>
    %jit3A_232 = arith.constant 0 : i32
    %broadcast_in_dim3A_233 = vector.broadcast %jit3A_232 : i32 to vector<16xi32>
    %select_n3A_234 = arith.select %eq3A_231, %all_reduce_population_count3A_228, %broadcast_in_dim3A_233 : vector<16xi1>, vector<16xi32>
    %add3A_235 = arith.addi %add3A_224, %select_n3A_234 : vector<16xi32>
    %eq3A_236 = arith.constant 5 : i32
    %eq3A_237 = vector.broadcast %eq3A_236 : i32 to vector<16xi32>
    %eq3A_238 = arith.cmpi eq, %get3A_180, %eq3A_237 : vector<16xi32>
    %all_reduce_population_count3A_239 = tpu.all_reduce %eq3A_238 {dim = 0 : i64, kind = #tpu.reduction_kind<sum>} : vector<16xi1> -> vector<16xi32>
    %eq3A_240 = arith.constant 5 : i32
    %eq3A_241 = vector.broadcast %eq3A_240 : i32 to vector<16xi32>
    %eq3A_242 = arith.cmpi eq, %iota3A, %eq3A_241 : vector<16xi32>
    %jit3A_243 = arith.constant 0 : i32
    %broadcast_in_dim3A_244 = vector.broadcast %jit3A_243 : i32 to vector<16xi32>
    %select_n3A_245 = arith.select %eq3A_242, %all_reduce_population_count3A_239, %broadcast_in_dim3A_244 : vector<16xi1>, vector<16xi32>
    %add3A_246 = arith.addi %add3A_235, %select_n3A_245 : vector<16xi32>
    %eq3A_247 = arith.constant 6 : i32
    %eq3A_248 = vector.broadcast %eq3A_247 : i32 to vector<16xi32>
    %eq3A_249 = arith.cmpi eq, %get3A_180, %eq3A_248 : vector<16xi32>
    %all_reduce_population_count3A_250 = tpu.all_reduce %eq3A_249 {dim = 0 : i64, kind = #tpu.reduction_kind<sum>} : vector<16xi1> -> vector<16xi32>
    %eq3A_251 = arith.constant 6 : i32
    %eq3A_252 = vector.broadcast %eq3A_251 : i32 to vector<16xi32>
    %eq3A_253 = arith.cmpi eq, %iota3A, %eq3A_252 : vector<16xi32>
    %jit3A_254 = arith.constant 0 : i32
    %broadcast_in_dim3A_255 = vector.broadcast %jit3A_254 : i32 to vector<16xi32>
    %select_n3A_256 = arith.select %eq3A_253, %all_reduce_population_count3A_250, %broadcast_in_dim3A_255 : vector<16xi1>, vector<16xi32>
    %add3A_257 = arith.addi %add3A_246, %select_n3A_256 : vector<16xi32>
    %eq3A_258 = arith.constant 7 : i32
    %eq3A_259 = vector.broadcast %eq3A_258 : i32 to vector<16xi32>
    %eq3A_260 = arith.cmpi eq, %get3A_180, %eq3A_259 : vector<16xi32>
    %all_reduce_population_count3A_261 = tpu.all_reduce %eq3A_260 {dim = 0 : i64, kind = #tpu.reduction_kind<sum>} : vector<16xi1> -> vector<16xi32>
    %eq3A_262 = arith.constant 7 : i32
    %eq3A_263 = vector.broadcast %eq3A_262 : i32 to vector<16xi32>
    %eq3A_264 = arith.cmpi eq, %iota3A, %eq3A_263 : vector<16xi32>
    %jit3A_265 = arith.constant 0 : i32
    %broadcast_in_dim3A_266 = vector.broadcast %jit3A_265 : i32 to vector<16xi32>
    %select_n3A_267 = arith.select %eq3A_264, %all_reduce_population_count3A_261, %broadcast_in_dim3A_266 : vector<16xi1>, vector<16xi32>
    %add3A_268 = arith.addi %add3A_257, %select_n3A_267 : vector<16xi32>
    %get3A_269 = arith.constant 48 : index
    %get3A_270 = tpu.vector_load %arg5[%get3A_269] {strides = array<i32>} : memref<64xi32, #tpu.memory_space<vmem>>, vector<16xi32>,
    %eq3A_271 = arith.constant 0 : i32
    %eq3A_272 = vector.broadcast %eq3A_271 : i32 to vector<16xi32>
    %eq3A_273 = arith.cmpi eq, %get3A_270, %eq3A_272 : vector<16xi32>
    %all_reduce_population_count3A_274 = tpu.all_reduce %eq3A_273 {dim = 0 : i64, kind = #tpu.reduction_kind<sum>} : vector<16xi1> -> vector<16xi32>
    %eq3A_275 = arith.constant 0 : i32
    %eq3A_276 = vector.broadcast %eq3A_275 : i32 to vector<16xi32>
    %eq3A_277 = arith.cmpi eq, %iota3A, %eq3A_276 : vector<16xi32>
    %jit3A_278 = arith.constant 0 : i32
    %broadcast_in_dim3A_279 = vector.broadcast %jit3A_278 : i32 to vector<16xi32>
    %select_n3A_280 = arith.select %eq3A_277, %all_reduce_population_count3A_274, %broadcast_in_dim3A_279 : vector<16xi1>, vector<16xi32>
    %add3A_281 = arith.addi %add3A_268, %select_n3A_280 : vector<16xi32>
    %eq3A_282 = arith.constant 1 : i32
    %eq3A_283 = vector.broadcast %eq3A_282 : i32 to vector<16xi32>
    %eq3A_284 = arith.cmpi eq, %get3A_270, %eq3A_283 : vector<16xi32>
    %all_reduce_population_count3A_285 = tpu.all_reduce %eq3A_284 {dim = 0 : i64, kind = #tpu.reduction_kind<sum>} : vector<16xi1> -> vector<16xi32>
    %eq3A_286 = arith.constant 1 : i32
    %eq3A_287 = vector.broadcast %eq3A_286 : i32 to vector<16xi32>
    %eq3A_288 = arith.cmpi eq, %iota3A, %eq3A_287 : vector<16xi32>
    %jit3A_289 = arith.constant 0 : i32
    %broadcast_in_dim3A_290 = vector.broadcast %jit3A_289 : i32 to vector<16xi32>
    %select_n3A_291 = arith.select %eq3A_288, %all_reduce_population_count3A_285, %broadcast_in_dim3A_290 : vector<16xi1>, vector<16xi32>
    %add3A_292 = arith.addi %add3A_281, %select_n3A_291 : vector<16xi32>
    %eq3A_293 = arith.constant 2 : i32
    %eq3A_294 = vector.broadcast %eq3A_293 : i32 to vector<16xi32>
    %eq3A_295 = arith.cmpi eq, %get3A_270, %eq3A_294 : vector<16xi32>
    %all_reduce_population_count3A_296 = tpu.all_reduce %eq3A_295 {dim = 0 : i64, kind = #tpu.reduction_kind<sum>} : vector<16xi1> -> vector<16xi32>
    %eq3A_297 = arith.constant 2 : i32
    %eq3A_298 = vector.broadcast %eq3A_297 : i32 to vector<16xi32>
    %eq3A_299 = arith.cmpi eq, %iota3A, %eq3A_298 : vector<16xi32>
    %jit3A_300 = arith.constant 0 : i32
    %broadcast_in_dim3A_301 = vector.broadcast %jit3A_300 : i32 to vector<16xi32>
    %select_n3A_302 = arith.select %eq3A_299, %all_reduce_population_count3A_296, %broadcast_in_dim3A_301 : vector<16xi1>, vector<16xi32>
    %add3A_303 = arith.addi %add3A_292, %select_n3A_302 : vector<16xi32>
    %eq3A_304 = arith.constant 3 : i32
    %eq3A_305 = vector.broadcast %eq3A_304 : i32 to vector<16xi32>
    %eq3A_306 = arith.cmpi eq, %get3A_270, %eq3A_305 : vector<16xi32>
    %all_reduce_population_count3A_307 = tpu.all_reduce %eq3A_306 {dim = 0 : i64, kind = #tpu.reduction_kind<sum>} : vector<16xi1> -> vector<16xi32>
    %eq3A_308 = arith.constant 3 : i32
    %eq3A_309 = vector.broadcast %eq3A_308 : i32 to vector<16xi32>
    %eq3A_310 = arith.cmpi eq, %iota3A, %eq3A_309 : vector<16xi32>
    %jit3A_311 = arith.constant 0 : i32
    %broadcast_in_dim3A_312 = vector.broadcast %jit3A_311 : i32 to vector<16xi32>
    %select_n3A_313 = arith.select %eq3A_310, %all_reduce_population_count3A_307, %broadcast_in_dim3A_312 : vector<16xi1>, vector<16xi32>
    %add3A_314 = arith.addi %add3A_303, %select_n3A_313 : vector<16xi32>
    %eq3A_315 = arith.constant 4 : i32
    %eq3A_316 = vector.broadcast %eq3A_315 : i32 to vector<16xi32>
    %eq3A_317 = arith.cmpi eq, %get3A_270, %eq3A_316 : vector<16xi32>
    %all_reduce_population_count3A_318 = tpu.all_reduce %eq3A_317 {dim = 0 : i64, kind = #tpu.reduction_kind<sum>} : vector<16xi1> -> vector<16xi32>
    %eq3A_319 = arith.constant 4 : i32
    %eq3A_320 = vector.broadcast %eq3A_319 : i32 to vector<16xi32>
    %eq3A_321 = arith.cmpi eq, %iota3A, %eq3A_320 : vector<16xi32>
    %jit3A_322 = arith.constant 0 : i32
    %broadcast_in_dim3A_323 = vector.broadcast %jit3A_322 : i32 to vector<16xi32>
    %select_n3A_324 = arith.select %eq3A_321, %all_reduce_population_count3A_318, %broadcast_in_dim3A_323 : vector<16xi1>, vector<16xi32>
    %add3A_325 = arith.addi %add3A_314, %select_n3A_324 : vector<16xi32>
    %eq3A_326 = arith.constant 5 : i32
    %eq3A_327 = vector.broadcast %eq3A_326 : i32 to vector<16xi32>
    %eq3A_328 = arith.cmpi eq, %get3A_270, %eq3A_327 : vector<16xi32>
    %all_reduce_population_count3A_329 = tpu.all_reduce %eq3A_328 {dim = 0 : i64, kind = #tpu.reduction_kind<sum>} : vector<16xi1> -> vector<16xi32>
    %eq3A_330 = arith.constant 5 : i32
    %eq3A_331 = vector.broadcast %eq3A_330 : i32 to vector<16xi32>
    %eq3A_332 = arith.cmpi eq, %iota3A, %eq3A_331 : vector<16xi32>
    %jit3A_333 = arith.constant 0 : i32
    %broadcast_in_dim3A_334 = vector.broadcast %jit3A_333 : i32 to vector<16xi32>
    %select_n3A_335 = arith.select %eq3A_332, %all_reduce_population_count3A_329, %broadcast_in_dim3A_334 : vector<16xi1>, vector<16xi32>
    %add3A_336 = arith.addi %add3A_325, %select_n3A_335 : vector<16xi32>
    %eq3A_337 = arith.constant 6 : i32
    %eq3A_338 = vector.broadcast %eq3A_337 : i32 to vector<16xi32>
    %eq3A_339 = arith.cmpi eq, %get3A_270, %eq3A_338 : vector<16xi32>
    %all_reduce_population_count3A_340 = tpu.all_reduce %eq3A_339 {dim = 0 : i64, kind = #tpu.reduction_kind<sum>} : vector<16xi1> -> vector<16xi32>
    %eq3A_341 = arith.constant 6 : i32
    %eq3A_342 = vector.broadcast %eq3A_341 : i32 to vector<16xi32>
    %eq3A_343 = arith.cmpi eq, %iota3A, %eq3A_342 : vector<16xi32>
    %jit3A_344 = arith.constant 0 : i32
    %broadcast_in_dim3A_345 = vector.broadcast %jit3A_344 : i32 to vector<16xi32>
    %select_n3A_346 = arith.select %eq3A_343, %all_reduce_population_count3A_340, %broadcast_in_dim3A_345 : vector<16xi1>, vector<16xi32>
    %add3A_347 = arith.addi %add3A_336, %select_n3A_346 : vector<16xi32>
    %eq3A_348 = arith.constant 7 : i32
    %eq3A_349 = vector.broadcast %eq3A_348 : i32 to vector<16xi32>
    %eq3A_350 = arith.cmpi eq, %get3A_270, %eq3A_349 : vector<16xi32>
    %all_reduce_population_count3A_351 = tpu.all_reduce %eq3A_350 {dim = 0 : i64, kind = #tpu.reduction_kind<sum>} : vector<16xi1> -> vector<16xi32>
    %eq3A_352 = arith.constant 7 : i32
    %eq3A_353 = vector.broadcast %eq3A_352 : i32 to vector<16xi32>
    %eq3A_354 = arith.cmpi eq, %iota3A, %eq3A_353 : vector<16xi32>
    %jit3A_355 = arith.constant 0 : i32
    %broadcast_in_dim3A_356 = vector.broadcast %jit3A_355 : i32 to vector<16xi32>
    %select_n3A_357 = arith.select %eq3A_354, %all_reduce_population_count3A_351, %broadcast_in_dim3A_356 : vector<16xi1>, vector<16xi32>
    %add3A_358 = arith.addi %add3A_347, %select_n3A_357 : vector<16xi32>
    %get3A_359 = arith.constant 0 : index
    %get3A_360 = tpu.vector_load %arg6[%get3A_359] {strides = array<i32>} : memref<64xi32, #tpu.memory_space<vmem>>, vector<16xi32>,
    %eq3A_361 = arith.constant 0 : i32
    %eq3A_362 = vector.broadcast %eq3A_361 : i32 to vector<16xi32>
    %eq3A_363 = arith.cmpi eq, %get3A_360, %eq3A_362 : vector<16xi32>
    %all_reduce_population_count3A_364 = tpu.all_reduce %eq3A_363 {dim = 0 : i64, kind = #tpu.reduction_kind<sum>} : vector<16xi1> -> vector<16xi32>
    %eq3A_365 = arith.constant 0 : i32
    %eq3A_366 = vector.broadcast %eq3A_365 : i32 to vector<16xi32>
    %eq3A_367 = arith.cmpi eq, %iota3A, %eq3A_366 : vector<16xi32>
    %jit3A_368 = arith.constant 0 : i32
    %broadcast_in_dim3A_369 = vector.broadcast %jit3A_368 : i32 to vector<16xi32>
    %select_n3A_370 = arith.select %eq3A_367, %all_reduce_population_count3A_364, %broadcast_in_dim3A_369 : vector<16xi1>, vector<16xi32>
    %add3A_371 = arith.addi %add3A_358, %select_n3A_370 : vector<16xi32>
    %eq3A_372 = arith.constant 1 : i32
    %eq3A_373 = vector.broadcast %eq3A_372 : i32 to vector<16xi32>
    %eq3A_374 = arith.cmpi eq, %get3A_360, %eq3A_373 : vector<16xi32>
    %all_reduce_population_count3A_375 = tpu.all_reduce %eq3A_374 {dim = 0 : i64, kind = #tpu.reduction_kind<sum>} : vector<16xi1> -> vector<16xi32>
    %eq3A_376 = arith.constant 1 : i32
    %eq3A_377 = vector.broadcast %eq3A_376 : i32 to vector<16xi32>
    %eq3A_378 = arith.cmpi eq, %iota3A, %eq3A_377 : vector<16xi32>
    %jit3A_379 = arith.constant 0 : i32
    %broadcast_in_dim3A_380 = vector.broadcast %jit3A_379 : i32 to vector<16xi32>
    %select_n3A_381 = arith.select %eq3A_378, %all_reduce_population_count3A_375, %broadcast_in_dim3A_380 : vector<16xi1>, vector<16xi32>
    %add3A_382 = arith.addi %add3A_371, %select_n3A_381 : vector<16xi32>
    %eq3A_383 = arith.constant 2 : i32
    %eq3A_384 = vector.broadcast %eq3A_383 : i32 to vector<16xi32>
    %eq3A_385 = arith.cmpi eq, %get3A_360, %eq3A_384 : vector<16xi32>
    %all_reduce_population_count3A_386 = tpu.all_reduce %eq3A_385 {dim = 0 : i64, kind = #tpu.reduction_kind<sum>} : vector<16xi1> -> vector<16xi32>
    %eq3A_387 = arith.constant 2 : i32
    %eq3A_388 = vector.broadcast %eq3A_387 : i32 to vector<16xi32>
    %eq3A_389 = arith.cmpi eq, %iota3A, %eq3A_388 : vector<16xi32>
    %jit3A_390 = arith.constant 0 : i32
    %broadcast_in_dim3A_391 = vector.broadcast %jit3A_390 : i32 to vector<16xi32>
    %select_n3A_392 = arith.select %eq3A_389, %all_reduce_population_count3A_386, %broadcast_in_dim3A_391 : vector<16xi1>, vector<16xi32>
    %add3A_393 = arith.addi %add3A_382, %select_n3A_392 : vector<16xi32>
    %eq3A_394 = arith.constant 3 : i32
    %eq3A_395 = vector.broadcast %eq3A_394 : i32 to vector<16xi32>
    %eq3A_396 = arith.cmpi eq, %get3A_360, %eq3A_395 : vector<16xi32>
    %all_reduce_population_count3A_397 = tpu.all_reduce %eq3A_396 {dim = 0 : i64, kind = #tpu.reduction_kind<sum>} : vector<16xi1> -> vector<16xi32>
    %eq3A_398 = arith.constant 3 : i32
    %eq3A_399 = vector.broadcast %eq3A_398 : i32 to vector<16xi32>
    %eq3A_400 = arith.cmpi eq, %iota3A, %eq3A_399 : vector<16xi32>
    %jit3A_401 = arith.constant 0 : i32
    %broadcast_in_dim3A_402 = vector.broadcast %jit3A_401 : i32 to vector<16xi32>
    %select_n3A_403 = arith.select %eq3A_400, %all_reduce_population_count3A_397, %broadcast_in_dim3A_402 : vector<16xi1>, vector<16xi32>
    %add3A_404 = arith.addi %add3A_393, %select_n3A_403 : vector<16xi32>
    %eq3A_405 = arith.constant 4 : i32
    %eq3A_406 = vector.broadcast %eq3A_405 : i32 to vector<16xi32>
    %eq3A_407 = arith.cmpi eq, %get3A_360, %eq3A_406 : vector<16xi32>
    %all_reduce_population_count3A_408 = tpu.all_reduce %eq3A_407 {dim = 0 : i64, kind = #tpu.reduction_kind<sum>} : vector<16xi1> -> vector<16xi32>
    %eq3A_409 = arith.constant 4 : i32
    %eq3A_410 = vector.broadcast %eq3A_409 : i32 to vector<16xi32>
    %eq3A_411 = arith.cmpi eq, %iota3A, %eq3A_410 : vector<16xi32>
    %jit3A_412 = arith.constant 0 : i32
    %broadcast_in_dim3A_413 = vector.broadcast %jit3A_412 : i32 to vector<16xi32>
    %select_n3A_414 = arith.select %eq3A_411, %all_reduce_population_count3A_408, %broadcast_in_dim3A_413 : vector<16xi1>, vector<16xi32>
    %add3A_415 = arith.addi %add3A_404, %select_n3A_414 : vector<16xi32>
    %eq3A_416 = arith.constant 5 : i32
    %eq3A_417 = vector.broadcast %eq3A_416 : i32 to vector<16xi32>
    %eq3A_418 = arith.cmpi eq, %get3A_360, %eq3A_417 : vector<16xi32>
    %all_reduce_population_count3A_419 = tpu.all_reduce %eq3A_418 {dim = 0 : i64, kind = #tpu.reduction_kind<sum>} : vector<16xi1> -> vector<16xi32>
    %eq3A_420 = arith.constant 5 : i32
    %eq3A_421 = vector.broadcast %eq3A_420 : i32 to vector<16xi32>
    %eq3A_422 = arith.cmpi eq, %iota3A, %eq3A_421 : vector<16xi32>
    %jit3A_423 = arith.constant 0 : i32
    %broadcast_in_dim3A_424 = vector.broadcast %jit3A_423 : i32 to vector<16xi32>
    %select_n3A_425 = arith.select %eq3A_422, %all_reduce_population_count3A_419, %broadcast_in_dim3A_424 : vector<16xi1>, vector<16xi32>
    %add3A_426 = arith.addi %add3A_415, %select_n3A_425 : vector<16xi32>
    %eq3A_427 = arith.constant 6 : i32
    %eq3A_428 = vector.broadcast %eq3A_427 : i32 to vector<16xi32>
    %eq3A_429 = arith.cmpi eq, %get3A_360, %eq3A_428 : vector<16xi32>
    %all_reduce_population_count3A_430 = tpu.all_reduce %eq3A_429 {dim = 0 : i64, kind = #tpu.reduction_kind<sum>} : vector<16xi1> -> vector<16xi32>
    %eq3A_431 = arith.constant 6 : i32
    %eq3A_432 = vector.broadcast %eq3A_431 : i32 to vector<16xi32>
    %eq3A_433 = arith.cmpi eq, %iota3A, %eq3A_432 : vector<16xi32>
    %jit3A_434 = arith.constant 0 : i32
    %broadcast_in_dim3A_435 = vector.broadcast %jit3A_434 : i32 to vector<16xi32>
    %select_n3A_436 = arith.select %eq3A_433, %all_reduce_population_count3A_430, %broadcast_in_dim3A_435 : vector<16xi1>, vector<16xi32>
    %add3A_437 = arith.addi %add3A_426, %select_n3A_436 : vector<16xi32>
    %eq3A_438 = arith.constant 7 : i32
    %eq3A_439 = vector.broadcast %eq3A_438 : i32 to vector<16xi32>
    %eq3A_440 = arith.cmpi eq, %get3A_360, %eq3A_439 : vector<16xi32>
    %all_reduce_population_count3A_441 = tpu.all_reduce %eq3A_440 {dim = 0 : i64, kind = #tpu.reduction_kind<sum>} : vector<16xi1> -> vector<16xi32>
    %eq3A_442 = arith.constant 7 : i32
    %eq3A_443 = vector.broadcast %eq3A_442 : i32 to vector<16xi32>
    %eq3A_444 = arith.cmpi eq, %iota3A, %eq3A_443 : vector<16xi32>
    %jit3A_445 = arith.constant 0 : i32
    %broadcast_in_dim3A_446 = vector.broadcast %jit3A_445 : i32 to vector<16xi32>
    %select_n3A_447 = arith.select %eq3A_444, %all_reduce_population_count3A_441, %broadcast_in_dim3A_446 : vector<16xi1>, vector<16xi32>
    %add3A_448 = arith.addi %add3A_437, %select_n3A_447 : vector<16xi32>
    %get3A_449 = arith.constant 16 : index
    %get3A_450 = tpu.vector_load %arg6[%get3A_449] {strides = array<i32>} : memref<64xi32, #tpu.memory_space<vmem>>, vector<16xi32>,
    %eq3A_451 = arith.constant 0 : i32
    %eq3A_452 = vector.broadcast %eq3A_451 : i32 to vector<16xi32>
    %eq3A_453 = arith.cmpi eq, %get3A_450, %eq3A_452 : vector<16xi32>
    %all_reduce_population_count3A_454 = tpu.all_reduce %eq3A_453 {dim = 0 : i64, kind = #tpu.reduction_kind<sum>} : vector<16xi1> -> vector<16xi32>
    %eq3A_455 = arith.constant 0 : i32
    %eq3A_456 = vector.broadcast %eq3A_455 : i32 to vector<16xi32>
    %eq3A_457 = arith.cmpi eq, %iota3A, %eq3A_456 : vector<16xi32>
    %jit3A_458 = arith.constant 0 : i32
    %broadcast_in_dim3A_459 = vector.broadcast %jit3A_458 : i32 to vector<16xi32>
    %select_n3A_460 = arith.select %eq3A_457, %all_reduce_population_count3A_454, %broadcast_in_dim3A_459 : vector<16xi1>, vector<16xi32>
    %add3A_461 = arith.addi %add3A_448, %select_n3A_460 : vector<16xi32>
    %eq3A_462 = arith.constant 1 : i32
    %eq3A_463 = vector.broadcast %eq3A_462 : i32 to vector<16xi32>
    %eq3A_464 = arith.cmpi eq, %get3A_450, %eq3A_463 : vector<16xi32>
    %all_reduce_population_count3A_465 = tpu.all_reduce %eq3A_464 {dim = 0 : i64, kind = #tpu.reduction_kind<sum>} : vector<16xi1> -> vector<16xi32>
    %eq3A_466 = arith.constant 1 : i32
    %eq3A_467 = vector.broadcast %eq3A_466 : i32 to vector<16xi32>
    %eq3A_468 = arith.cmpi eq, %iota3A, %eq3A_467 : vector<16xi32>
    %jit3A_469 = arith.constant 0 : i32
    %broadcast_in_dim3A_470 = vector.broadcast %jit3A_469 : i32 to vector<16xi32>
    %select_n3A_471 = arith.select %eq3A_468, %all_reduce_population_count3A_465, %broadcast_in_dim3A_470 : vector<16xi1>, vector<16xi32>
    %add3A_472 = arith.addi %add3A_461, %select_n3A_471 : vector<16xi32>
    %eq3A_473 = arith.constant 2 : i32
    %eq3A_474 = vector.broadcast %eq3A_473 : i32 to vector<16xi32>
    %eq3A_475 = arith.cmpi eq, %get3A_450, %eq3A_474 : vector<16xi32>
    %all_reduce_population_count3A_476 = tpu.all_reduce %eq3A_475 {dim = 0 : i64, kind = #tpu.reduction_kind<sum>} : vector<16xi1> -> vector<16xi32>
    %eq3A_477 = arith.constant 2 : i32
    %eq3A_478 = vector.broadcast %eq3A_477 : i32 to vector<16xi32>
    %eq3A_479 = arith.cmpi eq, %iota3A, %eq3A_478 : vector<16xi32>
    %jit3A_480 = arith.constant 0 : i32
    %broadcast_in_dim3A_481 = vector.broadcast %jit3A_480 : i32 to vector<16xi32>
    %select_n3A_482 = arith.select %eq3A_479, %all_reduce_population_count3A_476, %broadcast_in_dim3A_481 : vector<16xi1>, vector<16xi32>
    %add3A_483 = arith.addi %add3A_472, %select_n3A_482 : vector<16xi32>
    %eq3A_484 = arith.constant 3 : i32
    %eq3A_485 = vector.broadcast %eq3A_484 : i32 to vector<16xi32>
    %eq3A_486 = arith.cmpi eq, %get3A_450, %eq3A_485 : vector<16xi32>
    %all_reduce_population_count3A_487 = tpu.all_reduce %eq3A_486 {dim = 0 : i64, kind = #tpu.reduction_kind<sum>} : vector<16xi1> -> vector<16xi32>
    %eq3A_488 = arith.constant 3 : i32
    %eq3A_489 = vector.broadcast %eq3A_488 : i32 to vector<16xi32>
    %eq3A_490 = arith.cmpi eq, %iota3A, %eq3A_489 : vector<16xi32>
    %jit3A_491 = arith.constant 0 : i32
    %broadcast_in_dim3A_492 = vector.broadcast %jit3A_491 : i32 to vector<16xi32>
    %select_n3A_493 = arith.select %eq3A_490, %all_reduce_population_count3A_487, %broadcast_in_dim3A_492 : vector<16xi1>, vector<16xi32>
    %add3A_494 = arith.addi %add3A_483, %select_n3A_493 : vector<16xi32>
    %eq3A_495 = arith.constant 4 : i32
    %eq3A_496 = vector.broadcast %eq3A_495 : i32 to vector<16xi32>
    %eq3A_497 = arith.cmpi eq, %get3A_450, %eq3A_496 : vector<16xi32>
    %all_reduce_population_count3A_498 = tpu.all_reduce %eq3A_497 {dim = 0 : i64, kind = #tpu.reduction_kind<sum>} : vector<16xi1> -> vector<16xi32>
    %eq3A_499 = arith.constant 4 : i32
    %eq3A_500 = vector.broadcast %eq3A_499 : i32 to vector<16xi32>
    %eq3A_501 = arith.cmpi eq, %iota3A, %eq3A_500 : vector<16xi32>
    %jit3A_502 = arith.constant 0 : i32
    %broadcast_in_dim3A_503 = vector.broadcast %jit3A_502 : i32 to vector<16xi32>
    %select_n3A_504 = arith.select %eq3A_501, %all_reduce_population_count3A_498, %broadcast_in_dim3A_503 : vector<16xi1>, vector<16xi32>
    %add3A_505 = arith.addi %add3A_494, %select_n3A_504 : vector<16xi32>
    %eq3A_506 = arith.constant 5 : i32
    %eq3A_507 = vector.broadcast %eq3A_506 : i32 to vector<16xi32>
    %eq3A_508 = arith.cmpi eq, %get3A_450, %eq3A_507 : vector<16xi32>
    %all_reduce_population_count3A_509 = tpu.all_reduce %eq3A_508 {dim = 0 : i64, kind = #tpu.reduction_kind<sum>} : vector<16xi1> -> vector<16xi32>
    %eq3A_510 = arith.constant 5 : i32
    %eq3A_511 = vector.broadcast %eq3A_510 : i32 to vector<16xi32>
    %eq3A_512 = arith.cmpi eq, %iota3A, %eq3A_511 : vector<16xi32>
    %jit3A_513 = arith.constant 0 : i32
    %broadcast_in_dim3A_514 = vector.broadcast %jit3A_513 : i32 to vector<16xi32>
    %select_n3A_515 = arith.select %eq3A_512, %all_reduce_population_count3A_509, %broadcast_in_dim3A_514 : vector<16xi1>, vector<16xi32>
    %add3A_516 = arith.addi %add3A_505, %select_n3A_515 : vector<16xi32>
    %eq3A_517 = arith.constant 6 : i32
    %eq3A_518 = vector.broadcast %eq3A_517 : i32 to vector<16xi32>
    %eq3A_519 = arith.cmpi eq, %get3A_450, %eq3A_518 : vector<16xi32>
    %all_reduce_population_count3A_520 = tpu.all_reduce %eq3A_519 {dim = 0 : i64, kind = #tpu.reduction_kind<sum>} : vector<16xi1> -> vector<16xi32>
    %eq3A_521 = arith.constant 6 : i32
    %eq3A_522 = vector.broadcast %eq3A_521 : i32 to vector<16xi32>
    %eq3A_523 = arith.cmpi eq, %iota3A, %eq3A_522 : vector<16xi32>
    %jit3A_524 = arith.constant 0 : i32
    %broadcast_in_dim3A_525 = vector.broadcast %jit3A_524 : i32 to vector<16xi32>
    %select_n3A_526 = arith.select %eq3A_523, %all_reduce_population_count3A_520, %broadcast_in_dim3A_525 : vector<16xi1>, vector<16xi32>
    %add3A_527 = arith.addi %add3A_516, %select_n3A_526 : vector<16xi32>
    %eq3A_528 = arith.constant 7 : i32
    %eq3A_529 = vector.broadcast %eq3A_528 : i32 to vector<16xi32>
    %eq3A_530 = arith.cmpi eq, %get3A_450, %eq3A_529 : vector<16xi32>
    %all_reduce_population_count3A_531 = tpu.all_reduce %eq3A_530 {dim = 0 : i64, kind = #tpu.reduction_kind<sum>} : vector<16xi1> -> vector<16xi32>
    %eq3A_532 = arith.constant 7 : i32
    %eq3A_533 = vector.broadcast %eq3A_532 : i32 to vector<16xi32>
    %eq3A_534 = arith.cmpi eq, %iota3A, %eq3A_533 : vector<16xi32>
    %jit3A_535 = arith.constant 0 : i32
    %broadcast_in_dim3A_536 = vector.broadcast %jit3A_535 : i32 to vector<16xi32>
    %select_n3A_537 = arith.select %eq3A_534, %all_reduce_population_count3A_531, %broadcast_in_dim3A_536 : vector<16xi1>, vector<16xi32>
    %add3A_538 = arith.addi %add3A_527, %select_n3A_537 : vector<16xi32>
    %get3A_539 = arith.constant 32 : index
    %get3A_540 = tpu.vector_load %arg6[%get3A_539] {strides = array<i32>} : memref<64xi32, #tpu.memory_space<vmem>>, vector<16xi32>,
    %eq3A_541 = arith.constant 0 : i32
    %eq3A_542 = vector.broadcast %eq3A_541 : i32 to vector<16xi32>
    %eq3A_543 = arith.cmpi eq, %get3A_540, %eq3A_542 : vector<16xi32>
    %all_reduce_population_count3A_544 = tpu.all_reduce %eq3A_543 {dim = 0 : i64, kind = #tpu.reduction_kind<sum>} : vector<16xi1> -> vector<16xi32>
    %eq3A_545 = arith.constant 0 : i32
    %eq3A_546 = vector.broadcast %eq3A_545 : i32 to vector<16xi32>
    %eq3A_547 = arith.cmpi eq, %iota3A, %eq3A_546 : vector<16xi32>
    %jit3A_548 = arith.constant 0 : i32
    %broadcast_in_dim3A_549 = vector.broadcast %jit3A_548 : i32 to vector<16xi32>
    %select_n3A_550 = arith.select %eq3A_547, %all_reduce_population_count3A_544, %broadcast_in_dim3A_549 : vector<16xi1>, vector<16xi32>
    %add3A_551 = arith.addi %add3A_538, %select_n3A_550 : vector<16xi32>
    %eq3A_552 = arith.constant 1 : i32
    %eq3A_553 = vector.broadcast %eq3A_552 : i32 to vector<16xi32>
    %eq3A_554 = arith.cmpi eq, %get3A_540, %eq3A_553 : vector<16xi32>
    %all_reduce_population_count3A_555 = tpu.all_reduce %eq3A_554 {dim = 0 : i64, kind = #tpu.reduction_kind<sum>} : vector<16xi1> -> vector<16xi32>
    %eq3A_556 = arith.constant 1 : i32
    %eq3A_557 = vector.broadcast %eq3A_556 : i32 to vector<16xi32>
    %eq3A_558 = arith.cmpi eq, %iota3A, %eq3A_557 : vector<16xi32>
    %jit3A_559 = arith.constant 0 : i32
    %broadcast_in_dim3A_560 = vector.broadcast %jit3A_559 : i32 to vector<16xi32>
    %select_n3A_561 = arith.select %eq3A_558, %all_reduce_population_count3A_555, %broadcast_in_dim3A_560 : vector<16xi1>, vector<16xi32>
    %add3A_562 = arith.addi %add3A_551, %select_n3A_561 : vector<16xi32>
    %eq3A_563 = arith.constant 2 : i32
    %eq3A_564 = vector.broadcast %eq3A_563 : i32 to vector<16xi32>
    %eq3A_565 = arith.cmpi eq, %get3A_540, %eq3A_564 : vector<16xi32>
    %all_reduce_population_count3A_566 = tpu.all_reduce %eq3A_565 {dim = 0 : i64, kind = #tpu.reduction_kind<sum>} : vector<16xi1> -> vector<16xi32>
    %eq3A_567 = arith.constant 2 : i32
    %eq3A_568 = vector.broadcast %eq3A_567 : i32 to vector<16xi32>
    %eq3A_569 = arith.cmpi eq, %iota3A, %eq3A_568 : vector<16xi32>
    %jit3A_570 = arith.constant 0 : i32
    %broadcast_in_dim3A_571 = vector.broadcast %jit3A_570 : i32 to vector<16xi32>
    %select_n3A_572 = arith.select %eq3A_569, %all_reduce_population_count3A_566, %broadcast_in_dim3A_571 : vector<16xi1>, vector<16xi32>
    %add3A_573 = arith.addi %add3A_562, %select_n3A_572 : vector<16xi32>
    %eq3A_574 = arith.constant 3 : i32
    %eq3A_575 = vector.broadcast %eq3A_574 : i32 to vector<16xi32>
    %eq3A_576 = arith.cmpi eq, %get3A_540, %eq3A_575 : vector<16xi32>
    %all_reduce_population_count3A_577 = tpu.all_reduce %eq3A_576 {dim = 0 : i64, kind = #tpu.reduction_kind<sum>} : vector<16xi1> -> vector<16xi32>
    %eq3A_578 = arith.constant 3 : i32
    %eq3A_579 = vector.broadcast %eq3A_578 : i32 to vector<16xi32>
    %eq3A_580 = arith.cmpi eq, %iota3A, %eq3A_579 : vector<16xi32>
    %jit3A_581 = arith.constant 0 : i32
    %broadcast_in_dim3A_582 = vector.broadcast %jit3A_581 : i32 to vector<16xi32>
    %select_n3A_583 = arith.select %eq3A_580, %all_reduce_population_count3A_577, %broadcast_in_dim3A_582 : vector<16xi1>, vector<16xi32>
    %add3A_584 = arith.addi %add3A_573, %select_n3A_583 : vector<16xi32>
    %eq3A_585 = arith.constant 4 : i32
    %eq3A_586 = vector.broadcast %eq3A_585 : i32 to vector<16xi32>
    %eq3A_587 = arith.cmpi eq, %get3A_540, %eq3A_586 : vector<16xi32>
    %all_reduce_population_count3A_588 = tpu.all_reduce %eq3A_587 {dim = 0 : i64, kind = #tpu.reduction_kind<sum>} : vector<16xi1> -> vector<16xi32>
    %eq3A_589 = arith.constant 4 : i32
    %eq3A_590 = vector.broadcast %eq3A_589 : i32 to vector<16xi32>
    %eq3A_591 = arith.cmpi eq, %iota3A, %eq3A_590 : vector<16xi32>
    %jit3A_592 = arith.constant 0 : i32
    %broadcast_in_dim3A_593 = vector.broadcast %jit3A_592 : i32 to vector<16xi32>
    %select_n3A_594 = arith.select %eq3A_591, %all_reduce_population_count3A_588, %broadcast_in_dim3A_593 : vector<16xi1>, vector<16xi32>
    %add3A_595 = arith.addi %add3A_584, %select_n3A_594 : vector<16xi32>
    %eq3A_596 = arith.constant 5 : i32
    %eq3A_597 = vector.broadcast %eq3A_596 : i32 to vector<16xi32>
    %eq3A_598 = arith.cmpi eq, %get3A_540, %eq3A_597 : vector<16xi32>
    %all_reduce_population_count3A_599 = tpu.all_reduce %eq3A_598 {dim = 0 : i64, kind = #tpu.reduction_kind<sum>} : vector<16xi1> -> vector<16xi32>
    %eq3A_600 = arith.constant 5 : i32
    %eq3A_601 = vector.broadcast %eq3A_600 : i32 to vector<16xi32>
    %eq3A_602 = arith.cmpi eq, %iota3A, %eq3A_601 : vector<16xi32>
    %jit3A_603 = arith.constant 0 : i32
    %broadcast_in_dim3A_604 = vector.broadcast %jit3A_603 : i32 to vector<16xi32>
    %select_n3A_605 = arith.select %eq3A_602, %all_reduce_population_count3A_599, %broadcast_in_dim3A_604 : vector<16xi1>, vector<16xi32>
    %add3A_606 = arith.addi %add3A_595, %select_n3A_605 : vector<16xi32>
    %eq3A_607 = arith.constant 6 : i32
    %eq3A_608 = vector.broadcast %eq3A_607 : i32 to vector<16xi32>
    %eq3A_609 = arith.cmpi eq, %get3A_540, %eq3A_608 : vector<16xi32>
    %all_reduce_population_count3A_610 = tpu.all_reduce %eq3A_609 {dim = 0 : i64, kind = #tpu.reduction_kind<sum>} : vector<16xi1> -> vector<16xi32>
    %eq3A_611 = arith.constant 6 : i32
    %eq3A_612 = vector.broadcast %eq3A_611 : i32 to vector<16xi32>
    %eq3A_613 = arith.cmpi eq, %iota3A, %eq3A_612 : vector<16xi32>
    %jit3A_614 = arith.constant 0 : i32
    %broadcast_in_dim3A_615 = vector.broadcast %jit3A_614 : i32 to vector<16xi32>
    %select_n3A_616 = arith.select %eq3A_613, %all_reduce_population_count3A_610, %broadcast_in_dim3A_615 : vector<16xi1>, vector<16xi32>
    %add3A_617 = arith.addi %add3A_606, %select_n3A_616 : vector<16xi32>
    %eq3A_618 = arith.constant 7 : i32
    %eq3A_619 = vector.broadcast %eq3A_618 : i32 to vector<16xi32>
    %eq3A_620 = arith.cmpi eq, %get3A_540, %eq3A_619 : vector<16xi32>
    %all_reduce_population_count3A_621 = tpu.all_reduce %eq3A_620 {dim = 0 : i64, kind = #tpu.reduction_kind<sum>} : vector<16xi1> -> vector<16xi32>
    %eq3A_622 = arith.constant 7 : i32
    %eq3A_623 = vector.broadcast %eq3A_622 : i32 to vector<16xi32>
    %eq3A_624 = arith.cmpi eq, %iota3A, %eq3A_623 : vector<16xi32>
    %jit3A_625 = arith.constant 0 : i32
    %broadcast_in_dim3A_626 = vector.broadcast %jit3A_625 : i32 to vector<16xi32>
    %select_n3A_627 = arith.select %eq3A_624, %all_reduce_population_count3A_621, %broadcast_in_dim3A_626 : vector<16xi1>, vector<16xi32>
    %add3A_628 = arith.addi %add3A_617, %select_n3A_627 : vector<16xi32>
    %get3A_629 = arith.constant 48 : index
    %get3A_630 = tpu.vector_load %arg6[%get3A_629] {strides = array<i32>} : memref<64xi32, #tpu.memory_space<vmem>>, vector<16xi32>,
    %eq3A_631 = arith.constant 0 : i32
    %eq3A_632 = vector.broadcast %eq3A_631 : i32 to vector<16xi32>
    %eq3A_633 = arith.cmpi eq, %get3A_630, %eq3A_632 : vector<16xi32>
    %all_reduce_population_count3A_634 = tpu.all_reduce %eq3A_633 {dim = 0 : i64, kind = #tpu.reduction_kind<sum>} : vector<16xi1> -> vector<16xi32>
    %eq3A_635 = arith.constant 0 : i32
    %eq3A_636 = vector.broadcast %eq3A_635 : i32 to vector<16xi32>
    %eq3A_637 = arith.cmpi eq, %iota3A, %eq3A_636 : vector<16xi32>
    %jit3A_638 = arith.constant 0 : i32
    %broadcast_in_dim3A_639 = vector.broadcast %jit3A_638 : i32 to vector<16xi32>
    %select_n3A_640 = arith.select %eq3A_637, %all_reduce_population_count3A_634, %broadcast_in_dim3A_639 : vector<16xi1>, vector<16xi32>
    %add3A_641 = arith.addi %add3A_628, %select_n3A_640 : vector<16xi32>
    %eq3A_642 = arith.constant 1 : i32
    %eq3A_643 = vector.broadcast %eq3A_642 : i32 to vector<16xi32>
    %eq3A_644 = arith.cmpi eq, %get3A_630, %eq3A_643 : vector<16xi32>
    %all_reduce_population_count3A_645 = tpu.all_reduce %eq3A_644 {dim = 0 : i64, kind = #tpu.reduction_kind<sum>} : vector<16xi1> -> vector<16xi32>
    %eq3A_646 = arith.constant 1 : i32
    %eq3A_647 = vector.broadcast %eq3A_646 : i32 to vector<16xi32>
    %eq3A_648 = arith.cmpi eq, %iota3A, %eq3A_647 : vector<16xi32>
    %jit3A_649 = arith.constant 0 : i32
    %broadcast_in_dim3A_650 = vector.broadcast %jit3A_649 : i32 to vector<16xi32>
    %select_n3A_651 = arith.select %eq3A_648, %all_reduce_population_count3A_645, %broadcast_in_dim3A_650 : vector<16xi1>, vector<16xi32>
    %add3A_652 = arith.addi %add3A_641, %select_n3A_651 : vector<16xi32>
    %eq3A_653 = arith.constant 2 : i32
    %eq3A_654 = vector.broadcast %eq3A_653 : i32 to vector<16xi32>
    %eq3A_655 = arith.cmpi eq, %get3A_630, %eq3A_654 : vector<16xi32>
    %all_reduce_population_count3A_656 = tpu.all_reduce %eq3A_655 {dim = 0 : i64, kind = #tpu.reduction_kind<sum>} : vector<16xi1> -> vector<16xi32>
    %eq3A_657 = arith.constant 2 : i32
    %eq3A_658 = vector.broadcast %eq3A_657 : i32 to vector<16xi32>
    %eq3A_659 = arith.cmpi eq, %iota3A, %eq3A_658 : vector<16xi32>
    %jit3A_660 = arith.constant 0 : i32
    %broadcast_in_dim3A_661 = vector.broadcast %jit3A_660 : i32 to vector<16xi32>
    %select_n3A_662 = arith.select %eq3A_659, %all_reduce_population_count3A_656, %broadcast_in_dim3A_661 : vector<16xi1>, vector<16xi32>
    %add3A_663 = arith.addi %add3A_652, %select_n3A_662 : vector<16xi32>
    %eq3A_664 = arith.constant 3 : i32
    %eq3A_665 = vector.broadcast %eq3A_664 : i32 to vector<16xi32>
    %eq3A_666 = arith.cmpi eq, %get3A_630, %eq3A_665 : vector<16xi32>
    %all_reduce_population_count3A_667 = tpu.all_reduce %eq3A_666 {dim = 0 : i64, kind = #tpu.reduction_kind<sum>} : vector<16xi1> -> vector<16xi32>
    %eq3A_668 = arith.constant 3 : i32
    %eq3A_669 = vector.broadcast %eq3A_668 : i32 to vector<16xi32>
    %eq3A_670 = arith.cmpi eq, %iota3A, %eq3A_669 : vector<16xi32>
    %jit3A_671 = arith.constant 0 : i32
    %broadcast_in_dim3A_672 = vector.broadcast %jit3A_671 : i32 to vector<16xi32>
    %select_n3A_673 = arith.select %eq3A_670, %all_reduce_population_count3A_667, %broadcast_in_dim3A_672 : vector<16xi1>, vector<16xi32>
    %add3A_674 = arith.addi %add3A_663, %select_n3A_673 : vector<16xi32>
    %eq3A_675 = arith.constant 4 : i32
    %eq3A_676 = vector.broadcast %eq3A_675 : i32 to vector<16xi32>
    %eq3A_677 = arith.cmpi eq, %get3A_630, %eq3A_676 : vector<16xi32>
    %all_reduce_population_count3A_678 = tpu.all_reduce %eq3A_677 {dim = 0 : i64, kind = #tpu.reduction_kind<sum>} : vector<16xi1> -> vector<16xi32>
    %eq3A_679 = arith.constant 4 : i32
    %eq3A_680 = vector.broadcast %eq3A_679 : i32 to vector<16xi32>
    %eq3A_681 = arith.cmpi eq, %iota3A, %eq3A_680 : vector<16xi32>
    %jit3A_682 = arith.constant 0 : i32
    %broadcast_in_dim3A_683 = vector.broadcast %jit3A_682 : i32 to vector<16xi32>
    %select_n3A_684 = arith.select %eq3A_681, %all_reduce_population_count3A_678, %broadcast_in_dim3A_683 : vector<16xi1>, vector<16xi32>
    %add3A_685 = arith.addi %add3A_674, %select_n3A_684 : vector<16xi32>
    %eq3A_686 = arith.constant 5 : i32
    %eq3A_687 = vector.broadcast %eq3A_686 : i32 to vector<16xi32>
    %eq3A_688 = arith.cmpi eq, %get3A_630, %eq3A_687 : vector<16xi32>
    %all_reduce_population_count3A_689 = tpu.all_reduce %eq3A_688 {dim = 0 : i64, kind = #tpu.reduction_kind<sum>} : vector<16xi1> -> vector<16xi32>
    %eq3A_690 = arith.constant 5 : i32
    %eq3A_691 = vector.broadcast %eq3A_690 : i32 to vector<16xi32>
    %eq3A_692 = arith.cmpi eq, %iota3A, %eq3A_691 : vector<16xi32>
    %jit3A_693 = arith.constant 0 : i32
    %broadcast_in_dim3A_694 = vector.broadcast %jit3A_693 : i32 to vector<16xi32>
    %select_n3A_695 = arith.select %eq3A_692, %all_reduce_population_count3A_689, %broadcast_in_dim3A_694 : vector<16xi1>, vector<16xi32>
    %add3A_696 = arith.addi %add3A_685, %select_n3A_695 : vector<16xi32>
    %eq3A_697 = arith.constant 6 : i32
    %eq3A_698 = vector.broadcast %eq3A_697 : i32 to vector<16xi32>
    %eq3A_699 = arith.cmpi eq, %get3A_630, %eq3A_698 : vector<16xi32>
    %all_reduce_population_count3A_700 = tpu.all_reduce %eq3A_699 {dim = 0 : i64, kind = #tpu.reduction_kind<sum>} : vector<16xi1> -> vector<16xi32>
    %eq3A_701 = arith.constant 6 : i32
    %eq3A_702 = vector.broadcast %eq3A_701 : i32 to vector<16xi32>
    %eq3A_703 = arith.cmpi eq, %iota3A, %eq3A_702 : vector<16xi32>
    %jit3A_704 = arith.constant 0 : i32
    %broadcast_in_dim3A_705 = vector.broadcast %jit3A_704 : i32 to vector<16xi32>
    %select_n3A_706 = arith.select %eq3A_703, %all_reduce_population_count3A_700, %broadcast_in_dim3A_705 : vector<16xi1>, vector<16xi32>
    %add3A_707 = arith.addi %add3A_696, %select_n3A_706 : vector<16xi32>
    %eq3A_708 = arith.constant 7 : i32
    %eq3A_709 = vector.broadcast %eq3A_708 : i32 to vector<16xi32>
    %eq3A_710 = arith.cmpi eq, %get3A_630, %eq3A_709 : vector<16xi32>
    %all_reduce_population_count3A_711 = tpu.all_reduce %eq3A_710 {dim = 0 : i64, kind = #tpu.reduction_kind<sum>} : vector<16xi1> -> vector<16xi32>
    %eq3A_712 = arith.constant 7 : i32
    %eq3A_713 = vector.broadcast %eq3A_712 : i32 to vector<16xi32>
    %eq3A_714 = arith.cmpi eq, %iota3A, %eq3A_713 : vector<16xi32>
    %jit3A_715 = arith.constant 0 : i32
    %broadcast_in_dim3A_716 = vector.broadcast %jit3A_715 : i32 to vector<16xi32>
    %select_n3A_717 = arith.select %eq3A_714, %all_reduce_population_count3A_711, %broadcast_in_dim3A_716 : vector<16xi1>, vector<16xi32>
    %add3A_718 = arith.addi %add3A_707, %select_n3A_717 : vector<16xi32>
    %swap3A = arith.constant 0 : index
    %swap3A_719 = tpu.vector_load %arg7[%swap3A] {strides = array<i32>} : memref<16xi32, #tpu.memory_space<vmem>>, vector<16xi32>,
    tpu.vector_store %arg7[%swap3A], %add3A_718 {strides = array<i32>} : memref<16xi32, #tpu.memory_space<vmem>>, vector<16xi32>,
    "tpu.region"() ({
      %run_scoped3A = tpu.sem_alloc : memref<!tpu.dma_semaphore, #tpu.memory_space<semaphore_mem>>
      %dma_start3A = arith.constant 0 : i32
      %dma_start3A_720 = tpu.memref_slice %arg4[%add3A, %dma_start3A] : memref<32x16xi32, #tpu.memory_space<hbm>> -> memref<1x16xi32, #tpu.memory_space<hbm>>
      %dma_start3A_721 = tpu.memref_squeeze %dma_start3A_720 : memref<1x16xi32, #tpu.memory_space<hbm>> -> memref<16xi32, #tpu.memory_space<hbm>>
      %dma_start3A_722 = arith.constant 0 : i32
      %dma_start3A_723 = tpu.memref_slice %arg4[%add3A, %dma_start3A_722] : memref<32x16xi32, #tpu.memory_space<hbm>> -> memref<1x16xi32, #tpu.memory_space<hbm>>
      %dma_start3A_724 = tpu.memref_squeeze %dma_start3A_723 : memref<1x16xi32, #tpu.memory_space<hbm>> -> memref<16xi32, #tpu.memory_space<hbm>>
      tpu.enqueue_dma source(%arg7 : memref<16xi32, #tpu.memory_space<vmem>>) target(%dma_start3A_724 : memref<16xi32, #tpu.memory_space<hbm>>) target_semaphore(%run_scoped3A : memref<!tpu.dma_semaphore, #tpu.memory_space<semaphore_mem>>)
      %dma_wait3A = arith.constant 0 : i32
      %dma_wait3A_725 = tpu.memref_slice %arg4[%add3A, %dma_wait3A] : memref<32x16xi32, #tpu.memory_space<hbm>> -> memref<1x16xi32, #tpu.memory_space<hbm>>
      %dma_wait3A_726 = tpu.memref_squeeze %dma_wait3A_725 : memref<1x16xi32, #tpu.memory_space<hbm>> -> memref<16xi32, #tpu.memory_space<hbm>>
      %dma_wait3A_727 = arith.constant 0 : i32
      %dma_wait3A_728 = tpu.memref_slice %arg4[%add3A, %dma_wait3A_727] : memref<32x16xi32, #tpu.memory_space<hbm>> -> memref<1x16xi32, #tpu.memory_space<hbm>>
      %dma_wait3A_729 = tpu.memref_squeeze %dma_wait3A_728 : memref<1x16xi32, #tpu.memory_space<hbm>> -> memref<16xi32, #tpu.memory_space<hbm>>
      tpu.wait_dma2 semaphore(%run_scoped3A : memref<!tpu.dma_semaphore, #tpu.memory_space<semaphore_mem>>) src(%arg7 : memref<16xi32, #tpu.memory_space<vmem>>) dst(%dma_wait3A_729 : memref<16xi32, #tpu.memory_space<hbm>>)
      tpu.yield
    }) : () -> ()
    return
  }
}

#map = affine_map<(d0, d1) -> (0)>
#map1 = affine_map<(d0, d1) -> (0, 0)>
module attributes {stable_mosaic.version = 14 : i64} {
  func.func @_dispatch_body(%arg0: i32, %arg1: i32, %arg2: memref<2048xi32, #tpu.memory_space<hbm>>, %arg3: memref<2048xi32, #tpu.memory_space<hbm>>, %arg4: memref<2048x768xf32, #tpu.memory_space<hbm>>, %arg5: memref<32x16xi32, #tpu.memory_space<hbm>>, %arg6: memref<5120x768xf32, #tpu.memory_space<hbm>>, %arg7: memref<32x16xi32, #tpu.memory_space<hbm>>, %arg8: memref<2048xi32, #tpu.memory_space<hbm>>, %arg9: memref<2048xi32, #tpu.memory_space<hbm>>, %arg10: memref<64xi32, #tpu.memory_space<vmem>>, %arg11: memref<64xi32, #tpu.memory_space<vmem>>, %arg12: memref<64xi32, #tpu.memory_space<vmem>>, %arg13: memref<64xi32, #tpu.memory_space<vmem>>, %arg14: memref<32x16xi32, #tpu.memory_space<vmem>>, %arg15: memref<64x768xf32, #tpu.memory_space<vmem>>, %arg16: memref<16xi32, #tpu.memory_space<vmem>>, %arg17: memref<!tpu.dma_semaphore, #tpu.memory_space<semaphore_mem>>) attributes {dimension_semantics = [#tpu.dimension_semantics<core_parallel>, #tpu.dimension_semantics<subcore_parallel>], iteration_bounds = array<i64: 2, 16>, scalar_prefetch = 0 : i64, scratch_operands = 8 : i64, tpu.core_type = #tpu.core_type<sc_vector_subcore>, window_params = [{transform_indices = #map}, {transform_indices = #map}, {transform_indices = #map1}, {transform_indices = #map1}, {transform_indices = #map1}, {transform_indices = #map1}, {transform_indices = #map}, {transform_indices = #map}]} {
    %mul3A = arith.constant 2 : i32
    %mul3A_0 = arith.muli %arg1, %mul3A : i32
    %add3A = arith.addi %mul3A_0, %arg0 : i32
    %mul3A_1 = arith.constant 64 : i32
    %mul3A_2 = arith.muli %add3A, %mul3A_1 : i32
    "tpu.region"() ({
      %run_scoped3A = tpu.sem_alloc : memref<!tpu.dma_semaphore, #tpu.memory_space<semaphore_mem>>
      %dma_start3A_2549 = tpu.memref_slice %arg2[%mul3A_2] : memref<2048xi32, #tpu.memory_space<hbm>> -> memref<64xi32, #tpu.memory_space<hbm>>
      %dma_start3A_2550 = tpu.memref_slice %arg2[%mul3A_2] : memref<2048xi32, #tpu.memory_space<hbm>> -> memref<64xi32, #tpu.memory_space<hbm>>
      tpu.enqueue_dma source(%dma_start3A_2550 : memref<64xi32, #tpu.memory_space<hbm>>) target(%arg10 : memref<64xi32, #tpu.memory_space<vmem>>) target_semaphore(%run_scoped3A : memref<!tpu.dma_semaphore, #tpu.memory_space<semaphore_mem>>)
      %dma_wait3A_2551 = tpu.memref_slice %arg2[%mul3A_2] : memref<2048xi32, #tpu.memory_space<hbm>> -> memref<64xi32, #tpu.memory_space<hbm>>
      %dma_wait3A_2552 = tpu.memref_slice %arg2[%mul3A_2] : memref<2048xi32, #tpu.memory_space<hbm>> -> memref<64xi32, #tpu.memory_space<hbm>>
      tpu.wait_dma2 semaphore(%run_scoped3A : memref<!tpu.dma_semaphore, #tpu.memory_space<semaphore_mem>>) src(%dma_wait3A_2552 : memref<64xi32, #tpu.memory_space<hbm>>) dst(%arg10 : memref<64xi32, #tpu.memory_space<vmem>>)
      tpu.yield
    }) : () -> ()
    "tpu.region"() ({
      %run_scoped3A = tpu.sem_alloc : memref<!tpu.dma_semaphore, #tpu.memory_space<semaphore_mem>>
      %dma_start3A_2549 = tpu.memref_slice %arg3[%mul3A_2] : memref<2048xi32, #tpu.memory_space<hbm>> -> memref<64xi32, #tpu.memory_space<hbm>>
      %dma_start3A_2550 = tpu.memref_slice %arg3[%mul3A_2] : memref<2048xi32, #tpu.memory_space<hbm>> -> memref<64xi32, #tpu.memory_space<hbm>>
      tpu.enqueue_dma source(%dma_start3A_2550 : memref<64xi32, #tpu.memory_space<hbm>>) target(%arg11 : memref<64xi32, #tpu.memory_space<vmem>>) target_semaphore(%run_scoped3A : memref<!tpu.dma_semaphore, #tpu.memory_space<semaphore_mem>>)
      %dma_wait3A_2551 = tpu.memref_slice %arg3[%mul3A_2] : memref<2048xi32, #tpu.memory_space<hbm>> -> memref<64xi32, #tpu.memory_space<hbm>>
      %dma_wait3A_2552 = tpu.memref_slice %arg3[%mul3A_2] : memref<2048xi32, #tpu.memory_space<hbm>> -> memref<64xi32, #tpu.memory_space<hbm>>
      tpu.wait_dma2 semaphore(%run_scoped3A : memref<!tpu.dma_semaphore, #tpu.memory_space<semaphore_mem>>) src(%dma_wait3A_2552 : memref<64xi32, #tpu.memory_space<hbm>>) dst(%arg11 : memref<64xi32, #tpu.memory_space<vmem>>)
      tpu.yield
    }) : () -> ()
    "tpu.region"() ({
      %run_scoped3A = tpu.sem_alloc : memref<!tpu.dma_semaphore, #tpu.memory_space<semaphore_mem>>
      tpu.enqueue_dma source(%arg5 : memref<32x16xi32, #tpu.memory_space<hbm>>) target(%arg14 : memref<32x16xi32, #tpu.memory_space<vmem>>) target_semaphore(%run_scoped3A : memref<!tpu.dma_semaphore, #tpu.memory_space<semaphore_mem>>)
      tpu.wait_dma2 semaphore(%run_scoped3A : memref<!tpu.dma_semaphore, #tpu.memory_space<semaphore_mem>>) src(%arg5 : memref<32x16xi32, #tpu.memory_space<hbm>>) dst(%arg14 : memref<32x16xi32, #tpu.memory_space<vmem>>)
      tpu.yield
    }) : () -> ()
    %iota3A = tpu.iota {dimensions = array<i32: 0>} : vector<16xi32>
    %broadcast_in_dim3A = arith.constant 0 : i32
    %broadcast_in_dim3A_3 = vector.broadcast %broadcast_in_dim3A : i32 to vector<16xi32>
    %broadcast_in_dim3A_4 = arith.constant 0 : i32
    %broadcast_in_dim3A_5 = vector.broadcast %broadcast_in_dim3A_4 : i32 to vector<16xi32>
    %get3A = arith.constant 0 : i32
    %get3A_6 = arith.index_cast %get3A : i32 to index
    %get3A_7 = arith.constant 0 : index
    %get3A_8 = tpu.vector_load %arg14[%get3A_6, %get3A_7] {strides = array<i32>} : memref<32x16xi32, #tpu.memory_space<vmem>>, vector<16xi32>,
    %add3A_9 = arith.addi %broadcast_in_dim3A_3, %get3A_8 : vector<16xi32>
    %gt3A = arith.constant 0 : i32
    %gt3A_10 = arith.cmpi sgt, %add3A, %gt3A : i32
    %jit3A = arith.constant 0 : i32
    %broadcast_in_dim3A_11 = vector.broadcast %jit3A : i32 to vector<16xi32>
    %select_n3A = arith.select %gt3A_10, %get3A_8, %broadcast_in_dim3A_11 : vector<16xi32>
    %add3A_12 = arith.addi %broadcast_in_dim3A_5, %select_n3A : vector<16xi32>
    %get3A_13 = arith.constant 1 : i32
    %get3A_14 = arith.index_cast %get3A_13 : i32 to index
    %get3A_15 = arith.constant 0 : index
    %get3A_16 = tpu.vector_load %arg14[%get3A_14, %get3A_15] {strides = array<i32>} : memref<32x16xi32, #tpu.memory_space<vmem>>, vector<16xi32>,
    %add3A_17 = arith.addi %add3A_9, %get3A_16 : vector<16xi32>
    %gt3A_18 = arith.constant 1 : i32
    %gt3A_19 = arith.cmpi sgt, %add3A, %gt3A_18 : i32
    %jit3A_20 = arith.constant 0 : i32
    %broadcast_in_dim3A_21 = vector.broadcast %jit3A_20 : i32 to vector<16xi32>
    %select_n3A_22 = arith.select %gt3A_19, %get3A_16, %broadcast_in_dim3A_21 : vector<16xi32>
    %add3A_23 = arith.addi %add3A_12, %select_n3A_22 : vector<16xi32>
    %get3A_24 = arith.constant 2 : i32
    %get3A_25 = arith.index_cast %get3A_24 : i32 to index
    %get3A_26 = arith.constant 0 : index
    %get3A_27 = tpu.vector_load %arg14[%get3A_25, %get3A_26] {strides = array<i32>} : memref<32x16xi32, #tpu.memory_space<vmem>>, vector<16xi32>,
    %add3A_28 = arith.addi %add3A_17, %get3A_27 : vector<16xi32>
    %gt3A_29 = arith.constant 2 : i32
    %gt3A_30 = arith.cmpi sgt, %add3A, %gt3A_29 : i32
    %jit3A_31 = arith.constant 0 : i32
    %broadcast_in_dim3A_32 = vector.broadcast %jit3A_31 : i32 to vector<16xi32>
    %select_n3A_33 = arith.select %gt3A_30, %get3A_27, %broadcast_in_dim3A_32 : vector<16xi32>
    %add3A_34 = arith.addi %add3A_23, %select_n3A_33 : vector<16xi32>
    %get3A_35 = arith.constant 3 : i32
    %get3A_36 = arith.index_cast %get3A_35 : i32 to index
    %get3A_37 = arith.constant 0 : index
    %get3A_38 = tpu.vector_load %arg14[%get3A_36, %get3A_37] {strides = array<i32>} : memref<32x16xi32, #tpu.memory_space<vmem>>, vector<16xi32>,
    %add3A_39 = arith.addi %add3A_28, %get3A_38 : vector<16xi32>
    %gt3A_40 = arith.constant 3 : i32
    %gt3A_41 = arith.cmpi sgt, %add3A, %gt3A_40 : i32
    %jit3A_42 = arith.constant 0 : i32
    %broadcast_in_dim3A_43 = vector.broadcast %jit3A_42 : i32 to vector<16xi32>
    %select_n3A_44 = arith.select %gt3A_41, %get3A_38, %broadcast_in_dim3A_43 : vector<16xi32>
    %add3A_45 = arith.addi %add3A_34, %select_n3A_44 : vector<16xi32>
    %get3A_46 = arith.constant 4 : i32
    %get3A_47 = arith.index_cast %get3A_46 : i32 to index
    %get3A_48 = arith.constant 0 : index
    %get3A_49 = tpu.vector_load %arg14[%get3A_47, %get3A_48] {strides = array<i32>} : memref<32x16xi32, #tpu.memory_space<vmem>>, vector<16xi32>,
    %add3A_50 = arith.addi %add3A_39, %get3A_49 : vector<16xi32>
    %gt3A_51 = arith.constant 4 : i32
    %gt3A_52 = arith.cmpi sgt, %add3A, %gt3A_51 : i32
    %jit3A_53 = arith.constant 0 : i32
    %broadcast_in_dim3A_54 = vector.broadcast %jit3A_53 : i32 to vector<16xi32>
    %select_n3A_55 = arith.select %gt3A_52, %get3A_49, %broadcast_in_dim3A_54 : vector<16xi32>
    %add3A_56 = arith.addi %add3A_45, %select_n3A_55 : vector<16xi32>
    %get3A_57 = arith.constant 5 : i32
    %get3A_58 = arith.index_cast %get3A_57 : i32 to index
    %get3A_59 = arith.constant 0 : index
    %get3A_60 = tpu.vector_load %arg14[%get3A_58, %get3A_59] {strides = array<i32>} : memref<32x16xi32, #tpu.memory_space<vmem>>, vector<16xi32>,
    %add3A_61 = arith.addi %add3A_50, %get3A_60 : vector<16xi32>
    %gt3A_62 = arith.constant 5 : i32
    %gt3A_63 = arith.cmpi sgt, %add3A, %gt3A_62 : i32
    %jit3A_64 = arith.constant 0 : i32
    %broadcast_in_dim3A_65 = vector.broadcast %jit3A_64 : i32 to vector<16xi32>
    %select_n3A_66 = arith.select %gt3A_63, %get3A_60, %broadcast_in_dim3A_65 : vector<16xi32>
    %add3A_67 = arith.addi %add3A_56, %select_n3A_66 : vector<16xi32>
    %get3A_68 = arith.constant 6 : i32
    %get3A_69 = arith.index_cast %get3A_68 : i32 to index
    %get3A_70 = arith.constant 0 : index
    %get3A_71 = tpu.vector_load %arg14[%get3A_69, %get3A_70] {strides = array<i32>} : memref<32x16xi32, #tpu.memory_space<vmem>>, vector<16xi32>,
    %add3A_72 = arith.addi %add3A_61, %get3A_71 : vector<16xi32>
    %gt3A_73 = arith.constant 6 : i32
    %gt3A_74 = arith.cmpi sgt, %add3A, %gt3A_73 : i32
    %jit3A_75 = arith.constant 0 : i32
    %broadcast_in_dim3A_76 = vector.broadcast %jit3A_75 : i32 to vector<16xi32>
    %select_n3A_77 = arith.select %gt3A_74, %get3A_71, %broadcast_in_dim3A_76 : vector<16xi32>
    %add3A_78 = arith.addi %add3A_67, %select_n3A_77 : vector<16xi32>
    %get3A_79 = arith.constant 7 : i32
    %get3A_80 = arith.index_cast %get3A_79 : i32 to index
    %get3A_81 = arith.constant 0 : index
    %get3A_82 = tpu.vector_load %arg14[%get3A_80, %get3A_81] {strides = array<i32>} : memref<32x16xi32, #tpu.memory_space<vmem>>, vector<16xi32>,
    %add3A_83 = arith.addi %add3A_72, %get3A_82 : vector<16xi32>
    %gt3A_84 = arith.constant 7 : i32
    %gt3A_85 = arith.cmpi sgt, %add3A, %gt3A_84 : i32
    %jit3A_86 = arith.constant 0 : i32
    %broadcast_in_dim3A_87 = vector.broadcast %jit3A_86 : i32 to vector<16xi32>
    %select_n3A_88 = arith.select %gt3A_85, %get3A_82, %broadcast_in_dim3A_87 : vector<16xi32>
    %add3A_89 = arith.addi %add3A_78, %select_n3A_88 : vector<16xi32>
    %get3A_90 = arith.constant 8 : i32
    %get3A_91 = arith.index_cast %get3A_90 : i32 to index
    %get3A_92 = arith.constant 0 : index
    %get3A_93 = tpu.vector_load %arg14[%get3A_91, %get3A_92] {strides = array<i32>} : memref<32x16xi32, #tpu.memory_space<vmem>>, vector<16xi32>,
    %add3A_94 = arith.addi %add3A_83, %get3A_93 : vector<16xi32>
    %gt3A_95 = arith.constant 8 : i32
    %gt3A_96 = arith.cmpi sgt, %add3A, %gt3A_95 : i32
    %jit3A_97 = arith.constant 0 : i32
    %broadcast_in_dim3A_98 = vector.broadcast %jit3A_97 : i32 to vector<16xi32>
    %select_n3A_99 = arith.select %gt3A_96, %get3A_93, %broadcast_in_dim3A_98 : vector<16xi32>
    %add3A_100 = arith.addi %add3A_89, %select_n3A_99 : vector<16xi32>
    %get3A_101 = arith.constant 9 : i32
    %get3A_102 = arith.index_cast %get3A_101 : i32 to index
    %get3A_103 = arith.constant 0 : index
    %get3A_104 = tpu.vector_load %arg14[%get3A_102, %get3A_103] {strides = array<i32>} : memref<32x16xi32, #tpu.memory_space<vmem>>, vector<16xi32>,
    %add3A_105 = arith.addi %add3A_94, %get3A_104 : vector<16xi32>
    %gt3A_106 = arith.constant 9 : i32
    %gt3A_107 = arith.cmpi sgt, %add3A, %gt3A_106 : i32
    %jit3A_108 = arith.constant 0 : i32
    %broadcast_in_dim3A_109 = vector.broadcast %jit3A_108 : i32 to vector<16xi32>
    %select_n3A_110 = arith.select %gt3A_107, %get3A_104, %broadcast_in_dim3A_109 : vector<16xi32>
    %add3A_111 = arith.addi %add3A_100, %select_n3A_110 : vector<16xi32>
    %get3A_112 = arith.constant 10 : i32
    %get3A_113 = arith.index_cast %get3A_112 : i32 to index
    %get3A_114 = arith.constant 0 : index
    %get3A_115 = tpu.vector_load %arg14[%get3A_113, %get3A_114] {strides = array<i32>} : memref<32x16xi32, #tpu.memory_space<vmem>>, vector<16xi32>,
    %add3A_116 = arith.addi %add3A_105, %get3A_115 : vector<16xi32>
    %gt3A_117 = arith.constant 10 : i32
    %gt3A_118 = arith.cmpi sgt, %add3A, %gt3A_117 : i32
    %jit3A_119 = arith.constant 0 : i32
    %broadcast_in_dim3A_120 = vector.broadcast %jit3A_119 : i32 to vector<16xi32>
    %select_n3A_121 = arith.select %gt3A_118, %get3A_115, %broadcast_in_dim3A_120 : vector<16xi32>
    %add3A_122 = arith.addi %add3A_111, %select_n3A_121 : vector<16xi32>
    %get3A_123 = arith.constant 11 : i32
    %get3A_124 = arith.index_cast %get3A_123 : i32 to index
    %get3A_125 = arith.constant 0 : index
    %get3A_126 = tpu.vector_load %arg14[%get3A_124, %get3A_125] {strides = array<i32>} : memref<32x16xi32, #tpu.memory_space<vmem>>, vector<16xi32>,
    %add3A_127 = arith.addi %add3A_116, %get3A_126 : vector<16xi32>
    %gt3A_128 = arith.constant 11 : i32
    %gt3A_129 = arith.cmpi sgt, %add3A, %gt3A_128 : i32
    %jit3A_130 = arith.constant 0 : i32
    %broadcast_in_dim3A_131 = vector.broadcast %jit3A_130 : i32 to vector<16xi32>
    %select_n3A_132 = arith.select %gt3A_129, %get3A_126, %broadcast_in_dim3A_131 : vector<16xi32>
    %add3A_133 = arith.addi %add3A_122, %select_n3A_132 : vector<16xi32>
    %get3A_134 = arith.constant 12 : i32
    %get3A_135 = arith.index_cast %get3A_134 : i32 to index
    %get3A_136 = arith.constant 0 : index
    %get3A_137 = tpu.vector_load %arg14[%get3A_135, %get3A_136] {strides = array<i32>} : memref<32x16xi32, #tpu.memory_space<vmem>>, vector<16xi32>,
    %add3A_138 = arith.addi %add3A_127, %get3A_137 : vector<16xi32>
    %gt3A_139 = arith.constant 12 : i32
    %gt3A_140 = arith.cmpi sgt, %add3A, %gt3A_139 : i32
    %jit3A_141 = arith.constant 0 : i32
    %broadcast_in_dim3A_142 = vector.broadcast %jit3A_141 : i32 to vector<16xi32>
    %select_n3A_143 = arith.select %gt3A_140, %get3A_137, %broadcast_in_dim3A_142 : vector<16xi32>
    %add3A_144 = arith.addi %add3A_133, %select_n3A_143 : vector<16xi32>
    %get3A_145 = arith.constant 13 : i32
    %get3A_146 = arith.index_cast %get3A_145 : i32 to index
    %get3A_147 = arith.constant 0 : index
    %get3A_148 = tpu.vector_load %arg14[%get3A_146, %get3A_147] {strides = array<i32>} : memref<32x16xi32, #tpu.memory_space<vmem>>, vector<16xi32>,
    %add3A_149 = arith.addi %add3A_138, %get3A_148 : vector<16xi32>
    %gt3A_150 = arith.constant 13 : i32
    %gt3A_151 = arith.cmpi sgt, %add3A, %gt3A_150 : i32
    %jit3A_152 = arith.constant 0 : i32
    %broadcast_in_dim3A_153 = vector.broadcast %jit3A_152 : i32 to vector<16xi32>
    %select_n3A_154 = arith.select %gt3A_151, %get3A_148, %broadcast_in_dim3A_153 : vector<16xi32>
    %add3A_155 = arith.addi %add3A_144, %select_n3A_154 : vector<16xi32>
    %get3A_156 = arith.constant 14 : i32
    %get3A_157 = arith.index_cast %get3A_156 : i32 to index
    %get3A_158 = arith.constant 0 : index
    %get3A_159 = tpu.vector_load %arg14[%get3A_157, %get3A_158] {strides = array<i32>} : memref<32x16xi32, #tpu.memory_space<vmem>>, vector<16xi32>,
    %add3A_160 = arith.addi %add3A_149, %get3A_159 : vector<16xi32>
    %gt3A_161 = arith.constant 14 : i32
    %gt3A_162 = arith.cmpi sgt, %add3A, %gt3A_161 : i32
    %jit3A_163 = arith.constant 0 : i32
    %broadcast_in_dim3A_164 = vector.broadcast %jit3A_163 : i32 to vector<16xi32>
    %select_n3A_165 = arith.select %gt3A_162, %get3A_159, %broadcast_in_dim3A_164 : vector<16xi32>
    %add3A_166 = arith.addi %add3A_155, %select_n3A_165 : vector<16xi32>
    %get3A_167 = arith.constant 15 : i32
    %get3A_168 = arith.index_cast %get3A_167 : i32 to index
    %get3A_169 = arith.constant 0 : index
    %get3A_170 = tpu.vector_load %arg14[%get3A_168, %get3A_169] {strides = array<i32>} : memref<32x16xi32, #tpu.memory_space<vmem>>, vector<16xi32>,
    %add3A_171 = arith.addi %add3A_160, %get3A_170 : vector<16xi32>
    %gt3A_172 = arith.constant 15 : i32
    %gt3A_173 = arith.cmpi sgt, %add3A, %gt3A_172 : i32
    %jit3A_174 = arith.constant 0 : i32
    %broadcast_in_dim3A_175 = vector.broadcast %jit3A_174 : i32 to vector<16xi32>
    %select_n3A_176 = arith.select %gt3A_173, %get3A_170, %broadcast_in_dim3A_175 : vector<16xi32>
    %add3A_177 = arith.addi %add3A_166, %select_n3A_176 : vector<16xi32>
    %get3A_178 = arith.constant 16 : i32
    %get3A_179 = arith.index_cast %get3A_178 : i32 to index
    %get3A_180 = arith.constant 0 : index
    %get3A_181 = tpu.vector_load %arg14[%get3A_179, %get3A_180] {strides = array<i32>} : memref<32x16xi32, #tpu.memory_space<vmem>>, vector<16xi32>,
    %add3A_182 = arith.addi %add3A_171, %get3A_181 : vector<16xi32>
    %gt3A_183 = arith.constant 16 : i32
    %gt3A_184 = arith.cmpi sgt, %add3A, %gt3A_183 : i32
    %jit3A_185 = arith.constant 0 : i32
    %broadcast_in_dim3A_186 = vector.broadcast %jit3A_185 : i32 to vector<16xi32>
    %select_n3A_187 = arith.select %gt3A_184, %get3A_181, %broadcast_in_dim3A_186 : vector<16xi32>
    %add3A_188 = arith.addi %add3A_177, %select_n3A_187 : vector<16xi32>
    %get3A_189 = arith.constant 17 : i32
    %get3A_190 = arith.index_cast %get3A_189 : i32 to index
    %get3A_191 = arith.constant 0 : index
    %get3A_192 = tpu.vector_load %arg14[%get3A_190, %get3A_191] {strides = array<i32>} : memref<32x16xi32, #tpu.memory_space<vmem>>, vector<16xi32>,
    %add3A_193 = arith.addi %add3A_182, %get3A_192 : vector<16xi32>
    %gt3A_194 = arith.constant 17 : i32
    %gt3A_195 = arith.cmpi sgt, %add3A, %gt3A_194 : i32
    %jit3A_196 = arith.constant 0 : i32
    %broadcast_in_dim3A_197 = vector.broadcast %jit3A_196 : i32 to vector<16xi32>
    %select_n3A_198 = arith.select %gt3A_195, %get3A_192, %broadcast_in_dim3A_197 : vector<16xi32>
    %add3A_199 = arith.addi %add3A_188, %select_n3A_198 : vector<16xi32>
    %get3A_200 = arith.constant 18 : i32
    %get3A_201 = arith.index_cast %get3A_200 : i32 to index
    %get3A_202 = arith.constant 0 : index
    %get3A_203 = tpu.vector_load %arg14[%get3A_201, %get3A_202] {strides = array<i32>} : memref<32x16xi32, #tpu.memory_space<vmem>>, vector<16xi32>,
    %add3A_204 = arith.addi %add3A_193, %get3A_203 : vector<16xi32>
    %gt3A_205 = arith.constant 18 : i32
    %gt3A_206 = arith.cmpi sgt, %add3A, %gt3A_205 : i32
    %jit3A_207 = arith.constant 0 : i32
    %broadcast_in_dim3A_208 = vector.broadcast %jit3A_207 : i32 to vector<16xi32>
    %select_n3A_209 = arith.select %gt3A_206, %get3A_203, %broadcast_in_dim3A_208 : vector<16xi32>
    %add3A_210 = arith.addi %add3A_199, %select_n3A_209 : vector<16xi32>
    %get3A_211 = arith.constant 19 : i32
    %get3A_212 = arith.index_cast %get3A_211 : i32 to index
    %get3A_213 = arith.constant 0 : index
    %get3A_214 = tpu.vector_load %arg14[%get3A_212, %get3A_213] {strides = array<i32>} : memref<32x16xi32, #tpu.memory_space<vmem>>, vector<16xi32>,
    %add3A_215 = arith.addi %add3A_204, %get3A_214 : vector<16xi32>
    %gt3A_216 = arith.constant 19 : i32
    %gt3A_217 = arith.cmpi sgt, %add3A, %gt3A_216 : i32
    %jit3A_218 = arith.constant 0 : i32
    %broadcast_in_dim3A_219 = vector.broadcast %jit3A_218 : i32 to vector<16xi32>
    %select_n3A_220 = arith.select %gt3A_217, %get3A_214, %broadcast_in_dim3A_219 : vector<16xi32>
    %add3A_221 = arith.addi %add3A_210, %select_n3A_220 : vector<16xi32>
    %get3A_222 = arith.constant 20 : i32
    %get3A_223 = arith.index_cast %get3A_222 : i32 to index
    %get3A_224 = arith.constant 0 : index
    %get3A_225 = tpu.vector_load %arg14[%get3A_223, %get3A_224] {strides = array<i32>} : memref<32x16xi32, #tpu.memory_space<vmem>>, vector<16xi32>,
    %add3A_226 = arith.addi %add3A_215, %get3A_225 : vector<16xi32>
    %gt3A_227 = arith.constant 20 : i32
    %gt3A_228 = arith.cmpi sgt, %add3A, %gt3A_227 : i32
    %jit3A_229 = arith.constant 0 : i32
    %broadcast_in_dim3A_230 = vector.broadcast %jit3A_229 : i32 to vector<16xi32>
    %select_n3A_231 = arith.select %gt3A_228, %get3A_225, %broadcast_in_dim3A_230 : vector<16xi32>
    %add3A_232 = arith.addi %add3A_221, %select_n3A_231 : vector<16xi32>
    %get3A_233 = arith.constant 21 : i32
    %get3A_234 = arith.index_cast %get3A_233 : i32 to index
    %get3A_235 = arith.constant 0 : index
    %get3A_236 = tpu.vector_load %arg14[%get3A_234, %get3A_235] {strides = array<i32>} : memref<32x16xi32, #tpu.memory_space<vmem>>, vector<16xi32>,
    %add3A_237 = arith.addi %add3A_226, %get3A_236 : vector<16xi32>
    %gt3A_238 = arith.constant 21 : i32
    %gt3A_239 = arith.cmpi sgt, %add3A, %gt3A_238 : i32
    %jit3A_240 = arith.constant 0 : i32
    %broadcast_in_dim3A_241 = vector.broadcast %jit3A_240 : i32 to vector<16xi32>
    %select_n3A_242 = arith.select %gt3A_239, %get3A_236, %broadcast_in_dim3A_241 : vector<16xi32>
    %add3A_243 = arith.addi %add3A_232, %select_n3A_242 : vector<16xi32>
    %get3A_244 = arith.constant 22 : i32
    %get3A_245 = arith.index_cast %get3A_244 : i32 to index
    %get3A_246 = arith.constant 0 : index
    %get3A_247 = tpu.vector_load %arg14[%get3A_245, %get3A_246] {strides = array<i32>} : memref<32x16xi32, #tpu.memory_space<vmem>>, vector<16xi32>,
    %add3A_248 = arith.addi %add3A_237, %get3A_247 : vector<16xi32>
    %gt3A_249 = arith.constant 22 : i32
    %gt3A_250 = arith.cmpi sgt, %add3A, %gt3A_249 : i32
    %jit3A_251 = arith.constant 0 : i32
    %broadcast_in_dim3A_252 = vector.broadcast %jit3A_251 : i32 to vector<16xi32>
    %select_n3A_253 = arith.select %gt3A_250, %get3A_247, %broadcast_in_dim3A_252 : vector<16xi32>
    %add3A_254 = arith.addi %add3A_243, %select_n3A_253 : vector<16xi32>
    %get3A_255 = arith.constant 23 : i32
    %get3A_256 = arith.index_cast %get3A_255 : i32 to index
    %get3A_257 = arith.constant 0 : index
    %get3A_258 = tpu.vector_load %arg14[%get3A_256, %get3A_257] {strides = array<i32>} : memref<32x16xi32, #tpu.memory_space<vmem>>, vector<16xi32>,
    %add3A_259 = arith.addi %add3A_248, %get3A_258 : vector<16xi32>
    %gt3A_260 = arith.constant 23 : i32
    %gt3A_261 = arith.cmpi sgt, %add3A, %gt3A_260 : i32
    %jit3A_262 = arith.constant 0 : i32
    %broadcast_in_dim3A_263 = vector.broadcast %jit3A_262 : i32 to vector<16xi32>
    %select_n3A_264 = arith.select %gt3A_261, %get3A_258, %broadcast_in_dim3A_263 : vector<16xi32>
    %add3A_265 = arith.addi %add3A_254, %select_n3A_264 : vector<16xi32>
    %get3A_266 = arith.constant 24 : i32
    %get3A_267 = arith.index_cast %get3A_266 : i32 to index
    %get3A_268 = arith.constant 0 : index
    %get3A_269 = tpu.vector_load %arg14[%get3A_267, %get3A_268] {strides = array<i32>} : memref<32x16xi32, #tpu.memory_space<vmem>>, vector<16xi32>,
    %add3A_270 = arith.addi %add3A_259, %get3A_269 : vector<16xi32>
    %gt3A_271 = arith.constant 24 : i32
    %gt3A_272 = arith.cmpi sgt, %add3A, %gt3A_271 : i32
    %jit3A_273 = arith.constant 0 : i32
    %broadcast_in_dim3A_274 = vector.broadcast %jit3A_273 : i32 to vector<16xi32>
    %select_n3A_275 = arith.select %gt3A_272, %get3A_269, %broadcast_in_dim3A_274 : vector<16xi32>
    %add3A_276 = arith.addi %add3A_265, %select_n3A_275 : vector<16xi32>
    %get3A_277 = arith.constant 25 : i32
    %get3A_278 = arith.index_cast %get3A_277 : i32 to index
    %get3A_279 = arith.constant 0 : index
    %get3A_280 = tpu.vector_load %arg14[%get3A_278, %get3A_279] {strides = array<i32>} : memref<32x16xi32, #tpu.memory_space<vmem>>, vector<16xi32>,
    %add3A_281 = arith.addi %add3A_270, %get3A_280 : vector<16xi32>
    %gt3A_282 = arith.constant 25 : i32
    %gt3A_283 = arith.cmpi sgt, %add3A, %gt3A_282 : i32
    %jit3A_284 = arith.constant 0 : i32
    %broadcast_in_dim3A_285 = vector.broadcast %jit3A_284 : i32 to vector<16xi32>
    %select_n3A_286 = arith.select %gt3A_283, %get3A_280, %broadcast_in_dim3A_285 : vector<16xi32>
    %add3A_287 = arith.addi %add3A_276, %select_n3A_286 : vector<16xi32>
    %get3A_288 = arith.constant 26 : i32
    %get3A_289 = arith.index_cast %get3A_288 : i32 to index
    %get3A_290 = arith.constant 0 : index
    %get3A_291 = tpu.vector_load %arg14[%get3A_289, %get3A_290] {strides = array<i32>} : memref<32x16xi32, #tpu.memory_space<vmem>>, vector<16xi32>,
    %add3A_292 = arith.addi %add3A_281, %get3A_291 : vector<16xi32>
    %gt3A_293 = arith.constant 26 : i32
    %gt3A_294 = arith.cmpi sgt, %add3A, %gt3A_293 : i32
    %jit3A_295 = arith.constant 0 : i32
    %broadcast_in_dim3A_296 = vector.broadcast %jit3A_295 : i32 to vector<16xi32>
    %select_n3A_297 = arith.select %gt3A_294, %get3A_291, %broadcast_in_dim3A_296 : vector<16xi32>
    %add3A_298 = arith.addi %add3A_287, %select_n3A_297 : vector<16xi32>
    %get3A_299 = arith.constant 27 : i32
    %get3A_300 = arith.index_cast %get3A_299 : i32 to index
    %get3A_301 = arith.constant 0 : index
    %get3A_302 = tpu.vector_load %arg14[%get3A_300, %get3A_301] {strides = array<i32>} : memref<32x16xi32, #tpu.memory_space<vmem>>, vector<16xi32>,
    %add3A_303 = arith.addi %add3A_292, %get3A_302 : vector<16xi32>
    %gt3A_304 = arith.constant 27 : i32
    %gt3A_305 = arith.cmpi sgt, %add3A, %gt3A_304 : i32
    %jit3A_306 = arith.constant 0 : i32
    %broadcast_in_dim3A_307 = vector.broadcast %jit3A_306 : i32 to vector<16xi32>
    %select_n3A_308 = arith.select %gt3A_305, %get3A_302, %broadcast_in_dim3A_307 : vector<16xi32>
    %add3A_309 = arith.addi %add3A_298, %select_n3A_308 : vector<16xi32>
    %get3A_310 = arith.constant 28 : i32
    %get3A_311 = arith.index_cast %get3A_310 : i32 to index
    %get3A_312 = arith.constant 0 : index
    %get3A_313 = tpu.vector_load %arg14[%get3A_311, %get3A_312] {strides = array<i32>} : memref<32x16xi32, #tpu.memory_space<vmem>>, vector<16xi32>,
    %add3A_314 = arith.addi %add3A_303, %get3A_313 : vector<16xi32>
    %gt3A_315 = arith.constant 28 : i32
    %gt3A_316 = arith.cmpi sgt, %add3A, %gt3A_315 : i32
    %jit3A_317 = arith.constant 0 : i32
    %broadcast_in_dim3A_318 = vector.broadcast %jit3A_317 : i32 to vector<16xi32>
    %select_n3A_319 = arith.select %gt3A_316, %get3A_313, %broadcast_in_dim3A_318 : vector<16xi32>
    %add3A_320 = arith.addi %add3A_309, %select_n3A_319 : vector<16xi32>
    %get3A_321 = arith.constant 29 : i32
    %get3A_322 = arith.index_cast %get3A_321 : i32 to index
    %get3A_323 = arith.constant 0 : index
    %get3A_324 = tpu.vector_load %arg14[%get3A_322, %get3A_323] {strides = array<i32>} : memref<32x16xi32, #tpu.memory_space<vmem>>, vector<16xi32>,
    %add3A_325 = arith.addi %add3A_314, %get3A_324 : vector<16xi32>
    %gt3A_326 = arith.constant 29 : i32
    %gt3A_327 = arith.cmpi sgt, %add3A, %gt3A_326 : i32
    %jit3A_328 = arith.constant 0 : i32
    %broadcast_in_dim3A_329 = vector.broadcast %jit3A_328 : i32 to vector<16xi32>
    %select_n3A_330 = arith.select %gt3A_327, %get3A_324, %broadcast_in_dim3A_329 : vector<16xi32>
    %add3A_331 = arith.addi %add3A_320, %select_n3A_330 : vector<16xi32>
    %get3A_332 = arith.constant 30 : i32
    %get3A_333 = arith.index_cast %get3A_332 : i32 to index
    %get3A_334 = arith.constant 0 : index
    %get3A_335 = tpu.vector_load %arg14[%get3A_333, %get3A_334] {strides = array<i32>} : memref<32x16xi32, #tpu.memory_space<vmem>>, vector<16xi32>,
    %add3A_336 = arith.addi %add3A_325, %get3A_335 : vector<16xi32>
    %gt3A_337 = arith.constant 30 : i32
    %gt3A_338 = arith.cmpi sgt, %add3A, %gt3A_337 : i32
    %jit3A_339 = arith.constant 0 : i32
    %broadcast_in_dim3A_340 = vector.broadcast %jit3A_339 : i32 to vector<16xi32>
    %select_n3A_341 = arith.select %gt3A_338, %get3A_335, %broadcast_in_dim3A_340 : vector<16xi32>
    %add3A_342 = arith.addi %add3A_331, %select_n3A_341 : vector<16xi32>
    %get3A_343 = arith.constant 31 : i32
    %get3A_344 = arith.index_cast %get3A_343 : i32 to index
    %get3A_345 = arith.constant 0 : index
    %get3A_346 = tpu.vector_load %arg14[%get3A_344, %get3A_345] {strides = array<i32>} : memref<32x16xi32, #tpu.memory_space<vmem>>, vector<16xi32>,
    %add3A_347 = arith.addi %add3A_336, %get3A_346 : vector<16xi32>
    %gt3A_348 = arith.constant 31 : i32
    %gt3A_349 = arith.cmpi sgt, %add3A, %gt3A_348 : i32
    %jit3A_350 = arith.constant 0 : i32
    %broadcast_in_dim3A_351 = vector.broadcast %jit3A_350 : i32 to vector<16xi32>
    %select_n3A_352 = arith.select %gt3A_349, %get3A_346, %broadcast_in_dim3A_351 : vector<16xi32>
    %add3A_353 = arith.addi %add3A_342, %select_n3A_352 : vector<16xi32>
    %add3A_354 = arith.constant 127 : i32
    %add3A_355 = vector.broadcast %add3A_354 : i32 to vector<16xi32>
    %add3A_356 = arith.addi %add3A_347, %add3A_355 : vector<16xi32>
    %and3A = arith.constant -128 : i32
    %and3A_357 = vector.broadcast %and3A : i32 to vector<16xi32>
    %and3A_358 = arith.andi %add3A_356, %and3A_357 : vector<16xi32>
    %broadcast_in_dim3A_359 = arith.constant true
    %broadcast_in_dim3A_360 = vector.broadcast %broadcast_in_dim3A_359 : i1 to vector<16xi1>
    %masked_cumsum3A = tpu.scan <sum>, %and3A_358 masked %broadcast_in_dim3A_360 : vector<16xi32>, vector<16xi1> -> vector<16xi32>
    %sub3A = arith.subi %masked_cumsum3A, %and3A_358 : vector<16xi32>
    %add3A_361 = arith.addi %sub3A, %add3A_353 : vector<16xi32>
    "tpu.region"() ({
      %run_scoped3A = tpu.sem_alloc : memref<!tpu.dma_semaphore, #tpu.memory_space<semaphore_mem>>
      %dma_start3A_2549 = arith.constant 0 : i32
      %dma_start3A_2550 = tpu.memref_slice %arg4[%mul3A_2, %dma_start3A_2549] : memref<2048x768xf32, #tpu.memory_space<hbm>> -> memref<64x768xf32, #tpu.memory_space<hbm>>
      %dma_start3A_2551 = arith.constant 0 : i32
      %dma_start3A_2552 = tpu.memref_slice %arg4[%mul3A_2, %dma_start3A_2551] : memref<2048x768xf32, #tpu.memory_space<hbm>> -> memref<64x768xf32, #tpu.memory_space<hbm>>
      tpu.enqueue_dma source(%dma_start3A_2552 : memref<64x768xf32, #tpu.memory_space<hbm>>) target(%arg15 : memref<64x768xf32, #tpu.memory_space<vmem>>) target_semaphore(%run_scoped3A : memref<!tpu.dma_semaphore, #tpu.memory_space<semaphore_mem>>)
      %dma_wait3A_2553 = arith.constant 0 : i32
      %dma_wait3A_2554 = tpu.memref_slice %arg4[%mul3A_2, %dma_wait3A_2553] : memref<2048x768xf32, #tpu.memory_space<hbm>> -> memref<64x768xf32, #tpu.memory_space<hbm>>
      %dma_wait3A_2555 = arith.constant 0 : i32
      %dma_wait3A_2556 = tpu.memref_slice %arg4[%mul3A_2, %dma_wait3A_2555] : memref<2048x768xf32, #tpu.memory_space<hbm>> -> memref<64x768xf32, #tpu.memory_space<hbm>>
      tpu.wait_dma2 semaphore(%run_scoped3A : memref<!tpu.dma_semaphore, #tpu.memory_space<semaphore_mem>>) src(%dma_wait3A_2556 : memref<64x768xf32, #tpu.memory_space<hbm>>) dst(%arg15 : memref<64x768xf32, #tpu.memory_space<vmem>>)
      tpu.yield
    }) : () -> ()
    %get3A_362 = arith.constant 0 : index
    %get3A_363 = tpu.vector_load %arg10[%get3A_362] {strides = array<i32>} : memref<64xi32, #tpu.memory_space<vmem>>, vector<16xi32>,
    %broadcast_in_dim3A_364 = arith.constant 0 : i32
    %broadcast_in_dim3A_365 = vector.broadcast %broadcast_in_dim3A_364 : i32 to vector<16xi32>
    %eq3A = arith.constant 0 : i32
    %eq3A_366 = vector.broadcast %eq3A : i32 to vector<16xi32>
    %eq3A_367 = arith.cmpi eq, %get3A_363, %eq3A_366 : vector<16xi32>
    %convert_element_type3A = arith.extui %eq3A_367 : vector<16xi1> to vector<16xi32>
    %broadcast_in_dim3A_368 = arith.constant true
    %broadcast_in_dim3A_369 = vector.broadcast %broadcast_in_dim3A_368 : i1 to vector<16xi1>
    %masked_cumsum3A_370 = tpu.scan <sum>, %convert_element_type3A masked %broadcast_in_dim3A_369 : vector<16xi32>, vector<16xi1> -> vector<16xi32>
    %iota3A_371 = tpu.iota {dimensions = array<i32: 0>} : vector<16xi32>
    %eq3A_372 = arith.constant 0 : i32
    %eq3A_373 = vector.broadcast %eq3A_372 : i32 to vector<16xi32>
    %eq3A_374 = arith.cmpi eq, %iota3A_371, %eq3A_373 : vector<16xi32>
    %jit3A_375 = arith.constant 0 : i32
    %broadcast_in_dim3A_376 = vector.broadcast %jit3A_375 : i32 to vector<16xi32>
    %select_n3A_377 = arith.select %eq3A_374, %add3A_361, %broadcast_in_dim3A_376 : vector<16xi1>, vector<16xi32>
    %reduce_sum3A = arith.constant true
    %reduce_sum3A_378 = vector.broadcast %reduce_sum3A : i1 to vector<16xi1>
    %reduce_sum3A_379 = tpu.scan <sum>, %select_n3A_377 masked %reduce_sum3A_378 : vector<16xi32>, vector<16xi1> -> vector<16xi32>
    %reduce_sum3A_380 = vector.extract %reduce_sum3A_379[15] : i32 from vector<16xi32>
    %add3A_381 = vector.broadcast %reduce_sum3A_380 : i32 to vector<16xi32>
    %add3A_382 = arith.addi %add3A_381, %masked_cumsum3A_370 : vector<16xi32>
    %sub3A_383 = arith.constant 1 : i32
    %sub3A_384 = vector.broadcast %sub3A_383 : i32 to vector<16xi32>
    %sub3A_385 = arith.subi %add3A_382, %sub3A_384 : vector<16xi32>
    %select_n3A_386 = arith.select %eq3A_367, %sub3A_385, %broadcast_in_dim3A_365 : vector<16xi1>, vector<16xi32>
    %all_reduce_population_count3A = tpu.all_reduce %eq3A_367 {dim = 0 : i64, kind = #tpu.reduction_kind<sum>} : vector<16xi1> -> vector<16xi32>
    %eq3A_387 = arith.constant 0 : i32
    %eq3A_388 = vector.broadcast %eq3A_387 : i32 to vector<16xi32>
    %eq3A_389 = arith.cmpi eq, %iota3A, %eq3A_388 : vector<16xi32>
    %jit3A_390 = arith.constant 0 : i32
    %broadcast_in_dim3A_391 = vector.broadcast %jit3A_390 : i32 to vector<16xi32>
    %select_n3A_392 = arith.select %eq3A_389, %all_reduce_population_count3A, %broadcast_in_dim3A_391 : vector<16xi1>, vector<16xi32>
    %add3A_393 = arith.addi %add3A_361, %select_n3A_392 : vector<16xi32>
    %eq3A_394 = arith.constant 1 : i32
    %eq3A_395 = vector.broadcast %eq3A_394 : i32 to vector<16xi32>
    %eq3A_396 = arith.cmpi eq, %get3A_363, %eq3A_395 : vector<16xi32>
    %convert_element_type3A_397 = arith.extui %eq3A_396 : vector<16xi1> to vector<16xi32>
    %broadcast_in_dim3A_398 = arith.constant true
    %broadcast_in_dim3A_399 = vector.broadcast %broadcast_in_dim3A_398 : i1 to vector<16xi1>
    %masked_cumsum3A_400 = tpu.scan <sum>, %convert_element_type3A_397 masked %broadcast_in_dim3A_399 : vector<16xi32>, vector<16xi1> -> vector<16xi32>
    %iota3A_401 = tpu.iota {dimensions = array<i32: 0>} : vector<16xi32>
    %eq3A_402 = arith.constant 1 : i32
    %eq3A_403 = vector.broadcast %eq3A_402 : i32 to vector<16xi32>
    %eq3A_404 = arith.cmpi eq, %iota3A_401, %eq3A_403 : vector<16xi32>
    %jit3A_405 = arith.constant 0 : i32
    %broadcast_in_dim3A_406 = vector.broadcast %jit3A_405 : i32 to vector<16xi32>
    %select_n3A_407 = arith.select %eq3A_404, %add3A_393, %broadcast_in_dim3A_406 : vector<16xi1>, vector<16xi32>
    %reduce_sum3A_408 = arith.constant true
    %reduce_sum3A_409 = vector.broadcast %reduce_sum3A_408 : i1 to vector<16xi1>
    %reduce_sum3A_410 = tpu.scan <sum>, %select_n3A_407 masked %reduce_sum3A_409 : vector<16xi32>, vector<16xi1> -> vector<16xi32>
    %reduce_sum3A_411 = vector.extract %reduce_sum3A_410[15] : i32 from vector<16xi32>
    %add3A_412 = vector.broadcast %reduce_sum3A_411 : i32 to vector<16xi32>
    %add3A_413 = arith.addi %add3A_412, %masked_cumsum3A_400 : vector<16xi32>
    %sub3A_414 = arith.constant 1 : i32
    %sub3A_415 = vector.broadcast %sub3A_414 : i32 to vector<16xi32>
    %sub3A_416 = arith.subi %add3A_413, %sub3A_415 : vector<16xi32>
    %select_n3A_417 = arith.select %eq3A_396, %sub3A_416, %select_n3A_386 : vector<16xi1>, vector<16xi32>
    %all_reduce_population_count3A_418 = tpu.all_reduce %eq3A_396 {dim = 0 : i64, kind = #tpu.reduction_kind<sum>} : vector<16xi1> -> vector<16xi32>
    %eq3A_419 = arith.constant 1 : i32
    %eq3A_420 = vector.broadcast %eq3A_419 : i32 to vector<16xi32>
    %eq3A_421 = arith.cmpi eq, %iota3A, %eq3A_420 : vector<16xi32>
    %jit3A_422 = arith.constant 0 : i32
    %broadcast_in_dim3A_423 = vector.broadcast %jit3A_422 : i32 to vector<16xi32>
    %select_n3A_424 = arith.select %eq3A_421, %all_reduce_population_count3A_418, %broadcast_in_dim3A_423 : vector<16xi1>, vector<16xi32>
    %add3A_425 = arith.addi %add3A_393, %select_n3A_424 : vector<16xi32>
    %eq3A_426 = arith.constant 2 : i32
    %eq3A_427 = vector.broadcast %eq3A_426 : i32 to vector<16xi32>
    %eq3A_428 = arith.cmpi eq, %get3A_363, %eq3A_427 : vector<16xi32>
    %convert_element_type3A_429 = arith.extui %eq3A_428 : vector<16xi1> to vector<16xi32>
    %broadcast_in_dim3A_430 = arith.constant true
    %broadcast_in_dim3A_431 = vector.broadcast %broadcast_in_dim3A_430 : i1 to vector<16xi1>
    %masked_cumsum3A_432 = tpu.scan <sum>, %convert_element_type3A_429 masked %broadcast_in_dim3A_431 : vector<16xi32>, vector<16xi1> -> vector<16xi32>
    %iota3A_433 = tpu.iota {dimensions = array<i32: 0>} : vector<16xi32>
    %eq3A_434 = arith.constant 2 : i32
    %eq3A_435 = vector.broadcast %eq3A_434 : i32 to vector<16xi32>
    %eq3A_436 = arith.cmpi eq, %iota3A_433, %eq3A_435 : vector<16xi32>
    %jit3A_437 = arith.constant 0 : i32
    %broadcast_in_dim3A_438 = vector.broadcast %jit3A_437 : i32 to vector<16xi32>
    %select_n3A_439 = arith.select %eq3A_436, %add3A_425, %broadcast_in_dim3A_438 : vector<16xi1>, vector<16xi32>
    %reduce_sum3A_440 = arith.constant true
    %reduce_sum3A_441 = vector.broadcast %reduce_sum3A_440 : i1 to vector<16xi1>
    %reduce_sum3A_442 = tpu.scan <sum>, %select_n3A_439 masked %reduce_sum3A_441 : vector<16xi32>, vector<16xi1> -> vector<16xi32>
    %reduce_sum3A_443 = vector.extract %reduce_sum3A_442[15] : i32 from vector<16xi32>
    %add3A_444 = vector.broadcast %reduce_sum3A_443 : i32 to vector<16xi32>
    %add3A_445 = arith.addi %add3A_444, %masked_cumsum3A_432 : vector<16xi32>
    %sub3A_446 = arith.constant 1 : i32
    %sub3A_447 = vector.broadcast %sub3A_446 : i32 to vector<16xi32>
    %sub3A_448 = arith.subi %add3A_445, %sub3A_447 : vector<16xi32>
    %select_n3A_449 = arith.select %eq3A_428, %sub3A_448, %select_n3A_417 : vector<16xi1>, vector<16xi32>
    %all_reduce_population_count3A_450 = tpu.all_reduce %eq3A_428 {dim = 0 : i64, kind = #tpu.reduction_kind<sum>} : vector<16xi1> -> vector<16xi32>
    %eq3A_451 = arith.constant 2 : i32
    %eq3A_452 = vector.broadcast %eq3A_451 : i32 to vector<16xi32>
    %eq3A_453 = arith.cmpi eq, %iota3A, %eq3A_452 : vector<16xi32>
    %jit3A_454 = arith.constant 0 : i32
    %broadcast_in_dim3A_455 = vector.broadcast %jit3A_454 : i32 to vector<16xi32>
    %select_n3A_456 = arith.select %eq3A_453, %all_reduce_population_count3A_450, %broadcast_in_dim3A_455 : vector<16xi1>, vector<16xi32>
    %add3A_457 = arith.addi %add3A_425, %select_n3A_456 : vector<16xi32>
    %eq3A_458 = arith.constant 3 : i32
    %eq3A_459 = vector.broadcast %eq3A_458 : i32 to vector<16xi32>
    %eq3A_460 = arith.cmpi eq, %get3A_363, %eq3A_459 : vector<16xi32>
    %convert_element_type3A_461 = arith.extui %eq3A_460 : vector<16xi1> to vector<16xi32>
    %broadcast_in_dim3A_462 = arith.constant true
    %broadcast_in_dim3A_463 = vector.broadcast %broadcast_in_dim3A_462 : i1 to vector<16xi1>
    %masked_cumsum3A_464 = tpu.scan <sum>, %convert_element_type3A_461 masked %broadcast_in_dim3A_463 : vector<16xi32>, vector<16xi1> -> vector<16xi32>
    %iota3A_465 = tpu.iota {dimensions = array<i32: 0>} : vector<16xi32>
    %eq3A_466 = arith.constant 3 : i32
    %eq3A_467 = vector.broadcast %eq3A_466 : i32 to vector<16xi32>
    %eq3A_468 = arith.cmpi eq, %iota3A_465, %eq3A_467 : vector<16xi32>
    %jit3A_469 = arith.constant 0 : i32
    %broadcast_in_dim3A_470 = vector.broadcast %jit3A_469 : i32 to vector<16xi32>
    %select_n3A_471 = arith.select %eq3A_468, %add3A_457, %broadcast_in_dim3A_470 : vector<16xi1>, vector<16xi32>
    %reduce_sum3A_472 = arith.constant true
    %reduce_sum3A_473 = vector.broadcast %reduce_sum3A_472 : i1 to vector<16xi1>
    %reduce_sum3A_474 = tpu.scan <sum>, %select_n3A_471 masked %reduce_sum3A_473 : vector<16xi32>, vector<16xi1> -> vector<16xi32>
    %reduce_sum3A_475 = vector.extract %reduce_sum3A_474[15] : i32 from vector<16xi32>
    %add3A_476 = vector.broadcast %reduce_sum3A_475 : i32 to vector<16xi32>
    %add3A_477 = arith.addi %add3A_476, %masked_cumsum3A_464 : vector<16xi32>
    %sub3A_478 = arith.constant 1 : i32
    %sub3A_479 = vector.broadcast %sub3A_478 : i32 to vector<16xi32>
    %sub3A_480 = arith.subi %add3A_477, %sub3A_479 : vector<16xi32>
    %select_n3A_481 = arith.select %eq3A_460, %sub3A_480, %select_n3A_449 : vector<16xi1>, vector<16xi32>
    %all_reduce_population_count3A_482 = tpu.all_reduce %eq3A_460 {dim = 0 : i64, kind = #tpu.reduction_kind<sum>} : vector<16xi1> -> vector<16xi32>
    %eq3A_483 = arith.constant 3 : i32
    %eq3A_484 = vector.broadcast %eq3A_483 : i32 to vector<16xi32>
    %eq3A_485 = arith.cmpi eq, %iota3A, %eq3A_484 : vector<16xi32>
    %jit3A_486 = arith.constant 0 : i32
    %broadcast_in_dim3A_487 = vector.broadcast %jit3A_486 : i32 to vector<16xi32>
    %select_n3A_488 = arith.select %eq3A_485, %all_reduce_population_count3A_482, %broadcast_in_dim3A_487 : vector<16xi1>, vector<16xi32>
    %add3A_489 = arith.addi %add3A_457, %select_n3A_488 : vector<16xi32>
    %eq3A_490 = arith.constant 4 : i32
    %eq3A_491 = vector.broadcast %eq3A_490 : i32 to vector<16xi32>
    %eq3A_492 = arith.cmpi eq, %get3A_363, %eq3A_491 : vector<16xi32>
    %convert_element_type3A_493 = arith.extui %eq3A_492 : vector<16xi1> to vector<16xi32>
    %broadcast_in_dim3A_494 = arith.constant true
    %broadcast_in_dim3A_495 = vector.broadcast %broadcast_in_dim3A_494 : i1 to vector<16xi1>
    %masked_cumsum3A_496 = tpu.scan <sum>, %convert_element_type3A_493 masked %broadcast_in_dim3A_495 : vector<16xi32>, vector<16xi1> -> vector<16xi32>
    %iota3A_497 = tpu.iota {dimensions = array<i32: 0>} : vector<16xi32>
    %eq3A_498 = arith.constant 4 : i32
    %eq3A_499 = vector.broadcast %eq3A_498 : i32 to vector<16xi32>
    %eq3A_500 = arith.cmpi eq, %iota3A_497, %eq3A_499 : vector<16xi32>
    %jit3A_501 = arith.constant 0 : i32
    %broadcast_in_dim3A_502 = vector.broadcast %jit3A_501 : i32 to vector<16xi32>
    %select_n3A_503 = arith.select %eq3A_500, %add3A_489, %broadcast_in_dim3A_502 : vector<16xi1>, vector<16xi32>
    %reduce_sum3A_504 = arith.constant true
    %reduce_sum3A_505 = vector.broadcast %reduce_sum3A_504 : i1 to vector<16xi1>
    %reduce_sum3A_506 = tpu.scan <sum>, %select_n3A_503 masked %reduce_sum3A_505 : vector<16xi32>, vector<16xi1> -> vector<16xi32>
    %reduce_sum3A_507 = vector.extract %reduce_sum3A_506[15] : i32 from vector<16xi32>
    %add3A_508 = vector.broadcast %reduce_sum3A_507 : i32 to vector<16xi32>
    %add3A_509 = arith.addi %add3A_508, %masked_cumsum3A_496 : vector<16xi32>
    %sub3A_510 = arith.constant 1 : i32
    %sub3A_511 = vector.broadcast %sub3A_510 : i32 to vector<16xi32>
    %sub3A_512 = arith.subi %add3A_509, %sub3A_511 : vector<16xi32>
    %select_n3A_513 = arith.select %eq3A_492, %sub3A_512, %select_n3A_481 : vector<16xi1>, vector<16xi32>
    %all_reduce_population_count3A_514 = tpu.all_reduce %eq3A_492 {dim = 0 : i64, kind = #tpu.reduction_kind<sum>} : vector<16xi1> -> vector<16xi32>
    %eq3A_515 = arith.constant 4 : i32
    %eq3A_516 = vector.broadcast %eq3A_515 : i32 to vector<16xi32>
    %eq3A_517 = arith.cmpi eq, %iota3A, %eq3A_516 : vector<16xi32>
    %jit3A_518 = arith.constant 0 : i32
    %broadcast_in_dim3A_519 = vector.broadcast %jit3A_518 : i32 to vector<16xi32>
    %select_n3A_520 = arith.select %eq3A_517, %all_reduce_population_count3A_514, %broadcast_in_dim3A_519 : vector<16xi1>, vector<16xi32>
    %add3A_521 = arith.addi %add3A_489, %select_n3A_520 : vector<16xi32>
    %eq3A_522 = arith.constant 5 : i32
    %eq3A_523 = vector.broadcast %eq3A_522 : i32 to vector<16xi32>
    %eq3A_524 = arith.cmpi eq, %get3A_363, %eq3A_523 : vector<16xi32>
    %convert_element_type3A_525 = arith.extui %eq3A_524 : vector<16xi1> to vector<16xi32>
    %broadcast_in_dim3A_526 = arith.constant true
    %broadcast_in_dim3A_527 = vector.broadcast %broadcast_in_dim3A_526 : i1 to vector<16xi1>
    %masked_cumsum3A_528 = tpu.scan <sum>, %convert_element_type3A_525 masked %broadcast_in_dim3A_527 : vector<16xi32>, vector<16xi1> -> vector<16xi32>
    %iota3A_529 = tpu.iota {dimensions = array<i32: 0>} : vector<16xi32>
    %eq3A_530 = arith.constant 5 : i32
    %eq3A_531 = vector.broadcast %eq3A_530 : i32 to vector<16xi32>
    %eq3A_532 = arith.cmpi eq, %iota3A_529, %eq3A_531 : vector<16xi32>
    %jit3A_533 = arith.constant 0 : i32
    %broadcast_in_dim3A_534 = vector.broadcast %jit3A_533 : i32 to vector<16xi32>
    %select_n3A_535 = arith.select %eq3A_532, %add3A_521, %broadcast_in_dim3A_534 : vector<16xi1>, vector<16xi32>
    %reduce_sum3A_536 = arith.constant true
    %reduce_sum3A_537 = vector.broadcast %reduce_sum3A_536 : i1 to vector<16xi1>
    %reduce_sum3A_538 = tpu.scan <sum>, %select_n3A_535 masked %reduce_sum3A_537 : vector<16xi32>, vector<16xi1> -> vector<16xi32>
    %reduce_sum3A_539 = vector.extract %reduce_sum3A_538[15] : i32 from vector<16xi32>
    %add3A_540 = vector.broadcast %reduce_sum3A_539 : i32 to vector<16xi32>
    %add3A_541 = arith.addi %add3A_540, %masked_cumsum3A_528 : vector<16xi32>
    %sub3A_542 = arith.constant 1 : i32
    %sub3A_543 = vector.broadcast %sub3A_542 : i32 to vector<16xi32>
    %sub3A_544 = arith.subi %add3A_541, %sub3A_543 : vector<16xi32>
    %select_n3A_545 = arith.select %eq3A_524, %sub3A_544, %select_n3A_513 : vector<16xi1>, vector<16xi32>
    %all_reduce_population_count3A_546 = tpu.all_reduce %eq3A_524 {dim = 0 : i64, kind = #tpu.reduction_kind<sum>} : vector<16xi1> -> vector<16xi32>
    %eq3A_547 = arith.constant 5 : i32
    %eq3A_548 = vector.broadcast %eq3A_547 : i32 to vector<16xi32>
    %eq3A_549 = arith.cmpi eq, %iota3A, %eq3A_548 : vector<16xi32>
    %jit3A_550 = arith.constant 0 : i32
    %broadcast_in_dim3A_551 = vector.broadcast %jit3A_550 : i32 to vector<16xi32>
    %select_n3A_552 = arith.select %eq3A_549, %all_reduce_population_count3A_546, %broadcast_in_dim3A_551 : vector<16xi1>, vector<16xi32>
    %add3A_553 = arith.addi %add3A_521, %select_n3A_552 : vector<16xi32>
    %eq3A_554 = arith.constant 6 : i32
    %eq3A_555 = vector.broadcast %eq3A_554 : i32 to vector<16xi32>
    %eq3A_556 = arith.cmpi eq, %get3A_363, %eq3A_555 : vector<16xi32>
    %convert_element_type3A_557 = arith.extui %eq3A_556 : vector<16xi1> to vector<16xi32>
    %broadcast_in_dim3A_558 = arith.constant true
    %broadcast_in_dim3A_559 = vector.broadcast %broadcast_in_dim3A_558 : i1 to vector<16xi1>
    %masked_cumsum3A_560 = tpu.scan <sum>, %convert_element_type3A_557 masked %broadcast_in_dim3A_559 : vector<16xi32>, vector<16xi1> -> vector<16xi32>
    %iota3A_561 = tpu.iota {dimensions = array<i32: 0>} : vector<16xi32>
    %eq3A_562 = arith.constant 6 : i32
    %eq3A_563 = vector.broadcast %eq3A_562 : i32 to vector<16xi32>
    %eq3A_564 = arith.cmpi eq, %iota3A_561, %eq3A_563 : vector<16xi32>
    %jit3A_565 = arith.constant 0 : i32
    %broadcast_in_dim3A_566 = vector.broadcast %jit3A_565 : i32 to vector<16xi32>
    %select_n3A_567 = arith.select %eq3A_564, %add3A_553, %broadcast_in_dim3A_566 : vector<16xi1>, vector<16xi32>
    %reduce_sum3A_568 = arith.constant true
    %reduce_sum3A_569 = vector.broadcast %reduce_sum3A_568 : i1 to vector<16xi1>
    %reduce_sum3A_570 = tpu.scan <sum>, %select_n3A_567 masked %reduce_sum3A_569 : vector<16xi32>, vector<16xi1> -> vector<16xi32>
    %reduce_sum3A_571 = vector.extract %reduce_sum3A_570[15] : i32 from vector<16xi32>
    %add3A_572 = vector.broadcast %reduce_sum3A_571 : i32 to vector<16xi32>
    %add3A_573 = arith.addi %add3A_572, %masked_cumsum3A_560 : vector<16xi32>
    %sub3A_574 = arith.constant 1 : i32
    %sub3A_575 = vector.broadcast %sub3A_574 : i32 to vector<16xi32>
    %sub3A_576 = arith.subi %add3A_573, %sub3A_575 : vector<16xi32>
    %select_n3A_577 = arith.select %eq3A_556, %sub3A_576, %select_n3A_545 : vector<16xi1>, vector<16xi32>
    %all_reduce_population_count3A_578 = tpu.all_reduce %eq3A_556 {dim = 0 : i64, kind = #tpu.reduction_kind<sum>} : vector<16xi1> -> vector<16xi32>
    %eq3A_579 = arith.constant 6 : i32
    %eq3A_580 = vector.broadcast %eq3A_579 : i32 to vector<16xi32>
    %eq3A_581 = arith.cmpi eq, %iota3A, %eq3A_580 : vector<16xi32>
    %jit3A_582 = arith.constant 0 : i32
    %broadcast_in_dim3A_583 = vector.broadcast %jit3A_582 : i32 to vector<16xi32>
    %select_n3A_584 = arith.select %eq3A_581, %all_reduce_population_count3A_578, %broadcast_in_dim3A_583 : vector<16xi1>, vector<16xi32>
    %add3A_585 = arith.addi %add3A_553, %select_n3A_584 : vector<16xi32>
    %eq3A_586 = arith.constant 7 : i32
    %eq3A_587 = vector.broadcast %eq3A_586 : i32 to vector<16xi32>
    %eq3A_588 = arith.cmpi eq, %get3A_363, %eq3A_587 : vector<16xi32>
    %convert_element_type3A_589 = arith.extui %eq3A_588 : vector<16xi1> to vector<16xi32>
    %broadcast_in_dim3A_590 = arith.constant true
    %broadcast_in_dim3A_591 = vector.broadcast %broadcast_in_dim3A_590 : i1 to vector<16xi1>
    %masked_cumsum3A_592 = tpu.scan <sum>, %convert_element_type3A_589 masked %broadcast_in_dim3A_591 : vector<16xi32>, vector<16xi1> -> vector<16xi32>
    %iota3A_593 = tpu.iota {dimensions = array<i32: 0>} : vector<16xi32>
    %eq3A_594 = arith.constant 7 : i32
    %eq3A_595 = vector.broadcast %eq3A_594 : i32 to vector<16xi32>
    %eq3A_596 = arith.cmpi eq, %iota3A_593, %eq3A_595 : vector<16xi32>
    %jit3A_597 = arith.constant 0 : i32
    %broadcast_in_dim3A_598 = vector.broadcast %jit3A_597 : i32 to vector<16xi32>
    %select_n3A_599 = arith.select %eq3A_596, %add3A_585, %broadcast_in_dim3A_598 : vector<16xi1>, vector<16xi32>
    %reduce_sum3A_600 = arith.constant true
    %reduce_sum3A_601 = vector.broadcast %reduce_sum3A_600 : i1 to vector<16xi1>
    %reduce_sum3A_602 = tpu.scan <sum>, %select_n3A_599 masked %reduce_sum3A_601 : vector<16xi32>, vector<16xi1> -> vector<16xi32>
    %reduce_sum3A_603 = vector.extract %reduce_sum3A_602[15] : i32 from vector<16xi32>
    %add3A_604 = vector.broadcast %reduce_sum3A_603 : i32 to vector<16xi32>
    %add3A_605 = arith.addi %add3A_604, %masked_cumsum3A_592 : vector<16xi32>
    %sub3A_606 = arith.constant 1 : i32
    %sub3A_607 = vector.broadcast %sub3A_606 : i32 to vector<16xi32>
    %sub3A_608 = arith.subi %add3A_605, %sub3A_607 : vector<16xi32>
    %select_n3A_609 = arith.select %eq3A_588, %sub3A_608, %select_n3A_577 : vector<16xi1>, vector<16xi32>
    %all_reduce_population_count3A_610 = tpu.all_reduce %eq3A_588 {dim = 0 : i64, kind = #tpu.reduction_kind<sum>} : vector<16xi1> -> vector<16xi32>
    %eq3A_611 = arith.constant 7 : i32
    %eq3A_612 = vector.broadcast %eq3A_611 : i32 to vector<16xi32>
    %eq3A_613 = arith.cmpi eq, %iota3A, %eq3A_612 : vector<16xi32>
    %jit3A_614 = arith.constant 0 : i32
    %broadcast_in_dim3A_615 = vector.broadcast %jit3A_614 : i32 to vector<16xi32>
    %select_n3A_616 = arith.select %eq3A_613, %all_reduce_population_count3A_610, %broadcast_in_dim3A_615 : vector<16xi1>, vector<16xi32>
    %add3A_617 = arith.addi %add3A_585, %select_n3A_616 : vector<16xi32>
    %swap3A = arith.constant 0 : index
    %swap3A_618 = tpu.vector_load %arg12[%swap3A] {strides = array<i32>} : memref<64xi32, #tpu.memory_space<vmem>>, vector<16xi32>,
    tpu.vector_store %arg12[%swap3A], %select_n3A_609 {strides = array<i32>} : memref<64xi32, #tpu.memory_space<vmem>>, vector<16xi32>,
    %dma_start3A = arith.constant 0 : i32
    %dma_start3A_619 = arith.constant 0 : i32
    %dma_start3A_620 = tpu.memref_slice %arg15[%dma_start3A, %dma_start3A_619] : memref<64x768xf32, #tpu.memory_space<vmem>> -> memref<16x768xf32, #tpu.memory_space<vmem>>
    %dma_start3A_621 = arith.constant 0 : i32
    %dma_start3A_622 = arith.constant 0 : i32
    %dma_start3A_623 = tpu.memref_slice %arg6[%dma_start3A_621, %dma_start3A_622] : memref<5120x768xf32, #tpu.memory_space<hbm>> -> memref<5120x768xf32, #tpu.memory_space<hbm>>
    tpu.enqueue_indirect_dma source(%dma_start3A_620 : memref<16x768xf32, #tpu.memory_space<vmem>>) target(%dma_start3A_623 : memref<5120x768xf32, #tpu.memory_space<hbm>>) offsets(%select_n3A_609 : vector<16xi32>) semaphore(%arg17 : memref<!tpu.dma_semaphore, #tpu.memory_space<semaphore_mem>>)
    %dma_wait3A = arith.constant 0 : i32
    %dma_wait3A_624 = arith.constant 0 : i32
    %dma_wait3A_625 = tpu.memref_slice %arg15[%dma_wait3A, %dma_wait3A_624] : memref<64x768xf32, #tpu.memory_space<vmem>> -> memref<16x768xf32, #tpu.memory_space<vmem>>
    %dma_wait3A_626 = arith.constant 0 : i32
    %dma_wait3A_627 = arith.constant 0 : i32
    %dma_wait3A_628 = tpu.memref_slice %arg6[%dma_wait3A_626, %dma_wait3A_627] : memref<5120x768xf32, #tpu.memory_space<hbm>> -> memref<5120x768xf32, #tpu.memory_space<hbm>>
    tpu.wait_indirect_dma semaphore(%arg17 : memref<!tpu.dma_semaphore, #tpu.memory_space<semaphore_mem>>) src(%dma_wait3A_625 : memref<16x768xf32, #tpu.memory_space<vmem>>) dst(%dma_wait3A_628 : memref<5120x768xf32, #tpu.memory_space<hbm>>)
    %get3A_629 = arith.constant 16 : index
    %get3A_630 = tpu.vector_load %arg10[%get3A_629] {strides = array<i32>} : memref<64xi32, #tpu.memory_space<vmem>>, vector<16xi32>,
    %broadcast_in_dim3A_631 = arith.constant 0 : i32
    %broadcast_in_dim3A_632 = vector.broadcast %broadcast_in_dim3A_631 : i32 to vector<16xi32>
    %eq3A_633 = arith.constant 0 : i32
    %eq3A_634 = vector.broadcast %eq3A_633 : i32 to vector<16xi32>
    %eq3A_635 = arith.cmpi eq, %get3A_630, %eq3A_634 : vector<16xi32>
    %convert_element_type3A_636 = arith.extui %eq3A_635 : vector<16xi1> to vector<16xi32>
    %broadcast_in_dim3A_637 = arith.constant true
    %broadcast_in_dim3A_638 = vector.broadcast %broadcast_in_dim3A_637 : i1 to vector<16xi1>
    %masked_cumsum3A_639 = tpu.scan <sum>, %convert_element_type3A_636 masked %broadcast_in_dim3A_638 : vector<16xi32>, vector<16xi1> -> vector<16xi32>
    %iota3A_640 = tpu.iota {dimensions = array<i32: 0>} : vector<16xi32>
    %eq3A_641 = arith.constant 0 : i32
    %eq3A_642 = vector.broadcast %eq3A_641 : i32 to vector<16xi32>
    %eq3A_643 = arith.cmpi eq, %iota3A_640, %eq3A_642 : vector<16xi32>
    %jit3A_644 = arith.constant 0 : i32
    %broadcast_in_dim3A_645 = vector.broadcast %jit3A_644 : i32 to vector<16xi32>
    %select_n3A_646 = arith.select %eq3A_643, %add3A_617, %broadcast_in_dim3A_645 : vector<16xi1>, vector<16xi32>
    %reduce_sum3A_647 = arith.constant true
    %reduce_sum3A_648 = vector.broadcast %reduce_sum3A_647 : i1 to vector<16xi1>
    %reduce_sum3A_649 = tpu.scan <sum>, %select_n3A_646 masked %reduce_sum3A_648 : vector<16xi32>, vector<16xi1> -> vector<16xi32>
    %reduce_sum3A_650 = vector.extract %reduce_sum3A_649[15] : i32 from vector<16xi32>
    %add3A_651 = vector.broadcast %reduce_sum3A_650 : i32 to vector<16xi32>
    %add3A_652 = arith.addi %add3A_651, %masked_cumsum3A_639 : vector<16xi32>
    %sub3A_653 = arith.constant 1 : i32
    %sub3A_654 = vector.broadcast %sub3A_653 : i32 to vector<16xi32>
    %sub3A_655 = arith.subi %add3A_652, %sub3A_654 : vector<16xi32>
    %select_n3A_656 = arith.select %eq3A_635, %sub3A_655, %broadcast_in_dim3A_632 : vector<16xi1>, vector<16xi32>
    %all_reduce_population_count3A_657 = tpu.all_reduce %eq3A_635 {dim = 0 : i64, kind = #tpu.reduction_kind<sum>} : vector<16xi1> -> vector<16xi32>
    %eq3A_658 = arith.constant 0 : i32
    %eq3A_659 = vector.broadcast %eq3A_658 : i32 to vector<16xi32>
    %eq3A_660 = arith.cmpi eq, %iota3A, %eq3A_659 : vector<16xi32>
    %jit3A_661 = arith.constant 0 : i32
    %broadcast_in_dim3A_662 = vector.broadcast %jit3A_661 : i32 to vector<16xi32>
    %select_n3A_663 = arith.select %eq3A_660, %all_reduce_population_count3A_657, %broadcast_in_dim3A_662 : vector<16xi1>, vector<16xi32>
    %add3A_664 = arith.addi %add3A_617, %select_n3A_663 : vector<16xi32>
    %eq3A_665 = arith.constant 1 : i32
    %eq3A_666 = vector.broadcast %eq3A_665 : i32 to vector<16xi32>
    %eq3A_667 = arith.cmpi eq, %get3A_630, %eq3A_666 : vector<16xi32>
    %convert_element_type3A_668 = arith.extui %eq3A_667 : vector<16xi1> to vector<16xi32>
    %broadcast_in_dim3A_669 = arith.constant true
    %broadcast_in_dim3A_670 = vector.broadcast %broadcast_in_dim3A_669 : i1 to vector<16xi1>
    %masked_cumsum3A_671 = tpu.scan <sum>, %convert_element_type3A_668 masked %broadcast_in_dim3A_670 : vector<16xi32>, vector<16xi1> -> vector<16xi32>
    %iota3A_672 = tpu.iota {dimensions = array<i32: 0>} : vector<16xi32>
    %eq3A_673 = arith.constant 1 : i32
    %eq3A_674 = vector.broadcast %eq3A_673 : i32 to vector<16xi32>
    %eq3A_675 = arith.cmpi eq, %iota3A_672, %eq3A_674 : vector<16xi32>
    %jit3A_676 = arith.constant 0 : i32
    %broadcast_in_dim3A_677 = vector.broadcast %jit3A_676 : i32 to vector<16xi32>
    %select_n3A_678 = arith.select %eq3A_675, %add3A_664, %broadcast_in_dim3A_677 : vector<16xi1>, vector<16xi32>
    %reduce_sum3A_679 = arith.constant true
    %reduce_sum3A_680 = vector.broadcast %reduce_sum3A_679 : i1 to vector<16xi1>
    %reduce_sum3A_681 = tpu.scan <sum>, %select_n3A_678 masked %reduce_sum3A_680 : vector<16xi32>, vector<16xi1> -> vector<16xi32>
    %reduce_sum3A_682 = vector.extract %reduce_sum3A_681[15] : i32 from vector<16xi32>
    %add3A_683 = vector.broadcast %reduce_sum3A_682 : i32 to vector<16xi32>
    %add3A_684 = arith.addi %add3A_683, %masked_cumsum3A_671 : vector<16xi32>
    %sub3A_685 = arith.constant 1 : i32
    %sub3A_686 = vector.broadcast %sub3A_685 : i32 to vector<16xi32>
    %sub3A_687 = arith.subi %add3A_684, %sub3A_686 : vector<16xi32>
    %select_n3A_688 = arith.select %eq3A_667, %sub3A_687, %select_n3A_656 : vector<16xi1>, vector<16xi32>
    %all_reduce_population_count3A_689 = tpu.all_reduce %eq3A_667 {dim = 0 : i64, kind = #tpu.reduction_kind<sum>} : vector<16xi1> -> vector<16xi32>
    %eq3A_690 = arith.constant 1 : i32
    %eq3A_691 = vector.broadcast %eq3A_690 : i32 to vector<16xi32>
    %eq3A_692 = arith.cmpi eq, %iota3A, %eq3A_691 : vector<16xi32>
    %jit3A_693 = arith.constant 0 : i32
    %broadcast_in_dim3A_694 = vector.broadcast %jit3A_693 : i32 to vector<16xi32>
    %select_n3A_695 = arith.select %eq3A_692, %all_reduce_population_count3A_689, %broadcast_in_dim3A_694 : vector<16xi1>, vector<16xi32>
    %add3A_696 = arith.addi %add3A_664, %select_n3A_695 : vector<16xi32>
    %eq3A_697 = arith.constant 2 : i32
    %eq3A_698 = vector.broadcast %eq3A_697 : i32 to vector<16xi32>
    %eq3A_699 = arith.cmpi eq, %get3A_630, %eq3A_698 : vector<16xi32>
    %convert_element_type3A_700 = arith.extui %eq3A_699 : vector<16xi1> to vector<16xi32>
    %broadcast_in_dim3A_701 = arith.constant true
    %broadcast_in_dim3A_702 = vector.broadcast %broadcast_in_dim3A_701 : i1 to vector<16xi1>
    %masked_cumsum3A_703 = tpu.scan <sum>, %convert_element_type3A_700 masked %broadcast_in_dim3A_702 : vector<16xi32>, vector<16xi1> -> vector<16xi32>
    %iota3A_704 = tpu.iota {dimensions = array<i32: 0>} : vector<16xi32>
    %eq3A_705 = arith.constant 2 : i32
    %eq3A_706 = vector.broadcast %eq3A_705 : i32 to vector<16xi32>
    %eq3A_707 = arith.cmpi eq, %iota3A_704, %eq3A_706 : vector<16xi32>
    %jit3A_708 = arith.constant 0 : i32
    %broadcast_in_dim3A_709 = vector.broadcast %jit3A_708 : i32 to vector<16xi32>
    %select_n3A_710 = arith.select %eq3A_707, %add3A_696, %broadcast_in_dim3A_709 : vector<16xi1>, vector<16xi32>
    %reduce_sum3A_711 = arith.constant true
    %reduce_sum3A_712 = vector.broadcast %reduce_sum3A_711 : i1 to vector<16xi1>
    %reduce_sum3A_713 = tpu.scan <sum>, %select_n3A_710 masked %reduce_sum3A_712 : vector<16xi32>, vector<16xi1> -> vector<16xi32>
    %reduce_sum3A_714 = vector.extract %reduce_sum3A_713[15] : i32 from vector<16xi32>
    %add3A_715 = vector.broadcast %reduce_sum3A_714 : i32 to vector<16xi32>
    %add3A_716 = arith.addi %add3A_715, %masked_cumsum3A_703 : vector<16xi32>
    %sub3A_717 = arith.constant 1 : i32
    %sub3A_718 = vector.broadcast %sub3A_717 : i32 to vector<16xi32>
    %sub3A_719 = arith.subi %add3A_716, %sub3A_718 : vector<16xi32>
    %select_n3A_720 = arith.select %eq3A_699, %sub3A_719, %select_n3A_688 : vector<16xi1>, vector<16xi32>
    %all_reduce_population_count3A_721 = tpu.all_reduce %eq3A_699 {dim = 0 : i64, kind = #tpu.reduction_kind<sum>} : vector<16xi1> -> vector<16xi32>
    %eq3A_722 = arith.constant 2 : i32
    %eq3A_723 = vector.broadcast %eq3A_722 : i32 to vector<16xi32>
    %eq3A_724 = arith.cmpi eq, %iota3A, %eq3A_723 : vector<16xi32>
    %jit3A_725 = arith.constant 0 : i32
    %broadcast_in_dim3A_726 = vector.broadcast %jit3A_725 : i32 to vector<16xi32>
    %select_n3A_727 = arith.select %eq3A_724, %all_reduce_population_count3A_721, %broadcast_in_dim3A_726 : vector<16xi1>, vector<16xi32>
    %add3A_728 = arith.addi %add3A_696, %select_n3A_727 : vector<16xi32>
    %eq3A_729 = arith.constant 3 : i32
    %eq3A_730 = vector.broadcast %eq3A_729 : i32 to vector<16xi32>
    %eq3A_731 = arith.cmpi eq, %get3A_630, %eq3A_730 : vector<16xi32>
    %convert_element_type3A_732 = arith.extui %eq3A_731 : vector<16xi1> to vector<16xi32>
    %broadcast_in_dim3A_733 = arith.constant true
    %broadcast_in_dim3A_734 = vector.broadcast %broadcast_in_dim3A_733 : i1 to vector<16xi1>
    %masked_cumsum3A_735 = tpu.scan <sum>, %convert_element_type3A_732 masked %broadcast_in_dim3A_734 : vector<16xi32>, vector<16xi1> -> vector<16xi32>
    %iota3A_736 = tpu.iota {dimensions = array<i32: 0>} : vector<16xi32>
    %eq3A_737 = arith.constant 3 : i32
    %eq3A_738 = vector.broadcast %eq3A_737 : i32 to vector<16xi32>
    %eq3A_739 = arith.cmpi eq, %iota3A_736, %eq3A_738 : vector<16xi32>
    %jit3A_740 = arith.constant 0 : i32
    %broadcast_in_dim3A_741 = vector.broadcast %jit3A_740 : i32 to vector<16xi32>
    %select_n3A_742 = arith.select %eq3A_739, %add3A_728, %broadcast_in_dim3A_741 : vector<16xi1>, vector<16xi32>
    %reduce_sum3A_743 = arith.constant true
    %reduce_sum3A_744 = vector.broadcast %reduce_sum3A_743 : i1 to vector<16xi1>
    %reduce_sum3A_745 = tpu.scan <sum>, %select_n3A_742 masked %reduce_sum3A_744 : vector<16xi32>, vector<16xi1> -> vector<16xi32>
    %reduce_sum3A_746 = vector.extract %reduce_sum3A_745[15] : i32 from vector<16xi32>
    %add3A_747 = vector.broadcast %reduce_sum3A_746 : i32 to vector<16xi32>
    %add3A_748 = arith.addi %add3A_747, %masked_cumsum3A_735 : vector<16xi32>
    %sub3A_749 = arith.constant 1 : i32
    %sub3A_750 = vector.broadcast %sub3A_749 : i32 to vector<16xi32>
    %sub3A_751 = arith.subi %add3A_748, %sub3A_750 : vector<16xi32>
    %select_n3A_752 = arith.select %eq3A_731, %sub3A_751, %select_n3A_720 : vector<16xi1>, vector<16xi32>
    %all_reduce_population_count3A_753 = tpu.all_reduce %eq3A_731 {dim = 0 : i64, kind = #tpu.reduction_kind<sum>} : vector<16xi1> -> vector<16xi32>
    %eq3A_754 = arith.constant 3 : i32
    %eq3A_755 = vector.broadcast %eq3A_754 : i32 to vector<16xi32>
    %eq3A_756 = arith.cmpi eq, %iota3A, %eq3A_755 : vector<16xi32>
    %jit3A_757 = arith.constant 0 : i32
    %broadcast_in_dim3A_758 = vector.broadcast %jit3A_757 : i32 to vector<16xi32>
    %select_n3A_759 = arith.select %eq3A_756, %all_reduce_population_count3A_753, %broadcast_in_dim3A_758 : vector<16xi1>, vector<16xi32>
    %add3A_760 = arith.addi %add3A_728, %select_n3A_759 : vector<16xi32>
    %eq3A_761 = arith.constant 4 : i32
    %eq3A_762 = vector.broadcast %eq3A_761 : i32 to vector<16xi32>
    %eq3A_763 = arith.cmpi eq, %get3A_630, %eq3A_762 : vector<16xi32>
    %convert_element_type3A_764 = arith.extui %eq3A_763 : vector<16xi1> to vector<16xi32>
    %broadcast_in_dim3A_765 = arith.constant true
    %broadcast_in_dim3A_766 = vector.broadcast %broadcast_in_dim3A_765 : i1 to vector<16xi1>
    %masked_cumsum3A_767 = tpu.scan <sum>, %convert_element_type3A_764 masked %broadcast_in_dim3A_766 : vector<16xi32>, vector<16xi1> -> vector<16xi32>
    %iota3A_768 = tpu.iota {dimensions = array<i32: 0>} : vector<16xi32>
    %eq3A_769 = arith.constant 4 : i32
    %eq3A_770 = vector.broadcast %eq3A_769 : i32 to vector<16xi32>
    %eq3A_771 = arith.cmpi eq, %iota3A_768, %eq3A_770 : vector<16xi32>
    %jit3A_772 = arith.constant 0 : i32
    %broadcast_in_dim3A_773 = vector.broadcast %jit3A_772 : i32 to vector<16xi32>
    %select_n3A_774 = arith.select %eq3A_771, %add3A_760, %broadcast_in_dim3A_773 : vector<16xi1>, vector<16xi32>
    %reduce_sum3A_775 = arith.constant true
    %reduce_sum3A_776 = vector.broadcast %reduce_sum3A_775 : i1 to vector<16xi1>
    %reduce_sum3A_777 = tpu.scan <sum>, %select_n3A_774 masked %reduce_sum3A_776 : vector<16xi32>, vector<16xi1> -> vector<16xi32>
    %reduce_sum3A_778 = vector.extract %reduce_sum3A_777[15] : i32 from vector<16xi32>
    %add3A_779 = vector.broadcast %reduce_sum3A_778 : i32 to vector<16xi32>
    %add3A_780 = arith.addi %add3A_779, %masked_cumsum3A_767 : vector<16xi32>
    %sub3A_781 = arith.constant 1 : i32
    %sub3A_782 = vector.broadcast %sub3A_781 : i32 to vector<16xi32>
    %sub3A_783 = arith.subi %add3A_780, %sub3A_782 : vector<16xi32>
    %select_n3A_784 = arith.select %eq3A_763, %sub3A_783, %select_n3A_752 : vector<16xi1>, vector<16xi32>
    %all_reduce_population_count3A_785 = tpu.all_reduce %eq3A_763 {dim = 0 : i64, kind = #tpu.reduction_kind<sum>} : vector<16xi1> -> vector<16xi32>
    %eq3A_786 = arith.constant 4 : i32
    %eq3A_787 = vector.broadcast %eq3A_786 : i32 to vector<16xi32>
    %eq3A_788 = arith.cmpi eq, %iota3A, %eq3A_787 : vector<16xi32>
    %jit3A_789 = arith.constant 0 : i32
    %broadcast_in_dim3A_790 = vector.broadcast %jit3A_789 : i32 to vector<16xi32>
    %select_n3A_791 = arith.select %eq3A_788, %all_reduce_population_count3A_785, %broadcast_in_dim3A_790 : vector<16xi1>, vector<16xi32>
    %add3A_792 = arith.addi %add3A_760, %select_n3A_791 : vector<16xi32>
    %eq3A_793 = arith.constant 5 : i32
    %eq3A_794 = vector.broadcast %eq3A_793 : i32 to vector<16xi32>
    %eq3A_795 = arith.cmpi eq, %get3A_630, %eq3A_794 : vector<16xi32>
    %convert_element_type3A_796 = arith.extui %eq3A_795 : vector<16xi1> to vector<16xi32>
    %broadcast_in_dim3A_797 = arith.constant true
    %broadcast_in_dim3A_798 = vector.broadcast %broadcast_in_dim3A_797 : i1 to vector<16xi1>
    %masked_cumsum3A_799 = tpu.scan <sum>, %convert_element_type3A_796 masked %broadcast_in_dim3A_798 : vector<16xi32>, vector<16xi1> -> vector<16xi32>
    %iota3A_800 = tpu.iota {dimensions = array<i32: 0>} : vector<16xi32>
    %eq3A_801 = arith.constant 5 : i32
    %eq3A_802 = vector.broadcast %eq3A_801 : i32 to vector<16xi32>
    %eq3A_803 = arith.cmpi eq, %iota3A_800, %eq3A_802 : vector<16xi32>
    %jit3A_804 = arith.constant 0 : i32
    %broadcast_in_dim3A_805 = vector.broadcast %jit3A_804 : i32 to vector<16xi32>
    %select_n3A_806 = arith.select %eq3A_803, %add3A_792, %broadcast_in_dim3A_805 : vector<16xi1>, vector<16xi32>
    %reduce_sum3A_807 = arith.constant true
    %reduce_sum3A_808 = vector.broadcast %reduce_sum3A_807 : i1 to vector<16xi1>
    %reduce_sum3A_809 = tpu.scan <sum>, %select_n3A_806 masked %reduce_sum3A_808 : vector<16xi32>, vector<16xi1> -> vector<16xi32>
    %reduce_sum3A_810 = vector.extract %reduce_sum3A_809[15] : i32 from vector<16xi32>
    %add3A_811 = vector.broadcast %reduce_sum3A_810 : i32 to vector<16xi32>
    %add3A_812 = arith.addi %add3A_811, %masked_cumsum3A_799 : vector<16xi32>
    %sub3A_813 = arith.constant 1 : i32
    %sub3A_814 = vector.broadcast %sub3A_813 : i32 to vector<16xi32>
    %sub3A_815 = arith.subi %add3A_812, %sub3A_814 : vector<16xi32>
    %select_n3A_816 = arith.select %eq3A_795, %sub3A_815, %select_n3A_784 : vector<16xi1>, vector<16xi32>
    %all_reduce_population_count3A_817 = tpu.all_reduce %eq3A_795 {dim = 0 : i64, kind = #tpu.reduction_kind<sum>} : vector<16xi1> -> vector<16xi32>
    %eq3A_818 = arith.constant 5 : i32
    %eq3A_819 = vector.broadcast %eq3A_818 : i32 to vector<16xi32>
    %eq3A_820 = arith.cmpi eq, %iota3A, %eq3A_819 : vector<16xi32>
    %jit3A_821 = arith.constant 0 : i32
    %broadcast_in_dim3A_822 = vector.broadcast %jit3A_821 : i32 to vector<16xi32>
    %select_n3A_823 = arith.select %eq3A_820, %all_reduce_population_count3A_817, %broadcast_in_dim3A_822 : vector<16xi1>, vector<16xi32>
    %add3A_824 = arith.addi %add3A_792, %select_n3A_823 : vector<16xi32>
    %eq3A_825 = arith.constant 6 : i32
    %eq3A_826 = vector.broadcast %eq3A_825 : i32 to vector<16xi32>
    %eq3A_827 = arith.cmpi eq, %get3A_630, %eq3A_826 : vector<16xi32>
    %convert_element_type3A_828 = arith.extui %eq3A_827 : vector<16xi1> to vector<16xi32>
    %broadcast_in_dim3A_829 = arith.constant true
    %broadcast_in_dim3A_830 = vector.broadcast %broadcast_in_dim3A_829 : i1 to vector<16xi1>
    %masked_cumsum3A_831 = tpu.scan <sum>, %convert_element_type3A_828 masked %broadcast_in_dim3A_830 : vector<16xi32>, vector<16xi1> -> vector<16xi32>
    %iota3A_832 = tpu.iota {dimensions = array<i32: 0>} : vector<16xi32>
    %eq3A_833 = arith.constant 6 : i32
    %eq3A_834 = vector.broadcast %eq3A_833 : i32 to vector<16xi32>
    %eq3A_835 = arith.cmpi eq, %iota3A_832, %eq3A_834 : vector<16xi32>
    %jit3A_836 = arith.constant 0 : i32
    %broadcast_in_dim3A_837 = vector.broadcast %jit3A_836 : i32 to vector<16xi32>
    %select_n3A_838 = arith.select %eq3A_835, %add3A_824, %broadcast_in_dim3A_837 : vector<16xi1>, vector<16xi32>
    %reduce_sum3A_839 = arith.constant true
    %reduce_sum3A_840 = vector.broadcast %reduce_sum3A_839 : i1 to vector<16xi1>
    %reduce_sum3A_841 = tpu.scan <sum>, %select_n3A_838 masked %reduce_sum3A_840 : vector<16xi32>, vector<16xi1> -> vector<16xi32>
    %reduce_sum3A_842 = vector.extract %reduce_sum3A_841[15] : i32 from vector<16xi32>
    %add3A_843 = vector.broadcast %reduce_sum3A_842 : i32 to vector<16xi32>
    %add3A_844 = arith.addi %add3A_843, %masked_cumsum3A_831 : vector<16xi32>
    %sub3A_845 = arith.constant 1 : i32
    %sub3A_846 = vector.broadcast %sub3A_845 : i32 to vector<16xi32>
    %sub3A_847 = arith.subi %add3A_844, %sub3A_846 : vector<16xi32>
    %select_n3A_848 = arith.select %eq3A_827, %sub3A_847, %select_n3A_816 : vector<16xi1>, vector<16xi32>
    %all_reduce_population_count3A_849 = tpu.all_reduce %eq3A_827 {dim = 0 : i64, kind = #tpu.reduction_kind<sum>} : vector<16xi1> -> vector<16xi32>
    %eq3A_850 = arith.constant 6 : i32
    %eq3A_851 = vector.broadcast %eq3A_850 : i32 to vector<16xi32>
    %eq3A_852 = arith.cmpi eq, %iota3A, %eq3A_851 : vector<16xi32>
    %jit3A_853 = arith.constant 0 : i32
    %broadcast_in_dim3A_854 = vector.broadcast %jit3A_853 : i32 to vector<16xi32>
    %select_n3A_855 = arith.select %eq3A_852, %all_reduce_population_count3A_849, %broadcast_in_dim3A_854 : vector<16xi1>, vector<16xi32>
    %add3A_856 = arith.addi %add3A_824, %select_n3A_855 : vector<16xi32>
    %eq3A_857 = arith.constant 7 : i32
    %eq3A_858 = vector.broadcast %eq3A_857 : i32 to vector<16xi32>
    %eq3A_859 = arith.cmpi eq, %get3A_630, %eq3A_858 : vector<16xi32>
    %convert_element_type3A_860 = arith.extui %eq3A_859 : vector<16xi1> to vector<16xi32>
    %broadcast_in_dim3A_861 = arith.constant true
    %broadcast_in_dim3A_862 = vector.broadcast %broadcast_in_dim3A_861 : i1 to vector<16xi1>
    %masked_cumsum3A_863 = tpu.scan <sum>, %convert_element_type3A_860 masked %broadcast_in_dim3A_862 : vector<16xi32>, vector<16xi1> -> vector<16xi32>
    %iota3A_864 = tpu.iota {dimensions = array<i32: 0>} : vector<16xi32>
    %eq3A_865 = arith.constant 7 : i32
    %eq3A_866 = vector.broadcast %eq3A_865 : i32 to vector<16xi32>
    %eq3A_867 = arith.cmpi eq, %iota3A_864, %eq3A_866 : vector<16xi32>
    %jit3A_868 = arith.constant 0 : i32
    %broadcast_in_dim3A_869 = vector.broadcast %jit3A_868 : i32 to vector<16xi32>
    %select_n3A_870 = arith.select %eq3A_867, %add3A_856, %broadcast_in_dim3A_869 : vector<16xi1>, vector<16xi32>
    %reduce_sum3A_871 = arith.constant true
    %reduce_sum3A_872 = vector.broadcast %reduce_sum3A_871 : i1 to vector<16xi1>
    %reduce_sum3A_873 = tpu.scan <sum>, %select_n3A_870 masked %reduce_sum3A_872 : vector<16xi32>, vector<16xi1> -> vector<16xi32>
    %reduce_sum3A_874 = vector.extract %reduce_sum3A_873[15] : i32 from vector<16xi32>
    %add3A_875 = vector.broadcast %reduce_sum3A_874 : i32 to vector<16xi32>
    %add3A_876 = arith.addi %add3A_875, %masked_cumsum3A_863 : vector<16xi32>
    %sub3A_877 = arith.constant 1 : i32
    %sub3A_878 = vector.broadcast %sub3A_877 : i32 to vector<16xi32>
    %sub3A_879 = arith.subi %add3A_876, %sub3A_878 : vector<16xi32>
    %select_n3A_880 = arith.select %eq3A_859, %sub3A_879, %select_n3A_848 : vector<16xi1>, vector<16xi32>
    %all_reduce_population_count3A_881 = tpu.all_reduce %eq3A_859 {dim = 0 : i64, kind = #tpu.reduction_kind<sum>} : vector<16xi1> -> vector<16xi32>
    %eq3A_882 = arith.constant 7 : i32
    %eq3A_883 = vector.broadcast %eq3A_882 : i32 to vector<16xi32>
    %eq3A_884 = arith.cmpi eq, %iota3A, %eq3A_883 : vector<16xi32>
    %jit3A_885 = arith.constant 0 : i32
    %broadcast_in_dim3A_886 = vector.broadcast %jit3A_885 : i32 to vector<16xi32>
    %select_n3A_887 = arith.select %eq3A_884, %all_reduce_population_count3A_881, %broadcast_in_dim3A_886 : vector<16xi1>, vector<16xi32>
    %add3A_888 = arith.addi %add3A_856, %select_n3A_887 : vector<16xi32>
    %swap3A_889 = arith.constant 16 : index
    %swap3A_890 = tpu.vector_load %arg12[%swap3A_889] {strides = array<i32>} : memref<64xi32, #tpu.memory_space<vmem>>, vector<16xi32>,
    tpu.vector_store %arg12[%swap3A_889], %select_n3A_880 {strides = array<i32>} : memref<64xi32, #tpu.memory_space<vmem>>, vector<16xi32>,
    %dma_start3A_891 = arith.constant 16 : i32
    %dma_start3A_892 = arith.constant 0 : i32
    %dma_start3A_893 = tpu.memref_slice %arg15[%dma_start3A_891, %dma_start3A_892] : memref<64x768xf32, #tpu.memory_space<vmem>> -> memref<16x768xf32, #tpu.memory_space<vmem>>
    %dma_start3A_894 = arith.constant 0 : i32
    %dma_start3A_895 = arith.constant 0 : i32
    %dma_start3A_896 = tpu.memref_slice %arg6[%dma_start3A_894, %dma_start3A_895] : memref<5120x768xf32, #tpu.memory_space<hbm>> -> memref<5120x768xf32, #tpu.memory_space<hbm>>
    tpu.enqueue_indirect_dma source(%dma_start3A_893 : memref<16x768xf32, #tpu.memory_space<vmem>>) target(%dma_start3A_896 : memref<5120x768xf32, #tpu.memory_space<hbm>>) offsets(%select_n3A_880 : vector<16xi32>) semaphore(%arg17 : memref<!tpu.dma_semaphore, #tpu.memory_space<semaphore_mem>>)
    %dma_wait3A_897 = arith.constant 16 : i32
    %dma_wait3A_898 = arith.constant 0 : i32
    %dma_wait3A_899 = tpu.memref_slice %arg15[%dma_wait3A_897, %dma_wait3A_898] : memref<64x768xf32, #tpu.memory_space<vmem>> -> memref<16x768xf32, #tpu.memory_space<vmem>>
    %dma_wait3A_900 = arith.constant 0 : i32
    %dma_wait3A_901 = arith.constant 0 : i32
    %dma_wait3A_902 = tpu.memref_slice %arg6[%dma_wait3A_900, %dma_wait3A_901] : memref<5120x768xf32, #tpu.memory_space<hbm>> -> memref<5120x768xf32, #tpu.memory_space<hbm>>
    tpu.wait_indirect_dma semaphore(%arg17 : memref<!tpu.dma_semaphore, #tpu.memory_space<semaphore_mem>>) src(%dma_wait3A_899 : memref<16x768xf32, #tpu.memory_space<vmem>>) dst(%dma_wait3A_902 : memref<5120x768xf32, #tpu.memory_space<hbm>>)
    %get3A_903 = arith.constant 32 : index
    %get3A_904 = tpu.vector_load %arg10[%get3A_903] {strides = array<i32>} : memref<64xi32, #tpu.memory_space<vmem>>, vector<16xi32>,
    %broadcast_in_dim3A_905 = arith.constant 0 : i32
    %broadcast_in_dim3A_906 = vector.broadcast %broadcast_in_dim3A_905 : i32 to vector<16xi32>
    %eq3A_907 = arith.constant 0 : i32
    %eq3A_908 = vector.broadcast %eq3A_907 : i32 to vector<16xi32>
    %eq3A_909 = arith.cmpi eq, %get3A_904, %eq3A_908 : vector<16xi32>
    %convert_element_type3A_910 = arith.extui %eq3A_909 : vector<16xi1> to vector<16xi32>
    %broadcast_in_dim3A_911 = arith.constant true
    %broadcast_in_dim3A_912 = vector.broadcast %broadcast_in_dim3A_911 : i1 to vector<16xi1>
    %masked_cumsum3A_913 = tpu.scan <sum>, %convert_element_type3A_910 masked %broadcast_in_dim3A_912 : vector<16xi32>, vector<16xi1> -> vector<16xi32>
    %iota3A_914 = tpu.iota {dimensions = array<i32: 0>} : vector<16xi32>
    %eq3A_915 = arith.constant 0 : i32
    %eq3A_916 = vector.broadcast %eq3A_915 : i32 to vector<16xi32>
    %eq3A_917 = arith.cmpi eq, %iota3A_914, %eq3A_916 : vector<16xi32>
    %jit3A_918 = arith.constant 0 : i32
    %broadcast_in_dim3A_919 = vector.broadcast %jit3A_918 : i32 to vector<16xi32>
    %select_n3A_920 = arith.select %eq3A_917, %add3A_888, %broadcast_in_dim3A_919 : vector<16xi1>, vector<16xi32>
    %reduce_sum3A_921 = arith.constant true
    %reduce_sum3A_922 = vector.broadcast %reduce_sum3A_921 : i1 to vector<16xi1>
    %reduce_sum3A_923 = tpu.scan <sum>, %select_n3A_920 masked %reduce_sum3A_922 : vector<16xi32>, vector<16xi1> -> vector<16xi32>
    %reduce_sum3A_924 = vector.extract %reduce_sum3A_923[15] : i32 from vector<16xi32>
    %add3A_925 = vector.broadcast %reduce_sum3A_924 : i32 to vector<16xi32>
    %add3A_926 = arith.addi %add3A_925, %masked_cumsum3A_913 : vector<16xi32>
    %sub3A_927 = arith.constant 1 : i32
    %sub3A_928 = vector.broadcast %sub3A_927 : i32 to vector<16xi32>
    %sub3A_929 = arith.subi %add3A_926, %sub3A_928 : vector<16xi32>
    %select_n3A_930 = arith.select %eq3A_909, %sub3A_929, %broadcast_in_dim3A_906 : vector<16xi1>, vector<16xi32>
    %all_reduce_population_count3A_931 = tpu.all_reduce %eq3A_909 {dim = 0 : i64, kind = #tpu.reduction_kind<sum>} : vector<16xi1> -> vector<16xi32>
    %eq3A_932 = arith.constant 0 : i32
    %eq3A_933 = vector.broadcast %eq3A_932 : i32 to vector<16xi32>
    %eq3A_934 = arith.cmpi eq, %iota3A, %eq3A_933 : vector<16xi32>
    %jit3A_935 = arith.constant 0 : i32
    %broadcast_in_dim3A_936 = vector.broadcast %jit3A_935 : i32 to vector<16xi32>
    %select_n3A_937 = arith.select %eq3A_934, %all_reduce_population_count3A_931, %broadcast_in_dim3A_936 : vector<16xi1>, vector<16xi32>
    %add3A_938 = arith.addi %add3A_888, %select_n3A_937 : vector<16xi32>
    %eq3A_939 = arith.constant 1 : i32
    %eq3A_940 = vector.broadcast %eq3A_939 : i32 to vector<16xi32>
    %eq3A_941 = arith.cmpi eq, %get3A_904, %eq3A_940 : vector<16xi32>
    %convert_element_type3A_942 = arith.extui %eq3A_941 : vector<16xi1> to vector<16xi32>
    %broadcast_in_dim3A_943 = arith.constant true
    %broadcast_in_dim3A_944 = vector.broadcast %broadcast_in_dim3A_943 : i1 to vector<16xi1>
    %masked_cumsum3A_945 = tpu.scan <sum>, %convert_element_type3A_942 masked %broadcast_in_dim3A_944 : vector<16xi32>, vector<16xi1> -> vector<16xi32>
    %iota3A_946 = tpu.iota {dimensions = array<i32: 0>} : vector<16xi32>
    %eq3A_947 = arith.constant 1 : i32
    %eq3A_948 = vector.broadcast %eq3A_947 : i32 to vector<16xi32>
    %eq3A_949 = arith.cmpi eq, %iota3A_946, %eq3A_948 : vector<16xi32>
    %jit3A_950 = arith.constant 0 : i32
    %broadcast_in_dim3A_951 = vector.broadcast %jit3A_950 : i32 to vector<16xi32>
    %select_n3A_952 = arith.select %eq3A_949, %add3A_938, %broadcast_in_dim3A_951 : vector<16xi1>, vector<16xi32>
    %reduce_sum3A_953 = arith.constant true
    %reduce_sum3A_954 = vector.broadcast %reduce_sum3A_953 : i1 to vector<16xi1>
    %reduce_sum3A_955 = tpu.scan <sum>, %select_n3A_952 masked %reduce_sum3A_954 : vector<16xi32>, vector<16xi1> -> vector<16xi32>
    %reduce_sum3A_956 = vector.extract %reduce_sum3A_955[15] : i32 from vector<16xi32>
    %add3A_957 = vector.broadcast %reduce_sum3A_956 : i32 to vector<16xi32>
    %add3A_958 = arith.addi %add3A_957, %masked_cumsum3A_945 : vector<16xi32>
    %sub3A_959 = arith.constant 1 : i32
    %sub3A_960 = vector.broadcast %sub3A_959 : i32 to vector<16xi32>
    %sub3A_961 = arith.subi %add3A_958, %sub3A_960 : vector<16xi32>
    %select_n3A_962 = arith.select %eq3A_941, %sub3A_961, %select_n3A_930 : vector<16xi1>, vector<16xi32>
    %all_reduce_population_count3A_963 = tpu.all_reduce %eq3A_941 {dim = 0 : i64, kind = #tpu.reduction_kind<sum>} : vector<16xi1> -> vector<16xi32>
    %eq3A_964 = arith.constant 1 : i32
    %eq3A_965 = vector.broadcast %eq3A_964 : i32 to vector<16xi32>
    %eq3A_966 = arith.cmpi eq, %iota3A, %eq3A_965 : vector<16xi32>
    %jit3A_967 = arith.constant 0 : i32
    %broadcast_in_dim3A_968 = vector.broadcast %jit3A_967 : i32 to vector<16xi32>
    %select_n3A_969 = arith.select %eq3A_966, %all_reduce_population_count3A_963, %broadcast_in_dim3A_968 : vector<16xi1>, vector<16xi32>
    %add3A_970 = arith.addi %add3A_938, %select_n3A_969 : vector<16xi32>
    %eq3A_971 = arith.constant 2 : i32
    %eq3A_972 = vector.broadcast %eq3A_971 : i32 to vector<16xi32>
    %eq3A_973 = arith.cmpi eq, %get3A_904, %eq3A_972 : vector<16xi32>
    %convert_element_type3A_974 = arith.extui %eq3A_973 : vector<16xi1> to vector<16xi32>
    %broadcast_in_dim3A_975 = arith.constant true
    %broadcast_in_dim3A_976 = vector.broadcast %broadcast_in_dim3A_975 : i1 to vector<16xi1>
    %masked_cumsum3A_977 = tpu.scan <sum>, %convert_element_type3A_974 masked %broadcast_in_dim3A_976 : vector<16xi32>, vector<16xi1> -> vector<16xi32>
    %iota3A_978 = tpu.iota {dimensions = array<i32: 0>} : vector<16xi32>
    %eq3A_979 = arith.constant 2 : i32
    %eq3A_980 = vector.broadcast %eq3A_979 : i32 to vector<16xi32>
    %eq3A_981 = arith.cmpi eq, %iota3A_978, %eq3A_980 : vector<16xi32>
    %jit3A_982 = arith.constant 0 : i32
    %broadcast_in_dim3A_983 = vector.broadcast %jit3A_982 : i32 to vector<16xi32>
    %select_n3A_984 = arith.select %eq3A_981, %add3A_970, %broadcast_in_dim3A_983 : vector<16xi1>, vector<16xi32>
    %reduce_sum3A_985 = arith.constant true
    %reduce_sum3A_986 = vector.broadcast %reduce_sum3A_985 : i1 to vector<16xi1>
    %reduce_sum3A_987 = tpu.scan <sum>, %select_n3A_984 masked %reduce_sum3A_986 : vector<16xi32>, vector<16xi1> -> vector<16xi32>
    %reduce_sum3A_988 = vector.extract %reduce_sum3A_987[15] : i32 from vector<16xi32>
    %add3A_989 = vector.broadcast %reduce_sum3A_988 : i32 to vector<16xi32>
    %add3A_990 = arith.addi %add3A_989, %masked_cumsum3A_977 : vector<16xi32>
    %sub3A_991 = arith.constant 1 : i32
    %sub3A_992 = vector.broadcast %sub3A_991 : i32 to vector<16xi32>
    %sub3A_993 = arith.subi %add3A_990, %sub3A_992 : vector<16xi32>
    %select_n3A_994 = arith.select %eq3A_973, %sub3A_993, %select_n3A_962 : vector<16xi1>, vector<16xi32>
    %all_reduce_population_count3A_995 = tpu.all_reduce %eq3A_973 {dim = 0 : i64, kind = #tpu.reduction_kind<sum>} : vector<16xi1> -> vector<16xi32>
    %eq3A_996 = arith.constant 2 : i32
    %eq3A_997 = vector.broadcast %eq3A_996 : i32 to vector<16xi32>
    %eq3A_998 = arith.cmpi eq, %iota3A, %eq3A_997 : vector<16xi32>
    %jit3A_999 = arith.constant 0 : i32
    %broadcast_in_dim3A_1000 = vector.broadcast %jit3A_999 : i32 to vector<16xi32>
    %select_n3A_1001 = arith.select %eq3A_998, %all_reduce_population_count3A_995, %broadcast_in_dim3A_1000 : vector<16xi1>, vector<16xi32>
    %add3A_1002 = arith.addi %add3A_970, %select_n3A_1001 : vector<16xi32>
    %eq3A_1003 = arith.constant 3 : i32
    %eq3A_1004 = vector.broadcast %eq3A_1003 : i32 to vector<16xi32>
    %eq3A_1005 = arith.cmpi eq, %get3A_904, %eq3A_1004 : vector<16xi32>
    %convert_element_type3A_1006 = arith.extui %eq3A_1005 : vector<16xi1> to vector<16xi32>
    %broadcast_in_dim3A_1007 = arith.constant true
    %broadcast_in_dim3A_1008 = vector.broadcast %broadcast_in_dim3A_1007 : i1 to vector<16xi1>
    %masked_cumsum3A_1009 = tpu.scan <sum>, %convert_element_type3A_1006 masked %broadcast_in_dim3A_1008 : vector<16xi32>, vector<16xi1> -> vector<16xi32>
    %iota3A_1010 = tpu.iota {dimensions = array<i32: 0>} : vector<16xi32>
    %eq3A_1011 = arith.constant 3 : i32
    %eq3A_1012 = vector.broadcast %eq3A_1011 : i32 to vector<16xi32>
    %eq3A_1013 = arith.cmpi eq, %iota3A_1010, %eq3A_1012 : vector<16xi32>
    %jit3A_1014 = arith.constant 0 : i32
    %broadcast_in_dim3A_1015 = vector.broadcast %jit3A_1014 : i32 to vector<16xi32>
    %select_n3A_1016 = arith.select %eq3A_1013, %add3A_1002, %broadcast_in_dim3A_1015 : vector<16xi1>, vector<16xi32>
    %reduce_sum3A_1017 = arith.constant true
    %reduce_sum3A_1018 = vector.broadcast %reduce_sum3A_1017 : i1 to vector<16xi1>
    %reduce_sum3A_1019 = tpu.scan <sum>, %select_n3A_1016 masked %reduce_sum3A_1018 : vector<16xi32>, vector<16xi1> -> vector<16xi32>
    %reduce_sum3A_1020 = vector.extract %reduce_sum3A_1019[15] : i32 from vector<16xi32>
    %add3A_1021 = vector.broadcast %reduce_sum3A_1020 : i32 to vector<16xi32>
    %add3A_1022 = arith.addi %add3A_1021, %masked_cumsum3A_1009 : vector<16xi32>
    %sub3A_1023 = arith.constant 1 : i32
    %sub3A_1024 = vector.broadcast %sub3A_1023 : i32 to vector<16xi32>
    %sub3A_1025 = arith.subi %add3A_1022, %sub3A_1024 : vector<16xi32>
    %select_n3A_1026 = arith.select %eq3A_1005, %sub3A_1025, %select_n3A_994 : vector<16xi1>, vector<16xi32>
    %all_reduce_population_count3A_1027 = tpu.all_reduce %eq3A_1005 {dim = 0 : i64, kind = #tpu.reduction_kind<sum>} : vector<16xi1> -> vector<16xi32>
    %eq3A_1028 = arith.constant 3 : i32
    %eq3A_1029 = vector.broadcast %eq3A_1028 : i32 to vector<16xi32>
    %eq3A_1030 = arith.cmpi eq, %iota3A, %eq3A_1029 : vector<16xi32>
    %jit3A_1031 = arith.constant 0 : i32
    %broadcast_in_dim3A_1032 = vector.broadcast %jit3A_1031 : i32 to vector<16xi32>
    %select_n3A_1033 = arith.select %eq3A_1030, %all_reduce_population_count3A_1027, %broadcast_in_dim3A_1032 : vector<16xi1>, vector<16xi32>
    %add3A_1034 = arith.addi %add3A_1002, %select_n3A_1033 : vector<16xi32>
    %eq3A_1035 = arith.constant 4 : i32
    %eq3A_1036 = vector.broadcast %eq3A_1035 : i32 to vector<16xi32>
    %eq3A_1037 = arith.cmpi eq, %get3A_904, %eq3A_1036 : vector<16xi32>
    %convert_element_type3A_1038 = arith.extui %eq3A_1037 : vector<16xi1> to vector<16xi32>
    %broadcast_in_dim3A_1039 = arith.constant true
    %broadcast_in_dim3A_1040 = vector.broadcast %broadcast_in_dim3A_1039 : i1 to vector<16xi1>
    %masked_cumsum3A_1041 = tpu.scan <sum>, %convert_element_type3A_1038 masked %broadcast_in_dim3A_1040 : vector<16xi32>, vector<16xi1> -> vector<16xi32>
    %iota3A_1042 = tpu.iota {dimensions = array<i32: 0>} : vector<16xi32>
    %eq3A_1043 = arith.constant 4 : i32
    %eq3A_1044 = vector.broadcast %eq3A_1043 : i32 to vector<16xi32>
    %eq3A_1045 = arith.cmpi eq, %iota3A_1042, %eq3A_1044 : vector<16xi32>
    %jit3A_1046 = arith.constant 0 : i32
    %broadcast_in_dim3A_1047 = vector.broadcast %jit3A_1046 : i32 to vector<16xi32>
    %select_n3A_1048 = arith.select %eq3A_1045, %add3A_1034, %broadcast_in_dim3A_1047 : vector<16xi1>, vector<16xi32>
    %reduce_sum3A_1049 = arith.constant true
    %reduce_sum3A_1050 = vector.broadcast %reduce_sum3A_1049 : i1 to vector<16xi1>
    %reduce_sum3A_1051 = tpu.scan <sum>, %select_n3A_1048 masked %reduce_sum3A_1050 : vector<16xi32>, vector<16xi1> -> vector<16xi32>
    %reduce_sum3A_1052 = vector.extract %reduce_sum3A_1051[15] : i32 from vector<16xi32>
    %add3A_1053 = vector.broadcast %reduce_sum3A_1052 : i32 to vector<16xi32>
    %add3A_1054 = arith.addi %add3A_1053, %masked_cumsum3A_1041 : vector<16xi32>
    %sub3A_1055 = arith.constant 1 : i32
    %sub3A_1056 = vector.broadcast %sub3A_1055 : i32 to vector<16xi32>
    %sub3A_1057 = arith.subi %add3A_1054, %sub3A_1056 : vector<16xi32>
    %select_n3A_1058 = arith.select %eq3A_1037, %sub3A_1057, %select_n3A_1026 : vector<16xi1>, vector<16xi32>
    %all_reduce_population_count3A_1059 = tpu.all_reduce %eq3A_1037 {dim = 0 : i64, kind = #tpu.reduction_kind<sum>} : vector<16xi1> -> vector<16xi32>
    %eq3A_1060 = arith.constant 4 : i32
    %eq3A_1061 = vector.broadcast %eq3A_1060 : i32 to vector<16xi32>
    %eq3A_1062 = arith.cmpi eq, %iota3A, %eq3A_1061 : vector<16xi32>
    %jit3A_1063 = arith.constant 0 : i32
    %broadcast_in_dim3A_1064 = vector.broadcast %jit3A_1063 : i32 to vector<16xi32>
    %select_n3A_1065 = arith.select %eq3A_1062, %all_reduce_population_count3A_1059, %broadcast_in_dim3A_1064 : vector<16xi1>, vector<16xi32>
    %add3A_1066 = arith.addi %add3A_1034, %select_n3A_1065 : vector<16xi32>
    %eq3A_1067 = arith.constant 5 : i32
    %eq3A_1068 = vector.broadcast %eq3A_1067 : i32 to vector<16xi32>
    %eq3A_1069 = arith.cmpi eq, %get3A_904, %eq3A_1068 : vector<16xi32>
    %convert_element_type3A_1070 = arith.extui %eq3A_1069 : vector<16xi1> to vector<16xi32>
    %broadcast_in_dim3A_1071 = arith.constant true
    %broadcast_in_dim3A_1072 = vector.broadcast %broadcast_in_dim3A_1071 : i1 to vector<16xi1>
    %masked_cumsum3A_1073 = tpu.scan <sum>, %convert_element_type3A_1070 masked %broadcast_in_dim3A_1072 : vector<16xi32>, vector<16xi1> -> vector<16xi32>
    %iota3A_1074 = tpu.iota {dimensions = array<i32: 0>} : vector<16xi32>
    %eq3A_1075 = arith.constant 5 : i32
    %eq3A_1076 = vector.broadcast %eq3A_1075 : i32 to vector<16xi32>
    %eq3A_1077 = arith.cmpi eq, %iota3A_1074, %eq3A_1076 : vector<16xi32>
    %jit3A_1078 = arith.constant 0 : i32
    %broadcast_in_dim3A_1079 = vector.broadcast %jit3A_1078 : i32 to vector<16xi32>
    %select_n3A_1080 = arith.select %eq3A_1077, %add3A_1066, %broadcast_in_dim3A_1079 : vector<16xi1>, vector<16xi32>
    %reduce_sum3A_1081 = arith.constant true
    %reduce_sum3A_1082 = vector.broadcast %reduce_sum3A_1081 : i1 to vector<16xi1>
    %reduce_sum3A_1083 = tpu.scan <sum>, %select_n3A_1080 masked %reduce_sum3A_1082 : vector<16xi32>, vector<16xi1> -> vector<16xi32>
    %reduce_sum3A_1084 = vector.extract %reduce_sum3A_1083[15] : i32 from vector<16xi32>
    %add3A_1085 = vector.broadcast %reduce_sum3A_1084 : i32 to vector<16xi32>
    %add3A_1086 = arith.addi %add3A_1085, %masked_cumsum3A_1073 : vector<16xi32>
    %sub3A_1087 = arith.constant 1 : i32
    %sub3A_1088 = vector.broadcast %sub3A_1087 : i32 to vector<16xi32>
    %sub3A_1089 = arith.subi %add3A_1086, %sub3A_1088 : vector<16xi32>
    %select_n3A_1090 = arith.select %eq3A_1069, %sub3A_1089, %select_n3A_1058 : vector<16xi1>, vector<16xi32>
    %all_reduce_population_count3A_1091 = tpu.all_reduce %eq3A_1069 {dim = 0 : i64, kind = #tpu.reduction_kind<sum>} : vector<16xi1> -> vector<16xi32>
    %eq3A_1092 = arith.constant 5 : i32
    %eq3A_1093 = vector.broadcast %eq3A_1092 : i32 to vector<16xi32>
    %eq3A_1094 = arith.cmpi eq, %iota3A, %eq3A_1093 : vector<16xi32>
    %jit3A_1095 = arith.constant 0 : i32
    %broadcast_in_dim3A_1096 = vector.broadcast %jit3A_1095 : i32 to vector<16xi32>
    %select_n3A_1097 = arith.select %eq3A_1094, %all_reduce_population_count3A_1091, %broadcast_in_dim3A_1096 : vector<16xi1>, vector<16xi32>
    %add3A_1098 = arith.addi %add3A_1066, %select_n3A_1097 : vector<16xi32>
    %eq3A_1099 = arith.constant 6 : i32
    %eq3A_1100 = vector.broadcast %eq3A_1099 : i32 to vector<16xi32>
    %eq3A_1101 = arith.cmpi eq, %get3A_904, %eq3A_1100 : vector<16xi32>
    %convert_element_type3A_1102 = arith.extui %eq3A_1101 : vector<16xi1> to vector<16xi32>
    %broadcast_in_dim3A_1103 = arith.constant true
    %broadcast_in_dim3A_1104 = vector.broadcast %broadcast_in_dim3A_1103 : i1 to vector<16xi1>
    %masked_cumsum3A_1105 = tpu.scan <sum>, %convert_element_type3A_1102 masked %broadcast_in_dim3A_1104 : vector<16xi32>, vector<16xi1> -> vector<16xi32>
    %iota3A_1106 = tpu.iota {dimensions = array<i32: 0>} : vector<16xi32>
    %eq3A_1107 = arith.constant 6 : i32
    %eq3A_1108 = vector.broadcast %eq3A_1107 : i32 to vector<16xi32>
    %eq3A_1109 = arith.cmpi eq, %iota3A_1106, %eq3A_1108 : vector<16xi32>
    %jit3A_1110 = arith.constant 0 : i32
    %broadcast_in_dim3A_1111 = vector.broadcast %jit3A_1110 : i32 to vector<16xi32>
    %select_n3A_1112 = arith.select %eq3A_1109, %add3A_1098, %broadcast_in_dim3A_1111 : vector<16xi1>, vector<16xi32>
    %reduce_sum3A_1113 = arith.constant true
    %reduce_sum3A_1114 = vector.broadcast %reduce_sum3A_1113 : i1 to vector<16xi1>
    %reduce_sum3A_1115 = tpu.scan <sum>, %select_n3A_1112 masked %reduce_sum3A_1114 : vector<16xi32>, vector<16xi1> -> vector<16xi32>
    %reduce_sum3A_1116 = vector.extract %reduce_sum3A_1115[15] : i32 from vector<16xi32>
    %add3A_1117 = vector.broadcast %reduce_sum3A_1116 : i32 to vector<16xi32>
    %add3A_1118 = arith.addi %add3A_1117, %masked_cumsum3A_1105 : vector<16xi32>
    %sub3A_1119 = arith.constant 1 : i32
    %sub3A_1120 = vector.broadcast %sub3A_1119 : i32 to vector<16xi32>
    %sub3A_1121 = arith.subi %add3A_1118, %sub3A_1120 : vector<16xi32>
    %select_n3A_1122 = arith.select %eq3A_1101, %sub3A_1121, %select_n3A_1090 : vector<16xi1>, vector<16xi32>
    %all_reduce_population_count3A_1123 = tpu.all_reduce %eq3A_1101 {dim = 0 : i64, kind = #tpu.reduction_kind<sum>} : vector<16xi1> -> vector<16xi32>
    %eq3A_1124 = arith.constant 6 : i32
    %eq3A_1125 = vector.broadcast %eq3A_1124 : i32 to vector<16xi32>
    %eq3A_1126 = arith.cmpi eq, %iota3A, %eq3A_1125 : vector<16xi32>
    %jit3A_1127 = arith.constant 0 : i32
    %broadcast_in_dim3A_1128 = vector.broadcast %jit3A_1127 : i32 to vector<16xi32>
    %select_n3A_1129 = arith.select %eq3A_1126, %all_reduce_population_count3A_1123, %broadcast_in_dim3A_1128 : vector<16xi1>, vector<16xi32>
    %add3A_1130 = arith.addi %add3A_1098, %select_n3A_1129 : vector<16xi32>
    %eq3A_1131 = arith.constant 7 : i32
    %eq3A_1132 = vector.broadcast %eq3A_1131 : i32 to vector<16xi32>
    %eq3A_1133 = arith.cmpi eq, %get3A_904, %eq3A_1132 : vector<16xi32>
    %convert_element_type3A_1134 = arith.extui %eq3A_1133 : vector<16xi1> to vector<16xi32>
    %broadcast_in_dim3A_1135 = arith.constant true
    %broadcast_in_dim3A_1136 = vector.broadcast %broadcast_in_dim3A_1135 : i1 to vector<16xi1>
    %masked_cumsum3A_1137 = tpu.scan <sum>, %convert_element_type3A_1134 masked %broadcast_in_dim3A_1136 : vector<16xi32>, vector<16xi1> -> vector<16xi32>
    %iota3A_1138 = tpu.iota {dimensions = array<i32: 0>} : vector<16xi32>
    %eq3A_1139 = arith.constant 7 : i32
    %eq3A_1140 = vector.broadcast %eq3A_1139 : i32 to vector<16xi32>
    %eq3A_1141 = arith.cmpi eq, %iota3A_1138, %eq3A_1140 : vector<16xi32>
    %jit3A_1142 = arith.constant 0 : i32
    %broadcast_in_dim3A_1143 = vector.broadcast %jit3A_1142 : i32 to vector<16xi32>
    %select_n3A_1144 = arith.select %eq3A_1141, %add3A_1130, %broadcast_in_dim3A_1143 : vector<16xi1>, vector<16xi32>
    %reduce_sum3A_1145 = arith.constant true
    %reduce_sum3A_1146 = vector.broadcast %reduce_sum3A_1145 : i1 to vector<16xi1>
    %reduce_sum3A_1147 = tpu.scan <sum>, %select_n3A_1144 masked %reduce_sum3A_1146 : vector<16xi32>, vector<16xi1> -> vector<16xi32>
    %reduce_sum3A_1148 = vector.extract %reduce_sum3A_1147[15] : i32 from vector<16xi32>
    %add3A_1149 = vector.broadcast %reduce_sum3A_1148 : i32 to vector<16xi32>
    %add3A_1150 = arith.addi %add3A_1149, %masked_cumsum3A_1137 : vector<16xi32>
    %sub3A_1151 = arith.constant 1 : i32
    %sub3A_1152 = vector.broadcast %sub3A_1151 : i32 to vector<16xi32>
    %sub3A_1153 = arith.subi %add3A_1150, %sub3A_1152 : vector<16xi32>
    %select_n3A_1154 = arith.select %eq3A_1133, %sub3A_1153, %select_n3A_1122 : vector<16xi1>, vector<16xi32>
    %all_reduce_population_count3A_1155 = tpu.all_reduce %eq3A_1133 {dim = 0 : i64, kind = #tpu.reduction_kind<sum>} : vector<16xi1> -> vector<16xi32>
    %eq3A_1156 = arith.constant 7 : i32
    %eq3A_1157 = vector.broadcast %eq3A_1156 : i32 to vector<16xi32>
    %eq3A_1158 = arith.cmpi eq, %iota3A, %eq3A_1157 : vector<16xi32>
    %jit3A_1159 = arith.constant 0 : i32
    %broadcast_in_dim3A_1160 = vector.broadcast %jit3A_1159 : i32 to vector<16xi32>
    %select_n3A_1161 = arith.select %eq3A_1158, %all_reduce_population_count3A_1155, %broadcast_in_dim3A_1160 : vector<16xi1>, vector<16xi32>
    %add3A_1162 = arith.addi %add3A_1130, %select_n3A_1161 : vector<16xi32>
    %swap3A_1163 = arith.constant 32 : index
    %swap3A_1164 = tpu.vector_load %arg12[%swap3A_1163] {strides = array<i32>} : memref<64xi32, #tpu.memory_space<vmem>>, vector<16xi32>,
    tpu.vector_store %arg12[%swap3A_1163], %select_n3A_1154 {strides = array<i32>} : memref<64xi32, #tpu.memory_space<vmem>>, vector<16xi32>,
    %dma_start3A_1165 = arith.constant 32 : i32
    %dma_start3A_1166 = arith.constant 0 : i32
    %dma_start3A_1167 = tpu.memref_slice %arg15[%dma_start3A_1165, %dma_start3A_1166] : memref<64x768xf32, #tpu.memory_space<vmem>> -> memref<16x768xf32, #tpu.memory_space<vmem>>
    %dma_start3A_1168 = arith.constant 0 : i32
    %dma_start3A_1169 = arith.constant 0 : i32
    %dma_start3A_1170 = tpu.memref_slice %arg6[%dma_start3A_1168, %dma_start3A_1169] : memref<5120x768xf32, #tpu.memory_space<hbm>> -> memref<5120x768xf32, #tpu.memory_space<hbm>>
    tpu.enqueue_indirect_dma source(%dma_start3A_1167 : memref<16x768xf32, #tpu.memory_space<vmem>>) target(%dma_start3A_1170 : memref<5120x768xf32, #tpu.memory_space<hbm>>) offsets(%select_n3A_1154 : vector<16xi32>) semaphore(%arg17 : memref<!tpu.dma_semaphore, #tpu.memory_space<semaphore_mem>>)
    %dma_wait3A_1171 = arith.constant 32 : i32
    %dma_wait3A_1172 = arith.constant 0 : i32
    %dma_wait3A_1173 = tpu.memref_slice %arg15[%dma_wait3A_1171, %dma_wait3A_1172] : memref<64x768xf32, #tpu.memory_space<vmem>> -> memref<16x768xf32, #tpu.memory_space<vmem>>
    %dma_wait3A_1174 = arith.constant 0 : i32
    %dma_wait3A_1175 = arith.constant 0 : i32
    %dma_wait3A_1176 = tpu.memref_slice %arg6[%dma_wait3A_1174, %dma_wait3A_1175] : memref<5120x768xf32, #tpu.memory_space<hbm>> -> memref<5120x768xf32, #tpu.memory_space<hbm>>
    tpu.wait_indirect_dma semaphore(%arg17 : memref<!tpu.dma_semaphore, #tpu.memory_space<semaphore_mem>>) src(%dma_wait3A_1173 : memref<16x768xf32, #tpu.memory_space<vmem>>) dst(%dma_wait3A_1176 : memref<5120x768xf32, #tpu.memory_space<hbm>>)
    %get3A_1177 = arith.constant 48 : index
    %get3A_1178 = tpu.vector_load %arg10[%get3A_1177] {strides = array<i32>} : memref<64xi32, #tpu.memory_space<vmem>>, vector<16xi32>,
    %broadcast_in_dim3A_1179 = arith.constant 0 : i32
    %broadcast_in_dim3A_1180 = vector.broadcast %broadcast_in_dim3A_1179 : i32 to vector<16xi32>
    %eq3A_1181 = arith.constant 0 : i32
    %eq3A_1182 = vector.broadcast %eq3A_1181 : i32 to vector<16xi32>
    %eq3A_1183 = arith.cmpi eq, %get3A_1178, %eq3A_1182 : vector<16xi32>
    %convert_element_type3A_1184 = arith.extui %eq3A_1183 : vector<16xi1> to vector<16xi32>
    %broadcast_in_dim3A_1185 = arith.constant true
    %broadcast_in_dim3A_1186 = vector.broadcast %broadcast_in_dim3A_1185 : i1 to vector<16xi1>
    %masked_cumsum3A_1187 = tpu.scan <sum>, %convert_element_type3A_1184 masked %broadcast_in_dim3A_1186 : vector<16xi32>, vector<16xi1> -> vector<16xi32>
    %iota3A_1188 = tpu.iota {dimensions = array<i32: 0>} : vector<16xi32>
    %eq3A_1189 = arith.constant 0 : i32
    %eq3A_1190 = vector.broadcast %eq3A_1189 : i32 to vector<16xi32>
    %eq3A_1191 = arith.cmpi eq, %iota3A_1188, %eq3A_1190 : vector<16xi32>
    %jit3A_1192 = arith.constant 0 : i32
    %broadcast_in_dim3A_1193 = vector.broadcast %jit3A_1192 : i32 to vector<16xi32>
    %select_n3A_1194 = arith.select %eq3A_1191, %add3A_1162, %broadcast_in_dim3A_1193 : vector<16xi1>, vector<16xi32>
    %reduce_sum3A_1195 = arith.constant true
    %reduce_sum3A_1196 = vector.broadcast %reduce_sum3A_1195 : i1 to vector<16xi1>
    %reduce_sum3A_1197 = tpu.scan <sum>, %select_n3A_1194 masked %reduce_sum3A_1196 : vector<16xi32>, vector<16xi1> -> vector<16xi32>
    %reduce_sum3A_1198 = vector.extract %reduce_sum3A_1197[15] : i32 from vector<16xi32>
    %add3A_1199 = vector.broadcast %reduce_sum3A_1198 : i32 to vector<16xi32>
    %add3A_1200 = arith.addi %add3A_1199, %masked_cumsum3A_1187 : vector<16xi32>
    %sub3A_1201 = arith.constant 1 : i32
    %sub3A_1202 = vector.broadcast %sub3A_1201 : i32 to vector<16xi32>
    %sub3A_1203 = arith.subi %add3A_1200, %sub3A_1202 : vector<16xi32>
    %select_n3A_1204 = arith.select %eq3A_1183, %sub3A_1203, %broadcast_in_dim3A_1180 : vector<16xi1>, vector<16xi32>
    %all_reduce_population_count3A_1205 = tpu.all_reduce %eq3A_1183 {dim = 0 : i64, kind = #tpu.reduction_kind<sum>} : vector<16xi1> -> vector<16xi32>
    %eq3A_1206 = arith.constant 0 : i32
    %eq3A_1207 = vector.broadcast %eq3A_1206 : i32 to vector<16xi32>
    %eq3A_1208 = arith.cmpi eq, %iota3A, %eq3A_1207 : vector<16xi32>
    %jit3A_1209 = arith.constant 0 : i32
    %broadcast_in_dim3A_1210 = vector.broadcast %jit3A_1209 : i32 to vector<16xi32>
    %select_n3A_1211 = arith.select %eq3A_1208, %all_reduce_population_count3A_1205, %broadcast_in_dim3A_1210 : vector<16xi1>, vector<16xi32>
    %add3A_1212 = arith.addi %add3A_1162, %select_n3A_1211 : vector<16xi32>
    %eq3A_1213 = arith.constant 1 : i32
    %eq3A_1214 = vector.broadcast %eq3A_1213 : i32 to vector<16xi32>
    %eq3A_1215 = arith.cmpi eq, %get3A_1178, %eq3A_1214 : vector<16xi32>
    %convert_element_type3A_1216 = arith.extui %eq3A_1215 : vector<16xi1> to vector<16xi32>
    %broadcast_in_dim3A_1217 = arith.constant true
    %broadcast_in_dim3A_1218 = vector.broadcast %broadcast_in_dim3A_1217 : i1 to vector<16xi1>
    %masked_cumsum3A_1219 = tpu.scan <sum>, %convert_element_type3A_1216 masked %broadcast_in_dim3A_1218 : vector<16xi32>, vector<16xi1> -> vector<16xi32>
    %iota3A_1220 = tpu.iota {dimensions = array<i32: 0>} : vector<16xi32>
    %eq3A_1221 = arith.constant 1 : i32
    %eq3A_1222 = vector.broadcast %eq3A_1221 : i32 to vector<16xi32>
    %eq3A_1223 = arith.cmpi eq, %iota3A_1220, %eq3A_1222 : vector<16xi32>
    %jit3A_1224 = arith.constant 0 : i32
    %broadcast_in_dim3A_1225 = vector.broadcast %jit3A_1224 : i32 to vector<16xi32>
    %select_n3A_1226 = arith.select %eq3A_1223, %add3A_1212, %broadcast_in_dim3A_1225 : vector<16xi1>, vector<16xi32>
    %reduce_sum3A_1227 = arith.constant true
    %reduce_sum3A_1228 = vector.broadcast %reduce_sum3A_1227 : i1 to vector<16xi1>
    %reduce_sum3A_1229 = tpu.scan <sum>, %select_n3A_1226 masked %reduce_sum3A_1228 : vector<16xi32>, vector<16xi1> -> vector<16xi32>
    %reduce_sum3A_1230 = vector.extract %reduce_sum3A_1229[15] : i32 from vector<16xi32>
    %add3A_1231 = vector.broadcast %reduce_sum3A_1230 : i32 to vector<16xi32>
    %add3A_1232 = arith.addi %add3A_1231, %masked_cumsum3A_1219 : vector<16xi32>
    %sub3A_1233 = arith.constant 1 : i32
    %sub3A_1234 = vector.broadcast %sub3A_1233 : i32 to vector<16xi32>
    %sub3A_1235 = arith.subi %add3A_1232, %sub3A_1234 : vector<16xi32>
    %select_n3A_1236 = arith.select %eq3A_1215, %sub3A_1235, %select_n3A_1204 : vector<16xi1>, vector<16xi32>
    %all_reduce_population_count3A_1237 = tpu.all_reduce %eq3A_1215 {dim = 0 : i64, kind = #tpu.reduction_kind<sum>} : vector<16xi1> -> vector<16xi32>
    %eq3A_1238 = arith.constant 1 : i32
    %eq3A_1239 = vector.broadcast %eq3A_1238 : i32 to vector<16xi32>
    %eq3A_1240 = arith.cmpi eq, %iota3A, %eq3A_1239 : vector<16xi32>
    %jit3A_1241 = arith.constant 0 : i32
    %broadcast_in_dim3A_1242 = vector.broadcast %jit3A_1241 : i32 to vector<16xi32>
    %select_n3A_1243 = arith.select %eq3A_1240, %all_reduce_population_count3A_1237, %broadcast_in_dim3A_1242 : vector<16xi1>, vector<16xi32>
    %add3A_1244 = arith.addi %add3A_1212, %select_n3A_1243 : vector<16xi32>
    %eq3A_1245 = arith.constant 2 : i32
    %eq3A_1246 = vector.broadcast %eq3A_1245 : i32 to vector<16xi32>
    %eq3A_1247 = arith.cmpi eq, %get3A_1178, %eq3A_1246 : vector<16xi32>
    %convert_element_type3A_1248 = arith.extui %eq3A_1247 : vector<16xi1> to vector<16xi32>
    %broadcast_in_dim3A_1249 = arith.constant true
    %broadcast_in_dim3A_1250 = vector.broadcast %broadcast_in_dim3A_1249 : i1 to vector<16xi1>
    %masked_cumsum3A_1251 = tpu.scan <sum>, %convert_element_type3A_1248 masked %broadcast_in_dim3A_1250 : vector<16xi32>, vector<16xi1> -> vector<16xi32>
    %iota3A_1252 = tpu.iota {dimensions = array<i32: 0>} : vector<16xi32>
    %eq3A_1253 = arith.constant 2 : i32
    %eq3A_1254 = vector.broadcast %eq3A_1253 : i32 to vector<16xi32>
    %eq3A_1255 = arith.cmpi eq, %iota3A_1252, %eq3A_1254 : vector<16xi32>
    %jit3A_1256 = arith.constant 0 : i32
    %broadcast_in_dim3A_1257 = vector.broadcast %jit3A_1256 : i32 to vector<16xi32>
    %select_n3A_1258 = arith.select %eq3A_1255, %add3A_1244, %broadcast_in_dim3A_1257 : vector<16xi1>, vector<16xi32>
    %reduce_sum3A_1259 = arith.constant true
    %reduce_sum3A_1260 = vector.broadcast %reduce_sum3A_1259 : i1 to vector<16xi1>
    %reduce_sum3A_1261 = tpu.scan <sum>, %select_n3A_1258 masked %reduce_sum3A_1260 : vector<16xi32>, vector<16xi1> -> vector<16xi32>
    %reduce_sum3A_1262 = vector.extract %reduce_sum3A_1261[15] : i32 from vector<16xi32>
    %add3A_1263 = vector.broadcast %reduce_sum3A_1262 : i32 to vector<16xi32>
    %add3A_1264 = arith.addi %add3A_1263, %masked_cumsum3A_1251 : vector<16xi32>
    %sub3A_1265 = arith.constant 1 : i32
    %sub3A_1266 = vector.broadcast %sub3A_1265 : i32 to vector<16xi32>
    %sub3A_1267 = arith.subi %add3A_1264, %sub3A_1266 : vector<16xi32>
    %select_n3A_1268 = arith.select %eq3A_1247, %sub3A_1267, %select_n3A_1236 : vector<16xi1>, vector<16xi32>
    %all_reduce_population_count3A_1269 = tpu.all_reduce %eq3A_1247 {dim = 0 : i64, kind = #tpu.reduction_kind<sum>} : vector<16xi1> -> vector<16xi32>
    %eq3A_1270 = arith.constant 2 : i32
    %eq3A_1271 = vector.broadcast %eq3A_1270 : i32 to vector<16xi32>
    %eq3A_1272 = arith.cmpi eq, %iota3A, %eq3A_1271 : vector<16xi32>
    %jit3A_1273 = arith.constant 0 : i32
    %broadcast_in_dim3A_1274 = vector.broadcast %jit3A_1273 : i32 to vector<16xi32>
    %select_n3A_1275 = arith.select %eq3A_1272, %all_reduce_population_count3A_1269, %broadcast_in_dim3A_1274 : vector<16xi1>, vector<16xi32>
    %add3A_1276 = arith.addi %add3A_1244, %select_n3A_1275 : vector<16xi32>
    %eq3A_1277 = arith.constant 3 : i32
    %eq3A_1278 = vector.broadcast %eq3A_1277 : i32 to vector<16xi32>
    %eq3A_1279 = arith.cmpi eq, %get3A_1178, %eq3A_1278 : vector<16xi32>
    %convert_element_type3A_1280 = arith.extui %eq3A_1279 : vector<16xi1> to vector<16xi32>
    %broadcast_in_dim3A_1281 = arith.constant true
    %broadcast_in_dim3A_1282 = vector.broadcast %broadcast_in_dim3A_1281 : i1 to vector<16xi1>
    %masked_cumsum3A_1283 = tpu.scan <sum>, %convert_element_type3A_1280 masked %broadcast_in_dim3A_1282 : vector<16xi32>, vector<16xi1> -> vector<16xi32>
    %iota3A_1284 = tpu.iota {dimensions = array<i32: 0>} : vector<16xi32>
    %eq3A_1285 = arith.constant 3 : i32
    %eq3A_1286 = vector.broadcast %eq3A_1285 : i32 to vector<16xi32>
    %eq3A_1287 = arith.cmpi eq, %iota3A_1284, %eq3A_1286 : vector<16xi32>
    %jit3A_1288 = arith.constant 0 : i32
    %broadcast_in_dim3A_1289 = vector.broadcast %jit3A_1288 : i32 to vector<16xi32>
    %select_n3A_1290 = arith.select %eq3A_1287, %add3A_1276, %broadcast_in_dim3A_1289 : vector<16xi1>, vector<16xi32>
    %reduce_sum3A_1291 = arith.constant true
    %reduce_sum3A_1292 = vector.broadcast %reduce_sum3A_1291 : i1 to vector<16xi1>
    %reduce_sum3A_1293 = tpu.scan <sum>, %select_n3A_1290 masked %reduce_sum3A_1292 : vector<16xi32>, vector<16xi1> -> vector<16xi32>
    %reduce_sum3A_1294 = vector.extract %reduce_sum3A_1293[15] : i32 from vector<16xi32>
    %add3A_1295 = vector.broadcast %reduce_sum3A_1294 : i32 to vector<16xi32>
    %add3A_1296 = arith.addi %add3A_1295, %masked_cumsum3A_1283 : vector<16xi32>
    %sub3A_1297 = arith.constant 1 : i32
    %sub3A_1298 = vector.broadcast %sub3A_1297 : i32 to vector<16xi32>
    %sub3A_1299 = arith.subi %add3A_1296, %sub3A_1298 : vector<16xi32>
    %select_n3A_1300 = arith.select %eq3A_1279, %sub3A_1299, %select_n3A_1268 : vector<16xi1>, vector<16xi32>
    %all_reduce_population_count3A_1301 = tpu.all_reduce %eq3A_1279 {dim = 0 : i64, kind = #tpu.reduction_kind<sum>} : vector<16xi1> -> vector<16xi32>
    %eq3A_1302 = arith.constant 3 : i32
    %eq3A_1303 = vector.broadcast %eq3A_1302 : i32 to vector<16xi32>
    %eq3A_1304 = arith.cmpi eq, %iota3A, %eq3A_1303 : vector<16xi32>
    %jit3A_1305 = arith.constant 0 : i32
    %broadcast_in_dim3A_1306 = vector.broadcast %jit3A_1305 : i32 to vector<16xi32>
    %select_n3A_1307 = arith.select %eq3A_1304, %all_reduce_population_count3A_1301, %broadcast_in_dim3A_1306 : vector<16xi1>, vector<16xi32>
    %add3A_1308 = arith.addi %add3A_1276, %select_n3A_1307 : vector<16xi32>
    %eq3A_1309 = arith.constant 4 : i32
    %eq3A_1310 = vector.broadcast %eq3A_1309 : i32 to vector<16xi32>
    %eq3A_1311 = arith.cmpi eq, %get3A_1178, %eq3A_1310 : vector<16xi32>
    %convert_element_type3A_1312 = arith.extui %eq3A_1311 : vector<16xi1> to vector<16xi32>
    %broadcast_in_dim3A_1313 = arith.constant true
    %broadcast_in_dim3A_1314 = vector.broadcast %broadcast_in_dim3A_1313 : i1 to vector<16xi1>
    %masked_cumsum3A_1315 = tpu.scan <sum>, %convert_element_type3A_1312 masked %broadcast_in_dim3A_1314 : vector<16xi32>, vector<16xi1> -> vector<16xi32>
    %iota3A_1316 = tpu.iota {dimensions = array<i32: 0>} : vector<16xi32>
    %eq3A_1317 = arith.constant 4 : i32
    %eq3A_1318 = vector.broadcast %eq3A_1317 : i32 to vector<16xi32>
    %eq3A_1319 = arith.cmpi eq, %iota3A_1316, %eq3A_1318 : vector<16xi32>
    %jit3A_1320 = arith.constant 0 : i32
    %broadcast_in_dim3A_1321 = vector.broadcast %jit3A_1320 : i32 to vector<16xi32>
    %select_n3A_1322 = arith.select %eq3A_1319, %add3A_1308, %broadcast_in_dim3A_1321 : vector<16xi1>, vector<16xi32>
    %reduce_sum3A_1323 = arith.constant true
    %reduce_sum3A_1324 = vector.broadcast %reduce_sum3A_1323 : i1 to vector<16xi1>
    %reduce_sum3A_1325 = tpu.scan <sum>, %select_n3A_1322 masked %reduce_sum3A_1324 : vector<16xi32>, vector<16xi1> -> vector<16xi32>
    %reduce_sum3A_1326 = vector.extract %reduce_sum3A_1325[15] : i32 from vector<16xi32>
    %add3A_1327 = vector.broadcast %reduce_sum3A_1326 : i32 to vector<16xi32>
    %add3A_1328 = arith.addi %add3A_1327, %masked_cumsum3A_1315 : vector<16xi32>
    %sub3A_1329 = arith.constant 1 : i32
    %sub3A_1330 = vector.broadcast %sub3A_1329 : i32 to vector<16xi32>
    %sub3A_1331 = arith.subi %add3A_1328, %sub3A_1330 : vector<16xi32>
    %select_n3A_1332 = arith.select %eq3A_1311, %sub3A_1331, %select_n3A_1300 : vector<16xi1>, vector<16xi32>
    %all_reduce_population_count3A_1333 = tpu.all_reduce %eq3A_1311 {dim = 0 : i64, kind = #tpu.reduction_kind<sum>} : vector<16xi1> -> vector<16xi32>
    %eq3A_1334 = arith.constant 4 : i32
    %eq3A_1335 = vector.broadcast %eq3A_1334 : i32 to vector<16xi32>
    %eq3A_1336 = arith.cmpi eq, %iota3A, %eq3A_1335 : vector<16xi32>
    %jit3A_1337 = arith.constant 0 : i32
    %broadcast_in_dim3A_1338 = vector.broadcast %jit3A_1337 : i32 to vector<16xi32>
    %select_n3A_1339 = arith.select %eq3A_1336, %all_reduce_population_count3A_1333, %broadcast_in_dim3A_1338 : vector<16xi1>, vector<16xi32>
    %add3A_1340 = arith.addi %add3A_1308, %select_n3A_1339 : vector<16xi32>
    %eq3A_1341 = arith.constant 5 : i32
    %eq3A_1342 = vector.broadcast %eq3A_1341 : i32 to vector<16xi32>
    %eq3A_1343 = arith.cmpi eq, %get3A_1178, %eq3A_1342 : vector<16xi32>
    %convert_element_type3A_1344 = arith.extui %eq3A_1343 : vector<16xi1> to vector<16xi32>
    %broadcast_in_dim3A_1345 = arith.constant true
    %broadcast_in_dim3A_1346 = vector.broadcast %broadcast_in_dim3A_1345 : i1 to vector<16xi1>
    %masked_cumsum3A_1347 = tpu.scan <sum>, %convert_element_type3A_1344 masked %broadcast_in_dim3A_1346 : vector<16xi32>, vector<16xi1> -> vector<16xi32>
    %iota3A_1348 = tpu.iota {dimensions = array<i32: 0>} : vector<16xi32>
    %eq3A_1349 = arith.constant 5 : i32
    %eq3A_1350 = vector.broadcast %eq3A_1349 : i32 to vector<16xi32>
    %eq3A_1351 = arith.cmpi eq, %iota3A_1348, %eq3A_1350 : vector<16xi32>
    %jit3A_1352 = arith.constant 0 : i32
    %broadcast_in_dim3A_1353 = vector.broadcast %jit3A_1352 : i32 to vector<16xi32>
    %select_n3A_1354 = arith.select %eq3A_1351, %add3A_1340, %broadcast_in_dim3A_1353 : vector<16xi1>, vector<16xi32>
    %reduce_sum3A_1355 = arith.constant true
    %reduce_sum3A_1356 = vector.broadcast %reduce_sum3A_1355 : i1 to vector<16xi1>
    %reduce_sum3A_1357 = tpu.scan <sum>, %select_n3A_1354 masked %reduce_sum3A_1356 : vector<16xi32>, vector<16xi1> -> vector<16xi32>
    %reduce_sum3A_1358 = vector.extract %reduce_sum3A_1357[15] : i32 from vector<16xi32>
    %add3A_1359 = vector.broadcast %reduce_sum3A_1358 : i32 to vector<16xi32>
    %add3A_1360 = arith.addi %add3A_1359, %masked_cumsum3A_1347 : vector<16xi32>
    %sub3A_1361 = arith.constant 1 : i32
    %sub3A_1362 = vector.broadcast %sub3A_1361 : i32 to vector<16xi32>
    %sub3A_1363 = arith.subi %add3A_1360, %sub3A_1362 : vector<16xi32>
    %select_n3A_1364 = arith.select %eq3A_1343, %sub3A_1363, %select_n3A_1332 : vector<16xi1>, vector<16xi32>
    %all_reduce_population_count3A_1365 = tpu.all_reduce %eq3A_1343 {dim = 0 : i64, kind = #tpu.reduction_kind<sum>} : vector<16xi1> -> vector<16xi32>
    %eq3A_1366 = arith.constant 5 : i32
    %eq3A_1367 = vector.broadcast %eq3A_1366 : i32 to vector<16xi32>
    %eq3A_1368 = arith.cmpi eq, %iota3A, %eq3A_1367 : vector<16xi32>
    %jit3A_1369 = arith.constant 0 : i32
    %broadcast_in_dim3A_1370 = vector.broadcast %jit3A_1369 : i32 to vector<16xi32>
    %select_n3A_1371 = arith.select %eq3A_1368, %all_reduce_population_count3A_1365, %broadcast_in_dim3A_1370 : vector<16xi1>, vector<16xi32>
    %add3A_1372 = arith.addi %add3A_1340, %select_n3A_1371 : vector<16xi32>
    %eq3A_1373 = arith.constant 6 : i32
    %eq3A_1374 = vector.broadcast %eq3A_1373 : i32 to vector<16xi32>
    %eq3A_1375 = arith.cmpi eq, %get3A_1178, %eq3A_1374 : vector<16xi32>
    %convert_element_type3A_1376 = arith.extui %eq3A_1375 : vector<16xi1> to vector<16xi32>
    %broadcast_in_dim3A_1377 = arith.constant true
    %broadcast_in_dim3A_1378 = vector.broadcast %broadcast_in_dim3A_1377 : i1 to vector<16xi1>
    %masked_cumsum3A_1379 = tpu.scan <sum>, %convert_element_type3A_1376 masked %broadcast_in_dim3A_1378 : vector<16xi32>, vector<16xi1> -> vector<16xi32>
    %iota3A_1380 = tpu.iota {dimensions = array<i32: 0>} : vector<16xi32>
    %eq3A_1381 = arith.constant 6 : i32
    %eq3A_1382 = vector.broadcast %eq3A_1381 : i32 to vector<16xi32>
    %eq3A_1383 = arith.cmpi eq, %iota3A_1380, %eq3A_1382 : vector<16xi32>
    %jit3A_1384 = arith.constant 0 : i32
    %broadcast_in_dim3A_1385 = vector.broadcast %jit3A_1384 : i32 to vector<16xi32>
    %select_n3A_1386 = arith.select %eq3A_1383, %add3A_1372, %broadcast_in_dim3A_1385 : vector<16xi1>, vector<16xi32>
    %reduce_sum3A_1387 = arith.constant true
    %reduce_sum3A_1388 = vector.broadcast %reduce_sum3A_1387 : i1 to vector<16xi1>
    %reduce_sum3A_1389 = tpu.scan <sum>, %select_n3A_1386 masked %reduce_sum3A_1388 : vector<16xi32>, vector<16xi1> -> vector<16xi32>
    %reduce_sum3A_1390 = vector.extract %reduce_sum3A_1389[15] : i32 from vector<16xi32>
    %add3A_1391 = vector.broadcast %reduce_sum3A_1390 : i32 to vector<16xi32>
    %add3A_1392 = arith.addi %add3A_1391, %masked_cumsum3A_1379 : vector<16xi32>
    %sub3A_1393 = arith.constant 1 : i32
    %sub3A_1394 = vector.broadcast %sub3A_1393 : i32 to vector<16xi32>
    %sub3A_1395 = arith.subi %add3A_1392, %sub3A_1394 : vector<16xi32>
    %select_n3A_1396 = arith.select %eq3A_1375, %sub3A_1395, %select_n3A_1364 : vector<16xi1>, vector<16xi32>
    %all_reduce_population_count3A_1397 = tpu.all_reduce %eq3A_1375 {dim = 0 : i64, kind = #tpu.reduction_kind<sum>} : vector<16xi1> -> vector<16xi32>
    %eq3A_1398 = arith.constant 6 : i32
    %eq3A_1399 = vector.broadcast %eq3A_1398 : i32 to vector<16xi32>
    %eq3A_1400 = arith.cmpi eq, %iota3A, %eq3A_1399 : vector<16xi32>
    %jit3A_1401 = arith.constant 0 : i32
    %broadcast_in_dim3A_1402 = vector.broadcast %jit3A_1401 : i32 to vector<16xi32>
    %select_n3A_1403 = arith.select %eq3A_1400, %all_reduce_population_count3A_1397, %broadcast_in_dim3A_1402 : vector<16xi1>, vector<16xi32>
    %add3A_1404 = arith.addi %add3A_1372, %select_n3A_1403 : vector<16xi32>
    %eq3A_1405 = arith.constant 7 : i32
    %eq3A_1406 = vector.broadcast %eq3A_1405 : i32 to vector<16xi32>
    %eq3A_1407 = arith.cmpi eq, %get3A_1178, %eq3A_1406 : vector<16xi32>
    %convert_element_type3A_1408 = arith.extui %eq3A_1407 : vector<16xi1> to vector<16xi32>
    %broadcast_in_dim3A_1409 = arith.constant true
    %broadcast_in_dim3A_1410 = vector.broadcast %broadcast_in_dim3A_1409 : i1 to vector<16xi1>
    %masked_cumsum3A_1411 = tpu.scan <sum>, %convert_element_type3A_1408 masked %broadcast_in_dim3A_1410 : vector<16xi32>, vector<16xi1> -> vector<16xi32>
    %iota3A_1412 = tpu.iota {dimensions = array<i32: 0>} : vector<16xi32>
    %eq3A_1413 = arith.constant 7 : i32
    %eq3A_1414 = vector.broadcast %eq3A_1413 : i32 to vector<16xi32>
    %eq3A_1415 = arith.cmpi eq, %iota3A_1412, %eq3A_1414 : vector<16xi32>
    %jit3A_1416 = arith.constant 0 : i32
    %broadcast_in_dim3A_1417 = vector.broadcast %jit3A_1416 : i32 to vector<16xi32>
    %select_n3A_1418 = arith.select %eq3A_1415, %add3A_1404, %broadcast_in_dim3A_1417 : vector<16xi1>, vector<16xi32>
    %reduce_sum3A_1419 = arith.constant true
    %reduce_sum3A_1420 = vector.broadcast %reduce_sum3A_1419 : i1 to vector<16xi1>
    %reduce_sum3A_1421 = tpu.scan <sum>, %select_n3A_1418 masked %reduce_sum3A_1420 : vector<16xi32>, vector<16xi1> -> vector<16xi32>
    %reduce_sum3A_1422 = vector.extract %reduce_sum3A_1421[15] : i32 from vector<16xi32>
    %add3A_1423 = vector.broadcast %reduce_sum3A_1422 : i32 to vector<16xi32>
    %add3A_1424 = arith.addi %add3A_1423, %masked_cumsum3A_1411 : vector<16xi32>
    %sub3A_1425 = arith.constant 1 : i32
    %sub3A_1426 = vector.broadcast %sub3A_1425 : i32 to vector<16xi32>
    %sub3A_1427 = arith.subi %add3A_1424, %sub3A_1426 : vector<16xi32>
    %select_n3A_1428 = arith.select %eq3A_1407, %sub3A_1427, %select_n3A_1396 : vector<16xi1>, vector<16xi32>
    %all_reduce_population_count3A_1429 = tpu.all_reduce %eq3A_1407 {dim = 0 : i64, kind = #tpu.reduction_kind<sum>} : vector<16xi1> -> vector<16xi32>
    %eq3A_1430 = arith.constant 7 : i32
    %eq3A_1431 = vector.broadcast %eq3A_1430 : i32 to vector<16xi32>
    %eq3A_1432 = arith.cmpi eq, %iota3A, %eq3A_1431 : vector<16xi32>
    %jit3A_1433 = arith.constant 0 : i32
    %broadcast_in_dim3A_1434 = vector.broadcast %jit3A_1433 : i32 to vector<16xi32>
    %select_n3A_1435 = arith.select %eq3A_1432, %all_reduce_population_count3A_1429, %broadcast_in_dim3A_1434 : vector<16xi1>, vector<16xi32>
    %add3A_1436 = arith.addi %add3A_1404, %select_n3A_1435 : vector<16xi32>
    %swap3A_1437 = arith.constant 48 : index
    %swap3A_1438 = tpu.vector_load %arg12[%swap3A_1437] {strides = array<i32>} : memref<64xi32, #tpu.memory_space<vmem>>, vector<16xi32>,
    tpu.vector_store %arg12[%swap3A_1437], %select_n3A_1428 {strides = array<i32>} : memref<64xi32, #tpu.memory_space<vmem>>, vector<16xi32>,
    %dma_start3A_1439 = arith.constant 48 : i32
    %dma_start3A_1440 = arith.constant 0 : i32
    %dma_start3A_1441 = tpu.memref_slice %arg15[%dma_start3A_1439, %dma_start3A_1440] : memref<64x768xf32, #tpu.memory_space<vmem>> -> memref<16x768xf32, #tpu.memory_space<vmem>>
    %dma_start3A_1442 = arith.constant 0 : i32
    %dma_start3A_1443 = arith.constant 0 : i32
    %dma_start3A_1444 = tpu.memref_slice %arg6[%dma_start3A_1442, %dma_start3A_1443] : memref<5120x768xf32, #tpu.memory_space<hbm>> -> memref<5120x768xf32, #tpu.memory_space<hbm>>
    tpu.enqueue_indirect_dma source(%dma_start3A_1441 : memref<16x768xf32, #tpu.memory_space<vmem>>) target(%dma_start3A_1444 : memref<5120x768xf32, #tpu.memory_space<hbm>>) offsets(%select_n3A_1428 : vector<16xi32>) semaphore(%arg17 : memref<!tpu.dma_semaphore, #tpu.memory_space<semaphore_mem>>)
    %dma_wait3A_1445 = arith.constant 48 : i32
    %dma_wait3A_1446 = arith.constant 0 : i32
    %dma_wait3A_1447 = tpu.memref_slice %arg15[%dma_wait3A_1445, %dma_wait3A_1446] : memref<64x768xf32, #tpu.memory_space<vmem>> -> memref<16x768xf32, #tpu.memory_space<vmem>>
    %dma_wait3A_1448 = arith.constant 0 : i32
    %dma_wait3A_1449 = arith.constant 0 : i32
    %dma_wait3A_1450 = tpu.memref_slice %arg6[%dma_wait3A_1448, %dma_wait3A_1449] : memref<5120x768xf32, #tpu.memory_space<hbm>> -> memref<5120x768xf32, #tpu.memory_space<hbm>>
    tpu.wait_indirect_dma semaphore(%arg17 : memref<!tpu.dma_semaphore, #tpu.memory_space<semaphore_mem>>) src(%dma_wait3A_1447 : memref<16x768xf32, #tpu.memory_space<vmem>>) dst(%dma_wait3A_1450 : memref<5120x768xf32, #tpu.memory_space<hbm>>)
    %get3A_1451 = arith.constant 0 : index
    %get3A_1452 = tpu.vector_load %arg11[%get3A_1451] {strides = array<i32>} : memref<64xi32, #tpu.memory_space<vmem>>, vector<16xi32>,
    %broadcast_in_dim3A_1453 = arith.constant 0 : i32
    %broadcast_in_dim3A_1454 = vector.broadcast %broadcast_in_dim3A_1453 : i32 to vector<16xi32>
    %eq3A_1455 = arith.constant 0 : i32
    %eq3A_1456 = vector.broadcast %eq3A_1455 : i32 to vector<16xi32>
    %eq3A_1457 = arith.cmpi eq, %get3A_1452, %eq3A_1456 : vector<16xi32>
    %convert_element_type3A_1458 = arith.extui %eq3A_1457 : vector<16xi1> to vector<16xi32>
    %broadcast_in_dim3A_1459 = arith.constant true
    %broadcast_in_dim3A_1460 = vector.broadcast %broadcast_in_dim3A_1459 : i1 to vector<16xi1>
    %masked_cumsum3A_1461 = tpu.scan <sum>, %convert_element_type3A_1458 masked %broadcast_in_dim3A_1460 : vector<16xi32>, vector<16xi1> -> vector<16xi32>
    %iota3A_1462 = tpu.iota {dimensions = array<i32: 0>} : vector<16xi32>
    %eq3A_1463 = arith.constant 0 : i32
    %eq3A_1464 = vector.broadcast %eq3A_1463 : i32 to vector<16xi32>
    %eq3A_1465 = arith.cmpi eq, %iota3A_1462, %eq3A_1464 : vector<16xi32>
    %jit3A_1466 = arith.constant 0 : i32
    %broadcast_in_dim3A_1467 = vector.broadcast %jit3A_1466 : i32 to vector<16xi32>
    %select_n3A_1468 = arith.select %eq3A_1465, %add3A_1436, %broadcast_in_dim3A_1467 : vector<16xi1>, vector<16xi32>
    %reduce_sum3A_1469 = arith.constant true
    %reduce_sum3A_1470 = vector.broadcast %reduce_sum3A_1469 : i1 to vector<16xi1>
    %reduce_sum3A_1471 = tpu.scan <sum>, %select_n3A_1468 masked %reduce_sum3A_1470 : vector<16xi32>, vector<16xi1> -> vector<16xi32>
    %reduce_sum3A_1472 = vector.extract %reduce_sum3A_1471[15] : i32 from vector<16xi32>
    %add3A_1473 = vector.broadcast %reduce_sum3A_1472 : i32 to vector<16xi32>
    %add3A_1474 = arith.addi %add3A_1473, %masked_cumsum3A_1461 : vector<16xi32>
    %sub3A_1475 = arith.constant 1 : i32
    %sub3A_1476 = vector.broadcast %sub3A_1475 : i32 to vector<16xi32>
    %sub3A_1477 = arith.subi %add3A_1474, %sub3A_1476 : vector<16xi32>
    %select_n3A_1478 = arith.select %eq3A_1457, %sub3A_1477, %broadcast_in_dim3A_1454 : vector<16xi1>, vector<16xi32>
    %all_reduce_population_count3A_1479 = tpu.all_reduce %eq3A_1457 {dim = 0 : i64, kind = #tpu.reduction_kind<sum>} : vector<16xi1> -> vector<16xi32>
    %eq3A_1480 = arith.constant 0 : i32
    %eq3A_1481 = vector.broadcast %eq3A_1480 : i32 to vector<16xi32>
    %eq3A_1482 = arith.cmpi eq, %iota3A, %eq3A_1481 : vector<16xi32>
    %jit3A_1483 = arith.constant 0 : i32
    %broadcast_in_dim3A_1484 = vector.broadcast %jit3A_1483 : i32 to vector<16xi32>
    %select_n3A_1485 = arith.select %eq3A_1482, %all_reduce_population_count3A_1479, %broadcast_in_dim3A_1484 : vector<16xi1>, vector<16xi32>
    %add3A_1486 = arith.addi %add3A_1436, %select_n3A_1485 : vector<16xi32>
    %eq3A_1487 = arith.constant 1 : i32
    %eq3A_1488 = vector.broadcast %eq3A_1487 : i32 to vector<16xi32>
    %eq3A_1489 = arith.cmpi eq, %get3A_1452, %eq3A_1488 : vector<16xi32>
    %convert_element_type3A_1490 = arith.extui %eq3A_1489 : vector<16xi1> to vector<16xi32>
    %broadcast_in_dim3A_1491 = arith.constant true
    %broadcast_in_dim3A_1492 = vector.broadcast %broadcast_in_dim3A_1491 : i1 to vector<16xi1>
    %masked_cumsum3A_1493 = tpu.scan <sum>, %convert_element_type3A_1490 masked %broadcast_in_dim3A_1492 : vector<16xi32>, vector<16xi1> -> vector<16xi32>
    %iota3A_1494 = tpu.iota {dimensions = array<i32: 0>} : vector<16xi32>
    %eq3A_1495 = arith.constant 1 : i32
    %eq3A_1496 = vector.broadcast %eq3A_1495 : i32 to vector<16xi32>
    %eq3A_1497 = arith.cmpi eq, %iota3A_1494, %eq3A_1496 : vector<16xi32>
    %jit3A_1498 = arith.constant 0 : i32
    %broadcast_in_dim3A_1499 = vector.broadcast %jit3A_1498 : i32 to vector<16xi32>
    %select_n3A_1500 = arith.select %eq3A_1497, %add3A_1486, %broadcast_in_dim3A_1499 : vector<16xi1>, vector<16xi32>
    %reduce_sum3A_1501 = arith.constant true
    %reduce_sum3A_1502 = vector.broadcast %reduce_sum3A_1501 : i1 to vector<16xi1>
    %reduce_sum3A_1503 = tpu.scan <sum>, %select_n3A_1500 masked %reduce_sum3A_1502 : vector<16xi32>, vector<16xi1> -> vector<16xi32>
    %reduce_sum3A_1504 = vector.extract %reduce_sum3A_1503[15] : i32 from vector<16xi32>
    %add3A_1505 = vector.broadcast %reduce_sum3A_1504 : i32 to vector<16xi32>
    %add3A_1506 = arith.addi %add3A_1505, %masked_cumsum3A_1493 : vector<16xi32>
    %sub3A_1507 = arith.constant 1 : i32
    %sub3A_1508 = vector.broadcast %sub3A_1507 : i32 to vector<16xi32>
    %sub3A_1509 = arith.subi %add3A_1506, %sub3A_1508 : vector<16xi32>
    %select_n3A_1510 = arith.select %eq3A_1489, %sub3A_1509, %select_n3A_1478 : vector<16xi1>, vector<16xi32>
    %all_reduce_population_count3A_1511 = tpu.all_reduce %eq3A_1489 {dim = 0 : i64, kind = #tpu.reduction_kind<sum>} : vector<16xi1> -> vector<16xi32>
    %eq3A_1512 = arith.constant 1 : i32
    %eq3A_1513 = vector.broadcast %eq3A_1512 : i32 to vector<16xi32>
    %eq3A_1514 = arith.cmpi eq, %iota3A, %eq3A_1513 : vector<16xi32>
    %jit3A_1515 = arith.constant 0 : i32
    %broadcast_in_dim3A_1516 = vector.broadcast %jit3A_1515 : i32 to vector<16xi32>
    %select_n3A_1517 = arith.select %eq3A_1514, %all_reduce_population_count3A_1511, %broadcast_in_dim3A_1516 : vector<16xi1>, vector<16xi32>
    %add3A_1518 = arith.addi %add3A_1486, %select_n3A_1517 : vector<16xi32>
    %eq3A_1519 = arith.constant 2 : i32
    %eq3A_1520 = vector.broadcast %eq3A_1519 : i32 to vector<16xi32>
    %eq3A_1521 = arith.cmpi eq, %get3A_1452, %eq3A_1520 : vector<16xi32>
    %convert_element_type3A_1522 = arith.extui %eq3A_1521 : vector<16xi1> to vector<16xi32>
    %broadcast_in_dim3A_1523 = arith.constant true
    %broadcast_in_dim3A_1524 = vector.broadcast %broadcast_in_dim3A_1523 : i1 to vector<16xi1>
    %masked_cumsum3A_1525 = tpu.scan <sum>, %convert_element_type3A_1522 masked %broadcast_in_dim3A_1524 : vector<16xi32>, vector<16xi1> -> vector<16xi32>
    %iota3A_1526 = tpu.iota {dimensions = array<i32: 0>} : vector<16xi32>
    %eq3A_1527 = arith.constant 2 : i32
    %eq3A_1528 = vector.broadcast %eq3A_1527 : i32 to vector<16xi32>
    %eq3A_1529 = arith.cmpi eq, %iota3A_1526, %eq3A_1528 : vector<16xi32>
    %jit3A_1530 = arith.constant 0 : i32
    %broadcast_in_dim3A_1531 = vector.broadcast %jit3A_1530 : i32 to vector<16xi32>
    %select_n3A_1532 = arith.select %eq3A_1529, %add3A_1518, %broadcast_in_dim3A_1531 : vector<16xi1>, vector<16xi32>
    %reduce_sum3A_1533 = arith.constant true
    %reduce_sum3A_1534 = vector.broadcast %reduce_sum3A_1533 : i1 to vector<16xi1>
    %reduce_sum3A_1535 = tpu.scan <sum>, %select_n3A_1532 masked %reduce_sum3A_1534 : vector<16xi32>, vector<16xi1> -> vector<16xi32>
    %reduce_sum3A_1536 = vector.extract %reduce_sum3A_1535[15] : i32 from vector<16xi32>
    %add3A_1537 = vector.broadcast %reduce_sum3A_1536 : i32 to vector<16xi32>
    %add3A_1538 = arith.addi %add3A_1537, %masked_cumsum3A_1525 : vector<16xi32>
    %sub3A_1539 = arith.constant 1 : i32
    %sub3A_1540 = vector.broadcast %sub3A_1539 : i32 to vector<16xi32>
    %sub3A_1541 = arith.subi %add3A_1538, %sub3A_1540 : vector<16xi32>
    %select_n3A_1542 = arith.select %eq3A_1521, %sub3A_1541, %select_n3A_1510 : vector<16xi1>, vector<16xi32>
    %all_reduce_population_count3A_1543 = tpu.all_reduce %eq3A_1521 {dim = 0 : i64, kind = #tpu.reduction_kind<sum>} : vector<16xi1> -> vector<16xi32>
    %eq3A_1544 = arith.constant 2 : i32
    %eq3A_1545 = vector.broadcast %eq3A_1544 : i32 to vector<16xi32>
    %eq3A_1546 = arith.cmpi eq, %iota3A, %eq3A_1545 : vector<16xi32>
    %jit3A_1547 = arith.constant 0 : i32
    %broadcast_in_dim3A_1548 = vector.broadcast %jit3A_1547 : i32 to vector<16xi32>
    %select_n3A_1549 = arith.select %eq3A_1546, %all_reduce_population_count3A_1543, %broadcast_in_dim3A_1548 : vector<16xi1>, vector<16xi32>
    %add3A_1550 = arith.addi %add3A_1518, %select_n3A_1549 : vector<16xi32>
    %eq3A_1551 = arith.constant 3 : i32
    %eq3A_1552 = vector.broadcast %eq3A_1551 : i32 to vector<16xi32>
    %eq3A_1553 = arith.cmpi eq, %get3A_1452, %eq3A_1552 : vector<16xi32>
    %convert_element_type3A_1554 = arith.extui %eq3A_1553 : vector<16xi1> to vector<16xi32>
    %broadcast_in_dim3A_1555 = arith.constant true
    %broadcast_in_dim3A_1556 = vector.broadcast %broadcast_in_dim3A_1555 : i1 to vector<16xi1>
    %masked_cumsum3A_1557 = tpu.scan <sum>, %convert_element_type3A_1554 masked %broadcast_in_dim3A_1556 : vector<16xi32>, vector<16xi1> -> vector<16xi32>
    %iota3A_1558 = tpu.iota {dimensions = array<i32: 0>} : vector<16xi32>
    %eq3A_1559 = arith.constant 3 : i32
    %eq3A_1560 = vector.broadcast %eq3A_1559 : i32 to vector<16xi32>
    %eq3A_1561 = arith.cmpi eq, %iota3A_1558, %eq3A_1560 : vector<16xi32>
    %jit3A_1562 = arith.constant 0 : i32
    %broadcast_in_dim3A_1563 = vector.broadcast %jit3A_1562 : i32 to vector<16xi32>
    %select_n3A_1564 = arith.select %eq3A_1561, %add3A_1550, %broadcast_in_dim3A_1563 : vector<16xi1>, vector<16xi32>
    %reduce_sum3A_1565 = arith.constant true
    %reduce_sum3A_1566 = vector.broadcast %reduce_sum3A_1565 : i1 to vector<16xi1>
    %reduce_sum3A_1567 = tpu.scan <sum>, %select_n3A_1564 masked %reduce_sum3A_1566 : vector<16xi32>, vector<16xi1> -> vector<16xi32>
    %reduce_sum3A_1568 = vector.extract %reduce_sum3A_1567[15] : i32 from vector<16xi32>
    %add3A_1569 = vector.broadcast %reduce_sum3A_1568 : i32 to vector<16xi32>
    %add3A_1570 = arith.addi %add3A_1569, %masked_cumsum3A_1557 : vector<16xi32>
    %sub3A_1571 = arith.constant 1 : i32
    %sub3A_1572 = vector.broadcast %sub3A_1571 : i32 to vector<16xi32>
    %sub3A_1573 = arith.subi %add3A_1570, %sub3A_1572 : vector<16xi32>
    %select_n3A_1574 = arith.select %eq3A_1553, %sub3A_1573, %select_n3A_1542 : vector<16xi1>, vector<16xi32>
    %all_reduce_population_count3A_1575 = tpu.all_reduce %eq3A_1553 {dim = 0 : i64, kind = #tpu.reduction_kind<sum>} : vector<16xi1> -> vector<16xi32>
    %eq3A_1576 = arith.constant 3 : i32
    %eq3A_1577 = vector.broadcast %eq3A_1576 : i32 to vector<16xi32>
    %eq3A_1578 = arith.cmpi eq, %iota3A, %eq3A_1577 : vector<16xi32>
    %jit3A_1579 = arith.constant 0 : i32
    %broadcast_in_dim3A_1580 = vector.broadcast %jit3A_1579 : i32 to vector<16xi32>
    %select_n3A_1581 = arith.select %eq3A_1578, %all_reduce_population_count3A_1575, %broadcast_in_dim3A_1580 : vector<16xi1>, vector<16xi32>
    %add3A_1582 = arith.addi %add3A_1550, %select_n3A_1581 : vector<16xi32>
    %eq3A_1583 = arith.constant 4 : i32
    %eq3A_1584 = vector.broadcast %eq3A_1583 : i32 to vector<16xi32>
    %eq3A_1585 = arith.cmpi eq, %get3A_1452, %eq3A_1584 : vector<16xi32>
    %convert_element_type3A_1586 = arith.extui %eq3A_1585 : vector<16xi1> to vector<16xi32>
    %broadcast_in_dim3A_1587 = arith.constant true
    %broadcast_in_dim3A_1588 = vector.broadcast %broadcast_in_dim3A_1587 : i1 to vector<16xi1>
    %masked_cumsum3A_1589 = tpu.scan <sum>, %convert_element_type3A_1586 masked %broadcast_in_dim3A_1588 : vector<16xi32>, vector<16xi1> -> vector<16xi32>
    %iota3A_1590 = tpu.iota {dimensions = array<i32: 0>} : vector<16xi32>
    %eq3A_1591 = arith.constant 4 : i32
    %eq3A_1592 = vector.broadcast %eq3A_1591 : i32 to vector<16xi32>
    %eq3A_1593 = arith.cmpi eq, %iota3A_1590, %eq3A_1592 : vector<16xi32>
    %jit3A_1594 = arith.constant 0 : i32
    %broadcast_in_dim3A_1595 = vector.broadcast %jit3A_1594 : i32 to vector<16xi32>
    %select_n3A_1596 = arith.select %eq3A_1593, %add3A_1582, %broadcast_in_dim3A_1595 : vector<16xi1>, vector<16xi32>
    %reduce_sum3A_1597 = arith.constant true
    %reduce_sum3A_1598 = vector.broadcast %reduce_sum3A_1597 : i1 to vector<16xi1>
    %reduce_sum3A_1599 = tpu.scan <sum>, %select_n3A_1596 masked %reduce_sum3A_1598 : vector<16xi32>, vector<16xi1> -> vector<16xi32>
    %reduce_sum3A_1600 = vector.extract %reduce_sum3A_1599[15] : i32 from vector<16xi32>
    %add3A_1601 = vector.broadcast %reduce_sum3A_1600 : i32 to vector<16xi32>
    %add3A_1602 = arith.addi %add3A_1601, %masked_cumsum3A_1589 : vector<16xi32>
    %sub3A_1603 = arith.constant 1 : i32
    %sub3A_1604 = vector.broadcast %sub3A_1603 : i32 to vector<16xi32>
    %sub3A_1605 = arith.subi %add3A_1602, %sub3A_1604 : vector<16xi32>
    %select_n3A_1606 = arith.select %eq3A_1585, %sub3A_1605, %select_n3A_1574 : vector<16xi1>, vector<16xi32>
    %all_reduce_population_count3A_1607 = tpu.all_reduce %eq3A_1585 {dim = 0 : i64, kind = #tpu.reduction_kind<sum>} : vector<16xi1> -> vector<16xi32>
    %eq3A_1608 = arith.constant 4 : i32
    %eq3A_1609 = vector.broadcast %eq3A_1608 : i32 to vector<16xi32>
    %eq3A_1610 = arith.cmpi eq, %iota3A, %eq3A_1609 : vector<16xi32>
    %jit3A_1611 = arith.constant 0 : i32
    %broadcast_in_dim3A_1612 = vector.broadcast %jit3A_1611 : i32 to vector<16xi32>
    %select_n3A_1613 = arith.select %eq3A_1610, %all_reduce_population_count3A_1607, %broadcast_in_dim3A_1612 : vector<16xi1>, vector<16xi32>
    %add3A_1614 = arith.addi %add3A_1582, %select_n3A_1613 : vector<16xi32>
    %eq3A_1615 = arith.constant 5 : i32
    %eq3A_1616 = vector.broadcast %eq3A_1615 : i32 to vector<16xi32>
    %eq3A_1617 = arith.cmpi eq, %get3A_1452, %eq3A_1616 : vector<16xi32>
    %convert_element_type3A_1618 = arith.extui %eq3A_1617 : vector<16xi1> to vector<16xi32>
    %broadcast_in_dim3A_1619 = arith.constant true
    %broadcast_in_dim3A_1620 = vector.broadcast %broadcast_in_dim3A_1619 : i1 to vector<16xi1>
    %masked_cumsum3A_1621 = tpu.scan <sum>, %convert_element_type3A_1618 masked %broadcast_in_dim3A_1620 : vector<16xi32>, vector<16xi1> -> vector<16xi32>
    %iota3A_1622 = tpu.iota {dimensions = array<i32: 0>} : vector<16xi32>
    %eq3A_1623 = arith.constant 5 : i32
    %eq3A_1624 = vector.broadcast %eq3A_1623 : i32 to vector<16xi32>
    %eq3A_1625 = arith.cmpi eq, %iota3A_1622, %eq3A_1624 : vector<16xi32>
    %jit3A_1626 = arith.constant 0 : i32
    %broadcast_in_dim3A_1627 = vector.broadcast %jit3A_1626 : i32 to vector<16xi32>
    %select_n3A_1628 = arith.select %eq3A_1625, %add3A_1614, %broadcast_in_dim3A_1627 : vector<16xi1>, vector<16xi32>
    %reduce_sum3A_1629 = arith.constant true
    %reduce_sum3A_1630 = vector.broadcast %reduce_sum3A_1629 : i1 to vector<16xi1>
    %reduce_sum3A_1631 = tpu.scan <sum>, %select_n3A_1628 masked %reduce_sum3A_1630 : vector<16xi32>, vector<16xi1> -> vector<16xi32>
    %reduce_sum3A_1632 = vector.extract %reduce_sum3A_1631[15] : i32 from vector<16xi32>
    %add3A_1633 = vector.broadcast %reduce_sum3A_1632 : i32 to vector<16xi32>
    %add3A_1634 = arith.addi %add3A_1633, %masked_cumsum3A_1621 : vector<16xi32>
    %sub3A_1635 = arith.constant 1 : i32
    %sub3A_1636 = vector.broadcast %sub3A_1635 : i32 to vector<16xi32>
    %sub3A_1637 = arith.subi %add3A_1634, %sub3A_1636 : vector<16xi32>
    %select_n3A_1638 = arith.select %eq3A_1617, %sub3A_1637, %select_n3A_1606 : vector<16xi1>, vector<16xi32>
    %all_reduce_population_count3A_1639 = tpu.all_reduce %eq3A_1617 {dim = 0 : i64, kind = #tpu.reduction_kind<sum>} : vector<16xi1> -> vector<16xi32>
    %eq3A_1640 = arith.constant 5 : i32
    %eq3A_1641 = vector.broadcast %eq3A_1640 : i32 to vector<16xi32>
    %eq3A_1642 = arith.cmpi eq, %iota3A, %eq3A_1641 : vector<16xi32>
    %jit3A_1643 = arith.constant 0 : i32
    %broadcast_in_dim3A_1644 = vector.broadcast %jit3A_1643 : i32 to vector<16xi32>
    %select_n3A_1645 = arith.select %eq3A_1642, %all_reduce_population_count3A_1639, %broadcast_in_dim3A_1644 : vector<16xi1>, vector<16xi32>
    %add3A_1646 = arith.addi %add3A_1614, %select_n3A_1645 : vector<16xi32>
    %eq3A_1647 = arith.constant 6 : i32
    %eq3A_1648 = vector.broadcast %eq3A_1647 : i32 to vector<16xi32>
    %eq3A_1649 = arith.cmpi eq, %get3A_1452, %eq3A_1648 : vector<16xi32>
    %convert_element_type3A_1650 = arith.extui %eq3A_1649 : vector<16xi1> to vector<16xi32>
    %broadcast_in_dim3A_1651 = arith.constant true
    %broadcast_in_dim3A_1652 = vector.broadcast %broadcast_in_dim3A_1651 : i1 to vector<16xi1>
    %masked_cumsum3A_1653 = tpu.scan <sum>, %convert_element_type3A_1650 masked %broadcast_in_dim3A_1652 : vector<16xi32>, vector<16xi1> -> vector<16xi32>
    %iota3A_1654 = tpu.iota {dimensions = array<i32: 0>} : vector<16xi32>
    %eq3A_1655 = arith.constant 6 : i32
    %eq3A_1656 = vector.broadcast %eq3A_1655 : i32 to vector<16xi32>
    %eq3A_1657 = arith.cmpi eq, %iota3A_1654, %eq3A_1656 : vector<16xi32>
    %jit3A_1658 = arith.constant 0 : i32
    %broadcast_in_dim3A_1659 = vector.broadcast %jit3A_1658 : i32 to vector<16xi32>
    %select_n3A_1660 = arith.select %eq3A_1657, %add3A_1646, %broadcast_in_dim3A_1659 : vector<16xi1>, vector<16xi32>
    %reduce_sum3A_1661 = arith.constant true
    %reduce_sum3A_1662 = vector.broadcast %reduce_sum3A_1661 : i1 to vector<16xi1>
    %reduce_sum3A_1663 = tpu.scan <sum>, %select_n3A_1660 masked %reduce_sum3A_1662 : vector<16xi32>, vector<16xi1> -> vector<16xi32>
    %reduce_sum3A_1664 = vector.extract %reduce_sum3A_1663[15] : i32 from vector<16xi32>
    %add3A_1665 = vector.broadcast %reduce_sum3A_1664 : i32 to vector<16xi32>
    %add3A_1666 = arith.addi %add3A_1665, %masked_cumsum3A_1653 : vector<16xi32>
    %sub3A_1667 = arith.constant 1 : i32
    %sub3A_1668 = vector.broadcast %sub3A_1667 : i32 to vector<16xi32>
    %sub3A_1669 = arith.subi %add3A_1666, %sub3A_1668 : vector<16xi32>
    %select_n3A_1670 = arith.select %eq3A_1649, %sub3A_1669, %select_n3A_1638 : vector<16xi1>, vector<16xi32>
    %all_reduce_population_count3A_1671 = tpu.all_reduce %eq3A_1649 {dim = 0 : i64, kind = #tpu.reduction_kind<sum>} : vector<16xi1> -> vector<16xi32>
    %eq3A_1672 = arith.constant 6 : i32
    %eq3A_1673 = vector.broadcast %eq3A_1672 : i32 to vector<16xi32>
    %eq3A_1674 = arith.cmpi eq, %iota3A, %eq3A_1673 : vector<16xi32>
    %jit3A_1675 = arith.constant 0 : i32
    %broadcast_in_dim3A_1676 = vector.broadcast %jit3A_1675 : i32 to vector<16xi32>
    %select_n3A_1677 = arith.select %eq3A_1674, %all_reduce_population_count3A_1671, %broadcast_in_dim3A_1676 : vector<16xi1>, vector<16xi32>
    %add3A_1678 = arith.addi %add3A_1646, %select_n3A_1677 : vector<16xi32>
    %eq3A_1679 = arith.constant 7 : i32
    %eq3A_1680 = vector.broadcast %eq3A_1679 : i32 to vector<16xi32>
    %eq3A_1681 = arith.cmpi eq, %get3A_1452, %eq3A_1680 : vector<16xi32>
    %convert_element_type3A_1682 = arith.extui %eq3A_1681 : vector<16xi1> to vector<16xi32>
    %broadcast_in_dim3A_1683 = arith.constant true
    %broadcast_in_dim3A_1684 = vector.broadcast %broadcast_in_dim3A_1683 : i1 to vector<16xi1>
    %masked_cumsum3A_1685 = tpu.scan <sum>, %convert_element_type3A_1682 masked %broadcast_in_dim3A_1684 : vector<16xi32>, vector<16xi1> -> vector<16xi32>
    %iota3A_1686 = tpu.iota {dimensions = array<i32: 0>} : vector<16xi32>
    %eq3A_1687 = arith.constant 7 : i32
    %eq3A_1688 = vector.broadcast %eq3A_1687 : i32 to vector<16xi32>
    %eq3A_1689 = arith.cmpi eq, %iota3A_1686, %eq3A_1688 : vector<16xi32>
    %jit3A_1690 = arith.constant 0 : i32
    %broadcast_in_dim3A_1691 = vector.broadcast %jit3A_1690 : i32 to vector<16xi32>
    %select_n3A_1692 = arith.select %eq3A_1689, %add3A_1678, %broadcast_in_dim3A_1691 : vector<16xi1>, vector<16xi32>
    %reduce_sum3A_1693 = arith.constant true
    %reduce_sum3A_1694 = vector.broadcast %reduce_sum3A_1693 : i1 to vector<16xi1>
    %reduce_sum3A_1695 = tpu.scan <sum>, %select_n3A_1692 masked %reduce_sum3A_1694 : vector<16xi32>, vector<16xi1> -> vector<16xi32>
    %reduce_sum3A_1696 = vector.extract %reduce_sum3A_1695[15] : i32 from vector<16xi32>
    %add3A_1697 = vector.broadcast %reduce_sum3A_1696 : i32 to vector<16xi32>
    %add3A_1698 = arith.addi %add3A_1697, %masked_cumsum3A_1685 : vector<16xi32>
    %sub3A_1699 = arith.constant 1 : i32
    %sub3A_1700 = vector.broadcast %sub3A_1699 : i32 to vector<16xi32>
    %sub3A_1701 = arith.subi %add3A_1698, %sub3A_1700 : vector<16xi32>
    %select_n3A_1702 = arith.select %eq3A_1681, %sub3A_1701, %select_n3A_1670 : vector<16xi1>, vector<16xi32>
    %all_reduce_population_count3A_1703 = tpu.all_reduce %eq3A_1681 {dim = 0 : i64, kind = #tpu.reduction_kind<sum>} : vector<16xi1> -> vector<16xi32>
    %eq3A_1704 = arith.constant 7 : i32
    %eq3A_1705 = vector.broadcast %eq3A_1704 : i32 to vector<16xi32>
    %eq3A_1706 = arith.cmpi eq, %iota3A, %eq3A_1705 : vector<16xi32>
    %jit3A_1707 = arith.constant 0 : i32
    %broadcast_in_dim3A_1708 = vector.broadcast %jit3A_1707 : i32 to vector<16xi32>
    %select_n3A_1709 = arith.select %eq3A_1706, %all_reduce_population_count3A_1703, %broadcast_in_dim3A_1708 : vector<16xi1>, vector<16xi32>
    %add3A_1710 = arith.addi %add3A_1678, %select_n3A_1709 : vector<16xi32>
    %swap3A_1711 = arith.constant 0 : index
    %swap3A_1712 = tpu.vector_load %arg13[%swap3A_1711] {strides = array<i32>} : memref<64xi32, #tpu.memory_space<vmem>>, vector<16xi32>,
    tpu.vector_store %arg13[%swap3A_1711], %select_n3A_1702 {strides = array<i32>} : memref<64xi32, #tpu.memory_space<vmem>>, vector<16xi32>,
    %dma_start3A_1713 = arith.constant 0 : i32
    %dma_start3A_1714 = arith.constant 0 : i32
    %dma_start3A_1715 = tpu.memref_slice %arg15[%dma_start3A_1713, %dma_start3A_1714] : memref<64x768xf32, #tpu.memory_space<vmem>> -> memref<16x768xf32, #tpu.memory_space<vmem>>
    %dma_start3A_1716 = arith.constant 0 : i32
    %dma_start3A_1717 = arith.constant 0 : i32
    %dma_start3A_1718 = tpu.memref_slice %arg6[%dma_start3A_1716, %dma_start3A_1717] : memref<5120x768xf32, #tpu.memory_space<hbm>> -> memref<5120x768xf32, #tpu.memory_space<hbm>>
    tpu.enqueue_indirect_dma source(%dma_start3A_1715 : memref<16x768xf32, #tpu.memory_space<vmem>>) target(%dma_start3A_1718 : memref<5120x768xf32, #tpu.memory_space<hbm>>) offsets(%select_n3A_1702 : vector<16xi32>) semaphore(%arg17 : memref<!tpu.dma_semaphore, #tpu.memory_space<semaphore_mem>>)
    %dma_wait3A_1719 = arith.constant 0 : i32
    %dma_wait3A_1720 = arith.constant 0 : i32
    %dma_wait3A_1721 = tpu.memref_slice %arg15[%dma_wait3A_1719, %dma_wait3A_1720] : memref<64x768xf32, #tpu.memory_space<vmem>> -> memref<16x768xf32, #tpu.memory_space<vmem>>
    %dma_wait3A_1722 = arith.constant 0 : i32
    %dma_wait3A_1723 = arith.constant 0 : i32
    %dma_wait3A_1724 = tpu.memref_slice %arg6[%dma_wait3A_1722, %dma_wait3A_1723] : memref<5120x768xf32, #tpu.memory_space<hbm>> -> memref<5120x768xf32, #tpu.memory_space<hbm>>
    tpu.wait_indirect_dma semaphore(%arg17 : memref<!tpu.dma_semaphore, #tpu.memory_space<semaphore_mem>>) src(%dma_wait3A_1721 : memref<16x768xf32, #tpu.memory_space<vmem>>) dst(%dma_wait3A_1724 : memref<5120x768xf32, #tpu.memory_space<hbm>>)
    %get3A_1725 = arith.constant 16 : index
    %get3A_1726 = tpu.vector_load %arg11[%get3A_1725] {strides = array<i32>} : memref<64xi32, #tpu.memory_space<vmem>>, vector<16xi32>,
    %broadcast_in_dim3A_1727 = arith.constant 0 : i32
    %broadcast_in_dim3A_1728 = vector.broadcast %broadcast_in_dim3A_1727 : i32 to vector<16xi32>
    %eq3A_1729 = arith.constant 0 : i32
    %eq3A_1730 = vector.broadcast %eq3A_1729 : i32 to vector<16xi32>
    %eq3A_1731 = arith.cmpi eq, %get3A_1726, %eq3A_1730 : vector<16xi32>
    %convert_element_type3A_1732 = arith.extui %eq3A_1731 : vector<16xi1> to vector<16xi32>
    %broadcast_in_dim3A_1733 = arith.constant true
    %broadcast_in_dim3A_1734 = vector.broadcast %broadcast_in_dim3A_1733 : i1 to vector<16xi1>
    %masked_cumsum3A_1735 = tpu.scan <sum>, %convert_element_type3A_1732 masked %broadcast_in_dim3A_1734 : vector<16xi32>, vector<16xi1> -> vector<16xi32>
    %iota3A_1736 = tpu.iota {dimensions = array<i32: 0>} : vector<16xi32>
    %eq3A_1737 = arith.constant 0 : i32
    %eq3A_1738 = vector.broadcast %eq3A_1737 : i32 to vector<16xi32>
    %eq3A_1739 = arith.cmpi eq, %iota3A_1736, %eq3A_1738 : vector<16xi32>
    %jit3A_1740 = arith.constant 0 : i32
    %broadcast_in_dim3A_1741 = vector.broadcast %jit3A_1740 : i32 to vector<16xi32>
    %select_n3A_1742 = arith.select %eq3A_1739, %add3A_1710, %broadcast_in_dim3A_1741 : vector<16xi1>, vector<16xi32>
    %reduce_sum3A_1743 = arith.constant true
    %reduce_sum3A_1744 = vector.broadcast %reduce_sum3A_1743 : i1 to vector<16xi1>
    %reduce_sum3A_1745 = tpu.scan <sum>, %select_n3A_1742 masked %reduce_sum3A_1744 : vector<16xi32>, vector<16xi1> -> vector<16xi32>
    %reduce_sum3A_1746 = vector.extract %reduce_sum3A_1745[15] : i32 from vector<16xi32>
    %add3A_1747 = vector.broadcast %reduce_sum3A_1746 : i32 to vector<16xi32>
    %add3A_1748 = arith.addi %add3A_1747, %masked_cumsum3A_1735 : vector<16xi32>
    %sub3A_1749 = arith.constant 1 : i32
    %sub3A_1750 = vector.broadcast %sub3A_1749 : i32 to vector<16xi32>
    %sub3A_1751 = arith.subi %add3A_1748, %sub3A_1750 : vector<16xi32>
    %select_n3A_1752 = arith.select %eq3A_1731, %sub3A_1751, %broadcast_in_dim3A_1728 : vector<16xi1>, vector<16xi32>
    %all_reduce_population_count3A_1753 = tpu.all_reduce %eq3A_1731 {dim = 0 : i64, kind = #tpu.reduction_kind<sum>} : vector<16xi1> -> vector<16xi32>
    %eq3A_1754 = arith.constant 0 : i32
    %eq3A_1755 = vector.broadcast %eq3A_1754 : i32 to vector<16xi32>
    %eq3A_1756 = arith.cmpi eq, %iota3A, %eq3A_1755 : vector<16xi32>
    %jit3A_1757 = arith.constant 0 : i32
    %broadcast_in_dim3A_1758 = vector.broadcast %jit3A_1757 : i32 to vector<16xi32>
    %select_n3A_1759 = arith.select %eq3A_1756, %all_reduce_population_count3A_1753, %broadcast_in_dim3A_1758 : vector<16xi1>, vector<16xi32>
    %add3A_1760 = arith.addi %add3A_1710, %select_n3A_1759 : vector<16xi32>
    %eq3A_1761 = arith.constant 1 : i32
    %eq3A_1762 = vector.broadcast %eq3A_1761 : i32 to vector<16xi32>
    %eq3A_1763 = arith.cmpi eq, %get3A_1726, %eq3A_1762 : vector<16xi32>
    %convert_element_type3A_1764 = arith.extui %eq3A_1763 : vector<16xi1> to vector<16xi32>
    %broadcast_in_dim3A_1765 = arith.constant true
    %broadcast_in_dim3A_1766 = vector.broadcast %broadcast_in_dim3A_1765 : i1 to vector<16xi1>
    %masked_cumsum3A_1767 = tpu.scan <sum>, %convert_element_type3A_1764 masked %broadcast_in_dim3A_1766 : vector<16xi32>, vector<16xi1> -> vector<16xi32>
    %iota3A_1768 = tpu.iota {dimensions = array<i32: 0>} : vector<16xi32>
    %eq3A_1769 = arith.constant 1 : i32
    %eq3A_1770 = vector.broadcast %eq3A_1769 : i32 to vector<16xi32>
    %eq3A_1771 = arith.cmpi eq, %iota3A_1768, %eq3A_1770 : vector<16xi32>
    %jit3A_1772 = arith.constant 0 : i32
    %broadcast_in_dim3A_1773 = vector.broadcast %jit3A_1772 : i32 to vector<16xi32>
    %select_n3A_1774 = arith.select %eq3A_1771, %add3A_1760, %broadcast_in_dim3A_1773 : vector<16xi1>, vector<16xi32>
    %reduce_sum3A_1775 = arith.constant true
    %reduce_sum3A_1776 = vector.broadcast %reduce_sum3A_1775 : i1 to vector<16xi1>
    %reduce_sum3A_1777 = tpu.scan <sum>, %select_n3A_1774 masked %reduce_sum3A_1776 : vector<16xi32>, vector<16xi1> -> vector<16xi32>
    %reduce_sum3A_1778 = vector.extract %reduce_sum3A_1777[15] : i32 from vector<16xi32>
    %add3A_1779 = vector.broadcast %reduce_sum3A_1778 : i32 to vector<16xi32>
    %add3A_1780 = arith.addi %add3A_1779, %masked_cumsum3A_1767 : vector<16xi32>
    %sub3A_1781 = arith.constant 1 : i32
    %sub3A_1782 = vector.broadcast %sub3A_1781 : i32 to vector<16xi32>
    %sub3A_1783 = arith.subi %add3A_1780, %sub3A_1782 : vector<16xi32>
    %select_n3A_1784 = arith.select %eq3A_1763, %sub3A_1783, %select_n3A_1752 : vector<16xi1>, vector<16xi32>
    %all_reduce_population_count3A_1785 = tpu.all_reduce %eq3A_1763 {dim = 0 : i64, kind = #tpu.reduction_kind<sum>} : vector<16xi1> -> vector<16xi32>
    %eq3A_1786 = arith.constant 1 : i32
    %eq3A_1787 = vector.broadcast %eq3A_1786 : i32 to vector<16xi32>
    %eq3A_1788 = arith.cmpi eq, %iota3A, %eq3A_1787 : vector<16xi32>
    %jit3A_1789 = arith.constant 0 : i32
    %broadcast_in_dim3A_1790 = vector.broadcast %jit3A_1789 : i32 to vector<16xi32>
    %select_n3A_1791 = arith.select %eq3A_1788, %all_reduce_population_count3A_1785, %broadcast_in_dim3A_1790 : vector<16xi1>, vector<16xi32>
    %add3A_1792 = arith.addi %add3A_1760, %select_n3A_1791 : vector<16xi32>
    %eq3A_1793 = arith.constant 2 : i32
    %eq3A_1794 = vector.broadcast %eq3A_1793 : i32 to vector<16xi32>
    %eq3A_1795 = arith.cmpi eq, %get3A_1726, %eq3A_1794 : vector<16xi32>
    %convert_element_type3A_1796 = arith.extui %eq3A_1795 : vector<16xi1> to vector<16xi32>
    %broadcast_in_dim3A_1797 = arith.constant true
    %broadcast_in_dim3A_1798 = vector.broadcast %broadcast_in_dim3A_1797 : i1 to vector<16xi1>
    %masked_cumsum3A_1799 = tpu.scan <sum>, %convert_element_type3A_1796 masked %broadcast_in_dim3A_1798 : vector<16xi32>, vector<16xi1> -> vector<16xi32>
    %iota3A_1800 = tpu.iota {dimensions = array<i32: 0>} : vector<16xi32>
    %eq3A_1801 = arith.constant 2 : i32
    %eq3A_1802 = vector.broadcast %eq3A_1801 : i32 to vector<16xi32>
    %eq3A_1803 = arith.cmpi eq, %iota3A_1800, %eq3A_1802 : vector<16xi32>
    %jit3A_1804 = arith.constant 0 : i32
    %broadcast_in_dim3A_1805 = vector.broadcast %jit3A_1804 : i32 to vector<16xi32>
    %select_n3A_1806 = arith.select %eq3A_1803, %add3A_1792, %broadcast_in_dim3A_1805 : vector<16xi1>, vector<16xi32>
    %reduce_sum3A_1807 = arith.constant true
    %reduce_sum3A_1808 = vector.broadcast %reduce_sum3A_1807 : i1 to vector<16xi1>
    %reduce_sum3A_1809 = tpu.scan <sum>, %select_n3A_1806 masked %reduce_sum3A_1808 : vector<16xi32>, vector<16xi1> -> vector<16xi32>
    %reduce_sum3A_1810 = vector.extract %reduce_sum3A_1809[15] : i32 from vector<16xi32>
    %add3A_1811 = vector.broadcast %reduce_sum3A_1810 : i32 to vector<16xi32>
    %add3A_1812 = arith.addi %add3A_1811, %masked_cumsum3A_1799 : vector<16xi32>
    %sub3A_1813 = arith.constant 1 : i32
    %sub3A_1814 = vector.broadcast %sub3A_1813 : i32 to vector<16xi32>
    %sub3A_1815 = arith.subi %add3A_1812, %sub3A_1814 : vector<16xi32>
    %select_n3A_1816 = arith.select %eq3A_1795, %sub3A_1815, %select_n3A_1784 : vector<16xi1>, vector<16xi32>
    %all_reduce_population_count3A_1817 = tpu.all_reduce %eq3A_1795 {dim = 0 : i64, kind = #tpu.reduction_kind<sum>} : vector<16xi1> -> vector<16xi32>
    %eq3A_1818 = arith.constant 2 : i32
    %eq3A_1819 = vector.broadcast %eq3A_1818 : i32 to vector<16xi32>
    %eq3A_1820 = arith.cmpi eq, %iota3A, %eq3A_1819 : vector<16xi32>
    %jit3A_1821 = arith.constant 0 : i32
    %broadcast_in_dim3A_1822 = vector.broadcast %jit3A_1821 : i32 to vector<16xi32>
    %select_n3A_1823 = arith.select %eq3A_1820, %all_reduce_population_count3A_1817, %broadcast_in_dim3A_1822 : vector<16xi1>, vector<16xi32>
    %add3A_1824 = arith.addi %add3A_1792, %select_n3A_1823 : vector<16xi32>
    %eq3A_1825 = arith.constant 3 : i32
    %eq3A_1826 = vector.broadcast %eq3A_1825 : i32 to vector<16xi32>
    %eq3A_1827 = arith.cmpi eq, %get3A_1726, %eq3A_1826 : vector<16xi32>
    %convert_element_type3A_1828 = arith.extui %eq3A_1827 : vector<16xi1> to vector<16xi32>
    %broadcast_in_dim3A_1829 = arith.constant true
    %broadcast_in_dim3A_1830 = vector.broadcast %broadcast_in_dim3A_1829 : i1 to vector<16xi1>
    %masked_cumsum3A_1831 = tpu.scan <sum>, %convert_element_type3A_1828 masked %broadcast_in_dim3A_1830 : vector<16xi32>, vector<16xi1> -> vector<16xi32>
    %iota3A_1832 = tpu.iota {dimensions = array<i32: 0>} : vector<16xi32>
    %eq3A_1833 = arith.constant 3 : i32
    %eq3A_1834 = vector.broadcast %eq3A_1833 : i32 to vector<16xi32>
    %eq3A_1835 = arith.cmpi eq, %iota3A_1832, %eq3A_1834 : vector<16xi32>
    %jit3A_1836 = arith.constant 0 : i32
    %broadcast_in_dim3A_1837 = vector.broadcast %jit3A_1836 : i32 to vector<16xi32>
    %select_n3A_1838 = arith.select %eq3A_1835, %add3A_1824, %broadcast_in_dim3A_1837 : vector<16xi1>, vector<16xi32>
    %reduce_sum3A_1839 = arith.constant true
    %reduce_sum3A_1840 = vector.broadcast %reduce_sum3A_1839 : i1 to vector<16xi1>
    %reduce_sum3A_1841 = tpu.scan <sum>, %select_n3A_1838 masked %reduce_sum3A_1840 : vector<16xi32>, vector<16xi1> -> vector<16xi32>
    %reduce_sum3A_1842 = vector.extract %reduce_sum3A_1841[15] : i32 from vector<16xi32>
    %add3A_1843 = vector.broadcast %reduce_sum3A_1842 : i32 to vector<16xi32>
    %add3A_1844 = arith.addi %add3A_1843, %masked_cumsum3A_1831 : vector<16xi32>
    %sub3A_1845 = arith.constant 1 : i32
    %sub3A_1846 = vector.broadcast %sub3A_1845 : i32 to vector<16xi32>
    %sub3A_1847 = arith.subi %add3A_1844, %sub3A_1846 : vector<16xi32>
    %select_n3A_1848 = arith.select %eq3A_1827, %sub3A_1847, %select_n3A_1816 : vector<16xi1>, vector<16xi32>
    %all_reduce_population_count3A_1849 = tpu.all_reduce %eq3A_1827 {dim = 0 : i64, kind = #tpu.reduction_kind<sum>} : vector<16xi1> -> vector<16xi32>
    %eq3A_1850 = arith.constant 3 : i32
    %eq3A_1851 = vector.broadcast %eq3A_1850 : i32 to vector<16xi32>
    %eq3A_1852 = arith.cmpi eq, %iota3A, %eq3A_1851 : vector<16xi32>
    %jit3A_1853 = arith.constant 0 : i32
    %broadcast_in_dim3A_1854 = vector.broadcast %jit3A_1853 : i32 to vector<16xi32>
    %select_n3A_1855 = arith.select %eq3A_1852, %all_reduce_population_count3A_1849, %broadcast_in_dim3A_1854 : vector<16xi1>, vector<16xi32>
    %add3A_1856 = arith.addi %add3A_1824, %select_n3A_1855 : vector<16xi32>
    %eq3A_1857 = arith.constant 4 : i32
    %eq3A_1858 = vector.broadcast %eq3A_1857 : i32 to vector<16xi32>
    %eq3A_1859 = arith.cmpi eq, %get3A_1726, %eq3A_1858 : vector<16xi32>
    %convert_element_type3A_1860 = arith.extui %eq3A_1859 : vector<16xi1> to vector<16xi32>
    %broadcast_in_dim3A_1861 = arith.constant true
    %broadcast_in_dim3A_1862 = vector.broadcast %broadcast_in_dim3A_1861 : i1 to vector<16xi1>
    %masked_cumsum3A_1863 = tpu.scan <sum>, %convert_element_type3A_1860 masked %broadcast_in_dim3A_1862 : vector<16xi32>, vector<16xi1> -> vector<16xi32>
    %iota3A_1864 = tpu.iota {dimensions = array<i32: 0>} : vector<16xi32>
    %eq3A_1865 = arith.constant 4 : i32
    %eq3A_1866 = vector.broadcast %eq3A_1865 : i32 to vector<16xi32>
    %eq3A_1867 = arith.cmpi eq, %iota3A_1864, %eq3A_1866 : vector<16xi32>
    %jit3A_1868 = arith.constant 0 : i32
    %broadcast_in_dim3A_1869 = vector.broadcast %jit3A_1868 : i32 to vector<16xi32>
    %select_n3A_1870 = arith.select %eq3A_1867, %add3A_1856, %broadcast_in_dim3A_1869 : vector<16xi1>, vector<16xi32>
    %reduce_sum3A_1871 = arith.constant true
    %reduce_sum3A_1872 = vector.broadcast %reduce_sum3A_1871 : i1 to vector<16xi1>
    %reduce_sum3A_1873 = tpu.scan <sum>, %select_n3A_1870 masked %reduce_sum3A_1872 : vector<16xi32>, vector<16xi1> -> vector<16xi32>
    %reduce_sum3A_1874 = vector.extract %reduce_sum3A_1873[15] : i32 from vector<16xi32>
    %add3A_1875 = vector.broadcast %reduce_sum3A_1874 : i32 to vector<16xi32>
    %add3A_1876 = arith.addi %add3A_1875, %masked_cumsum3A_1863 : vector<16xi32>
    %sub3A_1877 = arith.constant 1 : i32
    %sub3A_1878 = vector.broadcast %sub3A_1877 : i32 to vector<16xi32>
    %sub3A_1879 = arith.subi %add3A_1876, %sub3A_1878 : vector<16xi32>
    %select_n3A_1880 = arith.select %eq3A_1859, %sub3A_1879, %select_n3A_1848 : vector<16xi1>, vector<16xi32>
    %all_reduce_population_count3A_1881 = tpu.all_reduce %eq3A_1859 {dim = 0 : i64, kind = #tpu.reduction_kind<sum>} : vector<16xi1> -> vector<16xi32>
    %eq3A_1882 = arith.constant 4 : i32
    %eq3A_1883 = vector.broadcast %eq3A_1882 : i32 to vector<16xi32>
    %eq3A_1884 = arith.cmpi eq, %iota3A, %eq3A_1883 : vector<16xi32>
    %jit3A_1885 = arith.constant 0 : i32
    %broadcast_in_dim3A_1886 = vector.broadcast %jit3A_1885 : i32 to vector<16xi32>
    %select_n3A_1887 = arith.select %eq3A_1884, %all_reduce_population_count3A_1881, %broadcast_in_dim3A_1886 : vector<16xi1>, vector<16xi32>
    %add3A_1888 = arith.addi %add3A_1856, %select_n3A_1887 : vector<16xi32>
    %eq3A_1889 = arith.constant 5 : i32
    %eq3A_1890 = vector.broadcast %eq3A_1889 : i32 to vector<16xi32>
    %eq3A_1891 = arith.cmpi eq, %get3A_1726, %eq3A_1890 : vector<16xi32>
    %convert_element_type3A_1892 = arith.extui %eq3A_1891 : vector<16xi1> to vector<16xi32>
    %broadcast_in_dim3A_1893 = arith.constant true
    %broadcast_in_dim3A_1894 = vector.broadcast %broadcast_in_dim3A_1893 : i1 to vector<16xi1>
    %masked_cumsum3A_1895 = tpu.scan <sum>, %convert_element_type3A_1892 masked %broadcast_in_dim3A_1894 : vector<16xi32>, vector<16xi1> -> vector<16xi32>
    %iota3A_1896 = tpu.iota {dimensions = array<i32: 0>} : vector<16xi32>
    %eq3A_1897 = arith.constant 5 : i32
    %eq3A_1898 = vector.broadcast %eq3A_1897 : i32 to vector<16xi32>
    %eq3A_1899 = arith.cmpi eq, %iota3A_1896, %eq3A_1898 : vector<16xi32>
    %jit3A_1900 = arith.constant 0 : i32
    %broadcast_in_dim3A_1901 = vector.broadcast %jit3A_1900 : i32 to vector<16xi32>
    %select_n3A_1902 = arith.select %eq3A_1899, %add3A_1888, %broadcast_in_dim3A_1901 : vector<16xi1>, vector<16xi32>
    %reduce_sum3A_1903 = arith.constant true
    %reduce_sum3A_1904 = vector.broadcast %reduce_sum3A_1903 : i1 to vector<16xi1>
    %reduce_sum3A_1905 = tpu.scan <sum>, %select_n3A_1902 masked %reduce_sum3A_1904 : vector<16xi32>, vector<16xi1> -> vector<16xi32>
    %reduce_sum3A_1906 = vector.extract %reduce_sum3A_1905[15] : i32 from vector<16xi32>
    %add3A_1907 = vector.broadcast %reduce_sum3A_1906 : i32 to vector<16xi32>
    %add3A_1908 = arith.addi %add3A_1907, %masked_cumsum3A_1895 : vector<16xi32>
    %sub3A_1909 = arith.constant 1 : i32
    %sub3A_1910 = vector.broadcast %sub3A_1909 : i32 to vector<16xi32>
    %sub3A_1911 = arith.subi %add3A_1908, %sub3A_1910 : vector<16xi32>
    %select_n3A_1912 = arith.select %eq3A_1891, %sub3A_1911, %select_n3A_1880 : vector<16xi1>, vector<16xi32>
    %all_reduce_population_count3A_1913 = tpu.all_reduce %eq3A_1891 {dim = 0 : i64, kind = #tpu.reduction_kind<sum>} : vector<16xi1> -> vector<16xi32>
    %eq3A_1914 = arith.constant 5 : i32
    %eq3A_1915 = vector.broadcast %eq3A_1914 : i32 to vector<16xi32>
    %eq3A_1916 = arith.cmpi eq, %iota3A, %eq3A_1915 : vector<16xi32>
    %jit3A_1917 = arith.constant 0 : i32
    %broadcast_in_dim3A_1918 = vector.broadcast %jit3A_1917 : i32 to vector<16xi32>
    %select_n3A_1919 = arith.select %eq3A_1916, %all_reduce_population_count3A_1913, %broadcast_in_dim3A_1918 : vector<16xi1>, vector<16xi32>
    %add3A_1920 = arith.addi %add3A_1888, %select_n3A_1919 : vector<16xi32>
    %eq3A_1921 = arith.constant 6 : i32
    %eq3A_1922 = vector.broadcast %eq3A_1921 : i32 to vector<16xi32>
    %eq3A_1923 = arith.cmpi eq, %get3A_1726, %eq3A_1922 : vector<16xi32>
    %convert_element_type3A_1924 = arith.extui %eq3A_1923 : vector<16xi1> to vector<16xi32>
    %broadcast_in_dim3A_1925 = arith.constant true
    %broadcast_in_dim3A_1926 = vector.broadcast %broadcast_in_dim3A_1925 : i1 to vector<16xi1>
    %masked_cumsum3A_1927 = tpu.scan <sum>, %convert_element_type3A_1924 masked %broadcast_in_dim3A_1926 : vector<16xi32>, vector<16xi1> -> vector<16xi32>
    %iota3A_1928 = tpu.iota {dimensions = array<i32: 0>} : vector<16xi32>
    %eq3A_1929 = arith.constant 6 : i32
    %eq3A_1930 = vector.broadcast %eq3A_1929 : i32 to vector<16xi32>
    %eq3A_1931 = arith.cmpi eq, %iota3A_1928, %eq3A_1930 : vector<16xi32>
    %jit3A_1932 = arith.constant 0 : i32
    %broadcast_in_dim3A_1933 = vector.broadcast %jit3A_1932 : i32 to vector<16xi32>
    %select_n3A_1934 = arith.select %eq3A_1931, %add3A_1920, %broadcast_in_dim3A_1933 : vector<16xi1>, vector<16xi32>
    %reduce_sum3A_1935 = arith.constant true
    %reduce_sum3A_1936 = vector.broadcast %reduce_sum3A_1935 : i1 to vector<16xi1>
    %reduce_sum3A_1937 = tpu.scan <sum>, %select_n3A_1934 masked %reduce_sum3A_1936 : vector<16xi32>, vector<16xi1> -> vector<16xi32>
    %reduce_sum3A_1938 = vector.extract %reduce_sum3A_1937[15] : i32 from vector<16xi32>
    %add3A_1939 = vector.broadcast %reduce_sum3A_1938 : i32 to vector<16xi32>
    %add3A_1940 = arith.addi %add3A_1939, %masked_cumsum3A_1927 : vector<16xi32>
    %sub3A_1941 = arith.constant 1 : i32
    %sub3A_1942 = vector.broadcast %sub3A_1941 : i32 to vector<16xi32>
    %sub3A_1943 = arith.subi %add3A_1940, %sub3A_1942 : vector<16xi32>
    %select_n3A_1944 = arith.select %eq3A_1923, %sub3A_1943, %select_n3A_1912 : vector<16xi1>, vector<16xi32>
    %all_reduce_population_count3A_1945 = tpu.all_reduce %eq3A_1923 {dim = 0 : i64, kind = #tpu.reduction_kind<sum>} : vector<16xi1> -> vector<16xi32>
    %eq3A_1946 = arith.constant 6 : i32
    %eq3A_1947 = vector.broadcast %eq3A_1946 : i32 to vector<16xi32>
    %eq3A_1948 = arith.cmpi eq, %iota3A, %eq3A_1947 : vector<16xi32>
    %jit3A_1949 = arith.constant 0 : i32
    %broadcast_in_dim3A_1950 = vector.broadcast %jit3A_1949 : i32 to vector<16xi32>
    %select_n3A_1951 = arith.select %eq3A_1948, %all_reduce_population_count3A_1945, %broadcast_in_dim3A_1950 : vector<16xi1>, vector<16xi32>
    %add3A_1952 = arith.addi %add3A_1920, %select_n3A_1951 : vector<16xi32>
    %eq3A_1953 = arith.constant 7 : i32
    %eq3A_1954 = vector.broadcast %eq3A_1953 : i32 to vector<16xi32>
    %eq3A_1955 = arith.cmpi eq, %get3A_1726, %eq3A_1954 : vector<16xi32>
    %convert_element_type3A_1956 = arith.extui %eq3A_1955 : vector<16xi1> to vector<16xi32>
    %broadcast_in_dim3A_1957 = arith.constant true
    %broadcast_in_dim3A_1958 = vector.broadcast %broadcast_in_dim3A_1957 : i1 to vector<16xi1>
    %masked_cumsum3A_1959 = tpu.scan <sum>, %convert_element_type3A_1956 masked %broadcast_in_dim3A_1958 : vector<16xi32>, vector<16xi1> -> vector<16xi32>
    %iota3A_1960 = tpu.iota {dimensions = array<i32: 0>} : vector<16xi32>
    %eq3A_1961 = arith.constant 7 : i32
    %eq3A_1962 = vector.broadcast %eq3A_1961 : i32 to vector<16xi32>
    %eq3A_1963 = arith.cmpi eq, %iota3A_1960, %eq3A_1962 : vector<16xi32>
    %jit3A_1964 = arith.constant 0 : i32
    %broadcast_in_dim3A_1965 = vector.broadcast %jit3A_1964 : i32 to vector<16xi32>
    %select_n3A_1966 = arith.select %eq3A_1963, %add3A_1952, %broadcast_in_dim3A_1965 : vector<16xi1>, vector<16xi32>
    %reduce_sum3A_1967 = arith.constant true
    %reduce_sum3A_1968 = vector.broadcast %reduce_sum3A_1967 : i1 to vector<16xi1>
    %reduce_sum3A_1969 = tpu.scan <sum>, %select_n3A_1966 masked %reduce_sum3A_1968 : vector<16xi32>, vector<16xi1> -> vector<16xi32>
    %reduce_sum3A_1970 = vector.extract %reduce_sum3A_1969[15] : i32 from vector<16xi32>
    %add3A_1971 = vector.broadcast %reduce_sum3A_1970 : i32 to vector<16xi32>
    %add3A_1972 = arith.addi %add3A_1971, %masked_cumsum3A_1959 : vector<16xi32>
    %sub3A_1973 = arith.constant 1 : i32
    %sub3A_1974 = vector.broadcast %sub3A_1973 : i32 to vector<16xi32>
    %sub3A_1975 = arith.subi %add3A_1972, %sub3A_1974 : vector<16xi32>
    %select_n3A_1976 = arith.select %eq3A_1955, %sub3A_1975, %select_n3A_1944 : vector<16xi1>, vector<16xi32>
    %all_reduce_population_count3A_1977 = tpu.all_reduce %eq3A_1955 {dim = 0 : i64, kind = #tpu.reduction_kind<sum>} : vector<16xi1> -> vector<16xi32>
    %eq3A_1978 = arith.constant 7 : i32
    %eq3A_1979 = vector.broadcast %eq3A_1978 : i32 to vector<16xi32>
    %eq3A_1980 = arith.cmpi eq, %iota3A, %eq3A_1979 : vector<16xi32>
    %jit3A_1981 = arith.constant 0 : i32
    %broadcast_in_dim3A_1982 = vector.broadcast %jit3A_1981 : i32 to vector<16xi32>
    %select_n3A_1983 = arith.select %eq3A_1980, %all_reduce_population_count3A_1977, %broadcast_in_dim3A_1982 : vector<16xi1>, vector<16xi32>
    %add3A_1984 = arith.addi %add3A_1952, %select_n3A_1983 : vector<16xi32>
    %swap3A_1985 = arith.constant 16 : index
    %swap3A_1986 = tpu.vector_load %arg13[%swap3A_1985] {strides = array<i32>} : memref<64xi32, #tpu.memory_space<vmem>>, vector<16xi32>,
    tpu.vector_store %arg13[%swap3A_1985], %select_n3A_1976 {strides = array<i32>} : memref<64xi32, #tpu.memory_space<vmem>>, vector<16xi32>,
    %dma_start3A_1987 = arith.constant 16 : i32
    %dma_start3A_1988 = arith.constant 0 : i32
    %dma_start3A_1989 = tpu.memref_slice %arg15[%dma_start3A_1987, %dma_start3A_1988] : memref<64x768xf32, #tpu.memory_space<vmem>> -> memref<16x768xf32, #tpu.memory_space<vmem>>
    %dma_start3A_1990 = arith.constant 0 : i32
    %dma_start3A_1991 = arith.constant 0 : i32
    %dma_start3A_1992 = tpu.memref_slice %arg6[%dma_start3A_1990, %dma_start3A_1991] : memref<5120x768xf32, #tpu.memory_space<hbm>> -> memref<5120x768xf32, #tpu.memory_space<hbm>>
    tpu.enqueue_indirect_dma source(%dma_start3A_1989 : memref<16x768xf32, #tpu.memory_space<vmem>>) target(%dma_start3A_1992 : memref<5120x768xf32, #tpu.memory_space<hbm>>) offsets(%select_n3A_1976 : vector<16xi32>) semaphore(%arg17 : memref<!tpu.dma_semaphore, #tpu.memory_space<semaphore_mem>>)
    %dma_wait3A_1993 = arith.constant 16 : i32
    %dma_wait3A_1994 = arith.constant 0 : i32
    %dma_wait3A_1995 = tpu.memref_slice %arg15[%dma_wait3A_1993, %dma_wait3A_1994] : memref<64x768xf32, #tpu.memory_space<vmem>> -> memref<16x768xf32, #tpu.memory_space<vmem>>
    %dma_wait3A_1996 = arith.constant 0 : i32
    %dma_wait3A_1997 = arith.constant 0 : i32
    %dma_wait3A_1998 = tpu.memref_slice %arg6[%dma_wait3A_1996, %dma_wait3A_1997] : memref<5120x768xf32, #tpu.memory_space<hbm>> -> memref<5120x768xf32, #tpu.memory_space<hbm>>
    tpu.wait_indirect_dma semaphore(%arg17 : memref<!tpu.dma_semaphore, #tpu.memory_space<semaphore_mem>>) src(%dma_wait3A_1995 : memref<16x768xf32, #tpu.memory_space<vmem>>) dst(%dma_wait3A_1998 : memref<5120x768xf32, #tpu.memory_space<hbm>>)
    %get3A_1999 = arith.constant 32 : index
    %get3A_2000 = tpu.vector_load %arg11[%get3A_1999] {strides = array<i32>} : memref<64xi32, #tpu.memory_space<vmem>>, vector<16xi32>,
    %broadcast_in_dim3A_2001 = arith.constant 0 : i32
    %broadcast_in_dim3A_2002 = vector.broadcast %broadcast_in_dim3A_2001 : i32 to vector<16xi32>
    %eq3A_2003 = arith.constant 0 : i32
    %eq3A_2004 = vector.broadcast %eq3A_2003 : i32 to vector<16xi32>
    %eq3A_2005 = arith.cmpi eq, %get3A_2000, %eq3A_2004 : vector<16xi32>
    %convert_element_type3A_2006 = arith.extui %eq3A_2005 : vector<16xi1> to vector<16xi32>
    %broadcast_in_dim3A_2007 = arith.constant true
    %broadcast_in_dim3A_2008 = vector.broadcast %broadcast_in_dim3A_2007 : i1 to vector<16xi1>
    %masked_cumsum3A_2009 = tpu.scan <sum>, %convert_element_type3A_2006 masked %broadcast_in_dim3A_2008 : vector<16xi32>, vector<16xi1> -> vector<16xi32>
    %iota3A_2010 = tpu.iota {dimensions = array<i32: 0>} : vector<16xi32>
    %eq3A_2011 = arith.constant 0 : i32
    %eq3A_2012 = vector.broadcast %eq3A_2011 : i32 to vector<16xi32>
    %eq3A_2013 = arith.cmpi eq, %iota3A_2010, %eq3A_2012 : vector<16xi32>
    %jit3A_2014 = arith.constant 0 : i32
    %broadcast_in_dim3A_2015 = vector.broadcast %jit3A_2014 : i32 to vector<16xi32>
    %select_n3A_2016 = arith.select %eq3A_2013, %add3A_1984, %broadcast_in_dim3A_2015 : vector<16xi1>, vector<16xi32>
    %reduce_sum3A_2017 = arith.constant true
    %reduce_sum3A_2018 = vector.broadcast %reduce_sum3A_2017 : i1 to vector<16xi1>
    %reduce_sum3A_2019 = tpu.scan <sum>, %select_n3A_2016 masked %reduce_sum3A_2018 : vector<16xi32>, vector<16xi1> -> vector<16xi32>
    %reduce_sum3A_2020 = vector.extract %reduce_sum3A_2019[15] : i32 from vector<16xi32>
    %add3A_2021 = vector.broadcast %reduce_sum3A_2020 : i32 to vector<16xi32>
    %add3A_2022 = arith.addi %add3A_2021, %masked_cumsum3A_2009 : vector<16xi32>
    %sub3A_2023 = arith.constant 1 : i32
    %sub3A_2024 = vector.broadcast %sub3A_2023 : i32 to vector<16xi32>
    %sub3A_2025 = arith.subi %add3A_2022, %sub3A_2024 : vector<16xi32>
    %select_n3A_2026 = arith.select %eq3A_2005, %sub3A_2025, %broadcast_in_dim3A_2002 : vector<16xi1>, vector<16xi32>
    %all_reduce_population_count3A_2027 = tpu.all_reduce %eq3A_2005 {dim = 0 : i64, kind = #tpu.reduction_kind<sum>} : vector<16xi1> -> vector<16xi32>
    %eq3A_2028 = arith.constant 0 : i32
    %eq3A_2029 = vector.broadcast %eq3A_2028 : i32 to vector<16xi32>
    %eq3A_2030 = arith.cmpi eq, %iota3A, %eq3A_2029 : vector<16xi32>
    %jit3A_2031 = arith.constant 0 : i32
    %broadcast_in_dim3A_2032 = vector.broadcast %jit3A_2031 : i32 to vector<16xi32>
    %select_n3A_2033 = arith.select %eq3A_2030, %all_reduce_population_count3A_2027, %broadcast_in_dim3A_2032 : vector<16xi1>, vector<16xi32>
    %add3A_2034 = arith.addi %add3A_1984, %select_n3A_2033 : vector<16xi32>
    %eq3A_2035 = arith.constant 1 : i32
    %eq3A_2036 = vector.broadcast %eq3A_2035 : i32 to vector<16xi32>
    %eq3A_2037 = arith.cmpi eq, %get3A_2000, %eq3A_2036 : vector<16xi32>
    %convert_element_type3A_2038 = arith.extui %eq3A_2037 : vector<16xi1> to vector<16xi32>
    %broadcast_in_dim3A_2039 = arith.constant true
    %broadcast_in_dim3A_2040 = vector.broadcast %broadcast_in_dim3A_2039 : i1 to vector<16xi1>
    %masked_cumsum3A_2041 = tpu.scan <sum>, %convert_element_type3A_2038 masked %broadcast_in_dim3A_2040 : vector<16xi32>, vector<16xi1> -> vector<16xi32>
    %iota3A_2042 = tpu.iota {dimensions = array<i32: 0>} : vector<16xi32>
    %eq3A_2043 = arith.constant 1 : i32
    %eq3A_2044 = vector.broadcast %eq3A_2043 : i32 to vector<16xi32>
    %eq3A_2045 = arith.cmpi eq, %iota3A_2042, %eq3A_2044 : vector<16xi32>
    %jit3A_2046 = arith.constant 0 : i32
    %broadcast_in_dim3A_2047 = vector.broadcast %jit3A_2046 : i32 to vector<16xi32>
    %select_n3A_2048 = arith.select %eq3A_2045, %add3A_2034, %broadcast_in_dim3A_2047 : vector<16xi1>, vector<16xi32>
    %reduce_sum3A_2049 = arith.constant true
    %reduce_sum3A_2050 = vector.broadcast %reduce_sum3A_2049 : i1 to vector<16xi1>
    %reduce_sum3A_2051 = tpu.scan <sum>, %select_n3A_2048 masked %reduce_sum3A_2050 : vector<16xi32>, vector<16xi1> -> vector<16xi32>
    %reduce_sum3A_2052 = vector.extract %reduce_sum3A_2051[15] : i32 from vector<16xi32>
    %add3A_2053 = vector.broadcast %reduce_sum3A_2052 : i32 to vector<16xi32>
    %add3A_2054 = arith.addi %add3A_2053, %masked_cumsum3A_2041 : vector<16xi32>
    %sub3A_2055 = arith.constant 1 : i32
    %sub3A_2056 = vector.broadcast %sub3A_2055 : i32 to vector<16xi32>
    %sub3A_2057 = arith.subi %add3A_2054, %sub3A_2056 : vector<16xi32>
    %select_n3A_2058 = arith.select %eq3A_2037, %sub3A_2057, %select_n3A_2026 : vector<16xi1>, vector<16xi32>
    %all_reduce_population_count3A_2059 = tpu.all_reduce %eq3A_2037 {dim = 0 : i64, kind = #tpu.reduction_kind<sum>} : vector<16xi1> -> vector<16xi32>
    %eq3A_2060 = arith.constant 1 : i32
    %eq3A_2061 = vector.broadcast %eq3A_2060 : i32 to vector<16xi32>
    %eq3A_2062 = arith.cmpi eq, %iota3A, %eq3A_2061 : vector<16xi32>
    %jit3A_2063 = arith.constant 0 : i32
    %broadcast_in_dim3A_2064 = vector.broadcast %jit3A_2063 : i32 to vector<16xi32>
    %select_n3A_2065 = arith.select %eq3A_2062, %all_reduce_population_count3A_2059, %broadcast_in_dim3A_2064 : vector<16xi1>, vector<16xi32>
    %add3A_2066 = arith.addi %add3A_2034, %select_n3A_2065 : vector<16xi32>
    %eq3A_2067 = arith.constant 2 : i32
    %eq3A_2068 = vector.broadcast %eq3A_2067 : i32 to vector<16xi32>
    %eq3A_2069 = arith.cmpi eq, %get3A_2000, %eq3A_2068 : vector<16xi32>
    %convert_element_type3A_2070 = arith.extui %eq3A_2069 : vector<16xi1> to vector<16xi32>
    %broadcast_in_dim3A_2071 = arith.constant true
    %broadcast_in_dim3A_2072 = vector.broadcast %broadcast_in_dim3A_2071 : i1 to vector<16xi1>
    %masked_cumsum3A_2073 = tpu.scan <sum>, %convert_element_type3A_2070 masked %broadcast_in_dim3A_2072 : vector<16xi32>, vector<16xi1> -> vector<16xi32>
    %iota3A_2074 = tpu.iota {dimensions = array<i32: 0>} : vector<16xi32>
    %eq3A_2075 = arith.constant 2 : i32
    %eq3A_2076 = vector.broadcast %eq3A_2075 : i32 to vector<16xi32>
    %eq3A_2077 = arith.cmpi eq, %iota3A_2074, %eq3A_2076 : vector<16xi32>
    %jit3A_2078 = arith.constant 0 : i32
    %broadcast_in_dim3A_2079 = vector.broadcast %jit3A_2078 : i32 to vector<16xi32>
    %select_n3A_2080 = arith.select %eq3A_2077, %add3A_2066, %broadcast_in_dim3A_2079 : vector<16xi1>, vector<16xi32>
    %reduce_sum3A_2081 = arith.constant true
    %reduce_sum3A_2082 = vector.broadcast %reduce_sum3A_2081 : i1 to vector<16xi1>
    %reduce_sum3A_2083 = tpu.scan <sum>, %select_n3A_2080 masked %reduce_sum3A_2082 : vector<16xi32>, vector<16xi1> -> vector<16xi32>
    %reduce_sum3A_2084 = vector.extract %reduce_sum3A_2083[15] : i32 from vector<16xi32>
    %add3A_2085 = vector.broadcast %reduce_sum3A_2084 : i32 to vector<16xi32>
    %add3A_2086 = arith.addi %add3A_2085, %masked_cumsum3A_2073 : vector<16xi32>
    %sub3A_2087 = arith.constant 1 : i32
    %sub3A_2088 = vector.broadcast %sub3A_2087 : i32 to vector<16xi32>
    %sub3A_2089 = arith.subi %add3A_2086, %sub3A_2088 : vector<16xi32>
    %select_n3A_2090 = arith.select %eq3A_2069, %sub3A_2089, %select_n3A_2058 : vector<16xi1>, vector<16xi32>
    %all_reduce_population_count3A_2091 = tpu.all_reduce %eq3A_2069 {dim = 0 : i64, kind = #tpu.reduction_kind<sum>} : vector<16xi1> -> vector<16xi32>
    %eq3A_2092 = arith.constant 2 : i32
    %eq3A_2093 = vector.broadcast %eq3A_2092 : i32 to vector<16xi32>
    %eq3A_2094 = arith.cmpi eq, %iota3A, %eq3A_2093 : vector<16xi32>
    %jit3A_2095 = arith.constant 0 : i32
    %broadcast_in_dim3A_2096 = vector.broadcast %jit3A_2095 : i32 to vector<16xi32>
    %select_n3A_2097 = arith.select %eq3A_2094, %all_reduce_population_count3A_2091, %broadcast_in_dim3A_2096 : vector<16xi1>, vector<16xi32>
    %add3A_2098 = arith.addi %add3A_2066, %select_n3A_2097 : vector<16xi32>
    %eq3A_2099 = arith.constant 3 : i32
    %eq3A_2100 = vector.broadcast %eq3A_2099 : i32 to vector<16xi32>
    %eq3A_2101 = arith.cmpi eq, %get3A_2000, %eq3A_2100 : vector<16xi32>
    %convert_element_type3A_2102 = arith.extui %eq3A_2101 : vector<16xi1> to vector<16xi32>
    %broadcast_in_dim3A_2103 = arith.constant true
    %broadcast_in_dim3A_2104 = vector.broadcast %broadcast_in_dim3A_2103 : i1 to vector<16xi1>
    %masked_cumsum3A_2105 = tpu.scan <sum>, %convert_element_type3A_2102 masked %broadcast_in_dim3A_2104 : vector<16xi32>, vector<16xi1> -> vector<16xi32>
    %iota3A_2106 = tpu.iota {dimensions = array<i32: 0>} : vector<16xi32>
    %eq3A_2107 = arith.constant 3 : i32
    %eq3A_2108 = vector.broadcast %eq3A_2107 : i32 to vector<16xi32>
    %eq3A_2109 = arith.cmpi eq, %iota3A_2106, %eq3A_2108 : vector<16xi32>
    %jit3A_2110 = arith.constant 0 : i32
    %broadcast_in_dim3A_2111 = vector.broadcast %jit3A_2110 : i32 to vector<16xi32>
    %select_n3A_2112 = arith.select %eq3A_2109, %add3A_2098, %broadcast_in_dim3A_2111 : vector<16xi1>, vector<16xi32>
    %reduce_sum3A_2113 = arith.constant true
    %reduce_sum3A_2114 = vector.broadcast %reduce_sum3A_2113 : i1 to vector<16xi1>
    %reduce_sum3A_2115 = tpu.scan <sum>, %select_n3A_2112 masked %reduce_sum3A_2114 : vector<16xi32>, vector<16xi1> -> vector<16xi32>
    %reduce_sum3A_2116 = vector.extract %reduce_sum3A_2115[15] : i32 from vector<16xi32>
    %add3A_2117 = vector.broadcast %reduce_sum3A_2116 : i32 to vector<16xi32>
    %add3A_2118 = arith.addi %add3A_2117, %masked_cumsum3A_2105 : vector<16xi32>
    %sub3A_2119 = arith.constant 1 : i32
    %sub3A_2120 = vector.broadcast %sub3A_2119 : i32 to vector<16xi32>
    %sub3A_2121 = arith.subi %add3A_2118, %sub3A_2120 : vector<16xi32>
    %select_n3A_2122 = arith.select %eq3A_2101, %sub3A_2121, %select_n3A_2090 : vector<16xi1>, vector<16xi32>
    %all_reduce_population_count3A_2123 = tpu.all_reduce %eq3A_2101 {dim = 0 : i64, kind = #tpu.reduction_kind<sum>} : vector<16xi1> -> vector<16xi32>
    %eq3A_2124 = arith.constant 3 : i32
    %eq3A_2125 = vector.broadcast %eq3A_2124 : i32 to vector<16xi32>
    %eq3A_2126 = arith.cmpi eq, %iota3A, %eq3A_2125 : vector<16xi32>
    %jit3A_2127 = arith.constant 0 : i32
    %broadcast_in_dim3A_2128 = vector.broadcast %jit3A_2127 : i32 to vector<16xi32>
    %select_n3A_2129 = arith.select %eq3A_2126, %all_reduce_population_count3A_2123, %broadcast_in_dim3A_2128 : vector<16xi1>, vector<16xi32>
    %add3A_2130 = arith.addi %add3A_2098, %select_n3A_2129 : vector<16xi32>
    %eq3A_2131 = arith.constant 4 : i32
    %eq3A_2132 = vector.broadcast %eq3A_2131 : i32 to vector<16xi32>
    %eq3A_2133 = arith.cmpi eq, %get3A_2000, %eq3A_2132 : vector<16xi32>
    %convert_element_type3A_2134 = arith.extui %eq3A_2133 : vector<16xi1> to vector<16xi32>
    %broadcast_in_dim3A_2135 = arith.constant true
    %broadcast_in_dim3A_2136 = vector.broadcast %broadcast_in_dim3A_2135 : i1 to vector<16xi1>
    %masked_cumsum3A_2137 = tpu.scan <sum>, %convert_element_type3A_2134 masked %broadcast_in_dim3A_2136 : vector<16xi32>, vector<16xi1> -> vector<16xi32>
    %iota3A_2138 = tpu.iota {dimensions = array<i32: 0>} : vector<16xi32>
    %eq3A_2139 = arith.constant 4 : i32
    %eq3A_2140 = vector.broadcast %eq3A_2139 : i32 to vector<16xi32>
    %eq3A_2141 = arith.cmpi eq, %iota3A_2138, %eq3A_2140 : vector<16xi32>
    %jit3A_2142 = arith.constant 0 : i32
    %broadcast_in_dim3A_2143 = vector.broadcast %jit3A_2142 : i32 to vector<16xi32>
    %select_n3A_2144 = arith.select %eq3A_2141, %add3A_2130, %broadcast_in_dim3A_2143 : vector<16xi1>, vector<16xi32>
    %reduce_sum3A_2145 = arith.constant true
    %reduce_sum3A_2146 = vector.broadcast %reduce_sum3A_2145 : i1 to vector<16xi1>
    %reduce_sum3A_2147 = tpu.scan <sum>, %select_n3A_2144 masked %reduce_sum3A_2146 : vector<16xi32>, vector<16xi1> -> vector<16xi32>
    %reduce_sum3A_2148 = vector.extract %reduce_sum3A_2147[15] : i32 from vector<16xi32>
    %add3A_2149 = vector.broadcast %reduce_sum3A_2148 : i32 to vector<16xi32>
    %add3A_2150 = arith.addi %add3A_2149, %masked_cumsum3A_2137 : vector<16xi32>
    %sub3A_2151 = arith.constant 1 : i32
    %sub3A_2152 = vector.broadcast %sub3A_2151 : i32 to vector<16xi32>
    %sub3A_2153 = arith.subi %add3A_2150, %sub3A_2152 : vector<16xi32>
    %select_n3A_2154 = arith.select %eq3A_2133, %sub3A_2153, %select_n3A_2122 : vector<16xi1>, vector<16xi32>
    %all_reduce_population_count3A_2155 = tpu.all_reduce %eq3A_2133 {dim = 0 : i64, kind = #tpu.reduction_kind<sum>} : vector<16xi1> -> vector<16xi32>
    %eq3A_2156 = arith.constant 4 : i32
    %eq3A_2157 = vector.broadcast %eq3A_2156 : i32 to vector<16xi32>
    %eq3A_2158 = arith.cmpi eq, %iota3A, %eq3A_2157 : vector<16xi32>
    %jit3A_2159 = arith.constant 0 : i32
    %broadcast_in_dim3A_2160 = vector.broadcast %jit3A_2159 : i32 to vector<16xi32>
    %select_n3A_2161 = arith.select %eq3A_2158, %all_reduce_population_count3A_2155, %broadcast_in_dim3A_2160 : vector<16xi1>, vector<16xi32>
    %add3A_2162 = arith.addi %add3A_2130, %select_n3A_2161 : vector<16xi32>
    %eq3A_2163 = arith.constant 5 : i32
    %eq3A_2164 = vector.broadcast %eq3A_2163 : i32 to vector<16xi32>
    %eq3A_2165 = arith.cmpi eq, %get3A_2000, %eq3A_2164 : vector<16xi32>
    %convert_element_type3A_2166 = arith.extui %eq3A_2165 : vector<16xi1> to vector<16xi32>
    %broadcast_in_dim3A_2167 = arith.constant true
    %broadcast_in_dim3A_2168 = vector.broadcast %broadcast_in_dim3A_2167 : i1 to vector<16xi1>
    %masked_cumsum3A_2169 = tpu.scan <sum>, %convert_element_type3A_2166 masked %broadcast_in_dim3A_2168 : vector<16xi32>, vector<16xi1> -> vector<16xi32>
    %iota3A_2170 = tpu.iota {dimensions = array<i32: 0>} : vector<16xi32>
    %eq3A_2171 = arith.constant 5 : i32
    %eq3A_2172 = vector.broadcast %eq3A_2171 : i32 to vector<16xi32>
    %eq3A_2173 = arith.cmpi eq, %iota3A_2170, %eq3A_2172 : vector<16xi32>
    %jit3A_2174 = arith.constant 0 : i32
    %broadcast_in_dim3A_2175 = vector.broadcast %jit3A_2174 : i32 to vector<16xi32>
    %select_n3A_2176 = arith.select %eq3A_2173, %add3A_2162, %broadcast_in_dim3A_2175 : vector<16xi1>, vector<16xi32>
    %reduce_sum3A_2177 = arith.constant true
    %reduce_sum3A_2178 = vector.broadcast %reduce_sum3A_2177 : i1 to vector<16xi1>
    %reduce_sum3A_2179 = tpu.scan <sum>, %select_n3A_2176 masked %reduce_sum3A_2178 : vector<16xi32>, vector<16xi1> -> vector<16xi32>
    %reduce_sum3A_2180 = vector.extract %reduce_sum3A_2179[15] : i32 from vector<16xi32>
    %add3A_2181 = vector.broadcast %reduce_sum3A_2180 : i32 to vector<16xi32>
    %add3A_2182 = arith.addi %add3A_2181, %masked_cumsum3A_2169 : vector<16xi32>
    %sub3A_2183 = arith.constant 1 : i32
    %sub3A_2184 = vector.broadcast %sub3A_2183 : i32 to vector<16xi32>
    %sub3A_2185 = arith.subi %add3A_2182, %sub3A_2184 : vector<16xi32>
    %select_n3A_2186 = arith.select %eq3A_2165, %sub3A_2185, %select_n3A_2154 : vector<16xi1>, vector<16xi32>
    %all_reduce_population_count3A_2187 = tpu.all_reduce %eq3A_2165 {dim = 0 : i64, kind = #tpu.reduction_kind<sum>} : vector<16xi1> -> vector<16xi32>
    %eq3A_2188 = arith.constant 5 : i32
    %eq3A_2189 = vector.broadcast %eq3A_2188 : i32 to vector<16xi32>
    %eq3A_2190 = arith.cmpi eq, %iota3A, %eq3A_2189 : vector<16xi32>
    %jit3A_2191 = arith.constant 0 : i32
    %broadcast_in_dim3A_2192 = vector.broadcast %jit3A_2191 : i32 to vector<16xi32>
    %select_n3A_2193 = arith.select %eq3A_2190, %all_reduce_population_count3A_2187, %broadcast_in_dim3A_2192 : vector<16xi1>, vector<16xi32>
    %add3A_2194 = arith.addi %add3A_2162, %select_n3A_2193 : vector<16xi32>
    %eq3A_2195 = arith.constant 6 : i32
    %eq3A_2196 = vector.broadcast %eq3A_2195 : i32 to vector<16xi32>
    %eq3A_2197 = arith.cmpi eq, %get3A_2000, %eq3A_2196 : vector<16xi32>
    %convert_element_type3A_2198 = arith.extui %eq3A_2197 : vector<16xi1> to vector<16xi32>
    %broadcast_in_dim3A_2199 = arith.constant true
    %broadcast_in_dim3A_2200 = vector.broadcast %broadcast_in_dim3A_2199 : i1 to vector<16xi1>
    %masked_cumsum3A_2201 = tpu.scan <sum>, %convert_element_type3A_2198 masked %broadcast_in_dim3A_2200 : vector<16xi32>, vector<16xi1> -> vector<16xi32>
    %iota3A_2202 = tpu.iota {dimensions = array<i32: 0>} : vector<16xi32>
    %eq3A_2203 = arith.constant 6 : i32
    %eq3A_2204 = vector.broadcast %eq3A_2203 : i32 to vector<16xi32>
    %eq3A_2205 = arith.cmpi eq, %iota3A_2202, %eq3A_2204 : vector<16xi32>
    %jit3A_2206 = arith.constant 0 : i32
    %broadcast_in_dim3A_2207 = vector.broadcast %jit3A_2206 : i32 to vector<16xi32>
    %select_n3A_2208 = arith.select %eq3A_2205, %add3A_2194, %broadcast_in_dim3A_2207 : vector<16xi1>, vector<16xi32>
    %reduce_sum3A_2209 = arith.constant true
    %reduce_sum3A_2210 = vector.broadcast %reduce_sum3A_2209 : i1 to vector<16xi1>
    %reduce_sum3A_2211 = tpu.scan <sum>, %select_n3A_2208 masked %reduce_sum3A_2210 : vector<16xi32>, vector<16xi1> -> vector<16xi32>
    %reduce_sum3A_2212 = vector.extract %reduce_sum3A_2211[15] : i32 from vector<16xi32>
    %add3A_2213 = vector.broadcast %reduce_sum3A_2212 : i32 to vector<16xi32>
    %add3A_2214 = arith.addi %add3A_2213, %masked_cumsum3A_2201 : vector<16xi32>
    %sub3A_2215 = arith.constant 1 : i32
    %sub3A_2216 = vector.broadcast %sub3A_2215 : i32 to vector<16xi32>
    %sub3A_2217 = arith.subi %add3A_2214, %sub3A_2216 : vector<16xi32>
    %select_n3A_2218 = arith.select %eq3A_2197, %sub3A_2217, %select_n3A_2186 : vector<16xi1>, vector<16xi32>
    %all_reduce_population_count3A_2219 = tpu.all_reduce %eq3A_2197 {dim = 0 : i64, kind = #tpu.reduction_kind<sum>} : vector<16xi1> -> vector<16xi32>
    %eq3A_2220 = arith.constant 6 : i32
    %eq3A_2221 = vector.broadcast %eq3A_2220 : i32 to vector<16xi32>
    %eq3A_2222 = arith.cmpi eq, %iota3A, %eq3A_2221 : vector<16xi32>
    %jit3A_2223 = arith.constant 0 : i32
    %broadcast_in_dim3A_2224 = vector.broadcast %jit3A_2223 : i32 to vector<16xi32>
    %select_n3A_2225 = arith.select %eq3A_2222, %all_reduce_population_count3A_2219, %broadcast_in_dim3A_2224 : vector<16xi1>, vector<16xi32>
    %add3A_2226 = arith.addi %add3A_2194, %select_n3A_2225 : vector<16xi32>
    %eq3A_2227 = arith.constant 7 : i32
    %eq3A_2228 = vector.broadcast %eq3A_2227 : i32 to vector<16xi32>
    %eq3A_2229 = arith.cmpi eq, %get3A_2000, %eq3A_2228 : vector<16xi32>
    %convert_element_type3A_2230 = arith.extui %eq3A_2229 : vector<16xi1> to vector<16xi32>
    %broadcast_in_dim3A_2231 = arith.constant true
    %broadcast_in_dim3A_2232 = vector.broadcast %broadcast_in_dim3A_2231 : i1 to vector<16xi1>
    %masked_cumsum3A_2233 = tpu.scan <sum>, %convert_element_type3A_2230 masked %broadcast_in_dim3A_2232 : vector<16xi32>, vector<16xi1> -> vector<16xi32>
    %iota3A_2234 = tpu.iota {dimensions = array<i32: 0>} : vector<16xi32>
    %eq3A_2235 = arith.constant 7 : i32
    %eq3A_2236 = vector.broadcast %eq3A_2235 : i32 to vector<16xi32>
    %eq3A_2237 = arith.cmpi eq, %iota3A_2234, %eq3A_2236 : vector<16xi32>
    %jit3A_2238 = arith.constant 0 : i32
    %broadcast_in_dim3A_2239 = vector.broadcast %jit3A_2238 : i32 to vector<16xi32>
    %select_n3A_2240 = arith.select %eq3A_2237, %add3A_2226, %broadcast_in_dim3A_2239 : vector<16xi1>, vector<16xi32>
    %reduce_sum3A_2241 = arith.constant true
    %reduce_sum3A_2242 = vector.broadcast %reduce_sum3A_2241 : i1 to vector<16xi1>
    %reduce_sum3A_2243 = tpu.scan <sum>, %select_n3A_2240 masked %reduce_sum3A_2242 : vector<16xi32>, vector<16xi1> -> vector<16xi32>
    %reduce_sum3A_2244 = vector.extract %reduce_sum3A_2243[15] : i32 from vector<16xi32>
    %add3A_2245 = vector.broadcast %reduce_sum3A_2244 : i32 to vector<16xi32>
    %add3A_2246 = arith.addi %add3A_2245, %masked_cumsum3A_2233 : vector<16xi32>
    %sub3A_2247 = arith.constant 1 : i32
    %sub3A_2248 = vector.broadcast %sub3A_2247 : i32 to vector<16xi32>
    %sub3A_2249 = arith.subi %add3A_2246, %sub3A_2248 : vector<16xi32>
    %select_n3A_2250 = arith.select %eq3A_2229, %sub3A_2249, %select_n3A_2218 : vector<16xi1>, vector<16xi32>
    %all_reduce_population_count3A_2251 = tpu.all_reduce %eq3A_2229 {dim = 0 : i64, kind = #tpu.reduction_kind<sum>} : vector<16xi1> -> vector<16xi32>
    %eq3A_2252 = arith.constant 7 : i32
    %eq3A_2253 = vector.broadcast %eq3A_2252 : i32 to vector<16xi32>
    %eq3A_2254 = arith.cmpi eq, %iota3A, %eq3A_2253 : vector<16xi32>
    %jit3A_2255 = arith.constant 0 : i32
    %broadcast_in_dim3A_2256 = vector.broadcast %jit3A_2255 : i32 to vector<16xi32>
    %select_n3A_2257 = arith.select %eq3A_2254, %all_reduce_population_count3A_2251, %broadcast_in_dim3A_2256 : vector<16xi1>, vector<16xi32>
    %add3A_2258 = arith.addi %add3A_2226, %select_n3A_2257 : vector<16xi32>
    %swap3A_2259 = arith.constant 32 : index
    %swap3A_2260 = tpu.vector_load %arg13[%swap3A_2259] {strides = array<i32>} : memref<64xi32, #tpu.memory_space<vmem>>, vector<16xi32>,
    tpu.vector_store %arg13[%swap3A_2259], %select_n3A_2250 {strides = array<i32>} : memref<64xi32, #tpu.memory_space<vmem>>, vector<16xi32>,
    %dma_start3A_2261 = arith.constant 32 : i32
    %dma_start3A_2262 = arith.constant 0 : i32
    %dma_start3A_2263 = tpu.memref_slice %arg15[%dma_start3A_2261, %dma_start3A_2262] : memref<64x768xf32, #tpu.memory_space<vmem>> -> memref<16x768xf32, #tpu.memory_space<vmem>>
    %dma_start3A_2264 = arith.constant 0 : i32
    %dma_start3A_2265 = arith.constant 0 : i32
    %dma_start3A_2266 = tpu.memref_slice %arg6[%dma_start3A_2264, %dma_start3A_2265] : memref<5120x768xf32, #tpu.memory_space<hbm>> -> memref<5120x768xf32, #tpu.memory_space<hbm>>
    tpu.enqueue_indirect_dma source(%dma_start3A_2263 : memref<16x768xf32, #tpu.memory_space<vmem>>) target(%dma_start3A_2266 : memref<5120x768xf32, #tpu.memory_space<hbm>>) offsets(%select_n3A_2250 : vector<16xi32>) semaphore(%arg17 : memref<!tpu.dma_semaphore, #tpu.memory_space<semaphore_mem>>)
    %dma_wait3A_2267 = arith.constant 32 : i32
    %dma_wait3A_2268 = arith.constant 0 : i32
    %dma_wait3A_2269 = tpu.memref_slice %arg15[%dma_wait3A_2267, %dma_wait3A_2268] : memref<64x768xf32, #tpu.memory_space<vmem>> -> memref<16x768xf32, #tpu.memory_space<vmem>>
    %dma_wait3A_2270 = arith.constant 0 : i32
    %dma_wait3A_2271 = arith.constant 0 : i32
    %dma_wait3A_2272 = tpu.memref_slice %arg6[%dma_wait3A_2270, %dma_wait3A_2271] : memref<5120x768xf32, #tpu.memory_space<hbm>> -> memref<5120x768xf32, #tpu.memory_space<hbm>>
    tpu.wait_indirect_dma semaphore(%arg17 : memref<!tpu.dma_semaphore, #tpu.memory_space<semaphore_mem>>) src(%dma_wait3A_2269 : memref<16x768xf32, #tpu.memory_space<vmem>>) dst(%dma_wait3A_2272 : memref<5120x768xf32, #tpu.memory_space<hbm>>)
    %get3A_2273 = arith.constant 48 : index
    %get3A_2274 = tpu.vector_load %arg11[%get3A_2273] {strides = array<i32>} : memref<64xi32, #tpu.memory_space<vmem>>, vector<16xi32>,
    %broadcast_in_dim3A_2275 = arith.constant 0 : i32
    %broadcast_in_dim3A_2276 = vector.broadcast %broadcast_in_dim3A_2275 : i32 to vector<16xi32>
    %eq3A_2277 = arith.constant 0 : i32
    %eq3A_2278 = vector.broadcast %eq3A_2277 : i32 to vector<16xi32>
    %eq3A_2279 = arith.cmpi eq, %get3A_2274, %eq3A_2278 : vector<16xi32>
    %convert_element_type3A_2280 = arith.extui %eq3A_2279 : vector<16xi1> to vector<16xi32>
    %broadcast_in_dim3A_2281 = arith.constant true
    %broadcast_in_dim3A_2282 = vector.broadcast %broadcast_in_dim3A_2281 : i1 to vector<16xi1>
    %masked_cumsum3A_2283 = tpu.scan <sum>, %convert_element_type3A_2280 masked %broadcast_in_dim3A_2282 : vector<16xi32>, vector<16xi1> -> vector<16xi32>
    %iota3A_2284 = tpu.iota {dimensions = array<i32: 0>} : vector<16xi32>
    %eq3A_2285 = arith.constant 0 : i32
    %eq3A_2286 = vector.broadcast %eq3A_2285 : i32 to vector<16xi32>
    %eq3A_2287 = arith.cmpi eq, %iota3A_2284, %eq3A_2286 : vector<16xi32>
    %jit3A_2288 = arith.constant 0 : i32
    %broadcast_in_dim3A_2289 = vector.broadcast %jit3A_2288 : i32 to vector<16xi32>
    %select_n3A_2290 = arith.select %eq3A_2287, %add3A_2258, %broadcast_in_dim3A_2289 : vector<16xi1>, vector<16xi32>
    %reduce_sum3A_2291 = arith.constant true
    %reduce_sum3A_2292 = vector.broadcast %reduce_sum3A_2291 : i1 to vector<16xi1>
    %reduce_sum3A_2293 = tpu.scan <sum>, %select_n3A_2290 masked %reduce_sum3A_2292 : vector<16xi32>, vector<16xi1> -> vector<16xi32>
    %reduce_sum3A_2294 = vector.extract %reduce_sum3A_2293[15] : i32 from vector<16xi32>
    %add3A_2295 = vector.broadcast %reduce_sum3A_2294 : i32 to vector<16xi32>
    %add3A_2296 = arith.addi %add3A_2295, %masked_cumsum3A_2283 : vector<16xi32>
    %sub3A_2297 = arith.constant 1 : i32
    %sub3A_2298 = vector.broadcast %sub3A_2297 : i32 to vector<16xi32>
    %sub3A_2299 = arith.subi %add3A_2296, %sub3A_2298 : vector<16xi32>
    %select_n3A_2300 = arith.select %eq3A_2279, %sub3A_2299, %broadcast_in_dim3A_2276 : vector<16xi1>, vector<16xi32>
    %all_reduce_population_count3A_2301 = tpu.all_reduce %eq3A_2279 {dim = 0 : i64, kind = #tpu.reduction_kind<sum>} : vector<16xi1> -> vector<16xi32>
    %eq3A_2302 = arith.constant 0 : i32
    %eq3A_2303 = vector.broadcast %eq3A_2302 : i32 to vector<16xi32>
    %eq3A_2304 = arith.cmpi eq, %iota3A, %eq3A_2303 : vector<16xi32>
    %jit3A_2305 = arith.constant 0 : i32
    %broadcast_in_dim3A_2306 = vector.broadcast %jit3A_2305 : i32 to vector<16xi32>
    %select_n3A_2307 = arith.select %eq3A_2304, %all_reduce_population_count3A_2301, %broadcast_in_dim3A_2306 : vector<16xi1>, vector<16xi32>
    %add3A_2308 = arith.addi %add3A_2258, %select_n3A_2307 : vector<16xi32>
    %eq3A_2309 = arith.constant 1 : i32
    %eq3A_2310 = vector.broadcast %eq3A_2309 : i32 to vector<16xi32>
    %eq3A_2311 = arith.cmpi eq, %get3A_2274, %eq3A_2310 : vector<16xi32>
    %convert_element_type3A_2312 = arith.extui %eq3A_2311 : vector<16xi1> to vector<16xi32>
    %broadcast_in_dim3A_2313 = arith.constant true
    %broadcast_in_dim3A_2314 = vector.broadcast %broadcast_in_dim3A_2313 : i1 to vector<16xi1>
    %masked_cumsum3A_2315 = tpu.scan <sum>, %convert_element_type3A_2312 masked %broadcast_in_dim3A_2314 : vector<16xi32>, vector<16xi1> -> vector<16xi32>
    %iota3A_2316 = tpu.iota {dimensions = array<i32: 0>} : vector<16xi32>
    %eq3A_2317 = arith.constant 1 : i32
    %eq3A_2318 = vector.broadcast %eq3A_2317 : i32 to vector<16xi32>
    %eq3A_2319 = arith.cmpi eq, %iota3A_2316, %eq3A_2318 : vector<16xi32>
    %jit3A_2320 = arith.constant 0 : i32
    %broadcast_in_dim3A_2321 = vector.broadcast %jit3A_2320 : i32 to vector<16xi32>
    %select_n3A_2322 = arith.select %eq3A_2319, %add3A_2308, %broadcast_in_dim3A_2321 : vector<16xi1>, vector<16xi32>
    %reduce_sum3A_2323 = arith.constant true
    %reduce_sum3A_2324 = vector.broadcast %reduce_sum3A_2323 : i1 to vector<16xi1>
    %reduce_sum3A_2325 = tpu.scan <sum>, %select_n3A_2322 masked %reduce_sum3A_2324 : vector<16xi32>, vector<16xi1> -> vector<16xi32>
    %reduce_sum3A_2326 = vector.extract %reduce_sum3A_2325[15] : i32 from vector<16xi32>
    %add3A_2327 = vector.broadcast %reduce_sum3A_2326 : i32 to vector<16xi32>
    %add3A_2328 = arith.addi %add3A_2327, %masked_cumsum3A_2315 : vector<16xi32>
    %sub3A_2329 = arith.constant 1 : i32
    %sub3A_2330 = vector.broadcast %sub3A_2329 : i32 to vector<16xi32>
    %sub3A_2331 = arith.subi %add3A_2328, %sub3A_2330 : vector<16xi32>
    %select_n3A_2332 = arith.select %eq3A_2311, %sub3A_2331, %select_n3A_2300 : vector<16xi1>, vector<16xi32>
    %all_reduce_population_count3A_2333 = tpu.all_reduce %eq3A_2311 {dim = 0 : i64, kind = #tpu.reduction_kind<sum>} : vector<16xi1> -> vector<16xi32>
    %eq3A_2334 = arith.constant 1 : i32
    %eq3A_2335 = vector.broadcast %eq3A_2334 : i32 to vector<16xi32>
    %eq3A_2336 = arith.cmpi eq, %iota3A, %eq3A_2335 : vector<16xi32>
    %jit3A_2337 = arith.constant 0 : i32
    %broadcast_in_dim3A_2338 = vector.broadcast %jit3A_2337 : i32 to vector<16xi32>
    %select_n3A_2339 = arith.select %eq3A_2336, %all_reduce_population_count3A_2333, %broadcast_in_dim3A_2338 : vector<16xi1>, vector<16xi32>
    %add3A_2340 = arith.addi %add3A_2308, %select_n3A_2339 : vector<16xi32>
    %eq3A_2341 = arith.constant 2 : i32
    %eq3A_2342 = vector.broadcast %eq3A_2341 : i32 to vector<16xi32>
    %eq3A_2343 = arith.cmpi eq, %get3A_2274, %eq3A_2342 : vector<16xi32>
    %convert_element_type3A_2344 = arith.extui %eq3A_2343 : vector<16xi1> to vector<16xi32>
    %broadcast_in_dim3A_2345 = arith.constant true
    %broadcast_in_dim3A_2346 = vector.broadcast %broadcast_in_dim3A_2345 : i1 to vector<16xi1>
    %masked_cumsum3A_2347 = tpu.scan <sum>, %convert_element_type3A_2344 masked %broadcast_in_dim3A_2346 : vector<16xi32>, vector<16xi1> -> vector<16xi32>
    %iota3A_2348 = tpu.iota {dimensions = array<i32: 0>} : vector<16xi32>
    %eq3A_2349 = arith.constant 2 : i32
    %eq3A_2350 = vector.broadcast %eq3A_2349 : i32 to vector<16xi32>
    %eq3A_2351 = arith.cmpi eq, %iota3A_2348, %eq3A_2350 : vector<16xi32>
    %jit3A_2352 = arith.constant 0 : i32
    %broadcast_in_dim3A_2353 = vector.broadcast %jit3A_2352 : i32 to vector<16xi32>
    %select_n3A_2354 = arith.select %eq3A_2351, %add3A_2340, %broadcast_in_dim3A_2353 : vector<16xi1>, vector<16xi32>
    %reduce_sum3A_2355 = arith.constant true
    %reduce_sum3A_2356 = vector.broadcast %reduce_sum3A_2355 : i1 to vector<16xi1>
    %reduce_sum3A_2357 = tpu.scan <sum>, %select_n3A_2354 masked %reduce_sum3A_2356 : vector<16xi32>, vector<16xi1> -> vector<16xi32>
    %reduce_sum3A_2358 = vector.extract %reduce_sum3A_2357[15] : i32 from vector<16xi32>
    %add3A_2359 = vector.broadcast %reduce_sum3A_2358 : i32 to vector<16xi32>
    %add3A_2360 = arith.addi %add3A_2359, %masked_cumsum3A_2347 : vector<16xi32>
    %sub3A_2361 = arith.constant 1 : i32
    %sub3A_2362 = vector.broadcast %sub3A_2361 : i32 to vector<16xi32>
    %sub3A_2363 = arith.subi %add3A_2360, %sub3A_2362 : vector<16xi32>
    %select_n3A_2364 = arith.select %eq3A_2343, %sub3A_2363, %select_n3A_2332 : vector<16xi1>, vector<16xi32>
    %all_reduce_population_count3A_2365 = tpu.all_reduce %eq3A_2343 {dim = 0 : i64, kind = #tpu.reduction_kind<sum>} : vector<16xi1> -> vector<16xi32>
    %eq3A_2366 = arith.constant 2 : i32
    %eq3A_2367 = vector.broadcast %eq3A_2366 : i32 to vector<16xi32>
    %eq3A_2368 = arith.cmpi eq, %iota3A, %eq3A_2367 : vector<16xi32>
    %jit3A_2369 = arith.constant 0 : i32
    %broadcast_in_dim3A_2370 = vector.broadcast %jit3A_2369 : i32 to vector<16xi32>
    %select_n3A_2371 = arith.select %eq3A_2368, %all_reduce_population_count3A_2365, %broadcast_in_dim3A_2370 : vector<16xi1>, vector<16xi32>
    %add3A_2372 = arith.addi %add3A_2340, %select_n3A_2371 : vector<16xi32>
    %eq3A_2373 = arith.constant 3 : i32
    %eq3A_2374 = vector.broadcast %eq3A_2373 : i32 to vector<16xi32>
    %eq3A_2375 = arith.cmpi eq, %get3A_2274, %eq3A_2374 : vector<16xi32>
    %convert_element_type3A_2376 = arith.extui %eq3A_2375 : vector<16xi1> to vector<16xi32>
    %broadcast_in_dim3A_2377 = arith.constant true
    %broadcast_in_dim3A_2378 = vector.broadcast %broadcast_in_dim3A_2377 : i1 to vector<16xi1>
    %masked_cumsum3A_2379 = tpu.scan <sum>, %convert_element_type3A_2376 masked %broadcast_in_dim3A_2378 : vector<16xi32>, vector<16xi1> -> vector<16xi32>
    %iota3A_2380 = tpu.iota {dimensions = array<i32: 0>} : vector<16xi32>
    %eq3A_2381 = arith.constant 3 : i32
    %eq3A_2382 = vector.broadcast %eq3A_2381 : i32 to vector<16xi32>
    %eq3A_2383 = arith.cmpi eq, %iota3A_2380, %eq3A_2382 : vector<16xi32>
    %jit3A_2384 = arith.constant 0 : i32
    %broadcast_in_dim3A_2385 = vector.broadcast %jit3A_2384 : i32 to vector<16xi32>
    %select_n3A_2386 = arith.select %eq3A_2383, %add3A_2372, %broadcast_in_dim3A_2385 : vector<16xi1>, vector<16xi32>
    %reduce_sum3A_2387 = arith.constant true
    %reduce_sum3A_2388 = vector.broadcast %reduce_sum3A_2387 : i1 to vector<16xi1>
    %reduce_sum3A_2389 = tpu.scan <sum>, %select_n3A_2386 masked %reduce_sum3A_2388 : vector<16xi32>, vector<16xi1> -> vector<16xi32>
    %reduce_sum3A_2390 = vector.extract %reduce_sum3A_2389[15] : i32 from vector<16xi32>
    %add3A_2391 = vector.broadcast %reduce_sum3A_2390 : i32 to vector<16xi32>
    %add3A_2392 = arith.addi %add3A_2391, %masked_cumsum3A_2379 : vector<16xi32>
    %sub3A_2393 = arith.constant 1 : i32
    %sub3A_2394 = vector.broadcast %sub3A_2393 : i32 to vector<16xi32>
    %sub3A_2395 = arith.subi %add3A_2392, %sub3A_2394 : vector<16xi32>
    %select_n3A_2396 = arith.select %eq3A_2375, %sub3A_2395, %select_n3A_2364 : vector<16xi1>, vector<16xi32>
    %all_reduce_population_count3A_2397 = tpu.all_reduce %eq3A_2375 {dim = 0 : i64, kind = #tpu.reduction_kind<sum>} : vector<16xi1> -> vector<16xi32>
    %eq3A_2398 = arith.constant 3 : i32
    %eq3A_2399 = vector.broadcast %eq3A_2398 : i32 to vector<16xi32>
    %eq3A_2400 = arith.cmpi eq, %iota3A, %eq3A_2399 : vector<16xi32>
    %jit3A_2401 = arith.constant 0 : i32
    %broadcast_in_dim3A_2402 = vector.broadcast %jit3A_2401 : i32 to vector<16xi32>
    %select_n3A_2403 = arith.select %eq3A_2400, %all_reduce_population_count3A_2397, %broadcast_in_dim3A_2402 : vector<16xi1>, vector<16xi32>
    %add3A_2404 = arith.addi %add3A_2372, %select_n3A_2403 : vector<16xi32>
    %eq3A_2405 = arith.constant 4 : i32
    %eq3A_2406 = vector.broadcast %eq3A_2405 : i32 to vector<16xi32>
    %eq3A_2407 = arith.cmpi eq, %get3A_2274, %eq3A_2406 : vector<16xi32>
    %convert_element_type3A_2408 = arith.extui %eq3A_2407 : vector<16xi1> to vector<16xi32>
    %broadcast_in_dim3A_2409 = arith.constant true
    %broadcast_in_dim3A_2410 = vector.broadcast %broadcast_in_dim3A_2409 : i1 to vector<16xi1>
    %masked_cumsum3A_2411 = tpu.scan <sum>, %convert_element_type3A_2408 masked %broadcast_in_dim3A_2410 : vector<16xi32>, vector<16xi1> -> vector<16xi32>
    %iota3A_2412 = tpu.iota {dimensions = array<i32: 0>} : vector<16xi32>
    %eq3A_2413 = arith.constant 4 : i32
    %eq3A_2414 = vector.broadcast %eq3A_2413 : i32 to vector<16xi32>
    %eq3A_2415 = arith.cmpi eq, %iota3A_2412, %eq3A_2414 : vector<16xi32>
    %jit3A_2416 = arith.constant 0 : i32
    %broadcast_in_dim3A_2417 = vector.broadcast %jit3A_2416 : i32 to vector<16xi32>
    %select_n3A_2418 = arith.select %eq3A_2415, %add3A_2404, %broadcast_in_dim3A_2417 : vector<16xi1>, vector<16xi32>
    %reduce_sum3A_2419 = arith.constant true
    %reduce_sum3A_2420 = vector.broadcast %reduce_sum3A_2419 : i1 to vector<16xi1>
    %reduce_sum3A_2421 = tpu.scan <sum>, %select_n3A_2418 masked %reduce_sum3A_2420 : vector<16xi32>, vector<16xi1> -> vector<16xi32>
    %reduce_sum3A_2422 = vector.extract %reduce_sum3A_2421[15] : i32 from vector<16xi32>
    %add3A_2423 = vector.broadcast %reduce_sum3A_2422 : i32 to vector<16xi32>
    %add3A_2424 = arith.addi %add3A_2423, %masked_cumsum3A_2411 : vector<16xi32>
    %sub3A_2425 = arith.constant 1 : i32
    %sub3A_2426 = vector.broadcast %sub3A_2425 : i32 to vector<16xi32>
    %sub3A_2427 = arith.subi %add3A_2424, %sub3A_2426 : vector<16xi32>
    %select_n3A_2428 = arith.select %eq3A_2407, %sub3A_2427, %select_n3A_2396 : vector<16xi1>, vector<16xi32>
    %all_reduce_population_count3A_2429 = tpu.all_reduce %eq3A_2407 {dim = 0 : i64, kind = #tpu.reduction_kind<sum>} : vector<16xi1> -> vector<16xi32>
    %eq3A_2430 = arith.constant 4 : i32
    %eq3A_2431 = vector.broadcast %eq3A_2430 : i32 to vector<16xi32>
    %eq3A_2432 = arith.cmpi eq, %iota3A, %eq3A_2431 : vector<16xi32>
    %jit3A_2433 = arith.constant 0 : i32
    %broadcast_in_dim3A_2434 = vector.broadcast %jit3A_2433 : i32 to vector<16xi32>
    %select_n3A_2435 = arith.select %eq3A_2432, %all_reduce_population_count3A_2429, %broadcast_in_dim3A_2434 : vector<16xi1>, vector<16xi32>
    %add3A_2436 = arith.addi %add3A_2404, %select_n3A_2435 : vector<16xi32>
    %eq3A_2437 = arith.constant 5 : i32
    %eq3A_2438 = vector.broadcast %eq3A_2437 : i32 to vector<16xi32>
    %eq3A_2439 = arith.cmpi eq, %get3A_2274, %eq3A_2438 : vector<16xi32>
    %convert_element_type3A_2440 = arith.extui %eq3A_2439 : vector<16xi1> to vector<16xi32>
    %broadcast_in_dim3A_2441 = arith.constant true
    %broadcast_in_dim3A_2442 = vector.broadcast %broadcast_in_dim3A_2441 : i1 to vector<16xi1>
    %masked_cumsum3A_2443 = tpu.scan <sum>, %convert_element_type3A_2440 masked %broadcast_in_dim3A_2442 : vector<16xi32>, vector<16xi1> -> vector<16xi32>
    %iota3A_2444 = tpu.iota {dimensions = array<i32: 0>} : vector<16xi32>
    %eq3A_2445 = arith.constant 5 : i32
    %eq3A_2446 = vector.broadcast %eq3A_2445 : i32 to vector<16xi32>
    %eq3A_2447 = arith.cmpi eq, %iota3A_2444, %eq3A_2446 : vector<16xi32>
    %jit3A_2448 = arith.constant 0 : i32
    %broadcast_in_dim3A_2449 = vector.broadcast %jit3A_2448 : i32 to vector<16xi32>
    %select_n3A_2450 = arith.select %eq3A_2447, %add3A_2436, %broadcast_in_dim3A_2449 : vector<16xi1>, vector<16xi32>
    %reduce_sum3A_2451 = arith.constant true
    %reduce_sum3A_2452 = vector.broadcast %reduce_sum3A_2451 : i1 to vector<16xi1>
    %reduce_sum3A_2453 = tpu.scan <sum>, %select_n3A_2450 masked %reduce_sum3A_2452 : vector<16xi32>, vector<16xi1> -> vector<16xi32>
    %reduce_sum3A_2454 = vector.extract %reduce_sum3A_2453[15] : i32 from vector<16xi32>
    %add3A_2455 = vector.broadcast %reduce_sum3A_2454 : i32 to vector<16xi32>
    %add3A_2456 = arith.addi %add3A_2455, %masked_cumsum3A_2443 : vector<16xi32>
    %sub3A_2457 = arith.constant 1 : i32
    %sub3A_2458 = vector.broadcast %sub3A_2457 : i32 to vector<16xi32>
    %sub3A_2459 = arith.subi %add3A_2456, %sub3A_2458 : vector<16xi32>
    %select_n3A_2460 = arith.select %eq3A_2439, %sub3A_2459, %select_n3A_2428 : vector<16xi1>, vector<16xi32>
    %all_reduce_population_count3A_2461 = tpu.all_reduce %eq3A_2439 {dim = 0 : i64, kind = #tpu.reduction_kind<sum>} : vector<16xi1> -> vector<16xi32>
    %eq3A_2462 = arith.constant 5 : i32
    %eq3A_2463 = vector.broadcast %eq3A_2462 : i32 to vector<16xi32>
    %eq3A_2464 = arith.cmpi eq, %iota3A, %eq3A_2463 : vector<16xi32>
    %jit3A_2465 = arith.constant 0 : i32
    %broadcast_in_dim3A_2466 = vector.broadcast %jit3A_2465 : i32 to vector<16xi32>
    %select_n3A_2467 = arith.select %eq3A_2464, %all_reduce_population_count3A_2461, %broadcast_in_dim3A_2466 : vector<16xi1>, vector<16xi32>
    %add3A_2468 = arith.addi %add3A_2436, %select_n3A_2467 : vector<16xi32>
    %eq3A_2469 = arith.constant 6 : i32
    %eq3A_2470 = vector.broadcast %eq3A_2469 : i32 to vector<16xi32>
    %eq3A_2471 = arith.cmpi eq, %get3A_2274, %eq3A_2470 : vector<16xi32>
    %convert_element_type3A_2472 = arith.extui %eq3A_2471 : vector<16xi1> to vector<16xi32>
    %broadcast_in_dim3A_2473 = arith.constant true
    %broadcast_in_dim3A_2474 = vector.broadcast %broadcast_in_dim3A_2473 : i1 to vector<16xi1>
    %masked_cumsum3A_2475 = tpu.scan <sum>, %convert_element_type3A_2472 masked %broadcast_in_dim3A_2474 : vector<16xi32>, vector<16xi1> -> vector<16xi32>
    %iota3A_2476 = tpu.iota {dimensions = array<i32: 0>} : vector<16xi32>
    %eq3A_2477 = arith.constant 6 : i32
    %eq3A_2478 = vector.broadcast %eq3A_2477 : i32 to vector<16xi32>
    %eq3A_2479 = arith.cmpi eq, %iota3A_2476, %eq3A_2478 : vector<16xi32>
    %jit3A_2480 = arith.constant 0 : i32
    %broadcast_in_dim3A_2481 = vector.broadcast %jit3A_2480 : i32 to vector<16xi32>
    %select_n3A_2482 = arith.select %eq3A_2479, %add3A_2468, %broadcast_in_dim3A_2481 : vector<16xi1>, vector<16xi32>
    %reduce_sum3A_2483 = arith.constant true
    %reduce_sum3A_2484 = vector.broadcast %reduce_sum3A_2483 : i1 to vector<16xi1>
    %reduce_sum3A_2485 = tpu.scan <sum>, %select_n3A_2482 masked %reduce_sum3A_2484 : vector<16xi32>, vector<16xi1> -> vector<16xi32>
    %reduce_sum3A_2486 = vector.extract %reduce_sum3A_2485[15] : i32 from vector<16xi32>
    %add3A_2487 = vector.broadcast %reduce_sum3A_2486 : i32 to vector<16xi32>
    %add3A_2488 = arith.addi %add3A_2487, %masked_cumsum3A_2475 : vector<16xi32>
    %sub3A_2489 = arith.constant 1 : i32
    %sub3A_2490 = vector.broadcast %sub3A_2489 : i32 to vector<16xi32>
    %sub3A_2491 = arith.subi %add3A_2488, %sub3A_2490 : vector<16xi32>
    %select_n3A_2492 = arith.select %eq3A_2471, %sub3A_2491, %select_n3A_2460 : vector<16xi1>, vector<16xi32>
    %all_reduce_population_count3A_2493 = tpu.all_reduce %eq3A_2471 {dim = 0 : i64, kind = #tpu.reduction_kind<sum>} : vector<16xi1> -> vector<16xi32>
    %eq3A_2494 = arith.constant 6 : i32
    %eq3A_2495 = vector.broadcast %eq3A_2494 : i32 to vector<16xi32>
    %eq3A_2496 = arith.cmpi eq, %iota3A, %eq3A_2495 : vector<16xi32>
    %jit3A_2497 = arith.constant 0 : i32
    %broadcast_in_dim3A_2498 = vector.broadcast %jit3A_2497 : i32 to vector<16xi32>
    %select_n3A_2499 = arith.select %eq3A_2496, %all_reduce_population_count3A_2493, %broadcast_in_dim3A_2498 : vector<16xi1>, vector<16xi32>
    %add3A_2500 = arith.addi %add3A_2468, %select_n3A_2499 : vector<16xi32>
    %eq3A_2501 = arith.constant 7 : i32
    %eq3A_2502 = vector.broadcast %eq3A_2501 : i32 to vector<16xi32>
    %eq3A_2503 = arith.cmpi eq, %get3A_2274, %eq3A_2502 : vector<16xi32>
    %convert_element_type3A_2504 = arith.extui %eq3A_2503 : vector<16xi1> to vector<16xi32>
    %broadcast_in_dim3A_2505 = arith.constant true
    %broadcast_in_dim3A_2506 = vector.broadcast %broadcast_in_dim3A_2505 : i1 to vector<16xi1>
    %masked_cumsum3A_2507 = tpu.scan <sum>, %convert_element_type3A_2504 masked %broadcast_in_dim3A_2506 : vector<16xi32>, vector<16xi1> -> vector<16xi32>
    %iota3A_2508 = tpu.iota {dimensions = array<i32: 0>} : vector<16xi32>
    %eq3A_2509 = arith.constant 7 : i32
    %eq3A_2510 = vector.broadcast %eq3A_2509 : i32 to vector<16xi32>
    %eq3A_2511 = arith.cmpi eq, %iota3A_2508, %eq3A_2510 : vector<16xi32>
    %jit3A_2512 = arith.constant 0 : i32
    %broadcast_in_dim3A_2513 = vector.broadcast %jit3A_2512 : i32 to vector<16xi32>
    %select_n3A_2514 = arith.select %eq3A_2511, %add3A_2500, %broadcast_in_dim3A_2513 : vector<16xi1>, vector<16xi32>
    %reduce_sum3A_2515 = arith.constant true
    %reduce_sum3A_2516 = vector.broadcast %reduce_sum3A_2515 : i1 to vector<16xi1>
    %reduce_sum3A_2517 = tpu.scan <sum>, %select_n3A_2514 masked %reduce_sum3A_2516 : vector<16xi32>, vector<16xi1> -> vector<16xi32>
    %reduce_sum3A_2518 = vector.extract %reduce_sum3A_2517[15] : i32 from vector<16xi32>
    %add3A_2519 = vector.broadcast %reduce_sum3A_2518 : i32 to vector<16xi32>
    %add3A_2520 = arith.addi %add3A_2519, %masked_cumsum3A_2507 : vector<16xi32>
    %sub3A_2521 = arith.constant 1 : i32
    %sub3A_2522 = vector.broadcast %sub3A_2521 : i32 to vector<16xi32>
    %sub3A_2523 = arith.subi %add3A_2520, %sub3A_2522 : vector<16xi32>
    %select_n3A_2524 = arith.select %eq3A_2503, %sub3A_2523, %select_n3A_2492 : vector<16xi1>, vector<16xi32>
    %all_reduce_population_count3A_2525 = tpu.all_reduce %eq3A_2503 {dim = 0 : i64, kind = #tpu.reduction_kind<sum>} : vector<16xi1> -> vector<16xi32>
    %eq3A_2526 = arith.constant 7 : i32
    %eq3A_2527 = vector.broadcast %eq3A_2526 : i32 to vector<16xi32>
    %eq3A_2528 = arith.cmpi eq, %iota3A, %eq3A_2527 : vector<16xi32>
    %jit3A_2529 = arith.constant 0 : i32
    %broadcast_in_dim3A_2530 = vector.broadcast %jit3A_2529 : i32 to vector<16xi32>
    %select_n3A_2531 = arith.select %eq3A_2528, %all_reduce_population_count3A_2525, %broadcast_in_dim3A_2530 : vector<16xi1>, vector<16xi32>
    %add3A_2532 = arith.addi %add3A_2500, %select_n3A_2531 : vector<16xi32>
    %swap3A_2533 = arith.constant 48 : index
    %swap3A_2534 = tpu.vector_load %arg13[%swap3A_2533] {strides = array<i32>} : memref<64xi32, #tpu.memory_space<vmem>>, vector<16xi32>,
    tpu.vector_store %arg13[%swap3A_2533], %select_n3A_2524 {strides = array<i32>} : memref<64xi32, #tpu.memory_space<vmem>>, vector<16xi32>,
    %dma_start3A_2535 = arith.constant 48 : i32
    %dma_start3A_2536 = arith.constant 0 : i32
    %dma_start3A_2537 = tpu.memref_slice %arg15[%dma_start3A_2535, %dma_start3A_2536] : memref<64x768xf32, #tpu.memory_space<vmem>> -> memref<16x768xf32, #tpu.memory_space<vmem>>
    %dma_start3A_2538 = arith.constant 0 : i32
    %dma_start3A_2539 = arith.constant 0 : i32
    %dma_start3A_2540 = tpu.memref_slice %arg6[%dma_start3A_2538, %dma_start3A_2539] : memref<5120x768xf32, #tpu.memory_space<hbm>> -> memref<5120x768xf32, #tpu.memory_space<hbm>>
    tpu.enqueue_indirect_dma source(%dma_start3A_2537 : memref<16x768xf32, #tpu.memory_space<vmem>>) target(%dma_start3A_2540 : memref<5120x768xf32, #tpu.memory_space<hbm>>) offsets(%select_n3A_2524 : vector<16xi32>) semaphore(%arg17 : memref<!tpu.dma_semaphore, #tpu.memory_space<semaphore_mem>>)
    %dma_wait3A_2541 = arith.constant 48 : i32
    %dma_wait3A_2542 = arith.constant 0 : i32
    %dma_wait3A_2543 = tpu.memref_slice %arg15[%dma_wait3A_2541, %dma_wait3A_2542] : memref<64x768xf32, #tpu.memory_space<vmem>> -> memref<16x768xf32, #tpu.memory_space<vmem>>
    %dma_wait3A_2544 = arith.constant 0 : i32
    %dma_wait3A_2545 = arith.constant 0 : i32
    %dma_wait3A_2546 = tpu.memref_slice %arg6[%dma_wait3A_2544, %dma_wait3A_2545] : memref<5120x768xf32, #tpu.memory_space<hbm>> -> memref<5120x768xf32, #tpu.memory_space<hbm>>
    tpu.wait_indirect_dma semaphore(%arg17 : memref<!tpu.dma_semaphore, #tpu.memory_space<semaphore_mem>>) src(%dma_wait3A_2543 : memref<16x768xf32, #tpu.memory_space<vmem>>) dst(%dma_wait3A_2546 : memref<5120x768xf32, #tpu.memory_space<hbm>>)
    "tpu.region"() ({
      %run_scoped3A = tpu.sem_alloc : memref<!tpu.dma_semaphore, #tpu.memory_space<semaphore_mem>>
      %dma_start3A_2549 = tpu.memref_slice %arg8[%mul3A_2] : memref<2048xi32, #tpu.memory_space<hbm>> -> memref<64xi32, #tpu.memory_space<hbm>>
      %dma_start3A_2550 = tpu.memref_slice %arg8[%mul3A_2] : memref<2048xi32, #tpu.memory_space<hbm>> -> memref<64xi32, #tpu.memory_space<hbm>>
      tpu.enqueue_dma source(%arg12 : memref<64xi32, #tpu.memory_space<vmem>>) target(%dma_start3A_2550 : memref<64xi32, #tpu.memory_space<hbm>>) target_semaphore(%run_scoped3A : memref<!tpu.dma_semaphore, #tpu.memory_space<semaphore_mem>>)
      %dma_wait3A_2551 = tpu.memref_slice %arg8[%mul3A_2] : memref<2048xi32, #tpu.memory_space<hbm>> -> memref<64xi32, #tpu.memory_space<hbm>>
      %dma_wait3A_2552 = tpu.memref_slice %arg8[%mul3A_2] : memref<2048xi32, #tpu.memory_space<hbm>> -> memref<64xi32, #tpu.memory_space<hbm>>
      tpu.wait_dma2 semaphore(%run_scoped3A : memref<!tpu.dma_semaphore, #tpu.memory_space<semaphore_mem>>) src(%arg12 : memref<64xi32, #tpu.memory_space<vmem>>) dst(%dma_wait3A_2552 : memref<64xi32, #tpu.memory_space<hbm>>)
      tpu.yield
    }) : () -> ()
    "tpu.region"() ({
      %run_scoped3A = tpu.sem_alloc : memref<!tpu.dma_semaphore, #tpu.memory_space<semaphore_mem>>
      %dma_start3A_2549 = tpu.memref_slice %arg9[%mul3A_2] : memref<2048xi32, #tpu.memory_space<hbm>> -> memref<64xi32, #tpu.memory_space<hbm>>
      %dma_start3A_2550 = tpu.memref_slice %arg9[%mul3A_2] : memref<2048xi32, #tpu.memory_space<hbm>> -> memref<64xi32, #tpu.memory_space<hbm>>
      tpu.enqueue_dma source(%arg13 : memref<64xi32, #tpu.memory_space<vmem>>) target(%dma_start3A_2550 : memref<64xi32, #tpu.memory_space<hbm>>) target_semaphore(%run_scoped3A : memref<!tpu.dma_semaphore, #tpu.memory_space<semaphore_mem>>)
      %dma_wait3A_2551 = tpu.memref_slice %arg9[%mul3A_2] : memref<2048xi32, #tpu.memory_space<hbm>> -> memref<64xi32, #tpu.memory_space<hbm>>
      %dma_wait3A_2552 = tpu.memref_slice %arg9[%mul3A_2] : memref<2048xi32, #tpu.memory_space<hbm>> -> memref<64xi32, #tpu.memory_space<hbm>>
      tpu.wait_dma2 semaphore(%run_scoped3A : memref<!tpu.dma_semaphore, #tpu.memory_space<semaphore_mem>>) src(%arg13 : memref<64xi32, #tpu.memory_space<vmem>>) dst(%dma_wait3A_2552 : memref<64xi32, #tpu.memory_space<hbm>>)
      tpu.yield
    }) : () -> ()
    %swap3A_2547 = arith.constant 0 : index
    %swap3A_2548 = tpu.vector_load %arg16[%swap3A_2547] {strides = array<i32>} : memref<16xi32, #tpu.memory_space<vmem>>, vector<16xi32>,
    tpu.vector_store %arg16[%swap3A_2547], %and3A_358 {strides = array<i32>} : memref<16xi32, #tpu.memory_space<vmem>>, vector<16xi32>,
    "tpu.region"() ({
      %run_scoped3A = tpu.sem_alloc : memref<!tpu.dma_semaphore, #tpu.memory_space<semaphore_mem>>
      %dma_start3A_2549 = arith.constant 0 : i32
      %dma_start3A_2550 = tpu.memref_slice %arg7[%add3A, %dma_start3A_2549] : memref<32x16xi32, #tpu.memory_space<hbm>> -> memref<1x16xi32, #tpu.memory_space<hbm>>
      %dma_start3A_2551 = tpu.memref_squeeze %dma_start3A_2550 : memref<1x16xi32, #tpu.memory_space<hbm>> -> memref<16xi32, #tpu.memory_space<hbm>>
      %dma_start3A_2552 = arith.constant 0 : i32
      %dma_start3A_2553 = tpu.memref_slice %arg7[%add3A, %dma_start3A_2552] : memref<32x16xi32, #tpu.memory_space<hbm>> -> memref<1x16xi32, #tpu.memory_space<hbm>>
      %dma_start3A_2554 = tpu.memref_squeeze %dma_start3A_2553 : memref<1x16xi32, #tpu.memory_space<hbm>> -> memref<16xi32, #tpu.memory_space<hbm>>
      tpu.enqueue_dma source(%arg16 : memref<16xi32, #tpu.memory_space<vmem>>) target(%dma_start3A_2554 : memref<16xi32, #tpu.memory_space<hbm>>) target_semaphore(%run_scoped3A : memref<!tpu.dma_semaphore, #tpu.memory_space<semaphore_mem>>)
      %dma_wait3A_2555 = arith.constant 0 : i32
      %dma_wait3A_2556 = tpu.memref_slice %arg7[%add3A, %dma_wait3A_2555] : memref<32x16xi32, #tpu.memory_space<hbm>> -> memref<1x16xi32, #tpu.memory_space<hbm>>
      %dma_wait3A_2557 = tpu.memref_squeeze %dma_wait3A_2556 : memref<1x16xi32, #tpu.memory_space<hbm>> -> memref<16xi32, #tpu.memory_space<hbm>>
      %dma_wait3A_2558 = arith.constant 0 : i32
      %dma_wait3A_2559 = tpu.memref_slice %arg7[%add3A, %dma_wait3A_2558] : memref<32x16xi32, #tpu.memory_space<hbm>> -> memref<1x16xi32, #tpu.memory_space<hbm>>
      %dma_wait3A_2560 = tpu.memref_squeeze %dma_wait3A_2559 : memref<1x16xi32, #tpu.memory_space<hbm>> -> memref<16xi32, #tpu.memory_space<hbm>>
      tpu.wait_dma2 semaphore(%run_scoped3A : memref<!tpu.dma_semaphore, #tpu.memory_space<semaphore_mem>>) src(%arg16 : memref<16xi32, #tpu.memory_space<vmem>>) dst(%dma_wait3A_2560 : memref<16xi32, #tpu.memory_space<hbm>>)
      tpu.yield
    }) : () -> ()
    return
  }
}

#map = affine_map<(d0, d1) -> (0, 0)>
#map1 = affine_map<(d0, d1) -> (0)>
module attributes {stable_mosaic.version = 14 : i64} {
  func.func @_gather_body(%arg0: i32, %arg1: i32, %arg2: memref<5120x768xf32, #tpu.memory_space<hbm>>, %arg3: memref<2048xi32, #tpu.memory_space<hbm>>, %arg4: memref<2048xi32, #tpu.memory_space<hbm>>, %arg5: memref<2048x768xf32, #tpu.memory_space<hbm>>, %arg6: memref<2048x768xf32, #tpu.memory_space<hbm>>, %arg7: memref<64xi32, #tpu.memory_space<vmem>>, %arg8: memref<64xi32, #tpu.memory_space<vmem>>, %arg9: memref<64x768xf32, #tpu.memory_space<vmem>>, %arg10: memref<64x768xf32, #tpu.memory_space<vmem>>, %arg11: memref<!tpu.dma_semaphore, #tpu.memory_space<semaphore_mem>>) attributes {dimension_semantics = [#tpu.dimension_semantics<core_parallel>, #tpu.dimension_semantics<subcore_parallel>], iteration_bounds = array<i64: 2, 16>, scalar_prefetch = 0 : i64, scratch_operands = 5 : i64, tpu.core_type = #tpu.core_type<sc_vector_subcore>, window_params = [{transform_indices = #map}, {transform_indices = #map1}, {transform_indices = #map1}, {transform_indices = #map}, {transform_indices = #map}]} {
    %mul3A = arith.constant 2 : i32
    %mul3A_0 = arith.muli %arg1, %mul3A : i32
    %add3A = arith.addi %mul3A_0, %arg0 : i32
    %mul3A_1 = arith.constant 64 : i32
    %mul3A_2 = arith.muli %add3A, %mul3A_1 : i32
    "tpu.region"() ({
      %run_scoped3A = tpu.sem_alloc : memref<!tpu.dma_semaphore, #tpu.memory_space<semaphore_mem>>
      %dma_start3A_13 = tpu.memref_slice %arg3[%mul3A_2] : memref<2048xi32, #tpu.memory_space<hbm>> -> memref<64xi32, #tpu.memory_space<hbm>>
      %dma_start3A_14 = tpu.memref_slice %arg3[%mul3A_2] : memref<2048xi32, #tpu.memory_space<hbm>> -> memref<64xi32, #tpu.memory_space<hbm>>
      tpu.enqueue_dma source(%dma_start3A_14 : memref<64xi32, #tpu.memory_space<hbm>>) target(%arg7 : memref<64xi32, #tpu.memory_space<vmem>>) target_semaphore(%run_scoped3A : memref<!tpu.dma_semaphore, #tpu.memory_space<semaphore_mem>>)
      %dma_wait3A_15 = tpu.memref_slice %arg3[%mul3A_2] : memref<2048xi32, #tpu.memory_space<hbm>> -> memref<64xi32, #tpu.memory_space<hbm>>
      %dma_wait3A_16 = tpu.memref_slice %arg3[%mul3A_2] : memref<2048xi32, #tpu.memory_space<hbm>> -> memref<64xi32, #tpu.memory_space<hbm>>
      tpu.wait_dma2 semaphore(%run_scoped3A : memref<!tpu.dma_semaphore, #tpu.memory_space<semaphore_mem>>) src(%dma_wait3A_16 : memref<64xi32, #tpu.memory_space<hbm>>) dst(%arg7 : memref<64xi32, #tpu.memory_space<vmem>>)
      tpu.yield
    }) : () -> ()
    "tpu.region"() ({
      %run_scoped3A = tpu.sem_alloc : memref<!tpu.dma_semaphore, #tpu.memory_space<semaphore_mem>>
      %dma_start3A_13 = tpu.memref_slice %arg4[%mul3A_2] : memref<2048xi32, #tpu.memory_space<hbm>> -> memref<64xi32, #tpu.memory_space<hbm>>
      %dma_start3A_14 = tpu.memref_slice %arg4[%mul3A_2] : memref<2048xi32, #tpu.memory_space<hbm>> -> memref<64xi32, #tpu.memory_space<hbm>>
      tpu.enqueue_dma source(%dma_start3A_14 : memref<64xi32, #tpu.memory_space<hbm>>) target(%arg8 : memref<64xi32, #tpu.memory_space<vmem>>) target_semaphore(%run_scoped3A : memref<!tpu.dma_semaphore, #tpu.memory_space<semaphore_mem>>)
      %dma_wait3A_15 = tpu.memref_slice %arg4[%mul3A_2] : memref<2048xi32, #tpu.memory_space<hbm>> -> memref<64xi32, #tpu.memory_space<hbm>>
      %dma_wait3A_16 = tpu.memref_slice %arg4[%mul3A_2] : memref<2048xi32, #tpu.memory_space<hbm>> -> memref<64xi32, #tpu.memory_space<hbm>>
      tpu.wait_dma2 semaphore(%run_scoped3A : memref<!tpu.dma_semaphore, #tpu.memory_space<semaphore_mem>>) src(%dma_wait3A_16 : memref<64xi32, #tpu.memory_space<hbm>>) dst(%arg8 : memref<64xi32, #tpu.memory_space<vmem>>)
      tpu.yield
    }) : () -> ()
    %dma_start3A = arith.constant 0 : i32
    %dma_start3A_3 = arith.constant 0 : i32
    %dma_start3A_4 = tpu.memref_slice %arg2[%dma_start3A, %dma_start3A_3] : memref<5120x768xf32, #tpu.memory_space<hbm>> -> memref<5120x768xf32, #tpu.memory_space<hbm>>
    tpu.enqueue_indirect_dma source(%dma_start3A_4 : memref<5120x768xf32, #tpu.memory_space<hbm>>) target(%arg9 : memref<64x768xf32, #tpu.memory_space<vmem>>) offsets(%arg7 : memref<64xi32, #tpu.memory_space<vmem>>) semaphore(%arg11 : memref<!tpu.dma_semaphore, #tpu.memory_space<semaphore_mem>>)
    %dma_wait3A = arith.constant 0 : i32
    %dma_wait3A_5 = arith.constant 0 : i32
    %dma_wait3A_6 = tpu.memref_slice %arg2[%dma_wait3A, %dma_wait3A_5] : memref<5120x768xf32, #tpu.memory_space<hbm>> -> memref<5120x768xf32, #tpu.memory_space<hbm>>
    tpu.wait_indirect_dma semaphore(%arg11 : memref<!tpu.dma_semaphore, #tpu.memory_space<semaphore_mem>>) src(%dma_wait3A_6 : memref<5120x768xf32, #tpu.memory_space<hbm>>) dst(%arg9 : memref<64x768xf32, #tpu.memory_space<vmem>>)
    %dma_start3A_7 = arith.constant 0 : i32
    %dma_start3A_8 = arith.constant 0 : i32
    %dma_start3A_9 = tpu.memref_slice %arg2[%dma_start3A_7, %dma_start3A_8] : memref<5120x768xf32, #tpu.memory_space<hbm>> -> memref<5120x768xf32, #tpu.memory_space<hbm>>
    tpu.enqueue_indirect_dma source(%dma_start3A_9 : memref<5120x768xf32, #tpu.memory_space<hbm>>) target(%arg10 : memref<64x768xf32, #tpu.memory_space<vmem>>) offsets(%arg8 : memref<64xi32, #tpu.memory_space<vmem>>) semaphore(%arg11 : memref<!tpu.dma_semaphore, #tpu.memory_space<semaphore_mem>>)
    %dma_wait3A_10 = arith.constant 0 : i32
    %dma_wait3A_11 = arith.constant 0 : i32
    %dma_wait3A_12 = tpu.memref_slice %arg2[%dma_wait3A_10, %dma_wait3A_11] : memref<5120x768xf32, #tpu.memory_space<hbm>> -> memref<5120x768xf32, #tpu.memory_space<hbm>>
    tpu.wait_indirect_dma semaphore(%arg11 : memref<!tpu.dma_semaphore, #tpu.memory_space<semaphore_mem>>) src(%dma_wait3A_12 : memref<5120x768xf32, #tpu.memory_space<hbm>>) dst(%arg10 : memref<64x768xf32, #tpu.memory_space<vmem>>)
    "tpu.region"() ({
      %run_scoped3A = tpu.sem_alloc : memref<!tpu.dma_semaphore, #tpu.memory_space<semaphore_mem>>
      %dma_start3A_13 = arith.constant 0 : i32
      %dma_start3A_14 = tpu.memref_slice %arg5[%mul3A_2, %dma_start3A_13] : memref<2048x768xf32, #tpu.memory_space<hbm>> -> memref<64x768xf32, #tpu.memory_space<hbm>>
      %dma_start3A_15 = arith.constant 0 : i32
      %dma_start3A_16 = tpu.memref_slice %arg5[%mul3A_2, %dma_start3A_15] : memref<2048x768xf32, #tpu.memory_space<hbm>> -> memref<64x768xf32, #tpu.memory_space<hbm>>
      tpu.enqueue_dma source(%arg9 : memref<64x768xf32, #tpu.memory_space<vmem>>) target(%dma_start3A_16 : memref<64x768xf32, #tpu.memory_space<hbm>>) target_semaphore(%run_scoped3A : memref<!tpu.dma_semaphore, #tpu.memory_space<semaphore_mem>>)
      %dma_wait3A_17 = arith.constant 0 : i32
      %dma_wait3A_18 = tpu.memref_slice %arg5[%mul3A_2, %dma_wait3A_17] : memref<2048x768xf32, #tpu.memory_space<hbm>> -> memref<64x768xf32, #tpu.memory_space<hbm>>
      %dma_wait3A_19 = arith.constant 0 : i32
      %dma_wait3A_20 = tpu.memref_slice %arg5[%mul3A_2, %dma_wait3A_19] : memref<2048x768xf32, #tpu.memory_space<hbm>> -> memref<64x768xf32, #tpu.memory_space<hbm>>
      tpu.wait_dma2 semaphore(%run_scoped3A : memref<!tpu.dma_semaphore, #tpu.memory_space<semaphore_mem>>) src(%arg9 : memref<64x768xf32, #tpu.memory_space<vmem>>) dst(%dma_wait3A_20 : memref<64x768xf32, #tpu.memory_space<hbm>>)
      tpu.yield
    }) : () -> ()
    "tpu.region"() ({
      %run_scoped3A = tpu.sem_alloc : memref<!tpu.dma_semaphore, #tpu.memory_space<semaphore_mem>>
      %dma_start3A_13 = arith.constant 0 : i32
      %dma_start3A_14 = tpu.memref_slice %arg6[%mul3A_2, %dma_start3A_13] : memref<2048x768xf32, #tpu.memory_space<hbm>> -> memref<64x768xf32, #tpu.memory_space<hbm>>
      %dma_start3A_15 = arith.constant 0 : i32
      %dma_start3A_16 = tpu.memref_slice %arg6[%mul3A_2, %dma_start3A_15] : memref<2048x768xf32, #tpu.memory_space<hbm>> -> memref<64x768xf32, #tpu.memory_space<hbm>>
      tpu.enqueue_dma source(%arg10 : memref<64x768xf32, #tpu.memory_space<vmem>>) target(%dma_start3A_16 : memref<64x768xf32, #tpu.memory_space<hbm>>) target_semaphore(%run_scoped3A : memref<!tpu.dma_semaphore, #tpu.memory_space<semaphore_mem>>)
      %dma_wait3A_17 = arith.constant 0 : i32
      %dma_wait3A_18 = tpu.memref_slice %arg6[%mul3A_2, %dma_wait3A_17] : memref<2048x768xf32, #tpu.memory_space<hbm>> -> memref<64x768xf32, #tpu.memory_space<hbm>>
      %dma_wait3A_19 = arith.constant 0 : i32
      %dma_wait3A_20 = tpu.memref_slice %arg6[%mul3A_2, %dma_wait3A_19] : memref<2048x768xf32, #tpu.memory_space<hbm>> -> memref<64x768xf32, #tpu.memory_space<hbm>>
      tpu.wait_dma2 semaphore(%run_scoped3A : memref<!tpu.dma_semaphore, #tpu.memory_space<semaphore_mem>>) src(%arg10 : memref<64x768xf32, #tpu.memory_space<vmem>>) dst(%dma_wait3A_20 : memref<64x768xf32, #tpu.memory_space<hbm>>)
      tpu.yield
    }) : () -> ()
    return
  }
}

module {
  func.func @main(%arg0: i32, %arg1: i32, %arg2: i32, %arg3: memref<1x1024x1024xf32, #tpu.memory_space<vmem>>, %arg4: memref<1x1024x64xf32, #tpu.memory_space<vmem>>, %arg5: memref<1x1024x64xf32, #tpu.memory_space<vmem>>, %arg6: memref<1x1024x1xf32, #tpu.memory_space<vmem>>, %arg7: memref<1x1024x1xf32, #tpu.memory_space<vmem>>) attributes {dimension_semantics = [#tpu.dimension_semantics<parallel>, #tpu.dimension_semantics<parallel>, #tpu.dimension_semantics<arbitrary>], iteration_bounds = array<i64: 12, 2, 2>, scratch_operands = 2 : i64, window_params = [{transform_indices = @qk_fn, window_bounds = array<i64: 1, 1024, 1024>}, {transform_indices = @v_fn, window_bounds = array<i64: 1, 1024, 64>}, {transform_indices = @oi_fn, window_bounds = array<i64: 1, 1024, 64>}]} {
    %c0 = arith.constant 0 : index
    %c0_i32 = arith.constant 0 : i32
    %0 = arith.cmpi eq, %c0_i32, %arg2 : i32
    scf.if %0 {
      %cst_3 = arith.constant dense<0.000000e+00> : vector<1x1024x64xf32>
      vector.store %cst_3, %arg5[%c0, %c0, %c0] : memref<1x1024x64xf32, #tpu.memory_space<vmem>>, vector<1x1024x64xf32>
      %cst_4 = arith.constant dense<0xFF800000> : vector<1x1024x1xf32>
      vector.store %cst_4, %arg6[%c0, %c0, %c0] : memref<1x1024x1xf32, #tpu.memory_space<vmem>>, vector<1x1024x1xf32>
      %cst_5 = arith.constant dense<0.000000e+00> : vector<1x1024x1xf32>
      vector.store %cst_5, %arg7[%c0, %c0, %c0] : memref<1x1024x1xf32, #tpu.memory_space<vmem>>, vector<1x1024x1xf32>
    }
    %1 = vector.load %arg3[%c0, %c0, %c0] : memref<1x1024x1024xf32, #tpu.memory_space<vmem>>, vector<1x1024x1024xf32>
    %cst = arith.constant dense<0xFF800000> : vector<1x1024xf32>
    %2 = vector.multi_reduction <maximumf>, %1, %cst [2] : vector<1x1024x1024xf32> to vector<1x1024xf32>
    %3 = vector.shape_cast %2 : vector<1x1024xf32> to vector<1x1024x1xf32>
    %4 = vector.load %arg6[%c0, %c0, %c0] : memref<1x1024x1xf32, #tpu.memory_space<vmem>>, vector<1x1024x1xf32>
    %5 = arith.maximumf %4, %3 : vector<1x1024x1xf32>
    %cst_0 = arith.constant dense<0.000000e+00> : vector<1x1024x1xf32>
    %6 = arith.cmpf oeq, %4, %5 : vector<1x1024x1xf32>
    %7 = arith.subf %4, %5 : vector<1x1024x1xf32>
    %8 = arith.select %6, %cst_0, %7 : vector<1x1024x1xi1>, vector<1x1024x1xf32>
    %9 = vector.broadcast %5 : vector<1x1024x1xf32> to vector<1x1024x1024xf32>
    %10 = arith.subf %1, %9 : vector<1x1024x1024xf32>
    %11 = math.exp %10 : vector<1x1024x1024xf32>
    %cst_1 = arith.constant dense<0.000000e+00> : vector<1x1024xf32>
    %12 = vector.multi_reduction <add>, %11, %cst_1 [2] : vector<1x1024x1024xf32> to vector<1x1024xf32>
    %13 = vector.shape_cast %12 : vector<1x1024xf32> to vector<1x1024x1xf32>
    %14 = vector.load %arg7[%c0, %c0, %c0] : memref<1x1024x1xf32, #tpu.memory_space<vmem>>, vector<1x1024x1xf32>
    %15 = math.exp %8 : vector<1x1024x1xf32>
    %16 = arith.mulf %15, %14 : vector<1x1024x1xf32>
    %17 = arith.addf %16, %13 : vector<1x1024x1xf32>
    %18 = vector.load %arg5[%c0, %c0, %c0] : memref<1x1024x64xf32, #tpu.memory_space<vmem>>, vector<1x1024x64xf32>
    %19 = math.exp %8 : vector<1x1024x1xf32>
    %20 = arith.mulf %19, %14 : vector<1x1024x1xf32>
    %21 = vector.broadcast %20 : vector<1x1024x1xf32> to vector<1x1024x64xf32>
    %22 = arith.mulf %21, %18 : vector<1x1024x64xf32>
    %23 = vector.load %arg4[%c0, %c0, %c0] : memref<1x1024x64xf32, #tpu.memory_space<vmem>>, vector<1x1024x64xf32>
    %24 = vector.shape_cast %23 : vector<1x1024x64xf32> to vector<1024x64xf32>
    %25 = vector.shape_cast %11 : vector<1x1024x1024xf32> to vector<1024x1024xf32>
    %26 = vector.shape_cast %22 : vector<1x1024x64xf32> to vector<1024x64xf32>
    %27 = tpu.matmul %25, %24, %26 {dimension_numbers = #tpu.dot_dimension_numbers<[1], [0], [0], [1], [0, 0, 1, 1], [], []>, precision = #tpu.contract_precision<bf16>, transpose_lhs_hint = false} : vector<1024x1024xf32>, vector<1024x64xf32>, vector<1024x64xf32> -> vector<1024x64xf32>
    %28 = vector.shape_cast %27 : vector<1024x64xf32> to vector<1x1024x64xf32>
    %cst_2 = arith.constant dense<1.000000e+00> : vector<1x1024x1xf32>
    %29 = arith.divf %cst_2, %17 : vector<1x1024x1xf32>
    %30 = vector.broadcast %29 : vector<1x1024x1xf32> to vector<1x1024x64xf32>
    %31 = arith.mulf %28, %30 : vector<1x1024x64xf32>
    %32 = vector.shape_cast %31 : vector<1x1024x64xf32> to vector<1x1024x64xf32>
    vector.store %32, %arg5[%c0, %c0, %c0] : memref<1x1024x64xf32, #tpu.memory_space<vmem>>, vector<1x1024x64xf32>
    vector.store %5, %arg6[%c0, %c0, %c0] : memref<1x1024x1xf32, #tpu.memory_space<vmem>>, vector<1x1024x1xf32>
    vector.store %17, %arg7[%c0, %c0, %c0] : memref<1x1024x1xf32, #tpu.memory_space<vmem>>, vector<1x1024x1xf32>
    return
  }
  func.func @qk_fn(%arg0: i32, %arg1: i32, %arg2: i32) -> (i32, i32, i32) {
    return %arg0, %arg1, %arg2 : i32, i32, i32
  }
  func.func @v_fn(%arg0: i32, %arg1: i32, %arg2: i32) -> (i32, i32, i32) {
    %c0_i32 = arith.constant 0 : i32
    return %arg0, %arg2, %c0_i32 : i32, i32, i32
  }
  func.func @oi_fn(%arg0: i32, %arg1: i32, %arg2: i32) -> (i32, i32, i32) {
    %c0_i32 = arith.constant 0 : i32
    return %arg0, %arg1, %c0_i32 : i32, i32, i32
  }
}

module attributes {stable_mosaic.version = 14 : i64} {
  func.func @_ffn_body(%arg0: i32, %arg1: memref<40xi32, #tpu.memory_space<smem>>, %arg2: memref<128x768xf32, #tpu.memory_space<vmem>>, %arg3: memref<1x3072x768xbf16, #tpu.memory_space<vmem>>, %arg4: memref<1x1x3072xf32, #tpu.memory_space<vmem>>, %arg5: memref<1x768x3072xbf16, #tpu.memory_space<vmem>>, %arg6: memref<1x1x768xf32, #tpu.memory_space<vmem>>, %arg7: memref<128x768xf32, #tpu.memory_space<vmem>>) attributes {dimension_semantics = [#tpu.dimension_semantics<arbitrary>], iteration_bounds = array<i64: 40>, scalar_prefetch = 1 : i64, scratch_operands = 0 : i64, tpu.core_type = #tpu.core_type<tc>, window_params = [{transform_indices = @transform_0, window_bounds = array<i64: 128, 768>}, {transform_indices = @transform_1, window_bounds = array<i64: 1, 3072, 768>}, {transform_indices = @transform_2, window_bounds = array<i64: 1, 1, 3072>}, {transform_indices = @transform_3, window_bounds = array<i64: 1, 768, 3072>}, {transform_indices = @transform_4, window_bounds = array<i64: 1, 1, 768>}, {transform_indices = @transform_5, window_bounds = array<i64: 128, 768>}]} {
    %get3A = arith.constant 0 : index
    %get3A_0 = arith.constant 0 : index
    %get3A_1 = vector.load %arg2[%get3A, %get3A_0] : memref<128x768xf32, #tpu.memory_space<vmem>>, vector<128x768xf32>
    %convert_element_type3A = arith.truncf %get3A_1 : vector<128x768xf32> to vector<128x768xbf16>
    %get3A_2 = arith.constant 0 : index
    %get3A_3 = arith.constant 0 : index
    %get3A_4 = arith.constant 0 : index
    %get3A_5 = vector.load %arg3[%get3A_2, %get3A_3, %get3A_4] : memref<1x3072x768xbf16, #tpu.memory_space<vmem>>, vector<1x3072x768xbf16>
    %get3A_6 = vector.shape_cast %get3A_5 : vector<1x3072x768xbf16> to vector<3072x768xbf16>
    %dot_general3A = arith.constant dense<0.000000e+00> : vector<128x3072xf32>
    %dot_general3A_7 = tpu.matmul %convert_element_type3A, %get3A_6, %dot_general3A {dimension_numbers = #tpu.dot_dimension_numbers<[1], [1], [0], [0], [0, 0, 1, 0], [], []>, transpose_lhs_hint = false} : vector<128x768xbf16>, vector<3072x768xbf16>, vector<128x3072xf32> -> vector<128x3072xf32>
    %get3A_8 = arith.constant 0 : index
    %get3A_9 = arith.constant 0 : index
    %get3A_10 = arith.constant 0 : index
    %get3A_11 = vector.load %arg4[%get3A_8, %get3A_9, %get3A_10] : memref<1x1x3072xf32, #tpu.memory_space<vmem>>, vector<1x1x3072xf32>
    %get3A_12 = vector.shape_cast %get3A_11 : vector<1x1x3072xf32> to vector<1x3072xf32>
    %add3A = vector.broadcast %get3A_12 : vector<1x3072xf32> to vector<128x3072xf32>
    %add3A_13 = arith.addf %dot_general3A_7, %add3A : vector<128x3072xf32>
    %mul3A = arith.constant 1.702000e+00 : f32
    %mul3A_14 = vector.broadcast %mul3A : f32 to vector<128x3072xf32>
    %mul3A_15 = arith.mulf %mul3A_14, %add3A_13 : vector<128x3072xf32>
    %logistic3A = arith.negf %mul3A_15 : vector<128x3072xf32>
    %logistic3A_16 = math.exp %logistic3A : vector<128x3072xf32>
    %logistic3A_17 = arith.constant 1.000000e+00 : f32
    %logistic3A_18 = vector.broadcast %logistic3A_17 : f32 to vector<128x3072xf32>
    %logistic3A_19 = arith.addf %logistic3A_18, %logistic3A_16 : vector<128x3072xf32>
    %logistic3A_20 = arith.divf %logistic3A_18, %logistic3A_19 : vector<128x3072xf32>
    %mul3A_21 = arith.mulf %add3A_13, %logistic3A_20 : vector<128x3072xf32>
    %convert_element_type3A_22 = arith.truncf %mul3A_21 : vector<128x3072xf32> to vector<128x3072xbf16>
    %get3A_23 = arith.constant 0 : index
    %get3A_24 = arith.constant 0 : index
    %get3A_25 = arith.constant 0 : index
    %get3A_26 = vector.load %arg5[%get3A_23, %get3A_24, %get3A_25] : memref<1x768x3072xbf16, #tpu.memory_space<vmem>>, vector<1x768x3072xbf16>
    %get3A_27 = vector.shape_cast %get3A_26 : vector<1x768x3072xbf16> to vector<768x3072xbf16>
    %dot_general3A_28 = arith.constant dense<0.000000e+00> : vector<128x768xf32>
    %dot_general3A_29 = tpu.matmul %convert_element_type3A_22, %get3A_27, %dot_general3A_28 {dimension_numbers = #tpu.dot_dimension_numbers<[1], [1], [0], [0], [0, 0, 1, 0], [], []>, transpose_lhs_hint = false} : vector<128x3072xbf16>, vector<768x3072xbf16>, vector<128x768xf32> -> vector<128x768xf32>
    %get3A_30 = arith.constant 0 : index
    %get3A_31 = arith.constant 0 : index
    %get3A_32 = arith.constant 0 : index
    %get3A_33 = vector.load %arg6[%get3A_30, %get3A_31, %get3A_32] : memref<1x1x768xf32, #tpu.memory_space<vmem>>, vector<1x1x768xf32>
    %get3A_34 = vector.shape_cast %get3A_33 : vector<1x1x768xf32> to vector<1x768xf32>
    %add3A_35 = vector.broadcast %get3A_34 : vector<1x768xf32> to vector<128x768xf32>
    %add3A_36 = arith.addf %dot_general3A_29, %add3A_35 : vector<128x768xf32>
    %swap3A = arith.constant 0 : index
    %swap3A_37 = arith.constant 0 : index
    %swap3A_38 = vector.load %arg7[%swap3A, %swap3A_37] : memref<128x768xf32, #tpu.memory_space<vmem>>, vector<128x768xf32>
    tpu.vector_store %arg7[%swap3A, %swap3A_37], %add3A_36 {strides = array<i32>} : memref<128x768xf32, #tpu.memory_space<vmem>>, vector<128x768xf32>,
    return
  }
  func.func @transform_0(%arg0: i32, %arg1: memref<40xi32, #tpu.memory_space<smem>>) -> (i32, i32) {
    %c0_i32 = arith.constant 0 : i32
    %c0_i32_0 = arith.constant 0 : i32
    return %arg0, %c0_i32 : i32, i32
  }
  func.func @transform_1(%arg0: i32, %arg1: memref<40xi32, #tpu.memory_space<smem>>) -> (i32, i32, i32) {
    %get3A = arith.index_cast %arg0 : i32 to index
    %get3A_0 = memref.load %arg1[%get3A] : memref<40xi32, #tpu.memory_space<smem>>
    %c0_i32 = arith.constant 0 : i32
    %c0_i32_1 = arith.constant 0 : i32
    %c0_i32_2 = arith.constant 0 : i32
    return %get3A_0, %c0_i32, %c0_i32_1 : i32, i32, i32
  }
  func.func @transform_2(%arg0: i32, %arg1: memref<40xi32, #tpu.memory_space<smem>>) -> (i32, i32, i32) {
    %get3A = arith.index_cast %arg0 : i32 to index
    %get3A_0 = memref.load %arg1[%get3A] : memref<40xi32, #tpu.memory_space<smem>>
    %c0_i32 = arith.constant 0 : i32
    %c0_i32_1 = arith.constant 0 : i32
    %c0_i32_2 = arith.constant 0 : i32
    return %get3A_0, %c0_i32, %c0_i32_1 : i32, i32, i32
  }
  func.func @transform_3(%arg0: i32, %arg1: memref<40xi32, #tpu.memory_space<smem>>) -> (i32, i32, i32) {
    %get3A = arith.index_cast %arg0 : i32 to index
    %get3A_0 = memref.load %arg1[%get3A] : memref<40xi32, #tpu.memory_space<smem>>
    %c0_i32 = arith.constant 0 : i32
    %c0_i32_1 = arith.constant 0 : i32
    %c0_i32_2 = arith.constant 0 : i32
    return %get3A_0, %c0_i32, %c0_i32_1 : i32, i32, i32
  }
  func.func @transform_4(%arg0: i32, %arg1: memref<40xi32, #tpu.memory_space<smem>>) -> (i32, i32, i32) {
    %get3A = arith.index_cast %arg0 : i32 to index
    %get3A_0 = memref.load %arg1[%get3A] : memref<40xi32, #tpu.memory_space<smem>>
    %c0_i32 = arith.constant 0 : i32
    %c0_i32_1 = arith.constant 0 : i32
    %c0_i32_2 = arith.constant 0 : i32
    return %get3A_0, %c0_i32, %c0_i32_1 : i32, i32, i32
  }
  func.func @transform_5(%arg0: i32, %arg1: memref<40xi32, #tpu.memory_space<smem>>) -> (i32, i32) {
    %c0_i32 = arith.constant 0 : i32
    %c0_i32_0 = arith.constant 0 : i32
    return %arg0, %c0_i32 : i32, i32
  }
}

module attributes {stable_mosaic.version = 14 : i64} {
  func.func @_combine_body(%arg0: i32, %arg1: memref<256x768xf32, #tpu.memory_space<vmem>>, %arg2: memref<256x768xf32, #tpu.memory_space<vmem>>, %arg3: memref<256x768xf32, #tpu.memory_space<vmem>>, %arg4: memref<256x1xf32, #tpu.memory_space<vmem>>, %arg5: memref<256x1xf32, #tpu.memory_space<vmem>>, %arg6: memref<256x768xf32, #tpu.memory_space<vmem>>) attributes {dimension_semantics = [#tpu.dimension_semantics<arbitrary>], iteration_bounds = array<i64: 8>, scalar_prefetch = 0 : i64, scratch_operands = 0 : i64, tpu.core_type = #tpu.core_type<tc>, window_params = [{transform_indices = @transform_0, window_bounds = array<i64: 256, 768>}, {transform_indices = @transform_1, window_bounds = array<i64: 256, 768>}, {transform_indices = @transform_2, window_bounds = array<i64: 256, 768>}, {transform_indices = @transform_3, window_bounds = array<i64: 256, 1>}, {transform_indices = @transform_4, window_bounds = array<i64: 256, 1>}, {transform_indices = @transform_5, window_bounds = array<i64: 256, 768>}]} {
    %get3A = arith.constant 0 : index
    %get3A_0 = arith.constant 0 : index
    %get3A_1 = vector.load %arg1[%get3A, %get3A_0] : memref<256x768xf32, #tpu.memory_space<vmem>>, vector<256x768xf32>
    %get3A_2 = arith.constant 0 : index
    %get3A_3 = arith.constant 0 : index
    %get3A_4 = vector.load %arg4[%get3A_2, %get3A_3] : memref<256x1xf32, #tpu.memory_space<vmem>>, vector<256x1xf32>
    %get3A_5 = arith.constant 0 : index
    %get3A_6 = arith.constant 0 : index
    %get3A_7 = vector.load %arg2[%get3A_5, %get3A_6] : memref<256x768xf32, #tpu.memory_space<vmem>>, vector<256x768xf32>
    %mul3A = vector.broadcast %get3A_4 : vector<256x1xf32> to vector<256x768xf32>
    %mul3A_8 = arith.mulf %mul3A, %get3A_7 : vector<256x768xf32>
    %add3A = arith.addf %get3A_1, %mul3A_8 : vector<256x768xf32>
    %get3A_9 = arith.constant 0 : index
    %get3A_10 = arith.constant 0 : index
    %get3A_11 = vector.load %arg5[%get3A_9, %get3A_10] : memref<256x1xf32, #tpu.memory_space<vmem>>, vector<256x1xf32>
    %get3A_12 = arith.constant 0 : index
    %get3A_13 = arith.constant 0 : index
    %get3A_14 = vector.load %arg3[%get3A_12, %get3A_13] : memref<256x768xf32, #tpu.memory_space<vmem>>, vector<256x768xf32>
    %mul3A_15 = vector.broadcast %get3A_11 : vector<256x1xf32> to vector<256x768xf32>
    %mul3A_16 = arith.mulf %mul3A_15, %get3A_14 : vector<256x768xf32>
    %add3A_17 = arith.addf %add3A, %mul3A_16 : vector<256x768xf32>
    %swap3A = arith.constant 0 : index
    %swap3A_18 = arith.constant 0 : index
    %swap3A_19 = vector.load %arg6[%swap3A, %swap3A_18] : memref<256x768xf32, #tpu.memory_space<vmem>>, vector<256x768xf32>
    tpu.vector_store %arg6[%swap3A, %swap3A_18], %add3A_17 {strides = array<i32>} : memref<256x768xf32, #tpu.memory_space<vmem>>, vector<256x768xf32>,
    return
  }
  func.func @transform_0(%arg0: i32) -> (i32, i32) {
    %c0_i32 = arith.constant 0 : i32
    %c0_i32_0 = arith.constant 0 : i32
    return %arg0, %c0_i32 : i32, i32
  }
  func.func @transform_1(%arg0: i32) -> (i32, i32) {
    %c0_i32 = arith.constant 0 : i32
    %c0_i32_0 = arith.constant 0 : i32
    return %arg0, %c0_i32 : i32, i32
  }
  func.func @transform_2(%arg0: i32) -> (i32, i32) {
    %c0_i32 = arith.constant 0 : i32
    %c0_i32_0 = arith.constant 0 : i32
    return %arg0, %c0_i32 : i32, i32
  }
  func.func @transform_3(%arg0: i32) -> (i32, i32) {
    %c0_i32 = arith.constant 0 : i32
    %c0_i32_0 = arith.constant 0 : i32
    return %arg0, %c0_i32 : i32, i32
  }
  func.func @transform_4(%arg0: i32) -> (i32, i32) {
    %c0_i32 = arith.constant 0 : i32
    %c0_i32_0 = arith.constant 0 : i32
    return %arg0, %c0_i32 : i32, i32
  }
  func.func @transform_5(%arg0: i32) -> (i32, i32) {
    %c0_i32 = arith.constant 0 : i32
    %c0_i32_0 = arith.constant 0 : i32
    return %arg0, %c0_i32 : i32, i32
  }
}

</mosaic_0001>

<sc_bundles>
// kernel: kernel.10.cloned.1.call-start
scs
__scs_entry_jumppad:
0x0: {  	(pc) =	sbr.rel $0x88, $3  }
0x1: {  	(tag) =	ssettag $0x0;
	lr =	simm.s32 $0x1  }
0x2: {  	[smem:$0x3F93] =	sst lr;
	_ =	strace $0xD0000000  }
0x3: {  	_ = 	snop  }
0x4: {  	_ = 	snop  }
0x5: {  	_ = 	snop  }
0x6: {  	_ = 	snop  }
0x7: {  	_ = 	snop  }
__scs_overlays_trampoline_lowered:
0x8: {  	[smem:$0x3FA2] =	sst s0  }
0x9: {  	[smem:$0x3FA3] =	sst s1  }
0xa: {  	[smem:$0x3FA4] =	sst s2  }
0xb: {  	[smem:$0x3FA5] =	sst s3  }
0xc: {  	[smem:$0x3FA6] =	sst s4  }
0xd: {  	[smem:$0x3FA7] =	sst s5  }
0xe: {  	[smem:$0x3FA8] =	sst s6  }
0xf: {  	[smem:$0x3FA9] =	sst s7  }
0x10: {  	[smem:$0x3FAA] =	sst s8  }
0x11: {  	[smem:$0x3FAB] =	sst s9;
	s0 =	simm.s32 @!p0 $0x0  }
0x12: {  	s1 =	sld [smem:$0x3F91];
	s0 =	simm.s32 @p0 $0x1  }
0x13: {  	[smem:$0x3FAC] =	sst s0;
	s0 =	simm.s32 @!p1 $0x0  }
0x14: {  	s2 =	sld [smem:$0x3F90];
	s0 =	simm.s32 @p1 $0x1  }
0x15: {  	[smem:$0x3FAD] =	sst s0;
	s0 =	simm.s32 @!p2 $0x0  }
0x16: {  	s3 =	sld [smem:$0x3FDB];
	s0 =	simm.s32 @p2 $0x1  }
0x17: {  	s4 =	simm.s32 $0x1BF5;
	[smem:$0x3FAF] =	sst s0  }
0x18: {  	s0 =	sld [smem:$0x3F92];
	_ =	swait.ge [sflag:s4], $0x0  }
0x19: {  	s7 =	sld [smem:$0x3F93]  }
0x1a: {  	s8 =	sadd.s32 $0xFFFFE003, lr  }
0x1b: {  	s9 =	sadd.s32 $0xFFFFFEF7, lr;
	s5 =	simm.s32 $0xFFFFFFFF;
	p2 =	slt.u32 s8, $0xFFFFF086  }
0x1c: {  	p1 =	slt.u32 s9, $0xF7A;
	s5 =	simm.s32 @!p2 $0x0  }
0x1d: {  	s5 =	simm.s32 @p1 $0x1;
	p0 =	seq.s32 s7, s2  }
0x1e: {  	s7 =	smul.u32 @!p0 $0xF7A, s2;
	p2 =	seq.s32 @!p0 s5, $0x0  }
0x1f: {  	s9 =	smul.u32 $0xF7A, s1;
	s8 =	simm.s32 @!p0 $0x1BF5;
	p2 =	por !p2, p0  }
0x20: {  	[sflag:s8] =	ssyncset.s32 @!p0 $0xFFFFF086;
	s6 =	sadd.s32 @!p0 s3, s7;
	s7 =	simm.s32 @!p0 $0x108  }
0x21: {  	s3 =	sadd.s32 s3, s9;
	s6 =	sadd.s32 @!p0 $0x88, s6;
	s7 =	simm.s32 @p2 $0x1082  }
0x22: {  	[simem:s7], [sflag:s8] =	dma.local @!p0 [hbm:s6], $0xF7A  }
0x23: {  	s9 =	sor.u32 $0xD0000000, s2;
	s6 =	simm.s32 $0x108;
	_ =	swait.ge @!p0 [sflag:s8], $0x0  }
0x24: {  	s3 =	sadd.s32 $0x88, s3;
	s6 =	simm.s32 @!p1 $0x1082;
	[sflag:s4] =	ssyncset.s32 $0xFFFFF086  }
0x25: {  	[simem:s6], [sflag:s4] =	dma.local [hbm:s3], $0xF7A  }
0x26: {  	[smem:$0x3F93] =	sst s1;
	(tag) =	ssettag s2;
	_ =	strace s9  }
0x27: {  	s1 =	sld [smem:$0x3FA3]  }
0x28: {  	s2 =	sld [smem:$0x3FA4]  }
0x29: {  	s4 =	sld [smem:$0x3FA6]  }
0x2a: {  	p0 =	seq.s32 s5, $0x0;
	s5 =	sld [smem:$0x3FA7]  }
0x2b: {  	s6 =	sld [smem:$0x3FA8]  }
0x2c: {  	s7 =	sld [smem:$0x3FA9]  }
0x2d: {  	s3 =	simm.s32 $0x108;
	s8 =	sld [smem:$0x3FAA]  }
0x2e: {  	s3 =	simm.s32 @!p0 $0x1082;
	s9 =	sld [smem:$0x3FAB]  }
0x2f: {  	lr =	sadd.s32 s0, s3;
	s0 =	sld [smem:$0x3FA2]  }
0x30: {  	s3 =	sld [smem:$0x3FA5]  }
0x31: {  	[smem:$0x3FAE] =	sst s10  }
0x32: {  	s10 =	sld [smem:$0x3FAC];
	_ =	sdelay $0x3  }
0x33: {  	p0 =	seq.s32 s10, $0x1;
	s10 =	sld [smem:$0x3FAE];
	_ =	sdelay $0x3  }
0x34: {  	[smem:$0x3FAE] =	sst s10  }
0x35: {  	s10 =	sld [smem:$0x3FAD];
	_ =	sdelay $0x3  }
0x36: {  	p1 =	seq.s32 s10, $0x1;
	s10 =	sld [smem:$0x3FAE];
	_ =	sdelay $0x3  }
0x37: {  	[smem:$0x3FAE] =	sst s10  }
0x38: {  	s10 =	sld [smem:$0x3FAF]  }
0x39: {  	_ = 	snop;
	(pc) =	sbr.ind lr, $3  }
0x3a: {  	_ = 	snop  }
0x3b: {  	_ = 	snop  }
0x3c: {  	p2 =	seq.s32 s10, $0x1;
	s10 =	sld [smem:$0x3FAE]  }
0x3d: {  	_ =	shalt  }
0x3e: {  	_ =	shalt  }
0x3f: {  	_ =	shalt  }
0x40: {  	_ =	shalt  }
0x41: {  	_ =	shalt  }
0x42: {  	_ =	shalt  }
0x43: {  	_ =	shalt  }
0x44: {  	_ =	shalt  }
0x45: {  	_ =	shalt  }
0x46: {  	_ =	shalt  }
0x47: {  	_ =	shalt  }
0x48: {  	_ =	shalt  }
0x49: {  	_ =	shalt  }
0x4a: {  	_ =	shalt  }
0x4b: {  	_ =	shalt  }
0x4c: {  	_ =	shalt  }
0x4d: {  	_ =	shalt  }
0x4e: {  	_ =	shalt  }
0x4f: {  	_ =	shalt  }
0x50: {  	_ =	shalt  }
0x51: {  	_ =	shalt  }
0x52: {  	_ =	shalt  }
0x53: {  	_ =	shalt  }
0x54: {  	_ =	shalt  }
0x55: {  	_ =	shalt  }
0x56: {  	_ =	shalt  }
0x57: {  	_ =	shalt  }
0x58: {  	_ =	shalt  }
0x59: {  	_ =	shalt  }
0x5a: {  	_ =	shalt  }
0x5b: {  	_ =	shalt  }
0x5c: {  	_ =	shalt  }
0x5d: {  	_ =	shalt  }
0x5e: {  	_ =	shalt  }
0x5f: {  	_ =	shalt  }
0x60: {  	_ =	shalt  }
0x61: {  	_ =	shalt  }
0x62: {  	_ =	shalt  }
0x63: {  	_ =	shalt  }
0x64: {  	_ =	shalt  }
0x65: {  	_ =	shalt  }
0x66: {  	_ =	shalt  }
0x67: {  	_ =	shalt  }
0x68: {  	_ =	shalt  }
0x69: {  	_ =	shalt  }
0x6a: {  	_ =	shalt  }
0x6b: {  	_ =	shalt  }
0x6c: {  	_ =	shalt  }
0x6d: {  	_ =	shalt  }
0x6e: {  	_ =	shalt  }
0x6f: {  	_ =	shalt  }
0x70: {  	_ =	shalt  }
0x71: {  	_ =	shalt  }
0x72: {  	_ =	shalt  }
0x73: {  	_ =	shalt  }
0x74: {  	_ =	shalt  }
0x75: {  	_ =	shalt  }
0x76: {  	_ =	shalt  }
0x77: {  	_ =	shalt  }
0x78: {  	_ =	shalt  }
0x79: {  	_ =	shalt  }
0x7a: {  	_ =	shalt  }
0x7b: {  	_ =	shalt  }
0x7c: {  	_ =	shalt  }
0x7d: {  	_ =	shalt  }
0x7e: {  	_ =	shalt  }
0x7f: {  	_ =	shalt  }
0x80: {  	_ =	shalt  }
0x81: {  	_ =	shalt  }
0x82: {  	_ =	shalt  }
0x83: {  	_ =	shalt  }
0x84: {  	_ =	shalt  }
0x85: {  	_ =	shalt  }
0x86: {  	_ =	shalt  }
0x87: {  	_ =	shalt  }
.Lfunc_end0:
.L_simem_size_0:
called_computation.1_lowered:
.L_overlay_start_0:
0x88: {  	s2 =	sld [smem:$0x3FD9]  }
0x89: {  	s3 =	sld [smem:$0x3FFE];
	_ =	sdelay $0x1  }
0x8a: {  	s1 =	srdreg.scid  }
0x8b: {  	s0 =	sand.u32 $0x1, s1  }
0x8c: {  	s14 =	sshll.u32 s0, $0xA;
	s2 =	sadd.s32 s3, s2  }
0x8d: {  	s2 =	sadd.s32 s2, s14  }
0x8e: {  	[smem:$0x3FBA] =	sst s2  }
0x8f: {  	_ = 	snop  }
0x90: {  	s2 =	sld [smem:$0x3FD0];
	_ =	sdelay $0x2  }
0x91: {  	s15 =	simm.s32 $0xA;
	s4 =	simm.s32 $0x10  }
0x92: {  	[smem:s4], [sflag:s15] =	dma.local [hbm:s2], $0x1  }
0x93: {  	_ =	swait.eq [sflag:s15], $0x1  }
0x94: {  	s16 =	sld [smem:$0x10];
	[sflag:s15] =	ssyncset.done $0x0  }
0x95: {  	s17 =	sld [smem:$0x12];
	[sflag:s15] =	ssyncadd.s32 $0xFFFFFFFF  }
0x96: {  	s18 =	sld [smem:$0x13];
	(tm) =	ssettm $0x1  }
0x97: {  	s5 =	sld [smem:$0x3FFB];
	_ =	sdelay $0x3  }
0x98: {  	_ =	strace s5  }
0x99: {  	s5 =	sld [smem:$0x3FFC];
	_ =	sdelay $0x3  }
0x9a: {  	_ =	strace s5  }
0x9b: {  	s5 =	sld [smem:$0x3FFD];
	_ =	sdelay $0x3  }
0x9c: {  	_ =	strace s5  }
0x9d: {  	_ =	strace $0x8FFFFFFF  }
0x9e: {  	s19 =	sld [smem:$0x3FDB];
	_ =	sdelay $0x1  }
0x9f: {  	s6 =	simm.s32 $_scs_section_size  }
0xa0: {  	s7 =	simm.s32 $_size__tile_overlayer_lowered;
	s8 =	simm.s32 $_tile_overlayer_lowered  }
0xa1: {  	s22 =	simm.s32 $0x1BFF;
	s21 =	sshll.u32 s8, $0x1;
	s5 =	sadd.s32 s6, s19  }
0xa2: {  	s9 =	simm.s32 $0x0;
	s20 =	sshll.u32 s7, $0x1;
	s7 =	sadd.s32 s21, s5  }
0xa3: {  	[timem:s9], [sflag:s22] =	dma.local [hbm:s7], s20  }
0xa4: {  	_ =	swait.ge [sflag:s22], s20  }
0xa5: {  	s6 =	ssub.s32 $0x0, s20;
	[sflag:s22] =	ssyncset.done $0x0  }
0xa6: {  	[sflag:s22] =	ssyncadd.s32 s6;
	_ =	sdelay $0x1  }
0xa7: {  	s23 =	simm.s32 $0x1B8B  }
0xa8: {  	_ =	swait.ge [sflag:s23], $0x1  }
0xa9: {  	[sflag:s23] =	ssyncset.done $0x0  }
0xaa: {  	s25 =	simm.s32 $0x1B8E;
	s24 =	sld [smem:$0x3FFE];
	[sflag:s23] =	ssyncadd.s32 $0xFFFFFFFF  }
0xab: {  	s26 =	simm.s32 $execute0_lowered;
	[smem:$0x3FD2] =	sst s25  }
0xac: {  	s7 =	sshll.u32 s26, $0x1;
	_ =	strace $0x80000049;
	[dreg:$0x1] =	wrdreg $0xFFFFFFFF  }
0xad: {  	s28 =	simm.s32 $_size_execute0_lowered;
	s5 =	sadd.s32 s5, s7;
	[dreg:$0x0] =	wrdreg $0x0  }
0xae: {  	s7 =	sshll.u32 s28, $0x1;
	[dreg:$0x2] =	wrdreg s5  }
0xaf: {  	[dreg:$0x3] =	wrdreg s7  }
0xb0: {  	[dreg:$0x4] =	wrdreg $0xC0  }
0xb1: {  	_ =	task [dreg:s9], $0x5FFFF  }
0xb2: {  	[dreg:$0x1] =	wrdreg $0xFFFFFFFF  }
0xb3: {  	[dreg:$0x0] =	wrdreg $0x60  }
0xb4: {  	[dreg:$0x2] =	wrdreg s24  }
0xb5: {  	[dreg:$0x3] =	wrdreg s16  }
0xb6: {  	[dreg:$0x4] =	wrdreg s17  }
0xb7: {  	[dreg:$0x5] =	wrdreg s18  }
0xb8: {  	[dreg:$0x6] =	wrdreg $0x9  }
0xb9: {  	_ =	task.clear_ibuf [dreg:s9], $0x7FFFF;
	_ =	strace $0x90000049  }
0xba: {  	s29 =	simm.s32 $0x9;
	_ =	strace $0x8000004B  }
0xbb: {  	_ =	swait.ge [sflag:s29], $0x1  }
0xbc: {  	[sflag:s29] =	ssyncadd.s32 $0xFFFFFFFF  }
0xbd: {  	_ =	strace $0x9000004B  }
0xbe: {  	_ =	sfence  }
0xbf: {  	s30 =	sld [smem:$0x0];
	_ =	sdelay $0x2  }
0xc0: {  	s31 =	sshll.u32 s1, $0xD;
	s1 =	sshrl.u32 s1, $0x2  }
0xc1: {  	s3 =	sand.u32 $0x4000, s31;
	s1 =	sadd.s32 s1, s30  }
0xc2: {  	s0 =	sor.u32 s3, s0;
	s1 =	sshll.u32 s1, $0x11  }
0xc3: {  	s0 =	sor.u32 s1, s0  }
0xc4: {  	s0 =	sadd.s32 $0x8F2B, s0  }
0xc5: {  	[sflag:s0] =	ssyncadd.remote.s32 $0x1  }
0xc6: {  	_ =	sfence.sel $0xFFFF  }
0xc7: {  	[dreg:$0x0] =	wrdreg $0xFFFFFFFF;
	(pc) =	sbr.abs _section_cstart, $3  }
0xc8: {  	[dreg:$0x1] =	wrdreg $0xFFFFFFFF  }
0xc9: {  	_ =	task.clear_ibuf [dreg:s9], $0x2FFFF;
	_ =	strace $0x9FFFFFFF  }
0xca: {  	(tm) =	ssettm $0x7FFFFFFF  }
0xcb: {  	_ =	shalt  }
tec
execute0_lowered:
.L_overlay_start_1:
0x0: {  	(tag) =	ssettag $0x1  }
0x1: {  	s1 =	rddreg [dreg:$0x0]  }
0x2: {  	s5 =	rddreg [dreg:$0x1]  }
0x3: {  	s0 =	rddreg [dreg:$0x2]  }
0x4: {  	s7 =	rddreg [dreg:$0x3];
	s15 =	srdreg.scid  }
0x5: {  	s11 =	stileid.u32;
	s2 =	simm.s32 $0x0;
	[dreg:$0x5] =	wrdreg s0  }
0x6: {  	s3 =	sand.u32 $0x1, s15;
	s16 =	sshll.u32 s11, $0x1;
	[smem:$0x7FF] =	sst s2  }
0x7: {  	s0 =	sor.u32 s3, s16;
	_ =	strace $0x8000004A;
	s6 =	ssub.s32 $0x2, s3  }
0x8: {  	s4 =	sshll.u32 s0, $0x3;
	s8 =	smul.u32 $0x1800, s0;
	s9 =	sshrl.u32 s6, $0x1  }
0x9: {  	p0 =	seq.s32 s0, $0x1F;
	s17 =	sadd.s32 s1, s4;
	s4 =	sadd.s32 $0x400, s1  }
0xa: {  	s9 =	ssub.s32 s6, s9;
	s6 =	sadd.s32 $0x600, s1;
	s5 =	sadd.s32 s5, s8  }
0xb: {  	[dreg:$0x7] =	wrdreg s5;
	s5 =	sadd.s32 $0x500, s1;
	s1 =	simm.s32 @!p0 $0x0  }
0xc: {  	s1 =	simm.s32 @p0 $0x1;
	p0 =	sgt.u32 s0, $0x1C  }
0xd: {  	[smem:$0x7E5] =	sst s1;
	s1 =	simm.s32 @!p0 $0x0  }
0xe: {  	s22 =	simm.s32 $0x80;
	s1 =	simm.s32 @p0 $0x1;
	p0 =	sgt.u32 s0, $0x1A  }
0xf: {  	s23 =	simm.s32 $0x200;
	[smem:$0x7E6] =	sst s1;
	s1 =	simm.s32 @!p0 $0x0  }
0x10: {  	s24 =	simm.s32 $0x100;
	s1 =	simm.s32 @p0 $0x1;
	p0 =	sgt.u32 s0, $0x18  }
0x11: {  	s25 =	simm.s32 $0x180;
	[smem:$0x7E7] =	sst s1;
	s1 =	simm.s32 @!p0 $0x0  }
0x12: {  	s26 =	simm.s32 $0xD200;
	s1 =	simm.s32 @p0 $0x1;
	p0 =	sgt.u32 s0, $0x16  }
0x13: {  	s13 =	simm.s32 $0x2A00;
	[smem:$0x7E8] =	sst s1;
	s1 =	simm.s32 @!p0 $0x0  }
0x14: {  	s14 =	simm.s32 $0x3200;
	s1 =	simm.s32 @p0 $0x1;
	p0 =	sgt.u32 s0, $0x14  }
0x15: {  	s28 =	simm.s32 $0x9200;
	[smem:$0x7E9] =	sst s1;
	s1 =	simm.s32 @!p0 $0x0  }
0x16: {  	s29 =	simm.s32 $0x9A00;
	s1 =	simm.s32 @p0 $0x1;
	p0 =	sgt.u32 s0, $0x12  }
0x17: {  	s30 =	simm.s32 $0xA200;
	s31 =	simm.s32 $0xAA00;
	s3 =	simm.s32 @!p0 $0x0  }
0x18: {  	s15 =	simm.s32 $0x1;
	s3 =	simm.s32 @p0 $0x1;
	p0 =	sgt.u32 s0, $0x10  }
0x19: {  	p4 =	sgt.u32 s11, $0x5;
	[smem:$0x7EA] =	sst s1;
	s1 =	simm.s32 @!p0 $0x0  }
0x1a: {  	[dreg:$0xb] =	wrdreg s22;
	s1 =	simm.s32 @p0 $0x1;
	p0 =	sgt.u32 s0, $0xE  }
0x1b: {  	p5 =	sgt.u32 s11, $0x4;
	[smem:$0x7EC] =	sst s1;
	s1 =	simm.s32 @!p0 $0x0  }
0x1c: {  	[dreg:$0xc] =	wrdreg s23;
	s1 =	simm.s32 @p0 $0x1;
	p0 =	sgt.u32 s0, $0xC  }
0x1d: {  	p6 =	sgt.u32 s11, $0x3;
	[smem:$0x7ED] =	sst s1;
	s1 =	simm.s32 @!p0 $0x0  }
0x1e: {  	[dreg:$0xd] =	wrdreg s24;
	s1 =	simm.s32 @p0 $0x1;
	p0 =	sgt.u32 s0, $0xA  }
0x1f: {  	p1 =	sgt.u32 s11, $0x1;
	[smem:$0x7EE] =	sst s1;
	s1 =	simm.s32 @!p0 $0x0  }
0x20: {  	[dreg:$0xe] =	wrdreg s25;
	s1 =	simm.s32 @p0 $0x1;
	p0 =	sgt.u32 s0, $0x8  }
0x21: {  	p2 =	seq.s32 s11, $0x0;
	[smem:$0x7EF] =	sst s1;
	s1 =	simm.s32 @!p0 $0x0  }
0x22: {  	[dreg:$0xf] =	wrdreg s26;
	s1 =	simm.s32 @p0 $0x1;
	p0 =	sgt.u32 s0, $0x6  }
0x23: {  	s16 =	simm.s32 $0x3A00;
	[smem:$0x7F0] =	sst s1;
	s1 =	simm.s32 @!p0 $0x0  }
0x24: {  	s22 =	simm.s32 $0x6A00;
	s1 =	simm.s32 @p0 $0x1;
	p0 =	sgt.u32 s0, $0x4  }
0x25: {  	s23 =	simm.s32 $0x7200;
	[smem:$0x7F1] =	sst s1;
	s1 =	simm.s32 @!p0 $0x0  }
0x26: {  	s24 =	simm.s32 $0x7A00;
	s1 =	simm.s32 @p0 $0x1;
	p0 =	sgt.u32 s0, $0x2  }
0x27: {  	s25 =	simm.s32 $0x8200;
	[smem:$0x7F2] =	sst s1;
	s1 =	simm.s32 @!p0 $0x0  }
0x28: {  	s20 =	sshll.u32 s0, $0x4;
	s1 =	simm.s32 @p0 $0x1;
	p0 =	seq.s32 s0, $0x0  }
0x29: {  	s26 =	simm.s32 $0x8A00;
	s21 =	sadd.s32 s7, s20;
	s0 =	simm.s32 @!p0 $0x0  }
0x2a: {  	s20 =	simm.s32 $0x5A00;
	s0 =	simm.s32 @p0 $0x1;
	p0 =	seq.s32 s11, $0xF  }
0x2b: {  	s10 =	sadd.s32 $0x200, s17;
	[smem:$0x7F4] =	sst s0;
	s0 =	simm.s32 @!p0 $0x0  }
0x2c: {  	[dreg:$0x10] =	wrdreg s17;
	s0 =	simm.s32 @p0 $0x1;
	p0 =	sgt.u32 s11, $0xD  }
0x2d: {  	s18 =	sadd.s32 $0x78400, s17;
	[smem:$0x7F5] =	sst s0;
	s0 =	simm.s32 @!p0 $0x0  }
0x2e: {  	[dreg:$0xa] =	wrdreg s21;
	s0 =	simm.s32 @p0 $0x1;
	p0 =	sgt.u32 s11, $0xC  }
0x2f: {  	s19 =	sadd.s32 $0x78600, s17;
	[smem:$0x7F6] =	sst s0;
	s0 =	simm.s32 @!p0 $0x0  }
0x30: {  	s7 =	smax.u32 s9, $0x1;
	s0 =	simm.s32 @p0 $0x1;
	p0 =	sgt.u32 s11, $0xB  }
0x31: {  	s8 =	simm.s32 $0x2;
	[smem:$0x7F7] =	sst s0;
	s0 =	simm.s32 @!p0 $0x0  }
0x32: {  	[dreg:$0x6] =	wrdreg s10;
	s0 =	simm.s32 @p0 $0x1;
	p0 =	sgt.u32 s11, $0xA  }
0x33: {  	s9 =	simm.s32 $0x1200;
	[smem:$0x7F8] =	sst s0;
	s0 =	simm.s32 @!p0 $0x0  }
0x34: {  	[dreg:$0x8] =	wrdreg s18;
	s0 =	simm.s32 @p0 $0x1;
	p0 =	sgt.u32 s11, $0x9  }
0x35: {  	s17 =	simm.s32 $0x4200;
	[smem:$0x7F9] =	sst s0;
	s0 =	simm.s32 @!p0 $0x0  }
0x36: {  	[dreg:$0x9] =	wrdreg s19;
	s0 =	simm.s32 @p0 $0x1;
	p0 =	sgt.u32 s11, $0x8  }
0x37: {  	s21 =	simm.s32 $0x6200;
	[smem:$0x7FA] =	sst s0;
	s0 =	simm.s32 @!p0 $0x0  }
0x38: {  	s18 =	simm.s32 $0x4A00;
	s0 =	simm.s32 @p0 $0x1;
	p0 =	sgt.u32 s11, $0x7  }
0x39: {  	s19 =	simm.s32 $0x5200;
	[smem:$0x7FB] =	sst s0;
	s0 =	simm.s32 @!p0 $0x0  }
0x3a: {  	vm0 =	vmmov $0xffff;
	v0 =	vimm.s32 $0x0;
	[smem:$0x7EB] =	sst s3;
	s0 =	simm.s32 @p0 $0x1;
	p0 =	sgt.u32 s11, $0x6  }
0x3b: {  	vm1 =	vmmov $0x1;
	v1 =	vimm.s32 $0x0;
	v3 =	vlaneseq.u32;
	s10 =	simm.s32 $0xC200;
	[smem:$0x7FC] =	sst s0;
	s0 =	simm.s32 @!p0 $0x0  }
0x3c: {  	vm6 =	vcmask $0xF14;
	v1 =	vsel vm1, $0xFFFFFFFF, v1;
	v2 =	vshrl.u32 v3, $0x3;
	s3 =	simm.s32 $0xCA00;
	[smem:$0x7F3] =	sst s1;
	s0 =	simm.s32 @p0 $0x1  }
0x3d: {  	[tilespmem:$0x1FFF0] =	vst v1;
	v1 =	vand.u32 $0x7, v3;
	v2 =	vmul.u32 $0x8, v2;
	v3 =	vor.u32 $0x8, v3;
	s1 =	simm.s32 $0xBA00;
	p0 =	sgt.u32 s11, $0x2;
	[smem:$0x7FD] =	sst s0  }
.LBB2_1:
0x3e: {  	s11 =	rddreg [dreg:$0x6]  }
0x3f: {  	[tilespmem:s2], [sflag:$0x2] =	stream.linear.gather [hbm4b:s11+s2], $0x40, $0x38;
	[tilespmem:$0xD280] =	vst v63  }
0x40: {  	_ =	swait.ge [sflag:s8], $0x40  }
0x41: {  	s12 =	rddreg [dreg:$0xb];
	[sflag:s8] =	ssyncset.done $0x0  }
0x42: {  	s0 =	rddreg [dreg:$0x10];
	[sflag:s8] =	ssyncadd.s32 $0xFFFFFFC0  }
0x43: {  	[tilespmem:s12], [sflag:$0x2] =	stream.linear.gather [hbm4b:s0+s2], $0x40, $0x38;
	[tilespmem:$0xD280] =	vst v63  }
0x44: {  	_ =	swait.ge [sflag:s8], $0x40  }
0x45: {  	s0 =	rddreg [dreg:$0x5];
	[sflag:s8] =	ssyncset.done $0x0  }
0x46: {  	s12 =	rddreg [dreg:$0xc];
	[sflag:s8] =	ssyncadd.s32 $0xFFFFFFC0  }
0x47: {  	[tilespmem:s12], [sflag:$0x2] =	stream.linear.gather [hbm4b:s0+s2], $0x1000, $0x38;
	[tilespmem:$0xD280] =	vst v63  }
0x48: {  	_ =	swait.ge [sflag:s8], $0x1000  }
0x49: {  	[sflag:s8] =	ssyncset.done $0x0  }
0x4a: {  	[sflag:s8] =	ssyncadd.s32 $0xFFFFF000  }
0x4b: {  	v4 =	vld [tilespmem:$0x200]  }
0x4c: {  	v5 =	vld [tilespmem:$0x280]  }
0x4d: {  	v6 =	vld [tilespmem:$0x300]  }
0x4e: {  	v7 =	vld [tilespmem:$0x380]  }
0x4f: {  	v8 =	vld [tilespmem:$0x400]  }
0x50: {  	v9 =	vld [tilespmem:$0x480]  }
0x51: {  	v10 =	vld [tilespmem:$0x500];
	v11 =	vadd.s32 v5, v4  }
0x52: {  	v12 =	vld [tilespmem:$0x580];
	v11 =	vadd.s32 v6, v11  }
0x53: {  	v13 =	vld [tilespmem:$0x600];
	v11 =	vadd.s32 v7, v11  }
0x54: {  	v14 =	vld [tilespmem:$0x680];
	v11 =	vadd.s32 v8, v11  }
0x55: {  	v15 =	vld [tilespmem:$0x700];
	v11 =	vadd.s32 v9, v11  }
0x56: {  	v16 =	vld [tilespmem:$0x780];
	v11 =	vadd.s32 v10, v11  }
0x57: {  	v17 =	vld [tilespmem:$0x800];
	v11 =	vadd.s32 v12, v11  }
0x58: {  	v18 =	vld [tilespmem:$0x880];
	v11 =	vadd.s32 v13, v11  }
0x59: {  	v19 =	vld [tilespmem:$0x900];
	v11 =	vadd.s32 v14, v11  }
0x5a: {  	v20 =	vld [tilespmem:$0x980];
	v11 =	vadd.s32 v15, v11  }
0x5b: {  	v21 =	vld [tilespmem:$0xA00];
	v11 =	vadd.s32 v16, v11  }
0x5c: {  	s11 =	sld [smem:$0x7F4];
	v22 =	vld [tilespmem:$0xA80];
	v11 =	vadd.s32 v17, v11  }
0x5d: {  	s12 =	sld [smem:$0x7F3];
	v23 =	vld [tilespmem:$0xB00];
	v11 =	vadd.s32 v18, v11  }
0x5e: {  	v24 =	vld [tilespmem:$0xB80];
	v11 =	vadd.s32 v19, v11  }
0x5f: {  	v25 =	vld [tilespmem:$0xC00];
	p3 =	seq.s32 s11, $0x1;
	s11 =	sld [smem:$0x7F2];
	v11 =	vadd.s32 v20, v11  }
0x60: {  	v26 =	vld [tilespmem:$0xC80];
	v4 =	vpsel p3, $0x0, v4;
	v5 =	vpsel p2, $0x0, v5;
	p3 =	seq.s32 s12, $0x1;
	v11 =	vadd.s32 v21, v11  }
0x61: {  	v27 =	vld [tilespmem:$0xD00];
	s12 =	sld [smem:$0x7F1];
	v4 =	vadd.s32 v4, v5;
	v5 =	vpsel !p3, $0x0, v6;
	v11 =	vadd.s32 v22, v11  }
0x62: {  	v28 =	vld [tilespmem:$0xD80];
	p3 =	seq.s32 s11, $0x1;
	v4 =	vadd.s32 v5, v4;
	v5 =	vpsel !p1, $0x0, v7;
	v11 =	vadd.s32 v23, v11  }
0x63: {  	v29 =	vld [tilespmem:$0xE00];
	s11 =	sld [smem:$0x7F0];
	v4 =	vadd.s32 v5, v4;
	v5 =	vpsel !p3, $0x0, v8;
	v11 =	vadd.s32 v24, v11  }
0x64: {  	v30 =	vld [tilespmem:$0xE80];
	p3 =	seq.s32 s12, $0x1;
	v4 =	vadd.s32 v5, v4;
	v5 =	vpsel !p0, $0x0, v9;
	v11 =	vadd.s32 v25, v11  }
0x65: {  	v31 =	vld [tilespmem:$0xF00];
	s12 =	sld [smem:$0x7EF];
	v4 =	vadd.s32 v5, v4;
	v5 =	vpsel !p3, $0x0, v10;
	v11 =	vadd.s32 v26, v11  }
0x66: {  	v43 =	vld [tilespmem:$0xF80];
	p3 =	seq.s32 s11, $0x1;
	v4 =	vadd.s32 v5, v4;
	v5 =	vpsel !p6, $0x0, v12;
	v11 =	vadd.s32 v27, v11  }
0x67: {  	v44 =	vld [tilespmem:$0x1000];
	s11 =	sld [smem:$0x7EE];
	v4 =	vadd.s32 v5, v4;
	v5 =	vpsel !p3, $0x0, v13;
	v11 =	vadd.s32 v28, v11  }
0x68: {  	v45 =	vld [tilespmem:$0x1080];
	p3 =	seq.s32 s12, $0x1;
	s12 =	sld [smem:$0x7FD];
	v4 =	vadd.s32 v5, v4;
	v5 =	vpsel !p5, $0x0, v14;
	v11 =	vadd.s32 v29, v11  }
0x69: {  	v46 =	vld [tilespmem:$0x1100];
	v4 =	vadd.s32 v5, v4;
	v5 =	vpsel !p3, $0x0, v15;
	v11 =	vadd.s32 v30, v11  }
0x6a: {  	v47 =	vld [tilespmem:$0x1180];
	p3 =	seq.s32 s11, $0x1;
	s11 =	sld [smem:$0x7ED];
	v4 =	vadd.s32 v5, v4;
	v5 =	vpsel !p4, $0x0, v16;
	v11 =	vadd.s32 v31, v11  }
0x6b: {  	v4 =	vadd.s32 v5, v4;
	v5 =	vpsel !p3, $0x0, v17;
	p3 =	seq.s32 s12, $0x1;
	s12 =	sld [smem:$0x7FC];
	v11 =	vadd.s32 v43, v11  }
0x6c: {  	v11 =	vadd.s32 v44, v11  }
0x6d: {  	v48 =	vpsel !p3, $0x0, v18;
	p3 =	seq.s32 s11, $0x1;
	s11 =	sld [smem:$0x7EC];
	v11 =	vadd.s32 v45, v11  }
0x6e: {  	v49 =	vpsel !p3, $0x0, v19;
	p3 =	seq.s32 s12, $0x1;
	s12 =	sld [smem:$0x7FB];
	v11 =	vadd.s32 v46, v11  }
0x6f: {  	v10 =	vadd.s32 v47, v11  }
0x70: {  	v50 =	vpsel !p3, $0x0, v20;
	p3 =	seq.s32 s11, $0x1;
	s11 =	sld [smem:$0x7EB];
	v10 =	vadd.s32 $0x7F, v10  }
0x71: {  	v5 =	vadd.s32 v5, v4;
	v51 =	vpsel !p3, $0x0, v21;
	p3 =	seq.s32 s12, $0x1;
	s12 =	sld [smem:$0x7FA];
	v4 =	vand.u32 $0xFFFFFF80, v10  }
0x72: {  	(xrf0) =	vadd.scan.msk.s32 $0xffff, v4  }
0x73: {  	v52 =	vpsel !p3, $0x0, v22;
	p3 =	seq.s32 s11, $0x1  }
0x74: {  	v53 =	vpsel !p3, $0x0, v23;
	p3 =	seq.s32 s12, $0x1;
	s12 =	sld [smem:$0x7EA]  }
0x75: {  	s11 =	rddreg [dreg:$0x7]  }
0x76: {  	[tilespmem:s9], [sflag:$0x2] =	stream.linear.gather [hbm4b:s11+s2], $0xC000, $0x38;
	[tilespmem:$0xD280] =	vst v63  }
0x77: {  	v54 =	vpsel !p3, $0x0, v24;
	p3 =	seq.s32 s12, $0x1;
	s12 =	sld [smem:$0x7F9]  }
0x78: {  	v5 =	vadd.s32 v48, v5;
	s11 =	sld [smem:$0x7E9];
	v56, _, _ =	vpop (xrf0)  }
0x79: {  	v5 =	vadd.s32 v49, v5;
	_ =	swait.ge [sflag:s8], $0xC000  }
0x7a: {  	v5 =	vadd.s32 v50, v5;
	v55 =	vpsel !p3, $0x0, v25;
	p3 =	seq.s32 s12, $0x1;
	s12 =	sld [smem:$0x7F8]  }
0x7b: {  	v5 =	vadd.s32 v51, v5;
	v57 =	vpsel !p3, $0x0, v26;
	p3 =	seq.s32 s11, $0x1;
	s11 =	sld [smem:$0x7E8]  }
0x7c: {  	v5 =	vadd.s32 v52, v5  }
0x7d: {  	v5 =	vadd.s32 v53, v5;
	v58 =	vpsel !p3, $0x0, v27;
	p3 =	seq.s32 s12, $0x1;
	s12 =	sld [smem:$0x7F7]  }
0x7e: {  	v5 =	vadd.s32 v54, v5;
	v59 =	vpsel !p3, $0x0, v28;
	p3 =	seq.s32 s11, $0x1;
	s11 =	sld [smem:$0x7E7]  }
0x7f: {  	v5 =	vadd.s32 v55, v5  }
0x80: {  	v5 =	vadd.s32 v57, v5;
	v60 =	vpsel !p3, $0x0, v29;
	p3 =	seq.s32 s12, $0x1;
	s12 =	sld [smem:$0x7F6]  }
0x81: {  	v5 =	vadd.s32 v58, v5;
	[sflag:s8] =	ssyncset.done $0x0;
	v61 =	vpsel !p3, $0x0, v30;
	p3 =	seq.s32 s11, $0x1;
	s11 =	sld [smem:$0x7E6]  }
0x82: {  	v18 =	vld [tilespmem:$0x1FFF0];
	[sflag:s8] =	ssyncadd.s32 $0xFFFF4000;
	v5 =	vadd.s32 v59, v5  }
0x83: {  	vm3 =	vcmask $0x308;
	v62 =	vld [tilespmem:$0x0];
	v5 =	vadd.s32 v60, v5;
	v63 =	vpsel !p3, $0x0, v31;
	p3 =	seq.s32 s12, $0x1;
	s12 =	sld [smem:$0x7F5]  }
0x84: {  	vm4 =	vcmask $0x70C;
	v5 =	vadd.s32 v61, v5;
	v6 =	vpsel !p3, $0x0, v43;
	p3 =	seq.s32 s11, $0x1;
	s11 =	sld [smem:$0x7E5]  }
0x85: {  	vm5 =	vcmask $0xB10;
	vm8 =	vcmask $0x171C;
	v5 =	vadd.s32 v63, v5  }
0x86: {  	v15 =	vsub.s32 v56, v4;
	v5 =	vadd.s32 v6, v5;
	v10 =	vpsel !p3, $0x0, v44;
	p3 =	seq.s32 s12, $0x1  }
0x87: {  	vm1 =	vnez.u8 v18;
	v5 =	vadd.s32 v10, v5;
	v13 =	vpsel !p3, $0x0, v45;
	p3 =	seq.s32 s11, $0x1  }
0x88: {  	vm9 =	veq.s32 v62, $0x0;
	v5 =	vadd.s32 v13, v5;
	v14 =	vpsel !p3, $0x0, v46  }
0x89: {  	vm10 =	veq.s32 v62, $0x1;
	v16 =	vmpcnt.ones.xlane vm9;
	v5 =	vadd.s32 v14, v5  }
0x8a: {  	vm11 =	veq.s32 v62, $0x2;
	v17 =	vsel vm9, $0x1, v0;
	v5 =	vadd.s32 v15, v5  }
0x8b: {  	v19 =	vmpcnt.ones.xlane vm10;
	(xrf0) =	vadd.scan.msk.s32 $0xffff, v17;
	v6 =	vnsel vm1, $0x0, v16;
	v7 =	vnsel vm1, $0x0, v5  }
0x8c: {  	vm12 =	veq.s32 v62, $0x3;
	v20 =	vsel vm10, $0x1, v0;
	v5 =	vadd.s32 v5, v6;
	(xrf0) =	vadd.scan.msk.s32 $0xffff, v7  }
0x8d: {  	v23 =	vmpcnt.ones.xlane vm11;
	v22 =	vsel vm3, $0x0, v19;
	v21 =	vsel vm3, $0x0, v5;
	(xrf0) =	vadd.scan.msk.s32 $0xffff, v20  }
0x8e: {  	vm13 =	veq.s32 v62, $0x4;
	v24 =	vsel vm11, $0x1, v0;
	v5 =	vadd.s32 v22, v5;
	(xrf0) =	vadd.scan.msk.s32 $0xffff, v21  }
0x8f: {  	v27 =	vmpcnt.ones.xlane vm12;
	v26 =	vsel vm4, $0x0, v23;
	v25 =	vsel vm4, $0x0, v5;
	(xrf0) =	vadd.scan.msk.s32 $0xffff, v24  }
0x90: {  	vm14 =	veq.s32 v62, $0x5;
	v28 =	vsel vm12, $0x1, v0;
	v5 =	vadd.s32 v26, v5;
	(xrf0) =	vadd.scan.msk.s32 $0xffff, v25  }
0x91: {  	v31 =	vmpcnt.ones.xlane vm13;
	v8 =	vsel vm5, $0x0, v27;
	v29, _, _ =	vpop (xrf0);
	v30 =	vsel vm5, $0x0, v5;
	(xrf0) =	vadd.scan.msk.s32 $0xffff, v28  }
0x92: {  	vm7 =	veq.s32 v62, $0x6;
	v33 =	vsel vm13, $0x1, v0;
	v5 =	vadd.s32 v8, v5;
	v32, _, _ =	vpop (xrf0);
	(xrf0) =	vadd.scan.msk.s32 $0xffff, v30  }
0x93: {  	v36 =	vmpcnt.ones.xlane vm14;
	v9 =	vsel vm6, $0x0, v31;
	v35 =	vsel vm6, $0x0, v5;
	v34, _, _ =	vpop (xrf0);
	(xrf0) =	vadd.scan.msk.s32 $0xffff, v33  }
0x94: {  	v38 =	vsel vm14, $0x1, v0;
	vm3 =	vcmask $0x1318;
	v5 =	vadd.s32 v9, v5;
	v37, _, _ =	vpop (xrf0);
	(xrf0) =	vadd.scan.msk.s32 $0xffff, v35  }
0x95: {  	v41 =	vmpcnt.ones.xlane vm7;
	v11 =	vsel vm3, $0x0, v36;
	v40 =	vsel vm3, $0x0, v5;
	v39, _, _ =	vpop (xrf0);
	(xrf0) =	vadd.scan.msk.s32 $0xffff, v38  }
0x96: {  	vm2 =	vcmask $0x1B20;
	v43 =	vsel vm7, $0x1, v0;
	v5 =	vadd.s32 v11, v5;
	v42, _, _ =	vpop (xrf0);
	(xrf0) =	vadd.scan.msk.s32 $0xffff, v40  }
0x97: {  	vm15 =	veq.s32 v62, $0x7;
	v14 =	vsel vm8, $0x0, v41;
	v45 =	vsel vm8, $0x0, v5;
	v44, _, _ =	vpop (xrf0);
	(xrf0) =	vadd.scan.msk.s32 $0xffff, v43  }
0x98: {  	v47 =	vsel vm15, $0x1, v0;
	v5 =	vadd.s32 v14, v5;
	v10 =	vadd.s32 $0xFFFFFFFF, v32;
	v46, _, _ =	vpop (xrf0);
	(xrf0) =	vadd.scan.msk.s32 $0xffff, v45  }
0x99: {  	v49 =	vsel vm2, $0x0, v5;
	v10 =	vbroadcast v10, $0xF;
	v13 =	vadd.s32 $0xFFFFFFFF, v37;
	v48, _, _ =	vpop (xrf0);
	(xrf0) =	vadd.scan.msk.s32 $0xffff, v47  }
0x9a: {  	v13 =	vbroadcast v13, $0xF;
	v15 =	vadd.s32 $0xFFFFFFFF, v42;
	v50, _, _ =	vpop (xrf0);
	(xrf0) =	vadd.scan.msk.s32 $0xffff, v49  }
0x9b: {  	v51 =	vadd.s32 v29, v10;
	v52 =	vbroadcast v15, $0xF;
	v53, _, _ =	vpop (xrf0)  }
0x9c: {  	v6 =	vnsel vm9, $0x0, v51;
	v8 =	vadd.s32 v34, v13;
	v12 =	vadd.s32 $0xFFFFFFFF, v46;
	v54, _, _ =	vpop (xrf0)  }
0x9d: {  	v6 =	vsel vm10, v8, v6;
	v7 =	vadd.s32 v39, v52;
	v55 =	vbroadcast v12, $0xF;
	v56, _, _ =	vpop (xrf0)  }
0x9e: {  	v6 =	vsel vm11, v7, v6;
	v57 =	vadd.s32 $0xFFFFFFFF, v50;
	v58, _, _ =	vpop (xrf0)  }
0x9f: {  	v8 =	vadd.s32 v44, v55;
	v7 =	vbroadcast v57, $0xF;
	v59 =	vadd.s32 $0xFFFFFFFF, v54;
	v60, _, _ =	vpop (xrf0)  }
0xa0: {  	v6 =	vsel vm12, v8, v6;
	v61 =	vbroadcast v59, $0xF;
	v62 =	vadd.s32 $0xFFFFFFFF, v58;
	v63, _, _ =	vpop (xrf0)  }
0xa1: {  	v7 =	vadd.s32 v48, v7;
	v11 =	vbroadcast v62, $0xF;
	v12 =	vadd.s32 $0xFFFFFFFF, v63  }
0xa2: {  	v6 =	vsel vm13, v7, v6;
	v15 =	vadd.s32 v53, v61;
	v16 =	vbroadcast v12, $0xF  }
0xa3: {  	v6 =	vsel vm14, v15, v6;
	v17 =	vadd.s32 v56, v11  }
0xa4: {  	v6 =	vsel vm7, v17, v6;
	v18 =	vadd.s32 v60, v16  }
0xa5: {  	v6 =	vsel vm15, v18, v6  }
0xa6: {  	v7 =	vshrl.u32 v6, $0x3  }
0xa7: {  	v7 =	vmul.u32 $0x30, v7  }
0xa8: {  	v19 =	vand.u32 $0x7, v6  }
0xa9: {  	v7 =	vor.u32 v19, v7  }
0xaa: {  	v8 =	vperm.xlane v7, v1;
	_ =	sdelay $0x1  }
0xab: {  	v8 =	vadd.s32 v2, v8;
	_ =	sdelay $0x3  }
0xac: {  	[tilespmem:$0x100] =	vst v6;
	v20 =	vperm.xlane v7, v3  }
0xad: {  	[hbm4b:s4+s2] =	stream.indirect_vreg.scatter [tilespmem:s9], [sflag:$0x1], $0x80, v8, vm0, $0xb8;
	[tilespmem:$0xD280] =	vst v63  }
0xae: {  	s11 =	simm.s32 $0x1A00;
	v6 =	vadd.s32 v2, v20  }
0xaf: {  	[hbm4b:s5+s2] =	stream.indirect_vreg.scatter [tilespmem:s11], [sflag:$0x1], $0x80, v8, vm0, $0xb8;
	[tilespmem:$0xD280] =	vst v63  }
0xb0: {  	s12 =	simm.s32 $0x2200  }
0xb1: {  	[hbm4b:s6+s2] =	stream.indirect_vreg.scatter [tilespmem:s12], [sflag:$0x1], $0x80, v8, vm0, $0xb8;
	[tilespmem:$0xD280] =	vst v63  }
0xb2: {  	_ = 	snop  }
0xb3: {  	[hbm4b:s4+s2] =	stream.indirect_vreg.scatter [tilespmem:s13], [sflag:$0x1], $0x80, v6, vm0, $0xb8;
	[tilespmem:$0xD280] =	vst v63  }
0xb4: {  	_ = 	snop  }
0xb5: {  	[hbm4b:s5+s2] =	stream.indirect_vreg.scatter [tilespmem:s14], [sflag:$0x1], $0x80, v6, vm0, $0xb8;
	[tilespmem:$0xD280] =	vst v63  }
0xb6: {  	_ = 	snop  }
0xb7: {  	[hbm4b:s6+s2] =	stream.indirect_vreg.scatter [tilespmem:s16], [sflag:$0x1], $0x80, v6, vm0, $0xb8;
	[tilespmem:$0xD280] =	vst v63  }
0xb8: {  	_ =	swait.ge [sflag:s15], $0x3000  }
0xb9: {  	[sflag:s15] =	ssyncset.done $0x0  }
0xba: {  	[sflag:s15] =	ssyncadd.s32 $0xFFFFD000  }
0xbb: {  	v21 =	vld [tilespmem:$0x10];
	_ =	sdelay $0x3  }
0xbc: {  	v22 =	vmpcnt.ones.xlane vm15  }
0xbd: {  	vm9 =	veq.s32 v21, $0x0  }
0xbe: {  	v7 =	vsel vm2, $0x0, v22;
	vm2 =	vcmask $0x308;
	v23 =	vmpcnt.ones.xlane vm9  }
0xbf: {  	v5 =	vadd.s32 v7, v5;
	vm10 =	veq.s32 v21, $0x1;
	v24 =	vsel vm9, $0x1, v0  }
0xc0: {  	v25 =	vnsel vm1, $0x0, v5;
	v26 =	vmpcnt.ones.xlane vm10;
	(xrf0) =	vadd.scan.msk.s32 $0xffff, v24;
	v8 =	vnsel vm1, $0x0, v23  }
0xc1: {  	vm11 =	veq.s32 v21, $0x2;
	v27 =	vsel vm10, $0x1, v0;
	(xrf0) =	vadd.scan.msk.s32 $0xffff, v25;
	v5 =	vadd.s32 v5, v8  }
0xc2: {  	v30 =	vmpcnt.ones.xlane vm11;
	v29 =	vsel vm2, $0x0, v26;
	(xrf0) =	vadd.scan.msk.s32 $0xffff, v27;
	v28 =	vsel vm2, $0x0, v5  }
0xc3: {  	vm12 =	veq.s32 v21, $0x3;
	v31 =	vsel vm11, $0x1, v0;
	v5 =	vadd.s32 v29, v5;
	(xrf0) =	vadd.scan.msk.s32 $0xffff, v28  }
0xc4: {  	v34 =	vmpcnt.ones.xlane vm12;
	v33 =	vsel vm4, $0x0, v30;
	v32 =	vsel vm4, $0x0, v5;
	(xrf0) =	vadd.scan.msk.s32 $0xffff, v31  }
0xc5: {  	vm13 =	veq.s32 v21, $0x4;
	v35 =	vsel vm12, $0x1, v0;
	v5 =	vadd.s32 v33, v5;
	(xrf0) =	vadd.scan.msk.s32 $0xffff, v32  }
0xc6: {  	v38 =	vmpcnt.ones.xlane vm13;
	v9 =	vsel vm5, $0x0, v34;
	v37 =	vsel vm5, $0x0, v5;
	v36, _, _ =	vpop (xrf0);
	(xrf0) =	vadd.scan.msk.s32 $0xffff, v35  }
0xc7: {  	vm14 =	veq.s32 v21, $0x5;
	v40 =	vsel vm13, $0x1, v0;
	v5 =	vadd.s32 v9, v5;
	v39, _, _ =	vpop (xrf0);
	(xrf0) =	vadd.scan.msk.s32 $0xffff, v37  }
0xc8: {  	v43 =	vmpcnt.ones.xlane vm14;
	v10 =	vsel vm6, $0x0, v38;
	v42 =	vsel vm6, $0x0, v5;
	v41, _, _ =	vpop (xrf0);
	(xrf0) =	vadd.scan.msk.s32 $0xffff, v40  }
0xc9: {  	vm7 =	veq.s32 v21, $0x6;
	v45 =	vsel vm14, $0x1, v0;
	v5 =	vadd.s32 v10, v5;
	v44, _, _ =	vpop (xrf0);
	(xrf0) =	vadd.scan.msk.s32 $0xffff, v42  }
0xca: {  	v48 =	vmpcnt.ones.xlane vm7;
	v12 =	vsel vm3, $0x0, v43;
	v47 =	vsel vm3, $0x0, v5;
	v46, _, _ =	vpop (xrf0);
	(xrf0) =	vadd.scan.msk.s32 $0xffff, v45  }
0xcb: {  	vm15 =	veq.s32 v21, $0x7;
	v50 =	vsel vm7, $0x1, v0;
	v5 =	vadd.s32 v12, v5;
	v49, _, _ =	vpop (xrf0);
	(xrf0) =	vadd.scan.msk.s32 $0xffff, v47  }
0xcc: {  	v55 =	vsel vm15, $0x1, v0;
	v14 =	vsel vm8, $0x0, v48;
	v52 =	vsel vm8, $0x0, v5;
	v51, _, _ =	vpop (xrf0);
	(xrf0) =	vadd.scan.msk.s32 $0xffff, v50  }
0xcd: {  	v53 =	vadd.s32 $0xFFFFFFFF, v39;
	v5 =	vadd.s32 v14, v5;
	vm8 =	vcmask $0x1B20;
	v54, _, _ =	vpop (xrf0);
	(xrf0) =	vadd.scan.msk.s32 $0xffff, v52  }
0xce: {  	v6 =	vbroadcast v53, $0xF;
	v57 =	vsel vm8, $0x0, v5;
	v13 =	vadd.s32 $0xFFFFFFFF, v44;
	v56, _, _ =	vpop (xrf0);
	(xrf0) =	vadd.scan.msk.s32 $0xffff, v55  }
0xcf: {  	v13 =	vbroadcast v13, $0xF;
	v15 =	vadd.s32 $0xFFFFFFFF, v49;
	v58, _, _ =	vpop (xrf0);
	(xrf0) =	vadd.scan.msk.s32 $0xffff, v57  }
0xd0: {  	v6 =	vadd.s32 v36, v6;
	v59 =	vbroadcast v15, $0xF;
	v60, _, _ =	vpop (xrf0)  }
0xd1: {  	v6 =	vnsel vm9, $0x0, v6;
	v9 =	vadd.s32 v41, v13;
	v11 =	vadd.s32 $0xFFFFFFFF, v54;
	v61, _, _ =	vpop (xrf0)  }
0xd2: {  	v6 =	vsel vm10, v9, v6;
	v7 =	vadd.s32 v46, v59;
	v62 =	vbroadcast v11, $0xF;
	v63, _, _ =	vpop (xrf0)  }
0xd3: {  	v6 =	vsel vm11, v7, v6;
	v15 =	vadd.s32 $0xFFFFFFFF, v58;
	v16, _, _ =	vpop (xrf0)  }
0xd4: {  	v9 =	vadd.s32 v51, v62;
	v7 =	vbroadcast v15, $0xF;
	v17 =	vadd.s32 $0xFFFFFFFF, v61;
	v18, _, _ =	vpop (xrf0)  }
0xd5: {  	v6 =	vsel vm12, v9, v6;
	v19 =	vbroadcast v17, $0xF;
	v11 =	vadd.s32 $0xFFFFFFFF, v16;
	v20, _, _ =	vpop (xrf0)  }
0xd6: {  	v7 =	vadd.s32 v56, v7;
	v11 =	vbroadcast v11, $0xF;
	v12 =	vadd.s32 $0xFFFFFFFF, v20  }
0xd7: {  	v6 =	vsel vm13, v7, v6;
	v21 =	vadd.s32 v60, v19;
	v22 =	vbroadcast v12, $0xF  }
0xd8: {  	v6 =	vsel vm14, v21, v6;
	v23 =	vadd.s32 v63, v11  }
0xd9: {  	v6 =	vsel vm7, v23, v6;
	v24 =	vadd.s32 v18, v22  }
0xda: {  	v6 =	vsel vm15, v24, v6  }
0xdb: {  	v7 =	vshrl.u32 v6, $0x3  }
0xdc: {  	v7 =	vmul.u32 $0x30, v7  }
0xdd: {  	v25 =	vand.u32 $0x7, v6  }
0xde: {  	v7 =	vor.u32 v25, v7  }
0xdf: {  	v8 =	vperm.xlane v7, v1;
	_ =	sdelay $0x1  }
0xe0: {  	v8 =	vadd.s32 v2, v8;
	_ =	sdelay $0x3  }
0xe1: {  	[tilespmem:$0x110] =	vst v6;
	v26 =	vperm.xlane v7, v3  }
0xe2: {  	[hbm4b:s4+s2] =	stream.indirect_vreg.scatter [tilespmem:s17], [sflag:$0x1], $0x80, v8, vm0, $0xb8;
	[tilespmem:$0xD280] =	vst v63  }
0xe3: {  	v6 =	vadd.s32 v2, v26  }
0xe4: {  	[hbm4b:s5+s2] =	stream.indirect_vreg.scatter [tilespmem:s18], [sflag:$0x1], $0x80, v8, vm0, $0xb8;
	[tilespmem:$0xD280] =	vst v63  }
0xe5: {  	_ = 	snop  }
0xe6: {  	[hbm4b:s6+s2] =	stream.indirect_vreg.scatter [tilespmem:s19], [sflag:$0x1], $0x80, v8, vm0, $0xb8;
	[tilespmem:$0xD280] =	vst v63  }
0xe7: {  	_ = 	snop  }
0xe8: {  	[hbm4b:s4+s2] =	stream.indirect_vreg.scatter [tilespmem:s20], [sflag:$0x1], $0x80, v6, vm0, $0xb8;
	[tilespmem:$0xD280] =	vst v63  }
0xe9: {  	_ = 	snop  }
0xea: {  	[hbm4b:s5+s2] =	stream.indirect_vreg.scatter [tilespmem:s21], [sflag:$0x1], $0x80, v6, vm0, $0xb8;
	[tilespmem:$0xD280] =	vst v63  }
0xeb: {  	_ = 	snop  }
0xec: {  	[hbm4b:s6+s2] =	stream.indirect_vreg.scatter [tilespmem:s22], [sflag:$0x1], $0x80, v6, vm0, $0xb8;
	[tilespmem:$0xD280] =	vst v63  }
0xed: {  	_ =	swait.ge [sflag:s15], $0x3000  }
0xee: {  	[sflag:s15] =	ssyncset.done $0x0  }
0xef: {  	[sflag:s15] =	ssyncadd.s32 $0xFFFFD000  }
0xf0: {  	v27 =	vld [tilespmem:$0x20];
	_ =	sdelay $0x3  }
0xf1: {  	v28 =	vmpcnt.ones.xlane vm15  }
0xf2: {  	vm9 =	veq.s32 v27, $0x0  }
0xf3: {  	v7 =	vsel vm8, $0x0, v28;
	v29 =	vmpcnt.ones.xlane vm9  }
0xf4: {  	v5 =	vadd.s32 v7, v5;
	vm10 =	veq.s32 v27, $0x1;
	v30 =	vsel vm9, $0x1, v0  }
0xf5: {  	v31 =	vnsel vm1, $0x0, v5;
	v32 =	vmpcnt.ones.xlane vm10;
	(xrf0) =	vadd.scan.msk.s32 $0xffff, v30;
	v8 =	vnsel vm1, $0x0, v29  }
0xf6: {  	vm11 =	veq.s32 v27, $0x2;
	v33 =	vsel vm10, $0x1, v0;
	(xrf0) =	vadd.scan.msk.s32 $0xffff, v31;
	v5 =	vadd.s32 v5, v8  }
0xf7: {  	v36 =	vmpcnt.ones.xlane vm11;
	v35 =	vsel vm2, $0x0, v32;
	(xrf0) =	vadd.scan.msk.s32 $0xffff, v33;
	v34 =	vsel vm2, $0x0, v5  }
0xf8: {  	vm12 =	veq.s32 v27, $0x3;
	v37 =	vsel vm11, $0x1, v0;
	v5 =	vadd.s32 v35, v5;
	(xrf0) =	vadd.scan.msk.s32 $0xffff, v34  }
0xf9: {  	v40 =	vmpcnt.ones.xlane vm12;
	v39 =	vsel vm4, $0x0, v36;
	v38 =	vsel vm4, $0x0, v5;
	(xrf0) =	vadd.scan.msk.s32 $0xffff, v37  }
0xfa: {  	vm13 =	veq.s32 v27, $0x4;
	v41 =	vsel vm12, $0x1, v0;
	v5 =	vadd.s32 v39, v5;
	(xrf0) =	vadd.scan.msk.s32 $0xffff, v38  }
0xfb: {  	v44 =	vmpcnt.ones.xlane vm13;
	v9 =	vsel vm5, $0x0, v40;
	v43 =	vsel vm5, $0x0, v5;
	v42, _, _ =	vpop (xrf0);
	(xrf0) =	vadd.scan.msk.s32 $0xffff, v41  }
0xfc: {  	vm14 =	veq.s32 v27, $0x5;
	v46 =	vsel vm13, $0x1, v0;
	v5 =	vadd.s32 v9, v5;
	v45, _, _ =	vpop (xrf0);
	(xrf0) =	vadd.scan.msk.s32 $0xffff, v43  }
0xfd: {  	v49 =	vmpcnt.ones.xlane vm14;
	v10 =	vsel vm6, $0x0, v44;
	v48 =	vsel vm6, $0x0, v5;
	v47, _, _ =	vpop (xrf0);
	(xrf0) =	vadd.scan.msk.s32 $0xffff, v46  }
0xfe: {  	vm7 =	veq.s32 v27, $0x6;
	v51 =	vsel vm14, $0x1, v0;
	v5 =	vadd.s32 v10, v5;
	v50, _, _ =	vpop (xrf0);
	(xrf0) =	vadd.scan.msk.s32 $0xffff, v48  }
0xff: {  	v54 =	vmpcnt.ones.xlane vm7;
	v12 =	vsel vm3, $0x0, v49;
	v53 =	vsel vm3, $0x0, v5;
	v52, _, _ =	vpop (xrf0);
	(xrf0) =	vadd.scan.msk.s32 $0xffff, v51  }
0x100: {  	v56 =	vsel vm7, $0x1, v0;
	v5 =	vadd.s32 v12, v5;
	vm3 =	vcmask $0x171C;
	v55, _, _ =	vpop (xrf0);
	(xrf0) =	vadd.scan.msk.s32 $0xffff, v53  }
0x101: {  	vm15 =	veq.s32 v27, $0x7;
	v58 =	vsel vm3, $0x0, v5;
	v14 =	vsel vm3, $0x0, v54;
	v57, _, _ =	vpop (xrf0);
	(xrf0) =	vadd.scan.msk.s32 $0xffff, v56  }
0x102: {  	v61 =	vsel vm15, $0x1, v0;
	v59 =	vadd.s32 $0xFFFFFFFF, v45;
	v5 =	vadd.s32 v14, v5;
	v60, _, _ =	vpop (xrf0);
	(xrf0) =	vadd.scan.msk.s32 $0xffff, v58  }
0x103: {  	v6 =	vbroadcast v59, $0xF;
	v63 =	vsel vm8, $0x0, v5;
	v13 =	vadd.s32 $0xFFFFFFFF, v50;
	v62, _, _ =	vpop (xrf0);
	(xrf0) =	vadd.scan.msk.s32 $0xffff, v61  }
0x104: {  	v13 =	vbroadcast v13, $0xF;
	v15 =	vadd.s32 $0xFFFFFFFF, v55;
	v20, _, _ =	vpop (xrf0);
	(xrf0) =	vadd.scan.msk.s32 $0xffff, v63  }
0x105: {  	v6 =	vadd.s32 v42, v6;
	v21 =	vbroadcast v15, $0xF;
	v22, _, _ =	vpop (xrf0)  }
0x106: {  	v6 =	vnsel vm9, $0x0, v6;
	v9 =	vadd.s32 v47, v13;
	v11 =	vadd.s32 $0xFFFFFFFF, v60;
	v23, _, _ =	vpop (xrf0)  }
0x107: {  	v6 =	vsel vm10, v9, v6;
	v7 =	vadd.s32 v52, v21;
	v24 =	vbroadcast v11, $0xF;
	v25, _, _ =	vpop (xrf0)  }
0x108: {  	v6 =	vsel vm11, v7, v6;
	v26 =	vadd.s32 $0xFFFFFFFF, v20;
	v27, _, _ =	vpop (xrf0)  }
0x109: {  	v9 =	vadd.s32 v57, v24;
	v7 =	vbroadcast v26, $0xF;
	v28 =	vadd.s32 $0xFFFFFFFF, v23;
	v29, _, _ =	vpop (xrf0)  }
0x10a: {  	v6 =	vsel vm12, v9, v6;
	v30 =	vbroadcast v28, $0xF;
	v11 =	vadd.s32 $0xFFFFFFFF, v27;
	v31, _, _ =	vpop (xrf0)  }
0x10b: {  	v7 =	vadd.s32 v62, v7;
	v11 =	vbroadcast v11, $0xF;
	v12 =	vadd.s32 $0xFFFFFFFF, v31  }
0x10c: {  	v6 =	vsel vm13, v7, v6;
	v32 =	vadd.s32 v22, v30;
	v33 =	vbroadcast v12, $0xF  }
0x10d: {  	v6 =	vsel vm14, v32, v6;
	v34 =	vadd.s32 v25, v11  }
0x10e: {  	v6 =	vsel vm7, v34, v6;
	v35 =	vadd.s32 v29, v33  }
0x10f: {  	v6 =	vsel vm15, v35, v6  }
0x110: {  	v7 =	vshrl.u32 v6, $0x3  }
0x111: {  	v7 =	vmul.u32 $0x30, v7  }
0x112: {  	v36 =	vand.u32 $0x7, v6  }
0x113: {  	v7 =	vor.u32 v36, v7  }
0x114: {  	v8 =	vperm.xlane v7, v1;
	_ =	sdelay $0x1  }
0x115: {  	v8 =	vadd.s32 v2, v8;
	_ =	sdelay $0x3  }
0x116: {  	[tilespmem:$0x120] =	vst v6;
	v37 =	vperm.xlane v7, v3  }
0x117: {  	[hbm4b:s4+s2] =	stream.indirect_vreg.scatter [tilespmem:s23], [sflag:$0x1], $0x80, v8, vm0, $0xb8;
	[tilespmem:$0xD280] =	vst v63  }
0x118: {  	v6 =	vadd.s32 v2, v37  }
0x119: {  	[hbm4b:s5+s2] =	stream.indirect_vreg.scatter [tilespmem:s24], [sflag:$0x1], $0x80, v8, vm0, $0xb8;
	[tilespmem:$0xD280] =	vst v63  }
0x11a: {  	_ = 	snop  }
0x11b: {  	[hbm4b:s6+s2] =	stream.indirect_vreg.scatter [tilespmem:s25], [sflag:$0x1], $0x80, v8, vm0, $0xb8;
	[tilespmem:$0xD280] =	vst v63  }
0x11c: {  	_ = 	snop  }
0x11d: {  	[hbm4b:s4+s2] =	stream.indirect_vreg.scatter [tilespmem:s26], [sflag:$0x1], $0x80, v6, vm0, $0xb8;
	[tilespmem:$0xD280] =	vst v63  }
0x11e: {  	_ = 	snop  }
0x11f: {  	[hbm4b:s5+s2] =	stream.indirect_vreg.scatter [tilespmem:s28], [sflag:$0x1], $0x80, v6, vm0, $0xb8;
	[tilespmem:$0xD280] =	vst v63  }
0x120: {  	_ = 	snop  }
0x121: {  	[hbm4b:s6+s2] =	stream.indirect_vreg.scatter [tilespmem:s29], [sflag:$0x1], $0x80, v6, vm0, $0xb8;
	[tilespmem:$0xD280] =	vst v63  }
0x122: {  	_ =	swait.ge [sflag:s15], $0x3000  }
0x123: {  	[sflag:s15] =	ssyncset.done $0x0  }
0x124: {  	[sflag:s15] =	ssyncadd.s32 $0xFFFFD000  }
0x125: {  	v38 =	vld [tilespmem:$0x30];
	_ =	sdelay $0x2  }
0x126: {  	v39 =	vmpcnt.ones.xlane vm15;
	_ =	sdelay $0x1  }
0x127: {  	v7 =	vsel vm8, $0x0, v39;
	vm9 =	veq.s32 v38, $0x0  }
0x128: {  	v5 =	vadd.s32 v7, v5;
	v40 =	vmpcnt.ones.xlane vm9  }
0x129: {  	v42 =	vnsel vm1, $0x0, v5;
	vm10 =	veq.s32 v38, $0x1;
	v41 =	vsel vm9, $0x1, v0  }
0x12a: {  	vm11 =	veq.s32 v38, $0x2;
	v43 =	vmpcnt.ones.xlane vm10;
	(xrf0) =	vadd.scan.msk.s32 $0xffff, v41;
	v8 =	vnsel vm1, $0x0, v40  }
0x12b: {  	vm12 =	veq.s32 v38, $0x3;
	v44 =	vsel vm10, $0x1, v0;
	(xrf0) =	vadd.scan.msk.s32 $0xffff, v42;
	v5 =	vadd.s32 v5, v8  }
0x12c: {  	v47 =	vmpcnt.ones.xlane vm11;
	v46 =	vsel vm2, $0x0, v43;
	(xrf0) =	vadd.scan.msk.s32 $0xffff, v44;
	v45 =	vsel vm2, $0x0, v5  }
0x12d: {  	vm13 =	veq.s32 v38, $0x4;
	v48 =	vsel vm11, $0x1, v0;
	v5 =	vadd.s32 v46, v5;
	(xrf0) =	vadd.scan.msk.s32 $0xffff, v45  }
0x12e: {  	v51 =	vmpcnt.ones.xlane vm12;
	v50 =	vsel vm4, $0x0, v47;
	v49 =	vsel vm4, $0x0, v5;
	(xrf0) =	vadd.scan.msk.s32 $0xffff, v48  }
0x12f: {  	vm14 =	veq.s32 v38, $0x5;
	v52 =	vsel vm12, $0x1, v0;
	v5 =	vadd.s32 v50, v5;
	(xrf0) =	vadd.scan.msk.s32 $0xffff, v49  }
0x130: {  	v55 =	vmpcnt.ones.xlane vm13;
	v9 =	vsel vm5, $0x0, v51;
	v54 =	vsel vm5, $0x0, v5;
	v53, _, _ =	vpop (xrf0);
	(xrf0) =	vadd.scan.msk.s32 $0xffff, v52  }
0x131: {  	vm7 =	veq.s32 v38, $0x6;
	v57 =	vsel vm13, $0x1, v0;
	v5 =	vadd.s32 v9, v5;
	v56, _, _ =	vpop (xrf0);
	(xrf0) =	vadd.scan.msk.s32 $0xffff, v54  }
0x132: {  	v60 =	vmpcnt.ones.xlane vm14;
	v10 =	vsel vm6, $0x0, v55;
	v59 =	vsel vm6, $0x0, v5;
	v58, _, _ =	vpop (xrf0);
	(xrf0) =	vadd.scan.msk.s32 $0xffff, v57  }
0x133: {  	v62 =	vsel vm14, $0x1, v0;
	vm4 =	vcmask $0x1318;
	v5 =	vadd.s32 v10, v5;
	v61, _, _ =	vpop (xrf0);
	(xrf0) =	vadd.scan.msk.s32 $0xffff, v59  }
0x134: {  	v20 =	vmpcnt.ones.xlane vm7;
	v12 =	vsel vm4, $0x0, v60;
	v19 =	vsel vm4, $0x0, v5;
	v63, _, _ =	vpop (xrf0);
	(xrf0) =	vadd.scan.msk.s32 $0xffff, v62  }
0x135: {  	v22 =	vsel vm7, $0x1, v0;
	vm5 =	vcmask $0x171C;
	v5 =	vadd.s32 v12, v5;
	v21, _, _ =	vpop (xrf0);
	(xrf0) =	vadd.scan.msk.s32 $0xffff, v19  }
0x136: {  	vm15 =	veq.s32 v38, $0x7;
	v14 =	vsel vm5, $0x0, v20;
	v24 =	vsel vm5, $0x0, v5;
	v23, _, _ =	vpop (xrf0);
	(xrf0) =	vadd.scan.msk.s32 $0xffff, v22  }
0x137: {  	v27 =	vsel vm15, $0x1, v0;
	v25 =	vadd.s32 $0xFFFFFFFF, v56;
	v5 =	vadd.s32 v14, v5;
	v26, _, _ =	vpop (xrf0);
	(xrf0) =	vadd.scan.msk.s32 $0xffff, v24  }
0x138: {  	v6 =	vbroadcast v25, $0xF;
	v29 =	vsel vm8, $0x0, v5;
	v13 =	vadd.s32 $0xFFFFFFFF, v61;
	v28, _, _ =	vpop (xrf0);
	(xrf0) =	vadd.scan.msk.s32 $0xffff, v27  }
0x139: {  	v13 =	vbroadcast v13, $0xF;
	v15 =	vadd.s32 $0xFFFFFFFF, v21;
	v30, _, _ =	vpop (xrf0);
	(xrf0) =	vadd.scan.msk.s32 $0xffff, v29  }
0x13a: {  	v6 =	vadd.s32 v53, v6;
	v31 =	vbroadcast v15, $0xF;
	v32, _, _ =	vpop (xrf0)  }
0x13b: {  	v6 =	vnsel vm9, $0x0, v6;
	v9 =	vadd.s32 v58, v13;
	v11 =	vadd.s32 $0xFFFFFFFF, v26;
	v33, _, _ =	vpop (xrf0)  }
0x13c: {  	v6 =	vsel vm10, v9, v6;
	v7 =	vadd.s32 v63, v31;
	v34 =	vbroadcast v11, $0xF;
	v35, _, _ =	vpop (xrf0)  }
0x13d: {  	v6 =	vsel vm11, v7, v6;
	v36 =	vadd.s32 $0xFFFFFFFF, v30;
	v37, _, _ =	vpop (xrf0)  }
0x13e: {  	v9 =	vadd.s32 v23, v34;
	v7 =	vbroadcast v36, $0xF;
	v38 =	vadd.s32 $0xFFFFFFFF, v33;
	v39, _, _ =	vpop (xrf0)  }
0x13f: {  	v6 =	vsel vm12, v9, v6;
	v40 =	vbroadcast v38, $0xF;
	v11 =	vadd.s32 $0xFFFFFFFF, v37;
	v41, _, _ =	vpop (xrf0)  }
0x140: {  	v7 =	vadd.s32 v28, v7;
	v11 =	vbroadcast v11, $0xF;
	v12 =	vadd.s32 $0xFFFFFFFF, v41  }
0x141: {  	v6 =	vsel vm13, v7, v6;
	v42 =	vadd.s32 v32, v40;
	v43 =	vbroadcast v12, $0xF  }
0x142: {  	v6 =	vsel vm14, v42, v6;
	v44 =	vadd.s32 v35, v11  }
0x143: {  	v6 =	vsel vm7, v44, v6;
	v45 =	vadd.s32 v39, v43  }
0x144: {  	v6 =	vsel vm15, v45, v6  }
0x145: {  	v7 =	vshrl.u32 v6, $0x3  }
0x146: {  	v7 =	vmul.u32 $0x30, v7  }
0x147: {  	v46 =	vand.u32 $0x7, v6  }
0x148: {  	v7 =	vor.u32 v46, v7  }
0x149: {  	v8 =	vperm.xlane v7, v1;
	_ =	sdelay $0x1  }
0x14a: {  	v8 =	vadd.s32 v2, v8;
	_ =	sdelay $0x3  }
0x14b: {  	[tilespmem:$0x130] =	vst v6;
	v47 =	vperm.xlane v7, v3  }
0x14c: {  	[hbm4b:s4+s2] =	stream.indirect_vreg.scatter [tilespmem:s30], [sflag:$0x1], $0x80, v8, vm0, $0xb8;
	[tilespmem:$0xD280] =	vst v63  }
0x14d: {  	v6 =	vadd.s32 v2, v47  }
0x14e: {  	[hbm4b:s5+s2] =	stream.indirect_vreg.scatter [tilespmem:s31], [sflag:$0x1], $0x80, v8, vm0, $0xb8;
	[tilespmem:$0xD280] =	vst v63  }
0x14f: {  	s0 =	simm.s32 $0xB200  }
0x150: {  	[hbm4b:s6+s2] =	stream.indirect_vreg.scatter [tilespmem:s0], [sflag:$0x1], $0x80, v8, vm0, $0xb8;
	[tilespmem:$0xD280] =	vst v63  }
0x151: {  	_ = 	snop  }
0x152: {  	[hbm4b:s4+s2] =	stream.indirect_vreg.scatter [tilespmem:s1], [sflag:$0x1], $0x80, v6, vm0, $0xb8;
	[tilespmem:$0xD280] =	vst v63  }
0x153: {  	_ = 	snop  }
0x154: {  	[hbm4b:s5+s2] =	stream.indirect_vreg.scatter [tilespmem:s10], [sflag:$0x1], $0x80, v6, vm0, $0xb8;
	[tilespmem:$0xD280] =	vst v63  }
0x155: {  	_ = 	snop  }
0x156: {  	[hbm4b:s6+s2] =	stream.indirect_vreg.scatter [tilespmem:s3], [sflag:$0x1], $0x80, v6, vm0, $0xb8;
	[tilespmem:$0xD280] =	vst v63  }
0x157: {  	_ =	swait.ge [sflag:s15], $0x3000  }
0x158: {  	[sflag:s15] =	ssyncset.done $0x0  }
0x159: {  	[sflag:s15] =	ssyncadd.s32 $0xFFFFD000  }
0x15a: {  	v48 =	vld [tilespmem:$0x80];
	_ =	sdelay $0x2  }
0x15b: {  	v49 =	vmpcnt.ones.xlane vm15;
	_ =	sdelay $0x1  }
0x15c: {  	vm3 =	vcmask $0xB10;
	v7 =	vsel vm8, $0x0, v49;
	vm9 =	veq.s32 v48, $0x0  }
0x15d: {  	vm4 =	vcmask $0x70C;
	v5 =	vadd.s32 v7, v5;
	v50 =	vmpcnt.ones.xlane vm9  }
0x15e: {  	v52 =	vnsel vm1, $0x0, v5;
	vm10 =	veq.s32 v48, $0x1;
	v51 =	vsel vm9, $0x1, v0  }
0x15f: {  	vm11 =	veq.s32 v48, $0x2;
	v53 =	vmpcnt.ones.xlane vm10;
	(xrf0) =	vadd.scan.msk.s32 $0xffff, v51;
	v8 =	vnsel vm1, $0x0, v50  }
0x160: {  	vm12 =	veq.s32 v48, $0x3;
	v54 =	vsel vm10, $0x1, v0;
	(xrf0) =	vadd.scan.msk.s32 $0xffff, v52;
	v5 =	vadd.s32 v5, v8  }
0x161: {  	v57 =	vmpcnt.ones.xlane vm11;
	v56 =	vsel vm2, $0x0, v53;
	(xrf0) =	vadd.scan.msk.s32 $0xffff, v54;
	v55 =	vsel vm2, $0x0, v5  }
0x162: {  	vm13 =	veq.s32 v48, $0x4;
	v58 =	vsel vm11, $0x1, v0;
	v5 =	vadd.s32 v56, v5;
	(xrf0) =	vadd.scan.msk.s32 $0xffff, v55  }
0x163: {  	v61 =	vmpcnt.ones.xlane vm12;
	v60 =	vsel vm4, $0x0, v57;
	v59 =	vsel vm4, $0x0, v5;
	(xrf0) =	vadd.scan.msk.s32 $0xffff, v58  }
0x164: {  	vm14 =	veq.s32 v48, $0x5;
	v62 =	vsel vm12, $0x1, v0;
	v5 =	vadd.s32 v60, v5;
	(xrf0) =	vadd.scan.msk.s32 $0xffff, v59  }
0x165: {  	v20 =	vmpcnt.ones.xlane vm13;
	v9 =	vsel vm3, $0x0, v61;
	v19 =	vsel vm3, $0x0, v5;
	v63, _, _ =	vpop (xrf0);
	(xrf0) =	vadd.scan.msk.s32 $0xffff, v62  }
0x166: {  	vm7 =	veq.s32 v48, $0x6;
	v22 =	vsel vm13, $0x1, v0;
	v5 =	vadd.s32 v9, v5;
	v21, _, _ =	vpop (xrf0);
	(xrf0) =	vadd.scan.msk.s32 $0xffff, v19  }
0x167: {  	v25 =	vmpcnt.ones.xlane vm14;
	v10 =	vsel vm6, $0x0, v20;
	v24 =	vsel vm6, $0x0, v5;
	v23, _, _ =	vpop (xrf0);
	(xrf0) =	vadd.scan.msk.s32 $0xffff, v22  }
0x168: {  	v27 =	vsel vm14, $0x1, v0;
	vm3 =	vcmask $0x1318;
	v5 =	vadd.s32 v10, v5;
	v26, _, _ =	vpop (xrf0);
	(xrf0) =	vadd.scan.msk.s32 $0xffff, v24  }
0x169: {  	v30 =	vmpcnt.ones.xlane vm7;
	v12 =	vsel vm3, $0x0, v25;
	v29 =	vsel vm3, $0x0, v5;
	v28, _, _ =	vpop (xrf0);
	(xrf0) =	vadd.scan.msk.s32 $0xffff, v27  }
0x16a: {  	v32 =	vsel vm7, $0x1, v0;
	v5 =	vadd.s32 v12, v5;
	v31, _, _ =	vpop (xrf0);
	(xrf0) =	vadd.scan.msk.s32 $0xffff, v29  }
0x16b: {  	vm15 =	veq.s32 v48, $0x7;
	v14 =	vsel vm5, $0x0, v30;
	v34 =	vsel vm5, $0x0, v5;
	v33, _, _ =	vpop (xrf0);
	(xrf0) =	vadd.scan.msk.s32 $0xffff, v32  }
0x16c: {  	v37 =	vsel vm15, $0x1, v0;
	v35 =	vadd.s32 $0xFFFFFFFF, v21;
	v5 =	vadd.s32 v14, v5;
	v36, _, _ =	vpop (xrf0);
	(xrf0) =	vadd.scan.msk.s32 $0xffff, v34  }
0x16d: {  	v6 =	vbroadcast v35, $0xF;
	v39 =	vsel vm8, $0x0, v5;
	v13 =	vadd.s32 $0xFFFFFFFF, v26;
	v38, _, _ =	vpop (xrf0);
	(xrf0) =	vadd.scan.msk.s32 $0xffff, v37  }
0x16e: {  	v13 =	vbroadcast v13, $0xF;
	v15 =	vadd.s32 $0xFFFFFFFF, v31;
	v40, _, _ =	vpop (xrf0);
	(xrf0) =	vadd.scan.msk.s32 $0xffff, v39  }
0x16f: {  	v6 =	vadd.s32 v63, v6;
	v41 =	vbroadcast v15, $0xF;
	v42, _, _ =	vpop (xrf0)  }
0x170: {  	v6 =	vnsel vm9, $0x0, v6;
	v9 =	vadd.s32 v23, v13;
	v11 =	vadd.s32 $0xFFFFFFFF, v36;
	v43, _, _ =	vpop (xrf0)  }
0x171: {  	v6 =	vsel vm10, v9, v6;
	v7 =	vadd.s32 v28, v41;
	v44 =	vbroadcast v11, $0xF;
	v45, _, _ =	vpop (xrf0)  }
0x172: {  	v6 =	vsel vm11, v7, v6;
	v46 =	vadd.s32 $0xFFFFFFFF, v40;
	v47, _, _ =	vpop (xrf0)  }
0x173: {  	v9 =	vadd.s32 v33, v44;
	v7 =	vbroadcast v46, $0xF;
	v48 =	vadd.s32 $0xFFFFFFFF, v43;
	v49, _, _ =	vpop (xrf0)  }
0x174: {  	v6 =	vsel vm12, v9, v6;
	v50 =	vbroadcast v48, $0xF;
	v11 =	vadd.s32 $0xFFFFFFFF, v47;
	v51, _, _ =	vpop (xrf0)  }
0x175: {  	v7 =	vadd.s32 v38, v7;
	v11 =	vbroadcast v11, $0xF;
	v12 =	vadd.s32 $0xFFFFFFFF, v51  }
0x176: {  	v6 =	vsel vm13, v7, v6;
	v52 =	vadd.s32 v42, v50;
	v53 =	vbroadcast v12, $0xF  }
0x177: {  	v6 =	vsel vm14, v52, v6;
	v54 =	vadd.s32 v45, v11  }
0x178: {  	v6 =	vsel vm7, v54, v6;
	v55 =	vadd.s32 v49, v53  }
0x179: {  	v6 =	vsel vm15, v55, v6  }
0x17a: {  	v7 =	vshrl.u32 v6, $0x3  }
0x17b: {  	v7 =	vmul.u32 $0x30, v7  }
0x17c: {  	v56 =	vand.u32 $0x7, v6  }
0x17d: {  	v7 =	vor.u32 v56, v7  }
0x17e: {  	v8 =	vperm.xlane v7, v1;
	_ =	sdelay $0x1  }
0x17f: {  	v8 =	vadd.s32 v2, v8;
	_ =	sdelay $0x3  }
0x180: {  	[tilespmem:$0x180] =	vst v6;
	v57 =	vperm.xlane v7, v3  }
0x181: {  	[hbm4b:s4+s2] =	stream.indirect_vreg.scatter [tilespmem:s9], [sflag:$0x1], $0x80, v8, vm0, $0xb8;
	[tilespmem:$0xD280] =	vst v63  }
0x182: {  	v6 =	vadd.s32 v2, v57  }
0x183: {  	[hbm4b:s5+s2] =	stream.indirect_vreg.scatter [tilespmem:s11], [sflag:$0x1], $0x80, v8, vm0, $0xb8;
	[tilespmem:$0xD280] =	vst v63  }
0x184: {  	_ = 	snop  }
0x185: {  	[hbm4b:s6+s2] =	stream.indirect_vreg.scatter [tilespmem:s12], [sflag:$0x1], $0x80, v8, vm0, $0xb8;
	[tilespmem:$0xD280] =	vst v63  }
0x186: {  	_ = 	snop  }
0x187: {  	[hbm4b:s4+s2] =	stream.indirect_vreg.scatter [tilespmem:s13], [sflag:$0x1], $0x80, v6, vm0, $0xb8;
	[tilespmem:$0xD280] =	vst v63  }
0x188: {  	_ = 	snop  }
0x189: {  	[hbm4b:s5+s2] =	stream.indirect_vreg.scatter [tilespmem:s14], [sflag:$0x1], $0x80, v6, vm0, $0xb8;
	[tilespmem:$0xD280] =	vst v63  }
0x18a: {  	_ = 	snop  }
0x18b: {  	[hbm4b:s6+s2] =	stream.indirect_vreg.scatter [tilespmem:s16], [sflag:$0x1], $0x80, v6, vm0, $0xb8;
	[tilespmem:$0xD280] =	vst v63  }
0x18c: {  	_ =	swait.ge [sflag:s15], $0x3000  }
0x18d: {  	[sflag:s15] =	ssyncset.done $0x0  }
0x18e: {  	[sflag:s15] =	ssyncadd.s32 $0xFFFFD000  }
0x18f: {  	v58 =	vld [tilespmem:$0x90];
	_ =	sdelay $0x1  }
0x190: {  	v59 =	vmpcnt.ones.xlane vm15;
	_ =	sdelay $0x1  }
0x191: {  	v7 =	vsel vm8, $0x0, v59  }
0x192: {  	vm3 =	vmmov vm1;
	v5 =	vadd.s32 v7, v5;
	vm9 =	veq.s32 v58, $0x0  }
0x193: {  	vm5 =	vmmov vm8;
	v62 =	vnsel vm1, $0x0, v5;
	v60 =	vmpcnt.ones.xlane vm9  }
0x194: {  	vm10 =	veq.s32 v58, $0x1;
	vm11 =	veq.s32 v58, $0x2;
	v61 =	vsel vm9, $0x1, v0  }
0x195: {  	vm12 =	veq.s32 v58, $0x3;
	v63 =	vmpcnt.ones.xlane vm10;
	(xrf0) =	vadd.scan.msk.s32 $0xffff, v61;
	v8 =	vnsel vm1, $0x0, v60  }
0x196: {  	vm13 =	veq.s32 v58, $0x4;
	v12 =	vsel vm10, $0x1, v0;
	(xrf0) =	vadd.scan.msk.s32 $0xffff, v62;
	v5 =	vadd.s32 v5, v8  }
0x197: {  	v15 =	vmpcnt.ones.xlane vm11;
	v14 =	vsel vm2, $0x0, v63;
	(xrf0) =	vadd.scan.msk.s32 $0xffff, v12;
	v13 =	vsel vm2, $0x0, v5  }
0x198: {  	vm14 =	veq.s32 v58, $0x5;
	v16 =	vsel vm11, $0x1, v0;
	v5 =	vadd.s32 v14, v5;
	(xrf0) =	vadd.scan.msk.s32 $0xffff, v13  }
0x199: {  	v19 =	vmpcnt.ones.xlane vm12;
	v18 =	vsel vm4, $0x0, v15;
	v17 =	vsel vm4, $0x0, v5;
	(xrf0) =	vadd.scan.msk.s32 $0xffff, v16  }
0x19a: {  	v20 =	vsel vm12, $0x1, v0;
	vm1 =	vcmask $0xB10;
	v5 =	vadd.s32 v18, v5;
	(xrf0) =	vadd.scan.msk.s32 $0xffff, v17  }
0x19b: {  	v23 =	vmpcnt.ones.xlane vm13;
	v9 =	vsel vm1, $0x0, v19;
	v22 =	vsel vm1, $0x0, v5;
	v21, _, _ =	vpop (xrf0);
	(xrf0) =	vadd.scan.msk.s32 $0xffff, v20  }
0x19c: {  	vm7 =	veq.s32 v58, $0x6;
	v25 =	vsel vm13, $0x1, v0;
	v5 =	vadd.s32 v9, v5;
	v24, _, _ =	vpop (xrf0);
	(xrf0) =	vadd.scan.msk.s32 $0xffff, v22  }
0x19d: {  	v28 =	vmpcnt.ones.xlane vm14;
	v10 =	vsel vm6, $0x0, v23;
	v27 =	vsel vm6, $0x0, v5;
	v26, _, _ =	vpop (xrf0);
	(xrf0) =	vadd.scan.msk.s32 $0xffff, v25  }
0x19e: {  	v30 =	vsel vm14, $0x1, v0;
	vm1 =	vcmask $0x1318;
	v5 =	vadd.s32 v10, v5;
	v29, _, _ =	vpop (xrf0);
	(xrf0) =	vadd.scan.msk.s32 $0xffff, v27  }
0x19f: {  	v33 =	vmpcnt.ones.xlane vm7;
	v12 =	vsel vm1, $0x0, v28;
	v32 =	vsel vm1, $0x0, v5;
	v31, _, _ =	vpop (xrf0);
	(xrf0) =	vadd.scan.msk.s32 $0xffff, v30  }
0x1a0: {  	vm8 =	vcmask $0x171C;
	v35 =	vsel vm7, $0x1, v0;
	v5 =	vadd.s32 v12, v5;
	v34, _, _ =	vpop (xrf0);
	(xrf0) =	vadd.scan.msk.s32 $0xffff, v32  }
0x1a1: {  	vm15 =	veq.s32 v58, $0x7;
	v14 =	vsel vm8, $0x0, v33;
	v37 =	vsel vm8, $0x0, v5;
	v36, _, _ =	vpop (xrf0);
	(xrf0) =	vadd.scan.msk.s32 $0xffff, v35  }
0x1a2: {  	v40 =	vsel vm15, $0x1, v0;
	v38 =	vadd.s32 $0xFFFFFFFF, v24;
	v5 =	vadd.s32 v14, v5;
	v39, _, _ =	vpop (xrf0);
	(xrf0) =	vadd.scan.msk.s32 $0xffff, v37  }
0x1a3: {  	v6 =	vbroadcast v38, $0xF;
	v42 =	vsel vm5, $0x0, v5;
	v13 =	vadd.s32 $0xFFFFFFFF, v29;
	v41, _, _ =	vpop (xrf0);
	(xrf0) =	vadd.scan.msk.s32 $0xffff, v40  }
0x1a4: {  	v13 =	vbroadcast v13, $0xF;
	v15 =	vadd.s32 $0xFFFFFFFF, v34;
	v43, _, _ =	vpop (xrf0);
	(xrf0) =	vadd.scan.msk.s32 $0xffff, v42  }
0x1a5: {  	v6 =	vadd.s32 v21, v6;
	v44 =	vbroadcast v15, $0xF;
	v45, _, _ =	vpop (xrf0)  }
0x1a6: {  	v6 =	vnsel vm9, $0x0, v6;
	v9 =	vadd.s32 v26, v13;
	v11 =	vadd.s32 $0xFFFFFFFF, v39;
	v46, _, _ =	vpop (xrf0)  }
0x1a7: {  	v6 =	vsel vm10, v9, v6;
	v7 =	vadd.s32 v31, v44;
	v47 =	vbroadcast v11, $0xF;
	v48, _, _ =	vpop (xrf0)  }
0x1a8: {  	v6 =	vsel vm11, v7, v6;
	v49 =	vadd.s32 $0xFFFFFFFF, v43;
	v50, _, _ =	vpop (xrf0)  }
0x1a9: {  	v9 =	vadd.s32 v36, v47;
	v7 =	vbroadcast v49, $0xF;
	v51 =	vadd.s32 $0xFFFFFFFF, v46;
	v52, _, _ =	vpop (xrf0)  }
0x1aa: {  	v6 =	vsel vm12, v9, v6;
	v53 =	vbroadcast v51, $0xF;
	v11 =	vadd.s32 $0xFFFFFFFF, v50;
	v54, _, _ =	vpop (xrf0)  }
0x1ab: {  	v7 =	vadd.s32 v41, v7;
	v11 =	vbroadcast v11, $0xF;
	v12 =	vadd.s32 $0xFFFFFFFF, v54  }
0x1ac: {  	v6 =	vsel vm13, v7, v6;
	v55 =	vadd.s32 v45, v53;
	v56 =	vbroadcast v12, $0xF  }
0x1ad: {  	v6 =	vsel vm14, v55, v6;
	v57 =	vadd.s32 v48, v11  }
0x1ae: {  	v6 =	vsel vm7, v57, v6;
	v58 =	vadd.s32 v52, v56  }
0x1af: {  	v6 =	vsel vm15, v58, v6  }
0x1b0: {  	v7 =	vshrl.u32 v6, $0x3  }
0x1b1: {  	v7 =	vmul.u32 $0x30, v7  }
0x1b2: {  	v59 =	vand.u32 $0x7, v6  }
0x1b3: {  	v7 =	vor.u32 v59, v7  }
0x1b4: {  	v8 =	vperm.xlane v7, v1;
	_ =	sdelay $0x1  }
0x1b5: {  	v8 =	vadd.s32 v2, v8;
	_ =	sdelay $0x3  }
0x1b6: {  	[tilespmem:$0x190] =	vst v6;
	v60 =	vperm.xlane v7, v3  }
0x1b7: {  	[hbm4b:s4+s2] =	stream.indirect_vreg.scatter [tilespmem:s17], [sflag:$0x1], $0x80, v8, vm0, $0xb8;
	[tilespmem:$0xD280] =	vst v63  }
0x1b8: {  	v6 =	vadd.s32 v2, v60  }
0x1b9: {  	[hbm4b:s5+s2] =	stream.indirect_vreg.scatter [tilespmem:s18], [sflag:$0x1], $0x80, v8, vm0, $0xb8;
	[tilespmem:$0xD280] =	vst v63  }
0x1ba: {  	_ = 	snop  }
0x1bb: {  	[hbm4b:s6+s2] =	stream.indirect_vreg.scatter [tilespmem:s19], [sflag:$0x1], $0x80, v8, vm0, $0xb8;
	[tilespmem:$0xD280] =	vst v63  }
0x1bc: {  	_ = 	snop  }
0x1bd: {  	[hbm4b:s4+s2] =	stream.indirect_vreg.scatter [tilespmem:s20], [sflag:$0x1], $0x80, v6, vm0, $0xb8;
	[tilespmem:$0xD280] =	vst v63  }
0x1be: {  	_ = 	snop  }
0x1bf: {  	[hbm4b:s5+s2] =	stream.indirect_vreg.scatter [tilespmem:s21], [sflag:$0x1], $0x80, v6, vm0, $0xb8;
	[tilespmem:$0xD280] =	vst v63  }
0x1c0: {  	_ = 	snop  }
0x1c1: {  	[hbm4b:s6+s2] =	stream.indirect_vreg.scatter [tilespmem:s22], [sflag:$0x1], $0x80, v6, vm0, $0xb8;
	[tilespmem:$0xD280] =	vst v63  }
0x1c2: {  	_ =	swait.ge [sflag:s15], $0x3000  }
0x1c3: {  	[sflag:s15] =	ssyncset.done $0x0  }
0x1c4: {  	[sflag:s15] =	ssyncadd.s32 $0xFFFFD000  }
0x1c5: {  	v61 =	vld [tilespmem:$0xA0];
	_ =	sdelay $0x2  }
0x1c6: {  	v62 =	vmpcnt.ones.xlane vm15;
	_ =	sdelay $0x1  }
0x1c7: {  	vm1 =	vmmov vm3;
	v7 =	vsel vm5, $0x0, v62;
	vm9 =	veq.s32 v61, $0x0  }
0x1c8: {  	vm5 =	vcmask $0xB10;
	v5 =	vadd.s32 v7, v5;
	v63 =	vmpcnt.ones.xlane vm9  }
0x1c9: {  	v12 =	vnsel vm3, $0x0, v5;
	vm10 =	veq.s32 v61, $0x1;
	v11 =	vsel vm9, $0x1, v0  }
0x1ca: {  	vm11 =	veq.s32 v61, $0x2;
	v13 =	vmpcnt.ones.xlane vm10;
	(xrf0) =	vadd.scan.msk.s32 $0xffff, v11;
	v8 =	vnsel vm3, $0x0, v63  }
0x1cb: {  	vm12 =	veq.s32 v61, $0x3;
	v14 =	vsel vm10, $0x1, v0;
	(xrf0) =	vadd.scan.msk.s32 $0xffff, v12;
	v5 =	vadd.s32 v5, v8  }
0x1cc: {  	v17 =	vmpcnt.ones.xlane vm11;
	v16 =	vsel vm2, $0x0, v13;
	(xrf0) =	vadd.scan.msk.s32 $0xffff, v14;
	v15 =	vsel vm2, $0x0, v5  }
0x1cd: {  	vm13 =	veq.s32 v61, $0x4;
	v18 =	vsel vm11, $0x1, v0;
	v5 =	vadd.s32 v16, v5;
	(xrf0) =	vadd.scan.msk.s32 $0xffff, v15  }
0x1ce: {  	v21 =	vmpcnt.ones.xlane vm12;
	v20 =	vsel vm4, $0x0, v17;
	v19 =	vsel vm4, $0x0, v5;
	(xrf0) =	vadd.scan.msk.s32 $0xffff, v18  }
0x1cf: {  	vm14 =	veq.s32 v61, $0x5;
	v22 =	vsel vm12, $0x1, v0;
	v5 =	vadd.s32 v20, v5;
	(xrf0) =	vadd.scan.msk.s32 $0xffff, v19  }
0x1d0: {  	v25 =	vmpcnt.ones.xlane vm13;
	v9 =	vsel vm5, $0x0, v21;
	v24 =	vsel vm5, $0x0, v5;
	v23, _, _ =	vpop (xrf0);
	(xrf0) =	vadd.scan.msk.s32 $0xffff, v22  }
0x1d1: {  	vm7 =	veq.s32 v61, $0x6;
	v27 =	vsel vm13, $0x1, v0;
	v5 =	vadd.s32 v9, v5;
	v26, _, _ =	vpop (xrf0);
	(xrf0) =	vadd.scan.msk.s32 $0xffff, v24  }
0x1d2: {  	v30 =	vmpcnt.ones.xlane vm14;
	v10 =	vsel vm6, $0x0, v25;
	v29 =	vsel vm6, $0x0, v5;
	v28, _, _ =	vpop (xrf0);
	(xrf0) =	vadd.scan.msk.s32 $0xffff, v27  }
0x1d3: {  	v32 =	vsel vm14, $0x1, v0;
	vm3 =	vcmask $0x1318;
	v5 =	vadd.s32 v10, v5;
	v31, _, _ =	vpop (xrf0);
	(xrf0) =	vadd.scan.msk.s32 $0xffff, v29  }
0x1d4: {  	v35 =	vmpcnt.ones.xlane vm7;
	v12 =	vsel vm3, $0x0, v30;
	v34 =	vsel vm3, $0x0, v5;
	v33, _, _ =	vpop (xrf0);
	(xrf0) =	vadd.scan.msk.s32 $0xffff, v32  }
0x1d5: {  	vm15 =	veq.s32 v61, $0x7;
	v37 =	vsel vm7, $0x1, v0;
	v5 =	vadd.s32 v12, v5;
	v36, _, _ =	vpop (xrf0);
	(xrf0) =	vadd.scan.msk.s32 $0xffff, v34  }
0x1d6: {  	v42 =	vsel vm15, $0x1, v0;
	v14 =	vsel vm8, $0x0, v35;
	v39 =	vsel vm8, $0x0, v5;
	v38, _, _ =	vpop (xrf0);
	(xrf0) =	vadd.scan.msk.s32 $0xffff, v37  }
0x1d7: {  	vm2 =	vcmask $0x1B20;
	v40 =	vadd.s32 $0xFFFFFFFF, v26;
	v5 =	vadd.s32 v14, v5;
	v41, _, _ =	vpop (xrf0);
	(xrf0) =	vadd.scan.msk.s32 $0xffff, v39  }
0x1d8: {  	v6 =	vbroadcast v40, $0xF;
	v44 =	vsel vm2, $0x0, v5;
	v13 =	vadd.s32 $0xFFFFFFFF, v31;
	v43, _, _ =	vpop (xrf0);
	(xrf0) =	vadd.scan.msk.s32 $0xffff, v42  }
0x1d9: {  	v13 =	vbroadcast v13, $0xF;
	v15 =	vadd.s32 $0xFFFFFFFF, v36;
	v45, _, _ =	vpop (xrf0);
	(xrf0) =	vadd.scan.msk.s32 $0xffff, v44  }
0x1da: {  	v6 =	vadd.s32 v23, v6;
	v46 =	vbroadcast v15, $0xF;
	v47, _, _ =	vpop (xrf0)  }
0x1db: {  	v6 =	vnsel vm9, $0x0, v6;
	v9 =	vadd.s32 v28, v13;
	v11 =	vadd.s32 $0xFFFFFFFF, v41;
	v48, _, _ =	vpop (xrf0)  }
0x1dc: {  	v6 =	vsel vm10, v9, v6;
	v7 =	vadd.s32 v33, v46;
	v49 =	vbroadcast v11, $0xF;
	v50, _, _ =	vpop (xrf0)  }
0x1dd: {  	v6 =	vsel vm11, v7, v6;
	v51 =	vadd.s32 $0xFFFFFFFF, v45;
	v52, _, _ =	vpop (xrf0)  }
0x1de: {  	v9 =	vadd.s32 v38, v49;
	v7 =	vbroadcast v51, $0xF;
	v53 =	vadd.s32 $0xFFFFFFFF, v48;
	v54, _, _ =	vpop (xrf0)  }
0x1df: {  	v6 =	vsel vm12, v9, v6;
	v55 =	vbroadcast v53, $0xF;
	v11 =	vadd.s32 $0xFFFFFFFF, v52;
	v56, _, _ =	vpop (xrf0)  }
0x1e0: {  	v7 =	vadd.s32 v43, v7;
	v11 =	vbroadcast v11, $0xF;
	v12 =	vadd.s32 $0xFFFFFFFF, v56  }
0x1e1: {  	v6 =	vsel vm13, v7, v6;
	v57 =	vadd.s32 v47, v55;
	v58 =	vbroadcast v12, $0xF  }
0x1e2: {  	v6 =	vsel vm14, v57, v6;
	v59 =	vadd.s32 v50, v11  }
0x1e3: {  	v6 =	vsel vm7, v59, v6;
	v60 =	vadd.s32 v54, v58  }
0x1e4: {  	v6 =	vsel vm15, v60, v6  }
0x1e5: {  	v7 =	vshrl.u32 v6, $0x3  }
0x1e6: {  	v7 =	vmul.u32 $0x30, v7  }
0x1e7: {  	v61 =	vand.u32 $0x7, v6  }
0x1e8: {  	v7 =	vor.u32 v61, v7  }
0x1e9: {  	v8 =	vperm.xlane v7, v1;
	_ =	sdelay $0x1  }
0x1ea: {  	v8 =	vadd.s32 v2, v8;
	_ =	sdelay $0x3  }
0x1eb: {  	[tilespmem:$0x1A0] =	vst v6;
	v62 =	vperm.xlane v7, v3  }
0x1ec: {  	[hbm4b:s4+s2] =	stream.indirect_vreg.scatter [tilespmem:s23], [sflag:$0x1], $0x80, v8, vm0, $0xb8;
	[tilespmem:$0xD280] =	vst v63  }
0x1ed: {  	v6 =	vadd.s32 v2, v62  }
0x1ee: {  	[hbm4b:s5+s2] =	stream.indirect_vreg.scatter [tilespmem:s24], [sflag:$0x1], $0x80, v8, vm0, $0xb8;
	[tilespmem:$0xD280] =	vst v63  }
0x1ef: {  	_ = 	snop  }
0x1f0: {  	[hbm4b:s6+s2] =	stream.indirect_vreg.scatter [tilespmem:s25], [sflag:$0x1], $0x80, v8, vm0, $0xb8;
	[tilespmem:$0xD280] =	vst v63  }
0x1f1: {  	_ = 	snop  }
0x1f2: {  	[hbm4b:s4+s2] =	stream.indirect_vreg.scatter [tilespmem:s26], [sflag:$0x1], $0x80, v6, vm0, $0xb8;
	[tilespmem:$0xD280] =	vst v63  }
0x1f3: {  	_ = 	snop  }
0x1f4: {  	[hbm4b:s5+s2] =	stream.indirect_vreg.scatter [tilespmem:s28], [sflag:$0x1], $0x80, v6, vm0, $0xb8;
	[tilespmem:$0xD280] =	vst v63  }
0x1f5: {  	_ = 	snop  }
0x1f6: {  	[hbm4b:s6+s2] =	stream.indirect_vreg.scatter [tilespmem:s29], [sflag:$0x1], $0x80, v6, vm0, $0xb8;
	[tilespmem:$0xD280] =	vst v63  }
0x1f7: {  	_ =	swait.ge [sflag:s15], $0x3000  }
0x1f8: {  	[sflag:s15] =	ssyncset.done $0x0  }
0x1f9: {  	[sflag:s15] =	ssyncadd.s32 $0xFFFFD000  }
0x1fa: {  	v63 =	vld [tilespmem:$0xB0];
	_ =	sdelay $0x2  }
0x1fb: {  	v11 =	vmpcnt.ones.xlane vm15;
	_ =	sdelay $0x1  }
0x1fc: {  	v7 =	vsel vm2, $0x0, v11;
	vm9 =	veq.s32 v63, $0x0  }
0x1fd: {  	v5 =	vadd.s32 v7, v5;
	v12 =	vmpcnt.ones.xlane vm9  }
0x1fe: {  	v14 =	vnsel vm1, $0x0, v5;
	vm10 =	veq.s32 v63, $0x1;
	v13 =	vsel vm9, $0x1, v0  }
0x1ff: {  	vm11 =	veq.s32 v63, $0x2;
	v15 =	vmpcnt.ones.xlane vm10;
	(xrf0) =	vadd.scan.msk.s32 $0xffff, v13;
	v8 =	vnsel vm1, $0x0, v12  }
0x200: {  	v16 =	vsel vm10, $0x1, v0;
	(xrf0) =	vadd.scan.msk.s32 $0xffff, v14;
	vm1 =	vcmask $0x308;
	v5 =	vadd.s32 v5, v8  }
0x201: {  	v19 =	vmpcnt.ones.xlane vm11;
	(xrf0) =	vadd.scan.msk.s32 $0xffff, v16;
	v18 =	vsel vm1, $0x0, v15;
	v17 =	vsel vm1, $0x0, v5  }
0x202: {  	vm12 =	veq.s32 v63, $0x3;
	v20 =	vsel vm11, $0x1, v0;
	v5 =	vadd.s32 v18, v5;
	(xrf0) =	vadd.scan.msk.s32 $0xffff, v17  }
0x203: {  	v23 =	vmpcnt.ones.xlane vm12;
	v22 =	vsel vm4, $0x0, v19;
	v21 =	vsel vm4, $0x0, v5;
	(xrf0) =	vadd.scan.msk.s32 $0xffff, v20  }
0x204: {  	vm13 =	veq.s32 v63, $0x4;
	v24 =	vsel vm12, $0x1, v0;
	v5 =	vadd.s32 v22, v5;
	(xrf0) =	vadd.scan.msk.s32 $0xffff, v21  }
0x205: {  	v27 =	vmpcnt.ones.xlane vm13;
	v9 =	vsel vm5, $0x0, v23;
	v26 =	vsel vm5, $0x0, v5;
	v25, _, _ =	vpop (xrf0);
	(xrf0) =	vadd.scan.msk.s32 $0xffff, v24  }
0x206: {  	vm14 =	veq.s32 v63, $0x5;
	v29 =	vsel vm13, $0x1, v0;
	v5 =	vadd.s32 v9, v5;
	v28, _, _ =	vpop (xrf0);
	(xrf0) =	vadd.scan.msk.s32 $0xffff, v26  }
0x207: {  	v32 =	vmpcnt.ones.xlane vm14;
	v10 =	vsel vm6, $0x0, v27;
	v31 =	vsel vm6, $0x0, v5;
	v30, _, _ =	vpop (xrf0);
	(xrf0) =	vadd.scan.msk.s32 $0xffff, v29  }
0x208: {  	v34 =	vsel vm14, $0x1, v0;
	v5 =	vadd.s32 v10, v5;
	v33, _, _ =	vpop (xrf0);
	(xrf0) =	vadd.scan.msk.s32 $0xffff, v31  }
0x209: {  	vm7 =	veq.s32 v63, $0x6;
	v12 =	vsel vm3, $0x0, v32;
	v36 =	vsel vm3, $0x0, v5;
	v35, _, _ =	vpop (xrf0);
	(xrf0) =	vadd.scan.msk.s32 $0xffff, v34  }
0x20a: {  	v38 =	vsel vm7, $0x1, v0;
	v5 =	vadd.s32 v12, v5;
	v37, _, _ =	vpop (xrf0);
	(xrf0) =	vadd.scan.msk.s32 $0xffff, v36  }
0x20b: {  	vm15 =	veq.s32 v63, $0x7;
	v40 =	vsel vm8, $0x0, v5;
	v39, _, _ =	vpop (xrf0);
	(xrf0) =	vadd.scan.msk.s32 $0xffff, v38  }
0x20c: {  	v43 =	vsel vm15, $0x1, v0;
	v41 =	vadd.s32 $0xFFFFFFFF, v28;
	v5 =	vsel vm2, $0x0, v5;
	v42, _, _ =	vpop (xrf0);
	(xrf0) =	vadd.scan.msk.s32 $0xffff, v40  }
0x20d: {  	v6 =	vbroadcast v41, $0xF;
	v13 =	vadd.s32 $0xFFFFFFFF, v33;
	v44, _, _ =	vpop (xrf0);
	(xrf0) =	vadd.scan.msk.s32 $0xffff, v43  }
0x20e: {  	v45 =	vbroadcast v13, $0xF;
	v46 =	vadd.s32 $0xFFFFFFFF, v37;
	v47, _, _ =	vpop (xrf0);
	(xrf0) =	vadd.scan.msk.s32 $0xffff, v5  }
0x20f: {  	v6 =	vadd.s32 v25, v6;
	v48 =	vbroadcast v46, $0xF;
	v5, _, _ =	vpop (xrf0)  }
0x210: {  	v6 =	vnsel vm9, $0x0, v6;
	v7 =	vadd.s32 v30, v45;
	v50 =	vadd.s32 $0xFFFFFFFF, v42;
	v49, _, _ =	vpop (xrf0)  }
0x211: {  	v6 =	vsel vm10, v7, v6;
	v52 =	vadd.s32 v35, v48;
	v53 =	vbroadcast v50, $0xF;
	v51, _, _ =	vpop (xrf0)  }
0x212: {  	v6 =	vsel vm11, v52, v6;
	v55 =	vadd.s32 $0xFFFFFFFF, v47;
	v54, _, _ =	vpop (xrf0)  }
0x213: {  	v8 =	vadd.s32 v39, v53;
	v7 =	vbroadcast v55, $0xF;
	v57 =	vadd.s32 $0xFFFFFFFF, v49;
	v56, _, _ =	vpop (xrf0)  }
0x214: {  	v6 =	vsel vm12, v8, v6;
	v58 =	vbroadcast v57, $0xF;
	v9 =	vadd.s32 $0xFFFFFFFF, v54;
	v59, _, _ =	vpop (xrf0)  }
0x215: {  	v7 =	vadd.s32 v44, v7;
	v9 =	vbroadcast v9, $0xF;
	v12 =	vadd.s32 $0xFFFFFFFF, v59  }
0x216: {  	v6 =	vsel vm13, v7, v6;
	v5 =	vadd.s32 v5, v58;
	v60 =	vbroadcast v12, $0xF  }
0x217: {  	v5 =	vsel vm14, v5, v6;
	v61 =	vadd.s32 v51, v9  }
0x218: {  	v5 =	vsel vm7, v61, v5;
	v62 =	vadd.s32 v56, v60  }
0x219: {  	v5 =	vsel vm15, v62, v5  }
0x21a: {  	v6 =	vshrl.u32 v5, $0x3  }
0x21b: {  	v6 =	vmul.u32 $0x30, v6  }
0x21c: {  	v63 =	vand.u32 $0x7, v5  }
0x21d: {  	v6 =	vor.u32 v63, v6  }
0x21e: {  	v7 =	vperm.xlane v6, v1;
	_ =	sdelay $0x1  }
0x21f: {  	v7 =	vadd.s32 v2, v7;
	_ =	sdelay $0x3  }
0x220: {  	[tilespmem:$0x1B0] =	vst v5;
	v5 =	vperm.xlane v6, v3  }
0x221: {  	[hbm4b:s4+s2] =	stream.indirect_vreg.scatter [tilespmem:s30], [sflag:$0x1], $0x80, v7, vm0, $0xb8;
	[tilespmem:$0xD280] =	vst v63  }
0x222: {  	v5 =	vadd.s32 v2, v5  }
0x223: {  	[hbm4b:s5+s2] =	stream.indirect_vreg.scatter [tilespmem:s31], [sflag:$0x1], $0x80, v7, vm0, $0xb8;
	[tilespmem:$0xD280] =	vst v63  }
0x224: {  	_ = 	snop  }
0x225: {  	[hbm4b:s6+s2] =	stream.indirect_vreg.scatter [tilespmem:s0], [sflag:$0x1], $0x80, v7, vm0, $0xb8;
	[tilespmem:$0xD280] =	vst v63  }
0x226: {  	_ = 	snop  }
0x227: {  	[hbm4b:s4+s2] =	stream.indirect_vreg.scatter [tilespmem:s1], [sflag:$0x1], $0x80, v5, vm0, $0xb8;
	[tilespmem:$0xD280] =	vst v63  }
0x228: {  	_ = 	snop  }
0x229: {  	[hbm4b:s5+s2] =	stream.indirect_vreg.scatter [tilespmem:s10], [sflag:$0x1], $0x80, v5, vm0, $0xb8;
	[tilespmem:$0xD280] =	vst v63  }
0x22a: {  	_ = 	snop  }
0x22b: {  	[hbm4b:s6+s2] =	stream.indirect_vreg.scatter [tilespmem:s3], [sflag:$0x1], $0x80, v5, vm0, $0xb8;
	[tilespmem:$0xD280] =	vst v63  }
0x22c: {  	_ =	swait.ge [sflag:s15], $0x3000  }
0x22d: {  	s12 =	rddreg [dreg:$0x8];
	[sflag:s15] =	ssyncset.done $0x0  }
0x22e: {  	s0 =	rddreg [dreg:$0xd];
	[sflag:s15] =	ssyncadd.s32 $0xFFFFD000  }
0x22f: {  	[hbm4b:s12+s2] =	stream.linear.scatter [tilespmem:s0], [sflag:$0x2], $0x40, $0x38;
	[tilespmem:$0xD280] =	vst v63  }
0x230: {  	_ =	swait.ge [sflag:s8], $0x40  }
0x231: {  	s12 =	rddreg [dreg:$0x9];
	[sflag:s8] =	ssyncset.done $0x0  }
0x232: {  	s0 =	rddreg [dreg:$0xe];
	[sflag:s8] =	ssyncadd.s32 $0xFFFFFFC0  }
0x233: {  	[hbm4b:s12+s2] =	stream.linear.scatter [tilespmem:s0], [sflag:$0x2], $0x40, $0x38;
	[tilespmem:$0xD280] =	vst v63  }
0x234: {  	_ =	swait.ge [sflag:s8], $0x40  }
0x235: {  	[sflag:s8] =	ssyncset.done $0x0  }
0x236: {  	p3 =	sne.s32 s7, $0x1;
	s12 =	rddreg [dreg:$0xa];
	[sflag:s8] =	ssyncadd.s32 $0xFFFFFFC0  }
.Ltmp0:
0x237: {  	s0 =	rddreg [dreg:$0xf];
	[tilespmem:$0xD200] =	vst v4;
	(pc) =	sbr.rel @p3 .LBB2_1-.Ltmp0, $4  }
0x238: {  	[hbm4b:s12+s2] =	stream.linear.scatter [tilespmem:s0], [sflag:$0x2], $0x80, $0x38;
	[tilespmem:$0xD280] =	vst v63  }
0x239: {  	_ =	swait.ge [sflag:s8], $0x80  }
0x23a: {  	[sflag:s8] =	ssyncset.done $0x0  }
0x23b: {  	s7 =	sadd.s32 $0xFFFFFFFF, s7;
	[sflag:s8] =	ssyncadd.s32 $0xFFFFFF80  }
0x23c: {  	_ =	sfence.sel $0x180000  }
0x23d: {  	[bflag:$0x0] =	sbarrier.arrive $0xFFFF  }
0x23e: {  	_ =	strace $0x9000004A  }
0x23f: {  	s0 =	stileid.u32;
	[bflag:$0x2] =	sbarrier.arrive $0xFFFF  }
0x240: {  	p0 =	sne.s32 s0, $0x0;
	s0 =	rddreg [dreg:$0x4]  }
0x241: {  	s0 =	sadd.s32 @!p0 $0x100000, s0  }
0x242: {  	[sflag:s0] =	ssyncadd.tile.s32 @!p0 $0x1;
	_ =	shalt  }
.Lfunc_end2:
_tile_overlayer_lowered:
.L_overlay_start_2:
0x243: {  	(tag) =	ssettag $0x2  }
0x244: {  	s0 =	rddreg [dreg:$0x0];
	s2 =	stileid.u32  }
0x245: {  	s1 =	rddreg [dreg:$0x1];
	p0 =	sne.s32 s2, $0x0  }
0x246: {  	s3 =	rddreg [dreg:$0x2];
	[bflag:$0x3] =	sbarrier.arrive $0xFFFF;
	s2 =	simm.s32 @!p0 $0x1C02  }
0x247: {  	[timem:s3], [sflag:s2] =	dma.local @!p0 [hbm:s0], s1  }
0x248: {  	s0 =	simm.s32 @!p0 $0x2  }
0x249: {  	_ =	swait.ge @!p0 [sflag:s0], s1  }
0x24a: {  	s1 =	ssub.s32 @!p0 $0x0, s1;
	[sflag:s0] =	ssyncset.done @!p0 $0x0  }
0x24b: {  	[sflag:s0] =	ssyncadd.s32 @!p0 s1  }
0x24c: {  	[bflag:$0x3] =	sbarrier.arrive $0xFFFF  }
0x24d: {  	_ =	shalt  }

// kernel: kernel.13.cloned.1.call-start
scs
__scs_entry_jumppad:
0x0: {  	(pc) =	sbr.rel $0x88, $3  }
0x1: {  	(tag) =	ssettag $0x0;
	lr =	simm.s32 $0x1  }
0x2: {  	[smem:$0x3F93] =	sst lr;
	_ =	strace $0xD0000000  }
0x3: {  	_ = 	snop  }
0x4: {  	_ = 	snop  }
0x5: {  	_ = 	snop  }
0x6: {  	_ = 	snop  }
0x7: {  	_ = 	snop  }
__scs_overlays_trampoline_lowered:
0x8: {  	[smem:$0x3FA2] =	sst s0  }
0x9: {  	[smem:$0x3FA3] =	sst s1  }
0xa: {  	[smem:$0x3FA4] =	sst s2  }
0xb: {  	[smem:$0x3FA5] =	sst s3  }
0xc: {  	[smem:$0x3FA6] =	sst s4  }
0xd: {  	[smem:$0x3FA7] =	sst s5  }
0xe: {  	[smem:$0x3FA8] =	sst s6  }
0xf: {  	[smem:$0x3FA9] =	sst s7  }
0x10: {  	[smem:$0x3FAA] =	sst s8  }
0x11: {  	[smem:$0x3FAB] =	sst s9;
	s0 =	simm.s32 @!p0 $0x0  }
0x12: {  	s1 =	sld [smem:$0x3F91];
	s0 =	simm.s32 @p0 $0x1  }
0x13: {  	[smem:$0x3FAC] =	sst s0;
	s0 =	simm.s32 @!p1 $0x0  }
0x14: {  	s2 =	sld [smem:$0x3F90];
	s0 =	simm.s32 @p1 $0x1  }
0x15: {  	[smem:$0x3FAD] =	sst s0;
	s0 =	simm.s32 @!p2 $0x0  }
0x16: {  	s3 =	sld [smem:$0x3FDB];
	s0 =	simm.s32 @p2 $0x1  }
0x17: {  	s4 =	simm.s32 $0x1BF5;
	[smem:$0x3FAF] =	sst s0  }
0x18: {  	s0 =	sld [smem:$0x3F92];
	_ =	swait.ge [sflag:s4], $0x0  }
0x19: {  	s7 =	sld [smem:$0x3F93]  }
0x1a: {  	s8 =	sadd.s32 $0xFFFFE003, lr  }
0x1b: {  	s9 =	sadd.s32 $0xFFFFFEF7, lr;
	s5 =	simm.s32 $0xFFFFFFFF;
	p2 =	slt.u32 s8, $0xFFFFF086  }
0x1c: {  	p1 =	slt.u32 s9, $0xF7A;
	s5 =	simm.s32 @!p2 $0x0  }
0x1d: {  	s5 =	simm.s32 @p1 $0x1;
	p0 =	seq.s32 s7, s2  }
0x1e: {  	s7 =	smul.u32 @!p0 $0xF7A, s2;
	p2 =	seq.s32 @!p0 s5, $0x0  }
0x1f: {  	s9 =	smul.u32 $0xF7A, s1;
	s8 =	simm.s32 @!p0 $0x1BF5;
	p2 =	por !p2, p0  }
0x20: {  	[sflag:s8] =	ssyncset.s32 @!p0 $0xFFFFF086;
	s6 =	sadd.s32 @!p0 s3, s7;
	s7 =	simm.s32 @!p0 $0x108  }
0x21: {  	s3 =	sadd.s32 s3, s9;
	s6 =	sadd.s32 @!p0 $0x88, s6;
	s7 =	simm.s32 @p2 $0x1082  }
0x22: {  	[simem:s7], [sflag:s8] =	dma.local @!p0 [hbm:s6], $0xF7A  }
0x23: {  	s9 =	sor.u32 $0xD0000000, s2;
	s6 =	simm.s32 $0x108;
	_ =	swait.ge @!p0 [sflag:s8], $0x0  }
0x24: {  	s3 =	sadd.s32 $0x88, s3;
	s6 =	simm.s32 @!p1 $0x1082;
	[sflag:s4] =	ssyncset.s32 $0xFFFFF086  }
0x25: {  	[simem:s6], [sflag:s4] =	dma.local [hbm:s3], $0xF7A  }
0x26: {  	[smem:$0x3F93] =	sst s1;
	(tag) =	ssettag s2;
	_ =	strace s9  }
0x27: {  	s1 =	sld [smem:$0x3FA3]  }
0x28: {  	s2 =	sld [smem:$0x3FA4]  }
0x29: {  	s4 =	sld [smem:$0x3FA6]  }
0x2a: {  	p0 =	seq.s32 s5, $0x0;
	s5 =	sld [smem:$0x3FA7]  }
0x2b: {  	s6 =	sld [smem:$0x3FA8]  }
0x2c: {  	s7 =	sld [smem:$0x3FA9]  }
0x2d: {  	s3 =	simm.s32 $0x108;
	s8 =	sld [smem:$0x3FAA]  }
0x2e: {  	s3 =	simm.s32 @!p0 $0x1082;
	s9 =	sld [smem:$0x3FAB]  }
0x2f: {  	lr =	sadd.s32 s0, s3;
	s0 =	sld [smem:$0x3FA2]  }
0x30: {  	s3 =	sld [smem:$0x3FA5]  }
0x31: {  	[smem:$0x3FAE] =	sst s10  }
0x32: {  	s10 =	sld [smem:$0x3FAC];
	_ =	sdelay $0x3  }
0x33: {  	p0 =	seq.s32 s10, $0x1;
	s10 =	sld [smem:$0x3FAE];
	_ =	sdelay $0x3  }
0x34: {  	[smem:$0x3FAE] =	sst s10  }
0x35: {  	s10 =	sld [smem:$0x3FAD];
	_ =	sdelay $0x3  }
0x36: {  	p1 =	seq.s32 s10, $0x1;
	s10 =	sld [smem:$0x3FAE];
	_ =	sdelay $0x3  }
0x37: {  	[smem:$0x3FAE] =	sst s10  }
0x38: {  	s10 =	sld [smem:$0x3FAF]  }
0x39: {  	_ = 	snop;
	(pc) =	sbr.ind lr, $3  }
0x3a: {  	_ = 	snop  }
0x3b: {  	_ = 	snop  }
0x3c: {  	p2 =	seq.s32 s10, $0x1;
	s10 =	sld [smem:$0x3FAE]  }
0x3d: {  	_ =	shalt  }
0x3e: {  	_ =	shalt  }
0x3f: {  	_ =	shalt  }
0x40: {  	_ =	shalt  }
0x41: {  	_ =	shalt  }
0x42: {  	_ =	shalt  }
0x43: {  	_ =	shalt  }
0x44: {  	_ =	shalt  }
0x45: {  	_ =	shalt  }
0x46: {  	_ =	shalt  }
0x47: {  	_ =	shalt  }
0x48: {  	_ =	shalt  }
0x49: {  	_ =	shalt  }
0x4a: {  	_ =	shalt  }
0x4b: {  	_ =	shalt  }
0x4c: {  	_ =	shalt  }
0x4d: {  	_ =	shalt  }
0x4e: {  	_ =	shalt  }
0x4f: {  	_ =	shalt  }
0x50: {  	_ =	shalt  }
0x51: {  	_ =	shalt  }
0x52: {  	_ =	shalt  }
0x53: {  	_ =	shalt  }
0x54: {  	_ =	shalt  }
0x55: {  	_ =	shalt  }
0x56: {  	_ =	shalt  }
0x57: {  	_ =	shalt  }
0x58: {  	_ =	shalt  }
0x59: {  	_ =	shalt  }
0x5a: {  	_ =	shalt  }
0x5b: {  	_ =	shalt  }
0x5c: {  	_ =	shalt  }
0x5d: {  	_ =	shalt  }
0x5e: {  	_ =	shalt  }
0x5f: {  	_ =	shalt  }
0x60: {  	_ =	shalt  }
0x61: {  	_ =	shalt  }
0x62: {  	_ =	shalt  }
0x63: {  	_ =	shalt  }
0x64: {  	_ =	shalt  }
0x65: {  	_ =	shalt  }
0x66: {  	_ =	shalt  }
0x67: {  	_ =	shalt  }
0x68: {  	_ =	shalt  }
0x69: {  	_ =	shalt  }
0x6a: {  	_ =	shalt  }
0x6b: {  	_ =	shalt  }
0x6c: {  	_ =	shalt  }
0x6d: {  	_ =	shalt  }
0x6e: {  	_ =	shalt  }
0x6f: {  	_ =	shalt  }
0x70: {  	_ =	shalt  }
0x71: {  	_ =	shalt  }
0x72: {  	_ =	shalt  }
0x73: {  	_ =	shalt  }
0x74: {  	_ =	shalt  }
0x75: {  	_ =	shalt  }
0x76: {  	_ =	shalt  }
0x77: {  	_ =	shalt  }
0x78: {  	_ =	shalt  }
0x79: {  	_ =	shalt  }
0x7a: {  	_ =	shalt  }
0x7b: {  	_ =	shalt  }
0x7c: {  	_ =	shalt  }
0x7d: {  	_ =	shalt  }
0x7e: {  	_ =	shalt  }
0x7f: {  	_ =	shalt  }
0x80: {  	_ =	shalt  }
0x81: {  	_ =	shalt  }
0x82: {  	_ =	shalt  }
0x83: {  	_ =	shalt  }
0x84: {  	_ =	shalt  }
0x85: {  	_ =	shalt  }
0x86: {  	_ =	shalt  }
0x87: {  	_ =	shalt  }
.Lfunc_end0:
.L_simem_size_0:
called_computation.2_lowered:
.L_overlay_start_0:
0x88: {  	s2 =	sld [smem:$0x3FD9]  }
0x89: {  	s3 =	sld [smem:$0x3FFE];
	_ =	sdelay $0x1  }
0x8a: {  	s1 =	srdreg.scid  }
0x8b: {  	s0 =	sand.u32 $0x1, s1  }
0x8c: {  	s14 =	sshll.u32 s0, $0xA;
	s2 =	sadd.s32 s3, s2  }
0x8d: {  	s2 =	sadd.s32 s2, s14  }
0x8e: {  	[smem:$0x3FBA] =	sst s2  }
0x8f: {  	_ = 	snop  }
0x90: {  	s2 =	sld [smem:$0x3FD0];
	_ =	sdelay $0x2  }
0x91: {  	s15 =	simm.s32 $0xA;
	s4 =	simm.s32 $0x10  }
0x92: {  	[smem:s4], [sflag:s15] =	dma.local [hbm:s2], $0x1  }
0x93: {  	_ =	swait.eq [sflag:s15], $0x1  }
0x94: {  	[sflag:s15] =	ssyncset.done $0x0  }
0x95: {  	[sflag:s15] =	ssyncadd.s32 $0xFFFFFFFF  }
0x96: {  	s16 =	sld [smem:$0x10];
	(tm) =	ssettm $0x1  }
0x97: {  	s17 =	sld [smem:$0x3FFB];
	_ =	sdelay $0x3  }
0x98: {  	_ =	strace s17  }
0x99: {  	s3 =	sld [smem:$0x3FFC];
	_ =	sdelay $0x3  }
0x9a: {  	_ =	strace s3  }
0x9b: {  	s3 =	sld [smem:$0x3FFD];
	_ =	sdelay $0x3  }
0x9c: {  	_ =	strace s3  }
0x9d: {  	_ =	strace $0x8FFFFFFF  }
0x9e: {  	s18 =	sld [smem:$0x3FDB];
	_ =	sdelay $0x1  }
0x9f: {  	s19 =	simm.s32 $_scs_section_size  }
0xa0: {  	s5 =	simm.s32 $_size__tile_overlayer_lowered;
	s6 =	simm.s32 $_tile_overlayer_lowered  }
0xa1: {  	s22 =	simm.s32 $0x1BFF;
	s21 =	sshll.u32 s6, $0x1;
	s3 =	sadd.s32 s19, s18  }
0xa2: {  	s7 =	simm.s32 $0x0;
	s20 =	sshll.u32 s5, $0x1;
	s5 =	sadd.s32 s21, s3  }
0xa3: {  	[timem:s7], [sflag:s22] =	dma.local [hbm:s5], s20  }
0xa4: {  	_ =	swait.ge [sflag:s22], s20  }
0xa5: {  	s4 =	ssub.s32 $0x0, s20;
	[sflag:s22] =	ssyncset.done $0x0  }
0xa6: {  	[sflag:s22] =	ssyncadd.s32 s4;
	_ =	sdelay $0x1  }
0xa7: {  	s23 =	simm.s32 $0x1B8B  }
0xa8: {  	_ =	swait.ge [sflag:s23], $0x1  }
0xa9: {  	[sflag:s23] =	ssyncset.done $0x0  }
0xaa: {  	s25 =	simm.s32 $0x1B8E;
	s24 =	sld [smem:$0x3FFE];
	[sflag:s23] =	ssyncadd.s32 $0xFFFFFFFF  }
0xab: {  	s26 =	simm.s32 $execute0_lowered;
	[smem:$0x3FD2] =	sst s25  }
0xac: {  	s5 =	sshll.u32 s26, $0x1;
	_ =	strace $0x8000004C;
	[dreg:$0x1] =	wrdreg $0xFFFFFFFF  }
0xad: {  	s28 =	simm.s32 $_size_execute0_lowered;
	s3 =	sadd.s32 s3, s5;
	[dreg:$0x0] =	wrdreg $0x0  }
0xae: {  	s5 =	sshll.u32 s28, $0x1;
	[dreg:$0x2] =	wrdreg s3  }
0xaf: {  	[dreg:$0x3] =	wrdreg s5  }
0xb0: {  	[dreg:$0x4] =	wrdreg $0xC0  }
0xb1: {  	_ =	task [dreg:s7], $0x5FFFF  }
0xb2: {  	[dreg:$0x1] =	wrdreg $0xFFFFFFFF  }
0xb3: {  	[dreg:$0x0] =	wrdreg $0x60  }
0xb4: {  	[dreg:$0x2] =	wrdreg s24  }
0xb5: {  	[dreg:$0x3] =	wrdreg s16  }
0xb6: {  	[dreg:$0x4] =	wrdreg $0x9  }
0xb7: {  	_ =	task.clear_ibuf [dreg:s7], $0x5FFFF;
	_ =	strace $0x9000004C  }
0xb8: {  	s29 =	simm.s32 $0x9;
	_ =	strace $0x8000004E  }
0xb9: {  	_ =	swait.ge [sflag:s29], $0x1  }
0xba: {  	[sflag:s29] =	ssyncadd.s32 $0xFFFFFFFF  }
0xbb: {  	_ =	strace $0x9000004E  }
0xbc: {  	_ =	sfence  }
0xbd: {  	s30 =	sld [smem:$0x0];
	_ =	sdelay $0x2  }
0xbe: {  	s31 =	sshll.u32 s1, $0xD;
	s1 =	sshrl.u32 s1, $0x2  }
0xbf: {  	s3 =	sand.u32 $0x4000, s31;
	s1 =	sadd.s32 s1, s30  }
0xc0: {  	s0 =	sor.u32 s3, s0;
	s1 =	sshll.u32 s1, $0x11  }
0xc1: {  	s0 =	sor.u32 s1, s0  }
0xc2: {  	s0 =	sadd.s32 $0x8F2B, s0  }
0xc3: {  	[sflag:s0] =	ssyncadd.remote.s32 $0x1  }
0xc4: {  	_ =	sfence.sel $0xFFFF  }
0xc5: {  	[dreg:$0x0] =	wrdreg $0xFFFFFFFF;
	(pc) =	sbr.abs _section_cstart, $3  }
0xc6: {  	[dreg:$0x1] =	wrdreg $0xFFFFFFFF  }
0xc7: {  	_ =	task.clear_ibuf [dreg:s7], $0x2FFFF;
	_ =	strace $0x9FFFFFFF  }
0xc8: {  	(tm) =	ssettm $0x7FFFFFFF  }
0xc9: {  	_ =	shalt  }
tec
execute0_lowered:
.L_overlay_start_1:
0x0: {  	(tag) =	ssettag $0x1  }
0x1: {  	s2 =	rddreg [dreg:$0x0]  }
0x2: {  	s4 =	rddreg [dreg:$0x1];
	s3 =	simm.s32 $0x0  }
0x3: {  	s23 =	simm.s32 $0x80;
	[smem:$0x7FF] =	sst s3  }
0x4: {  	s24 =	simm.s32 $0x900;
	_ =	strace $0x8000004D;
	[dreg:$0x7] =	wrdreg s23  }
0x5: {  	s25 =	simm.s32 $0x1100;
	[dreg:$0x8] =	wrdreg s24  }
0x6: {  	s0 =	stileid.u32;
	s26 =	simm.s32 $0x1900;
	[dreg:$0x9] =	wrdreg s25  }
0x7: {  	s5 =	sshll.u32 s0, $0x4;
	s0 =	simm.s32 $0x2100;
	[dreg:$0xa] =	wrdreg s26  }
0x8: {  	s8 =	simm.s32 $0x4100;
	[dreg:$0xb] =	wrdreg s0  }
0x9: {  	s9 =	simm.s32 $0x4900;
	[dreg:$0xf] =	wrdreg s8  }
0xa: {  	s10 =	simm.s32 $0x5100;
	[dreg:$0x10] =	wrdreg s9  }
0xb: {  	s11 =	simm.s32 $0x5900;
	[dreg:$0x11] =	wrdreg s10  }
0xc: {  	s12 =	simm.s32 $0x6100;
	[dreg:$0x12] =	wrdreg s11  }
0xd: {  	s1 =	srdreg.scid;
	s13 =	simm.s32 $0x6900;
	[dreg:$0x13] =	wrdreg s12  }
0xe: {  	s14 =	simm.s32 $0x7100;
	s15 =	simm.s32 $0x7900;
	[dreg:$0x14] =	wrdreg s13  }
0xf: {  	s16 =	simm.s32 $0x8100;
	s17 =	simm.s32 $0x8900;
	[dreg:$0x15] =	wrdreg s14  }
0x10: {  	s18 =	simm.s32 $0x9100;
	s20 =	simm.s32 $0x9900;
	[dreg:$0x16] =	wrdreg s15  }
0x11: {  	s28 =	simm.s32 $0x15900;
	s29 =	simm.s32 $0x16100;
	[dreg:$0x17] =	wrdreg s16  }
0x12: {  	s30 =	simm.s32 $0x16900;
	s1 =	sand.u32 $0x1, s1;
	[dreg:$0x18] =	wrdreg s17  }
0x13: {  	s31 =	simm.s32 $0x17100;
	s6 =	sshll.u32 s1, $0x3;
	[dreg:$0x19] =	wrdreg s18  }
0x14: {  	s1 =	ssub.s32 $0x2, s1;
	[dreg:$0x1a] =	wrdreg s20;
	s23 =	simm.s32 $0xB100  }
0x15: {  	s24 =	simm.s32 $0xB900;
	s25 =	simm.s32 $0xC900;
	s8 =	simm.s32 $0x100  }
0x16: {  	s26 =	simm.s32 $0xD100;
	s9 =	simm.s32 $0x1;
	s10 =	simm.s32 $0xC100  }
0x17: {  	s12 =	simm.s32 $0xE100;
	s13 =	simm.s32 $0xE900;
	s14 =	simm.s32 $0xF100  }
0x18: {  	s15 =	simm.s32 $0xF900;
	s16 =	simm.s32 $0x10100;
	[dreg:$0x1d] =	wrdreg s23  }
0x19: {  	s17 =	simm.s32 $0x10900;
	s18 =	simm.s32 $0x11100;
	[dreg:$0x1e] =	wrdreg s24  }
0x1a: {  	s20 =	simm.s32 $0x12100;
	s5 =	sor.u32 s6, s5;
	[dreg:$0x1f] =	wrdreg s25  }
0x1b: {  	s19 =	sshrl.u32 s1, $0x1;
	[smem:$0x7FD] =	sst s26;
	s6 =	sadd.s32 s5, s2  }
0x1c: {  	s23 =	simm.s32 $0x13900;
	s5 =	smul.u32 $0x300, s5;
	s7 =	sadd.s32 $0x78400, s6  }
0x1d: {  	s24 =	simm.s32 $0x14100;
	s6 =	sadd.s32 $0x78600, s6;
	[dreg:$0x3] =	wrdreg s7  }
0x1e: {  	s25 =	simm.s32 $0x14900;
	[dreg:$0x4] =	wrdreg s6;
	s4 =	sadd.s32 s4, s5  }
0x1f: {  	s21 =	sadd.s32 s5, s2;
	s5 =	simm.s32 $0x2900;
	[dreg:$0x5] =	wrdreg s4  }
0x20: {  	s26 =	simm.s32 $0x15100;
	s6 =	simm.s32 $0x3100;
	[dreg:$0xc] =	wrdreg s5  }
0x21: {  	s1 =	ssub.s32 s1, s19;
	s7 =	simm.s32 $0x3900;
	[dreg:$0xd] =	wrdreg s6  }
0x22: {  	s19 =	simm.s32 $0x11900;
	s22 =	sadd.s32 $0x78800, s21;
	[dreg:$0xe] =	wrdreg s7  }
0x23: {  	s21 =	simm.s32 $0xA100;
	s4 =	sadd.s32 $0x100, s2;
	s5 =	sadd.s32 $0x200, s2  }
0x24: {  	v2 =	vlaneseq.u32;
	s6 =	smax.u32 s1, $0x1;
	s7 =	simm.s32 $0x2;
	[dreg:$0x6] =	wrdreg s22  }
0x25: {  	vm0 =	vmmov $0xffff;
	v1 =	vshrl.u32 v2, $0x3;
	s1 =	simm.s32 $0x17900;
	[dreg:$0x1b] =	wrdreg s21;
	s22 =	simm.s32 $0xA900  }
0x26: {  	v0 =	vand.u32 $0x7, v2;
	v2 =	vor.u32 $0x8, v2;
	v1 =	vmul.u32 $0x8, v1;
	s21 =	simm.s32 $0x12900;
	[dreg:$0x1c] =	wrdreg s22;
	s22 =	simm.s32 $0x13100  }
.LBB2_1:
0x27: {  	s0 =	rddreg [dreg:$0x3]  }
0x28: {  	[tilespmem:s3], [sflag:$0x2] =	stream.linear.gather [hbm4b:s0+s3], $0x40, $0x38;
	[tilespmem:$0x18100] =	vst v63  }
0x29: {  	_ =	swait.ge [sflag:s7], $0x40  }
0x2a: {  	s0 =	rddreg [dreg:$0x4];
	[sflag:s7] =	ssyncset.done $0x0  }
0x2b: {  	s11 =	rddreg [dreg:$0x7];
	[sflag:s7] =	ssyncadd.s32 $0xFFFFFFC0  }
0x2c: {  	[tilespmem:s11], [sflag:$0x2] =	stream.linear.gather [hbm4b:s0+s3], $0x40, $0x38;
	[tilespmem:$0x18100] =	vst v63  }
0x2d: {  	_ =	swait.ge [sflag:s7], $0x40  }
0x2e: {  	[sflag:s7] =	ssyncset.done $0x0  }
0x2f: {  	[sflag:s7] =	ssyncadd.s32 $0xFFFFFFC0  }
0x30: {  	v3 =	vld [tilespmem:$0x0];
	_ =	sdelay $0x4  }
0x31: {  	v4 =	vshrl.u32 v3, $0x3  }
0x32: {  	v4 =	vmul.u32 $0x30, v4  }
0x33: {  	v3 =	vand.u32 $0x7, v3  }
0x34: {  	v3 =	vor.u32 v3, v4  }
0x35: {  	v4 =	vperm.xlane v3, v0;
	_ =	sdelay $0x1  }
0x36: {  	v4 =	vadd.s32 v1, v4;
	_ =	sdelay $0x3  }
0x37: {  	v3 =	vperm.xlane v3, v2  }
0x38: {  	[tilespmem:s8], [sflag:$0x1] =	stream.indirect_vreg.gather [hbm4b:s2+s3], $0x80, v4, vm0, $0xb8;
	[tilespmem:$0x18100] =	vst v63  }
0x39: {  	s0 =	rddreg [dreg:$0x8];
	v3 =	vadd.s32 v1, v3  }
0x3a: {  	[tilespmem:s0], [sflag:$0x1] =	stream.indirect_vreg.gather [hbm4b:s4+s3], $0x80, v4, vm0, $0xb8;
	[tilespmem:$0x18100] =	vst v63  }
0x3b: {  	s11 =	rddreg [dreg:$0x9]  }
0x3c: {  	[tilespmem:s11], [sflag:$0x1] =	stream.indirect_vreg.gather [hbm4b:s5+s3], $0x80, v4, vm0, $0xb8;
	[tilespmem:$0x18100] =	vst v63  }
0x3d: {  	s0 =	rddreg [dreg:$0xa]  }
0x3e: {  	[tilespmem:s0], [sflag:$0x1] =	stream.indirect_vreg.gather [hbm4b:s2+s3], $0x80, v3, vm0, $0xb8;
	[tilespmem:$0x18100] =	vst v63  }
0x3f: {  	s11 =	rddreg [dreg:$0xb]  }
0x40: {  	[tilespmem:s11], [sflag:$0x1] =	stream.indirect_vreg.gather [hbm4b:s4+s3], $0x80, v3, vm0, $0xb8;
	[tilespmem:$0x18100] =	vst v63  }
0x41: {  	s0 =	rddreg [dreg:$0xc]  }
0x42: {  	[tilespmem:s0], [sflag:$0x1] =	stream.indirect_vreg.gather [hbm4b:s5+s3], $0x80, v3, vm0, $0xb8;
	[tilespmem:$0x18100] =	vst v63  }
0x43: {  	v3 =	vld [tilespmem:$0x10];
	_ =	sdelay $0x4  }
0x44: {  	v57 =	vshrl.u32 v3, $0x3  }
0x45: {  	v4 =	vmul.u32 $0x30, v57  }
0x46: {  	v3 =	vand.u32 $0x7, v3  }
0x47: {  	v3 =	vor.u32 v3, v4  }
0x48: {  	v4 =	vperm.xlane v3, v0;
	_ =	sdelay $0x1  }
0x49: {  	v4 =	vadd.s32 v1, v4;
	_ =	sdelay $0x3  }
0x4a: {  	s0 =	rddreg [dreg:$0xd];
	v3 =	vperm.xlane v3, v2  }
0x4b: {  	[tilespmem:s0], [sflag:$0x1] =	stream.indirect_vreg.gather [hbm4b:s2+s3], $0x80, v4, vm0, $0xb8;
	[tilespmem:$0x18100] =	vst v63  }
0x4c: {  	s11 =	rddreg [dreg:$0xe];
	v3 =	vadd.s32 v1, v3  }
0x4d: {  	[tilespmem:s11], [sflag:$0x1] =	stream.indirect_vreg.gather [hbm4b:s4+s3], $0x80, v4, vm0, $0xb8;
	[tilespmem:$0x18100] =	vst v63  }
0x4e: {  	s0 =	rddreg [dreg:$0xf]  }
0x4f: {  	[tilespmem:s0], [sflag:$0x1] =	stream.indirect_vreg.gather [hbm4b:s5+s3], $0x80, v4, vm0, $0xb8;
	[tilespmem:$0x18100] =	vst v63  }
0x50: {  	s11 =	rddreg [dreg:$0x10]  }
0x51: {  	[tilespmem:s11], [sflag:$0x1] =	stream.indirect_vreg.gather [hbm4b:s2+s3], $0x80, v3, vm0, $0xb8;
	[tilespmem:$0x18100] =	vst v63  }
0x52: {  	s0 =	rddreg [dreg:$0x11]  }
0x53: {  	[tilespmem:s0], [sflag:$0x1] =	stream.indirect_vreg.gather [hbm4b:s4+s3], $0x80, v3, vm0, $0xb8;
	[tilespmem:$0x18100] =	vst v63  }
0x54: {  	s11 =	rddreg [dreg:$0x12]  }
0x55: {  	[tilespmem:s11], [sflag:$0x1] =	stream.indirect_vreg.gather [hbm4b:s5+s3], $0x80, v3, vm0, $0xb8;
	[tilespmem:$0x18100] =	vst v63  }
0x56: {  	v3 =	vld [tilespmem:$0x20];
	_ =	sdelay $0x4  }
0x57: {  	v58 =	vshrl.u32 v3, $0x3  }
0x58: {  	v4 =	vmul.u32 $0x30, v58  }
0x59: {  	v3 =	vand.u32 $0x7, v3  }
0x5a: {  	v3 =	vor.u32 v3, v4  }
0x5b: {  	v4 =	vperm.xlane v3, v0;
	_ =	sdelay $0x1  }
0x5c: {  	v4 =	vadd.s32 v1, v4;
	_ =	sdelay $0x3  }
0x5d: {  	s0 =	rddreg [dreg:$0x13];
	v3 =	vperm.xlane v3, v2  }
0x5e: {  	[tilespmem:s0], [sflag:$0x1] =	stream.indirect_vreg.gather [hbm4b:s2+s3], $0x80, v4, vm0, $0xb8;
	[tilespmem:$0x18100] =	vst v63  }
0x5f: {  	s11 =	rddreg [dreg:$0x14];
	v3 =	vadd.s32 v1, v3  }
0x60: {  	[tilespmem:s11], [sflag:$0x1] =	stream.indirect_vreg.gather [hbm4b:s4+s3], $0x80, v4, vm0, $0xb8;
	[tilespmem:$0x18100] =	vst v63  }
0x61: {  	s0 =	rddreg [dreg:$0x15]  }
0x62: {  	[tilespmem:s0], [sflag:$0x1] =	stream.indirect_vreg.gather [hbm4b:s5+s3], $0x80, v4, vm0, $0xb8;
	[tilespmem:$0x18100] =	vst v63  }
0x63: {  	s11 =	rddreg [dreg:$0x16]  }
0x64: {  	[tilespmem:s11], [sflag:$0x1] =	stream.indirect_vreg.gather [hbm4b:s2+s3], $0x80, v3, vm0, $0xb8;
	[tilespmem:$0x18100] =	vst v63  }
0x65: {  	s0 =	rddreg [dreg:$0x17]  }
0x66: {  	[tilespmem:s0], [sflag:$0x1] =	stream.indirect_vreg.gather [hbm4b:s4+s3], $0x80, v3, vm0, $0xb8;
	[tilespmem:$0x18100] =	vst v63  }
0x67: {  	s11 =	rddreg [dreg:$0x18]  }
0x68: {  	[tilespmem:s11], [sflag:$0x1] =	stream.indirect_vreg.gather [hbm4b:s5+s3], $0x80, v3, vm0, $0xb8;
	[tilespmem:$0x18100] =	vst v63  }
0x69: {  	v3 =	vld [tilespmem:$0x30];
	_ =	sdelay $0x4  }
0x6a: {  	v59 =	vshrl.u32 v3, $0x3  }
0x6b: {  	v4 =	vmul.u32 $0x30, v59  }
0x6c: {  	v3 =	vand.u32 $0x7, v3  }
0x6d: {  	v3 =	vor.u32 v3, v4  }
0x6e: {  	v4 =	vperm.xlane v3, v0;
	_ =	sdelay $0x1  }
0x6f: {  	v4 =	vadd.s32 v1, v4;
	_ =	sdelay $0x3  }
0x70: {  	s0 =	rddreg [dreg:$0x19];
	v3 =	vperm.xlane v3, v2  }
0x71: {  	[tilespmem:s0], [sflag:$0x1] =	stream.indirect_vreg.gather [hbm4b:s2+s3], $0x80, v4, vm0, $0xb8;
	[tilespmem:$0x18100] =	vst v63  }
0x72: {  	s11 =	rddreg [dreg:$0x1a];
	v3 =	vadd.s32 v1, v3  }
0x73: {  	[tilespmem:s11], [sflag:$0x1] =	stream.indirect_vreg.gather [hbm4b:s4+s3], $0x80, v4, vm0, $0xb8;
	[tilespmem:$0x18100] =	vst v63  }
0x74: {  	s0 =	rddreg [dreg:$0x1b]  }
0x75: {  	[tilespmem:s0], [sflag:$0x1] =	stream.indirect_vreg.gather [hbm4b:s5+s3], $0x80, v4, vm0, $0xb8;
	[tilespmem:$0x18100] =	vst v63  }
0x76: {  	s11 =	rddreg [dreg:$0x1c]  }
0x77: {  	[tilespmem:s11], [sflag:$0x1] =	stream.indirect_vreg.gather [hbm4b:s2+s3], $0x80, v3, vm0, $0xb8;
	[tilespmem:$0x18100] =	vst v63  }
0x78: {  	s0 =	rddreg [dreg:$0x1d]  }
0x79: {  	[tilespmem:s0], [sflag:$0x1] =	stream.indirect_vreg.gather [hbm4b:s4+s3], $0x80, v3, vm0, $0xb8;
	[tilespmem:$0x18100] =	vst v63  }
0x7a: {  	s11 =	rddreg [dreg:$0x1e]  }
0x7b: {  	[tilespmem:s11], [sflag:$0x1] =	stream.indirect_vreg.gather [hbm4b:s5+s3], $0x80, v3, vm0, $0xb8;
	[tilespmem:$0x18100] =	vst v63  }
0x7c: {  	_ =	swait.ge [sflag:s9], $0xC000  }
0x7d: {  	[sflag:s9] =	ssyncset.done $0x0  }
0x7e: {  	[sflag:s9] =	ssyncadd.s32 $0xFFFF4000  }
0x7f: {  	v3 =	vld [tilespmem:$0x80];
	_ =	sdelay $0x4  }
0x80: {  	v60 =	vshrl.u32 v3, $0x3  }
0x81: {  	v4 =	vmul.u32 $0x30, v60  }
0x82: {  	v3 =	vand.u32 $0x7, v3  }
0x83: {  	v3 =	vor.u32 v3, v4  }
0x84: {  	v4 =	vperm.xlane v3, v0;
	_ =	sdelay $0x1  }
0x85: {  	v4 =	vadd.s32 v1, v4;
	_ =	sdelay $0x3  }
0x86: {  	s0 =	rddreg [dreg:$0x1f];
	v3 =	vperm.xlane v3, v2  }
0x87: {  	[tilespmem:s10], [sflag:$0x1] =	stream.indirect_vreg.gather [hbm4b:s2+s3], $0x80, v4, vm0, $0xb8;
	[tilespmem:$0x18100] =	vst v63  }
0x88: {  	s11 =	sld [smem:$0x7FD];
	v3 =	vadd.s32 v1, v3  }
0x89: {  	[tilespmem:s0], [sflag:$0x1] =	stream.indirect_vreg.gather [hbm4b:s4+s3], $0x80, v4, vm0, $0xb8;
	[tilespmem:$0x18100] =	vst v63  }
0x8a: {  	_ = 	snop  }
0x8b: {  	[tilespmem:s11], [sflag:$0x1] =	stream.indirect_vreg.gather [hbm4b:s5+s3], $0x80, v4, vm0, $0xb8;
	[tilespmem:$0x18100] =	vst v63  }
0x8c: {  	s11 =	simm.s32 $0xD900  }
0x8d: {  	[tilespmem:s11], [sflag:$0x1] =	stream.indirect_vreg.gather [hbm4b:s2+s3], $0x80, v3, vm0, $0xb8;
	[tilespmem:$0x18100] =	vst v63  }
0x8e: {  	_ = 	snop  }
0x8f: {  	[tilespmem:s12], [sflag:$0x1] =	stream.indirect_vreg.gather [hbm4b:s4+s3], $0x80, v3, vm0, $0xb8;
	[tilespmem:$0x18100] =	vst v63  }
0x90: {  	_ = 	snop  }
0x91: {  	[tilespmem:s13], [sflag:$0x1] =	stream.indirect_vreg.gather [hbm4b:s5+s3], $0x80, v3, vm0, $0xb8;
	[tilespmem:$0x18100] =	vst v63  }
0x92: {  	v3 =	vld [tilespmem:$0x90];
	_ =	sdelay $0x4  }
0x93: {  	v61 =	vshrl.u32 v3, $0x3  }
0x94: {  	v4 =	vmul.u32 $0x30, v61  }
0x95: {  	v3 =	vand.u32 $0x7, v3  }
0x96: {  	v3 =	vor.u32 v3, v4  }
0x97: {  	v4 =	vperm.xlane v3, v0;
	_ =	sdelay $0x1  }
0x98: {  	v4 =	vadd.s32 v1, v4;
	_ =	sdelay $0x3  }
0x99: {  	v3 =	vperm.xlane v3, v2  }
0x9a: {  	[tilespmem:s14], [sflag:$0x1] =	stream.indirect_vreg.gather [hbm4b:s2+s3], $0x80, v4, vm0, $0xb8;
	[tilespmem:$0x18100] =	vst v63  }
0x9b: {  	v3 =	vadd.s32 v1, v3  }
0x9c: {  	[tilespmem:s15], [sflag:$0x1] =	stream.indirect_vreg.gather [hbm4b:s4+s3], $0x80, v4, vm0, $0xb8;
	[tilespmem:$0x18100] =	vst v63  }
0x9d: {  	_ = 	snop  }
0x9e: {  	[tilespmem:s16], [sflag:$0x1] =	stream.indirect_vreg.gather [hbm4b:s5+s3], $0x80, v4, vm0, $0xb8;
	[tilespmem:$0x18100] =	vst v63  }
0x9f: {  	_ = 	snop  }
0xa0: {  	[tilespmem:s17], [sflag:$0x1] =	stream.indirect_vreg.gather [hbm4b:s2+s3], $0x80, v3, vm0, $0xb8;
	[tilespmem:$0x18100] =	vst v63  }
0xa1: {  	_ = 	snop  }
0xa2: {  	[tilespmem:s18], [sflag:$0x1] =	stream.indirect_vreg.gather [hbm4b:s4+s3], $0x80, v3, vm0, $0xb8;
	[tilespmem:$0x18100] =	vst v63  }
0xa3: {  	_ = 	snop  }
0xa4: {  	[tilespmem:s19], [sflag:$0x1] =	stream.indirect_vreg.gather [hbm4b:s5+s3], $0x80, v3, vm0, $0xb8;
	[tilespmem:$0x18100] =	vst v63  }
0xa5: {  	v3 =	vld [tilespmem:$0xA0];
	_ =	sdelay $0x4  }
0xa6: {  	v62 =	vshrl.u32 v3, $0x3  }
0xa7: {  	v4 =	vmul.u32 $0x30, v62  }
0xa8: {  	v3 =	vand.u32 $0x7, v3  }
0xa9: {  	v3 =	vor.u32 v3, v4  }
0xaa: {  	v4 =	vperm.xlane v3, v0;
	_ =	sdelay $0x1  }
0xab: {  	v4 =	vadd.s32 v1, v4;
	_ =	sdelay $0x3  }
0xac: {  	v3 =	vperm.xlane v3, v2  }
0xad: {  	[tilespmem:s20], [sflag:$0x1] =	stream.indirect_vreg.gather [hbm4b:s2+s3], $0x80, v4, vm0, $0xb8;
	[tilespmem:$0x18100] =	vst v63  }
0xae: {  	v3 =	vadd.s32 v1, v3  }
0xaf: {  	[tilespmem:s21], [sflag:$0x1] =	stream.indirect_vreg.gather [hbm4b:s4+s3], $0x80, v4, vm0, $0xb8;
	[tilespmem:$0x18100] =	vst v63  }
0xb0: {  	_ = 	snop  }
0xb1: {  	[tilespmem:s22], [sflag:$0x1] =	stream.indirect_vreg.gather [hbm4b:s5+s3], $0x80, v4, vm0, $0xb8;
	[tilespmem:$0x18100] =	vst v63  }
0xb2: {  	_ = 	snop  }
0xb3: {  	[tilespmem:s23], [sflag:$0x1] =	stream.indirect_vreg.gather [hbm4b:s2+s3], $0x80, v3, vm0, $0xb8;
	[tilespmem:$0x18100] =	vst v63  }
0xb4: {  	_ = 	snop  }
0xb5: {  	[tilespmem:s24], [sflag:$0x1] =	stream.indirect_vreg.gather [hbm4b:s4+s3], $0x80, v3, vm0, $0xb8;
	[tilespmem:$0x18100] =	vst v63  }
0xb6: {  	_ = 	snop  }
0xb7: {  	[tilespmem:s25], [sflag:$0x1] =	stream.indirect_vreg.gather [hbm4b:s5+s3], $0x80, v3, vm0, $0xb8;
	[tilespmem:$0x18100] =	vst v63  }
0xb8: {  	v3 =	vld [tilespmem:$0xB0];
	_ =	sdelay $0x4  }
0xb9: {  	v63 =	vshrl.u32 v3, $0x3  }
0xba: {  	v4 =	vmul.u32 $0x30, v63  }
0xbb: {  	v3 =	vand.u32 $0x7, v3  }
0xbc: {  	v3 =	vor.u32 v3, v4  }
0xbd: {  	v4 =	vperm.xlane v3, v0;
	_ =	sdelay $0x1  }
0xbe: {  	v4 =	vadd.s32 v1, v4;
	_ =	sdelay $0x3  }
0xbf: {  	v3 =	vperm.xlane v3, v2  }
0xc0: {  	[tilespmem:s26], [sflag:$0x1] =	stream.indirect_vreg.gather [hbm4b:s2+s3], $0x80, v4, vm0, $0xb8;
	[tilespmem:$0x18100] =	vst v63  }
0xc1: {  	v3 =	vadd.s32 v1, v3  }
0xc2: {  	[tilespmem:s28], [sflag:$0x1] =	stream.indirect_vreg.gather [hbm4b:s4+s3], $0x80, v4, vm0, $0xb8;
	[tilespmem:$0x18100] =	vst v63  }
0xc3: {  	_ = 	snop  }
0xc4: {  	[tilespmem:s29], [sflag:$0x1] =	stream.indirect_vreg.gather [hbm4b:s5+s3], $0x80, v4, vm0, $0xb8;
	[tilespmem:$0x18100] =	vst v63  }
0xc5: {  	_ = 	snop  }
0xc6: {  	[tilespmem:s30], [sflag:$0x1] =	stream.indirect_vreg.gather [hbm4b:s2+s3], $0x80, v3, vm0, $0xb8;
	[tilespmem:$0x18100] =	vst v63  }
0xc7: {  	_ = 	snop  }
0xc8: {  	[tilespmem:s31], [sflag:$0x1] =	stream.indirect_vreg.gather [hbm4b:s4+s3], $0x80, v3, vm0, $0xb8;
	[tilespmem:$0x18100] =	vst v63  }
0xc9: {  	_ = 	snop  }
0xca: {  	[tilespmem:s1], [sflag:$0x1] =	stream.indirect_vreg.gather [hbm4b:s5+s3], $0x80, v3, vm0, $0xb8;
	[tilespmem:$0x18100] =	vst v63  }
0xcb: {  	_ =	swait.ge [sflag:s9], $0xC000  }
0xcc: {  	[sflag:s9] =	ssyncset.done $0x0  }
0xcd: {  	s11 =	rddreg [dreg:$0x5];
	[sflag:s9] =	ssyncadd.s32 $0xFFFF4000  }
0xce: {  	[hbm4b:s11+s3] =	stream.linear.scatter [tilespmem:s8], [sflag:$0x2], $0xC000, $0x38;
	[tilespmem:$0x18100] =	vst v63  }
0xcf: {  	_ =	swait.ge [sflag:s7], $0xC000  }
0xd0: {  	p0 =	sne.s32 s6, $0x1;
	[sflag:s7] =	ssyncset.done $0x0  }
.Ltmp0:
0xd1: {  	s11 =	rddreg [dreg:$0x6];
	[sflag:s7] =	ssyncadd.s32 $0xFFFF4000;
	(pc) =	sbr.rel @p0 .LBB2_1-.Ltmp0, $4  }
0xd2: {  	[hbm4b:s11+s3] =	stream.linear.scatter [tilespmem:s10], [sflag:$0x2], $0xC000, $0x38;
	[tilespmem:$0x18100] =	vst v63  }
0xd3: {  	_ =	swait.ge [sflag:s7], $0xC000  }
0xd4: {  	[sflag:s7] =	ssyncset.done $0x0  }
0xd5: {  	s6 =	sadd.s32 $0xFFFFFFFF, s6;
	[sflag:s7] =	ssyncadd.s32 $0xFFFF4000  }
0xd6: {  	_ =	sfence.sel $0x180000  }
0xd7: {  	[bflag:$0x0] =	sbarrier.arrive $0xFFFF  }
0xd8: {  	_ =	strace $0x9000004D  }
0xd9: {  	s0 =	stileid.u32;
	[bflag:$0x2] =	sbarrier.arrive $0xFFFF  }
0xda: {  	p0 =	sne.s32 s0, $0x0;
	s0 =	rddreg [dreg:$0x2]  }
0xdb: {  	s0 =	sadd.s32 @!p0 $0x100000, s0  }
0xdc: {  	[sflag:s0] =	ssyncadd.tile.s32 @!p0 $0x1;
	_ =	shalt  }
.Lfunc_end2:
_tile_overlayer_lowered:
.L_overlay_start_2:
0xdd: {  	(tag) =	ssettag $0x2  }
0xde: {  	s0 =	rddreg [dreg:$0x0];
	s2 =	stileid.u32  }
0xdf: {  	s1 =	rddreg [dreg:$0x1];
	p0 =	sne.s32 s2, $0x0  }
0xe0: {  	s3 =	rddreg [dreg:$0x2];
	[bflag:$0x3] =	sbarrier.arrive $0xFFFF;
	s2 =	simm.s32 @!p0 $0x1C02  }
0xe1: {  	[timem:s3], [sflag:s2] =	dma.local @!p0 [hbm:s0], s1  }
0xe2: {  	s0 =	simm.s32 @!p0 $0x2  }
0xe3: {  	_ =	swait.ge @!p0 [sflag:s0], s1  }
0xe4: {  	s1 =	ssub.s32 @!p0 $0x0, s1;
	[sflag:s0] =	ssyncset.done @!p0 $0x0  }
0xe5: {  	[sflag:s0] =	ssyncadd.s32 @!p0 s1  }
0xe6: {  	[bflag:$0x3] =	sbarrier.arrive $0xFFFF  }
0xe7: {  	_ =	shalt  }

// kernel: kernel.7.cloned.1.call-start
scs
__scs_entry_jumppad:
0x0: {  	(pc) =	sbr.rel $0x88, $3  }
0x1: {  	(tag) =	ssettag $0x0;
	lr =	simm.s32 $0x1  }
0x2: {  	[smem:$0x3F93] =	sst lr;
	_ =	strace $0xD0000000  }
0x3: {  	_ = 	snop  }
0x4: {  	_ = 	snop  }
0x5: {  	_ = 	snop  }
0x6: {  	_ = 	snop  }
0x7: {  	_ = 	snop  }
__scs_overlays_trampoline_lowered:
0x8: {  	[smem:$0x3FA2] =	sst s0  }
0x9: {  	[smem:$0x3FA3] =	sst s1  }
0xa: {  	[smem:$0x3FA4] =	sst s2  }
0xb: {  	[smem:$0x3FA5] =	sst s3  }
0xc: {  	[smem:$0x3FA6] =	sst s4  }
0xd: {  	[smem:$0x3FA7] =	sst s5  }
0xe: {  	[smem:$0x3FA8] =	sst s6  }
0xf: {  	[smem:$0x3FA9] =	sst s7  }
0x10: {  	[smem:$0x3FAA] =	sst s8  }
0x11: {  	[smem:$0x3FAB] =	sst s9;
	s0 =	simm.s32 @!p0 $0x0  }
0x12: {  	s1 =	sld [smem:$0x3F91];
	s0 =	simm.s32 @p0 $0x1  }
0x13: {  	[smem:$0x3FAC] =	sst s0;
	s0 =	simm.s32 @!p1 $0x0  }
0x14: {  	s2 =	sld [smem:$0x3F90];
	s0 =	simm.s32 @p1 $0x1  }
0x15: {  	[smem:$0x3FAD] =	sst s0;
	s0 =	simm.s32 @!p2 $0x0  }
0x16: {  	s3 =	sld [smem:$0x3FDB];
	s0 =	simm.s32 @p2 $0x1  }
0x17: {  	s4 =	simm.s32 $0x1BF5;
	[smem:$0x3FAF] =	sst s0  }
0x18: {  	s0 =	sld [smem:$0x3F92];
	_ =	swait.ge [sflag:s4], $0x0  }
0x19: {  	s7 =	sld [smem:$0x3F93]  }
0x1a: {  	s8 =	sadd.s32 $0xFFFFE003, lr  }
0x1b: {  	s9 =	sadd.s32 $0xFFFFFEF7, lr;
	s5 =	simm.s32 $0xFFFFFFFF;
	p2 =	slt.u32 s8, $0xFFFFF086  }
0x1c: {  	p1 =	slt.u32 s9, $0xF7A;
	s5 =	simm.s32 @!p2 $0x0  }
0x1d: {  	s5 =	simm.s32 @p1 $0x1;
	p0 =	seq.s32 s7, s2  }
0x1e: {  	s7 =	smul.u32 @!p0 $0xF7A, s2;
	p2 =	seq.s32 @!p0 s5, $0x0  }
0x1f: {  	s9 =	smul.u32 $0xF7A, s1;
	s8 =	simm.s32 @!p0 $0x1BF5;
	p2 =	por !p2, p0  }
0x20: {  	[sflag:s8] =	ssyncset.s32 @!p0 $0xFFFFF086;
	s6 =	sadd.s32 @!p0 s3, s7;
	s7 =	simm.s32 @!p0 $0x108  }
0x21: {  	s3 =	sadd.s32 s3, s9;
	s6 =	sadd.s32 @!p0 $0x88, s6;
	s7 =	simm.s32 @p2 $0x1082  }
0x22: {  	[simem:s7], [sflag:s8] =	dma.local @!p0 [hbm:s6], $0xF7A  }
0x23: {  	s9 =	sor.u32 $0xD0000000, s2;
	s6 =	simm.s32 $0x108;
	_ =	swait.ge @!p0 [sflag:s8], $0x0  }
0x24: {  	s3 =	sadd.s32 $0x88, s3;
	s6 =	simm.s32 @!p1 $0x1082;
	[sflag:s4] =	ssyncset.s32 $0xFFFFF086  }
0x25: {  	[simem:s6], [sflag:s4] =	dma.local [hbm:s3], $0xF7A  }
0x26: {  	[smem:$0x3F93] =	sst s1;
	(tag) =	ssettag s2;
	_ =	strace s9  }
0x27: {  	s1 =	sld [smem:$0x3FA3]  }
0x28: {  	s2 =	sld [smem:$0x3FA4]  }
0x29: {  	s4 =	sld [smem:$0x3FA6]  }
0x2a: {  	p0 =	seq.s32 s5, $0x0;
	s5 =	sld [smem:$0x3FA7]  }
0x2b: {  	s6 =	sld [smem:$0x3FA8]  }
0x2c: {  	s7 =	sld [smem:$0x3FA9]  }
0x2d: {  	s3 =	simm.s32 $0x108;
	s8 =	sld [smem:$0x3FAA]  }
0x2e: {  	s3 =	simm.s32 @!p0 $0x1082;
	s9 =	sld [smem:$0x3FAB]  }
0x2f: {  	lr =	sadd.s32 s0, s3;
	s0 =	sld [smem:$0x3FA2]  }
0x30: {  	s3 =	sld [smem:$0x3FA5]  }
0x31: {  	[smem:$0x3FAE] =	sst s10  }
0x32: {  	s10 =	sld [smem:$0x3FAC];
	_ =	sdelay $0x3  }
0x33: {  	p0 =	seq.s32 s10, $0x1;
	s10 =	sld [smem:$0x3FAE];
	_ =	sdelay $0x3  }
0x34: {  	[smem:$0x3FAE] =	sst s10  }
0x35: {  	s10 =	sld [smem:$0x3FAD];
	_ =	sdelay $0x3  }
0x36: {  	p1 =	seq.s32 s10, $0x1;
	s10 =	sld [smem:$0x3FAE];
	_ =	sdelay $0x3  }
0x37: {  	[smem:$0x3FAE] =	sst s10  }
0x38: {  	s10 =	sld [smem:$0x3FAF]  }
0x39: {  	_ = 	snop;
	(pc) =	sbr.ind lr, $3  }
0x3a: {  	_ = 	snop  }
0x3b: {  	_ = 	snop  }
0x3c: {  	p2 =	seq.s32 s10, $0x1;
	s10 =	sld [smem:$0x3FAE]  }
0x3d: {  	_ =	shalt  }
0x3e: {  	_ =	shalt  }
0x3f: {  	_ =	shalt  }
0x40: {  	_ =	shalt  }
0x41: {  	_ =	shalt  }
0x42: {  	_ =	shalt  }
0x43: {  	_ =	shalt  }
0x44: {  	_ =	shalt  }
0x45: {  	_ =	shalt  }
0x46: {  	_ =	shalt  }
0x47: {  	_ =	shalt  }
0x48: {  	_ =	shalt  }
0x49: {  	_ =	shalt  }
0x4a: {  	_ =	shalt  }
0x4b: {  	_ =	shalt  }
0x4c: {  	_ =	shalt  }
0x4d: {  	_ =	shalt  }
0x4e: {  	_ =	shalt  }
0x4f: {  	_ =	shalt  }
0x50: {  	_ =	shalt  }
0x51: {  	_ =	shalt  }
0x52: {  	_ =	shalt  }
0x53: {  	_ =	shalt  }
0x54: {  	_ =	shalt  }
0x55: {  	_ =	shalt  }
0x56: {  	_ =	shalt  }
0x57: {  	_ =	shalt  }
0x58: {  	_ =	shalt  }
0x59: {  	_ =	shalt  }
0x5a: {  	_ =	shalt  }
0x5b: {  	_ =	shalt  }
0x5c: {  	_ =	shalt  }
0x5d: {  	_ =	shalt  }
0x5e: {  	_ =	shalt  }
0x5f: {  	_ =	shalt  }
0x60: {  	_ =	shalt  }
0x61: {  	_ =	shalt  }
0x62: {  	_ =	shalt  }
0x63: {  	_ =	shalt  }
0x64: {  	_ =	shalt  }
0x65: {  	_ =	shalt  }
0x66: {  	_ =	shalt  }
0x67: {  	_ =	shalt  }
0x68: {  	_ =	shalt  }
0x69: {  	_ =	shalt  }
0x6a: {  	_ =	shalt  }
0x6b: {  	_ =	shalt  }
0x6c: {  	_ =	shalt  }
0x6d: {  	_ =	shalt  }
0x6e: {  	_ =	shalt  }
0x6f: {  	_ =	shalt  }
0x70: {  	_ =	shalt  }
0x71: {  	_ =	shalt  }
0x72: {  	_ =	shalt  }
0x73: {  	_ =	shalt  }
0x74: {  	_ =	shalt  }
0x75: {  	_ =	shalt  }
0x76: {  	_ =	shalt  }
0x77: {  	_ =	shalt  }
0x78: {  	_ =	shalt  }
0x79: {  	_ =	shalt  }
0x7a: {  	_ =	shalt  }
0x7b: {  	_ =	shalt  }
0x7c: {  	_ =	shalt  }
0x7d: {  	_ =	shalt  }
0x7e: {  	_ =	shalt  }
0x7f: {  	_ =	shalt  }
0x80: {  	_ =	shalt  }
0x81: {  	_ =	shalt  }
0x82: {  	_ =	shalt  }
0x83: {  	_ =	shalt  }
0x84: {  	_ =	shalt  }
0x85: {  	_ =	shalt  }
0x86: {  	_ =	shalt  }
0x87: {  	_ =	shalt  }
.Lfunc_end0:
.L_simem_size_0:
called_computation_lowered:
.L_overlay_start_0:
0x88: {  	s2 =	sld [smem:$0x3FD9]  }
0x89: {  	s3 =	sld [smem:$0x3FFE];
	_ =	sdelay $0x1  }
0x8a: {  	s1 =	srdreg.scid  }
0x8b: {  	s0 =	sand.u32 $0x1, s1  }
0x8c: {  	s14 =	sshll.u32 s0, $0xA;
	s2 =	sadd.s32 s3, s2  }
0x8d: {  	s2 =	sadd.s32 s2, s14  }
0x8e: {  	[smem:$0x3FBA] =	sst s2  }
0x8f: {  	_ = 	snop  }
0x90: {  	s2 =	sld [smem:$0x3FD0];
	_ =	sdelay $0x2  }
0x91: {  	s15 =	simm.s32 $0xA;
	s4 =	simm.s32 $0x10  }
0x92: {  	[smem:s4], [sflag:s15] =	dma.local [hbm:s2], $0x1  }
0x93: {  	_ =	swait.eq [sflag:s15], $0x1  }
0x94: {  	[sflag:s15] =	ssyncset.done $0x0  }
0x95: {  	[sflag:s15] =	ssyncadd.s32 $0xFFFFFFFF  }
0x96: {  	s16 =	sld [smem:$0x12];
	(tm) =	ssettm $0x1  }
0x97: {  	s17 =	sld [smem:$0x3FFB];
	_ =	sdelay $0x3  }
0x98: {  	_ =	strace s17  }
0x99: {  	s3 =	sld [smem:$0x3FFC];
	_ =	sdelay $0x3  }
0x9a: {  	_ =	strace s3  }
0x9b: {  	s3 =	sld [smem:$0x3FFD];
	_ =	sdelay $0x3  }
0x9c: {  	_ =	strace s3  }
0x9d: {  	_ =	strace $0x8FFFFFFF  }
0x9e: {  	s18 =	sld [smem:$0x3FDB];
	_ =	sdelay $0x1  }
0x9f: {  	s19 =	simm.s32 $_scs_section_size  }
0xa0: {  	s5 =	simm.s32 $_size__tile_overlayer_lowered;
	s6 =	simm.s32 $_tile_overlayer_lowered  }
0xa1: {  	s22 =	simm.s32 $0x1BFF;
	s21 =	sshll.u32 s6, $0x1;
	s3 =	sadd.s32 s19, s18  }
0xa2: {  	s7 =	simm.s32 $0x0;
	s20 =	sshll.u32 s5, $0x1;
	s5 =	sadd.s32 s21, s3  }
0xa3: {  	[timem:s7], [sflag:s22] =	dma.local [hbm:s5], s20  }
0xa4: {  	_ =	swait.ge [sflag:s22], s20  }
0xa5: {  	s4 =	ssub.s32 $0x0, s20;
	[sflag:s22] =	ssyncset.done $0x0  }
0xa6: {  	[sflag:s22] =	ssyncadd.s32 s4;
	_ =	sdelay $0x1  }
0xa7: {  	s23 =	simm.s32 $0x1B8B  }
0xa8: {  	_ =	swait.ge [sflag:s23], $0x1  }
0xa9: {  	[sflag:s23] =	ssyncset.done $0x0  }
0xaa: {  	s25 =	simm.s32 $0x1B8E;
	s24 =	sld [smem:$0x3FFE];
	[sflag:s23] =	ssyncadd.s32 $0xFFFFFFFF  }
0xab: {  	s26 =	simm.s32 $execute0_lowered;
	[smem:$0x3FD2] =	sst s25  }
0xac: {  	s5 =	sshll.u32 s26, $0x1;
	_ =	strace $0x80000046;
	[dreg:$0x1] =	wrdreg $0xFFFFFFFF  }
0xad: {  	s28 =	simm.s32 $_size_execute0_lowered;
	s3 =	sadd.s32 s3, s5;
	[dreg:$0x0] =	wrdreg $0x0  }
0xae: {  	s5 =	sshll.u32 s28, $0x1;
	[dreg:$0x2] =	wrdreg s3  }
0xaf: {  	[dreg:$0x3] =	wrdreg s5  }
0xb0: {  	[dreg:$0x4] =	wrdreg $0xC0  }
0xb1: {  	_ =	task [dreg:s7], $0x5FFFF  }
0xb2: {  	[dreg:$0x1] =	wrdreg $0xFFFFFFFF  }
0xb3: {  	[dreg:$0x0] =	wrdreg $0x60  }
0xb4: {  	[dreg:$0x2] =	wrdreg s24  }
0xb5: {  	[dreg:$0x3] =	wrdreg s16  }
0xb6: {  	[dreg:$0x4] =	wrdreg $0x9  }
0xb7: {  	_ =	task.clear_ibuf [dreg:s7], $0x5FFFF;
	_ =	strace $0x90000046  }
0xb8: {  	s29 =	simm.s32 $0x9;
	_ =	strace $0x80000048  }
0xb9: {  	_ =	swait.ge [sflag:s29], $0x1  }
0xba: {  	[sflag:s29] =	ssyncadd.s32 $0xFFFFFFFF  }
0xbb: {  	_ =	strace $0x90000048  }
0xbc: {  	_ =	sfence  }
0xbd: {  	s30 =	sld [smem:$0x0];
	_ =	sdelay $0x2  }
0xbe: {  	s31 =	sshll.u32 s1, $0xD;
	s1 =	sshrl.u32 s1, $0x2  }
0xbf: {  	s3 =	sand.u32 $0x4000, s31;
	s1 =	sadd.s32 s1, s30  }
0xc0: {  	s0 =	sor.u32 s3, s0;
	s1 =	sshll.u32 s1, $0x11  }
0xc1: {  	s0 =	sor.u32 s1, s0  }
0xc2: {  	s0 =	sadd.s32 $0x8F2B, s0  }
0xc3: {  	[sflag:s0] =	ssyncadd.remote.s32 $0x1  }
0xc4: {  	_ =	sfence.sel $0xFFFF  }
0xc5: {  	[dreg:$0x0] =	wrdreg $0xFFFFFFFF;
	(pc) =	sbr.abs _section_cstart, $3  }
0xc6: {  	[dreg:$0x1] =	wrdreg $0xFFFFFFFF  }
0xc7: {  	_ =	task.clear_ibuf [dreg:s7], $0x2FFFF;
	_ =	strace $0x9FFFFFFF  }
0xc8: {  	(tm) =	ssettm $0x7FFFFFFF  }
0xc9: {  	_ =	shalt  }
tec
execute0_lowered:
.L_overlay_start_1:
0x0: {  	(tag) =	ssettag $0x1  }
0x1: {  	s1 =	srdreg.scid;
	s0 =	stileid.u32  }
0x2: {  	s3 =	rddreg [dreg:$0x0];
	s9 =	sand.u32 $0x1, s1;
	s31 =	sshll.u32 s0, $0x1  }
0x3: {  	s7 =	rddreg [dreg:$0x1];
	s8 =	sor.u32 s9, s31  }
0x4: {  	s2 =	simm.s32 $0x0;
	s1 =	rddreg [dreg:$0x2];
	s4 =	sshll.u32 s8, $0x3  }
0x5: {  	[smem:$0x7FF] =	sst s2;
	s4 =	sadd.s32 s3, s4  }
0x6: {  	_ =	strace $0x80000047;
	s3 =	simm.s32 $0x1;
	s5 =	sadd.s32 $0x200, s4  }
0x7: {  	[tilespmem:s2], [sflag:$0x1] =	stream.linear.gather [hbm4b:s5+s2], $0x40, $0x38;
	[tilespmem:$0x180] =	vst v63  }
0x8: {  	_ =	swait.ge [sflag:s3], $0x40  }
0x9: {  	[sflag:s3] =	ssyncset.done $0x0  }
0xa: {  	s6 =	simm.s32 $0x80;
	[sflag:s3] =	ssyncadd.s32 $0xFFFFFFC0  }
0xb: {  	[tilespmem:s6], [sflag:$0x1] =	stream.linear.gather [hbm4b:s4+s2], $0x40, $0x38;
	[tilespmem:$0x180] =	vst v63  }
0xc: {  	_ =	swait.ge [sflag:s3], $0x40  }
0xd: {  	[sflag:s3] =	ssyncset.done $0x0  }
0xe: {  	[sflag:s3] =	ssyncadd.s32 $0xFFFFFFC0  }
0xf: {  	v2 =	vld [tilespmem:$0x0]  }
0x10: {  	v3 =	vld [tilespmem:$0x10]  }
0x11: {  	v0 =	vld [tilespmem:$0xA0]  }
0x12: {  	vm8 =	vmmov $0x1  }
0x13: {  	vm7 =	vcmask $0x308;
	vm6 =	vcmask $0x70C;
	vm5 =	vcmask $0xB10  }
0x14: {  	vm4 =	vcmask $0xF14;
	vm3 =	vcmask $0x1318;
	vm2 =	vcmask $0x171C  }
0x15: {  	vm0 =	veq.s32 v2, $0x5;
	vm14 =	veq.s32 v3, $0x1;
	vm1 =	veq.s32 v3, $0x2  }
0x16: {  	vm15 =	veq.s32 v0, $0x3;
	vm12 =	veq.s32 v3, $0x5;
	v4 =	vmpcnt.ones.xlane vm0  }
0x17: {  	v6 =	vld [tilespmem:$0x20];
	vm13 =	veq.s32 v3, $0x4;
	v5 =	vmpcnt.ones.xlane vm14;
	v7 =	vmpcnt.ones.xlane vm1  }
0x18: {  	v1 =	vmpcnt.ones.xlane vm15;
	v8 =	vmpcnt.ones.xlane vm13;
	vm14 =	veq.s32 v2, $0x1  }
0x19: {  	v9 =	vmpcnt.ones.xlane vm12;
	vm15 =	veq.s32 v2, $0x0;
	vm12 =	veq.s32 v2, $0x7  }
0x1a: {  	vm13 =	veq.s32 v3, $0x7;
	vm1 =	vcmask $0x1B20;
	v10 =	vmpcnt.ones.xlane vm14  }
0x1b: {  	v11 =	vmpcnt.ones.xlane vm12;
	v12 =	vmpcnt.ones.xlane vm15;
	vm14 =	veq.s32 v3, $0x6  }
0x1c: {  	v13 =	vmpcnt.ones.xlane vm13;
	vm15 =	veq.s32 v6, $0x1;
	vm12 =	veq.s32 v6, $0x2  }
0x1d: {  	vm13 =	veq.s32 v3, $0x0;
	v14 =	vmpcnt.ones.xlane vm15;
	v15 =	vmpcnt.ones.xlane vm14  }
0x1e: {  	v16 =	vmpcnt.ones.xlane vm12;
	vm14 =	veq.s32 v6, $0x3;
	vm15 =	veq.s32 v2, $0x4  }
0x1f: {  	v18 =	vmpcnt.ones.xlane vm13;
	vm12 =	veq.s32 v2, $0x3;
	vm13 =	veq.s32 v6, $0x4  }
0x20: {  	v5 =	vsel vm7, $0x0, v5;
	v9 =	vsel vm3, $0x0, v9;
	v17 =	vmpcnt.ones.xlane vm14  }
0x21: {  	v19 =	vld [tilespmem:$0x30];
	v4 =	vsel vm3, $0x0, v4;
	v20 =	vmpcnt.ones.xlane vm15;
	v21 =	vmpcnt.ones.xlane vm13  }
0x22: {  	vm14 =	veq.s32 v6, $0x5;
	v22 =	vmpcnt.ones.xlane vm12;
	vm15 =	veq.s32 v2, $0x2  }
0x23: {  	vm12 =	veq.s32 v6, $0x6;
	vm13 =	veq.s32 v6, $0x7;
	v23 =	vmpcnt.ones.xlane vm14  }
0x24: {  	v10 =	vsel vm7, $0x0, v10;
	v24 =	vmpcnt.ones.xlane vm15;
	v25 =	vmpcnt.ones.xlane vm12  }
0x25: {  	vm14 =	veq.s32 v2, $0x6;
	v2 =	vmpcnt.ones.xlane vm13;
	vm15 =	veq.s32 v6, $0x0  }
0x26: {  	vm12 =	veq.s32 v19, $0x0;
	vm13 =	veq.s32 v3, $0x3;
	v3 =	vsel vm6, $0x0, v7  }
0x27: {  	v7 =	vsel vm4, $0x0, v8;
	v8 =	vsel vm1, $0x0, v11;
	v11 =	vnsel vm8, $0x0, v12  }
0x28: {  	v18 =	vnsel vm8, $0x0, v18;
	v6 =	vmpcnt.ones.xlane vm14;
	v26 =	vmpcnt.ones.xlane vm15  }
0x29: {  	v27 =	vmpcnt.ones.xlane vm12;
	v10 =	vadd.s32 v11, v10;
	v11 =	vsel vm5, $0x0, v22  }
0x2a: {  	v20 =	vsel vm4, $0x0, v20;
	vm14 =	veq.s32 v19, $0x1;
	v12 =	vsel vm6, $0x0, v24  }
0x2b: {  	vm15 =	veq.s32 v19, $0x2;
	vm12 =	veq.s32 v19, $0x3;
	v10 =	vadd.s32 v12, v10;
	v12 =	vld [tilespmem:$0x80]  }
0x2c: {  	v54 =	vmpcnt.ones.xlane vm14;
	v58 =	vsel vm2, $0x0, v25;
	v10 =	vadd.s32 v11, v10  }
0x2d: {  	v2 =	vsel vm1, $0x0, v2;
	v11 =	vmpcnt.ones.xlane vm13;
	v10 =	vadd.s32 v20, v10  }
0x2e: {  	v6 =	vsel vm2, $0x0, v6;
	v60 =	vnsel vm8, $0x0, v27;
	v4 =	vadd.s32 v4, v10  }
0x2f: {  	v10 =	vmpcnt.ones.xlane vm15;
	v11 =	vsel vm5, $0x0, v11;
	v4 =	vadd.s32 v6, v4  }
0x30: {  	v6 =	vmpcnt.ones.xlane vm12;
	vm13 =	veq.s32 v12, $0x0;
	vm14 =	veq.s32 v12, $0x1  }
0x31: {  	v4 =	vadd.s32 v8, v4;
	vm15 =	veq.s32 v12, $0x2;
	vm12 =	veq.s32 v12, $0x3  }
0x32: {  	v10 =	vsel vm6, $0x0, v10;
	v55 =	vmpcnt.ones.xlane vm13;
	v8 =	vmpcnt.ones.xlane vm14  }
0x33: {  	v4 =	vadd.s32 v18, v4;
	v56 =	vmpcnt.ones.xlane vm15;
	v57 =	vmpcnt.ones.xlane vm12  }
0x34: {  	v28 =	vld [tilespmem:$0x90];
	vm13 =	veq.s32 v12, $0x4;
	vm14 =	veq.s32 v12, $0x5;
	v4 =	vadd.s32 v5, v4  }
0x35: {  	vm15 =	veq.s32 v12, $0x6;
	vm12 =	veq.s32 v12, $0x7;
	v3 =	vadd.s32 v3, v4  }
0x36: {  	v12 =	vnsel vm8, $0x0, v26;
	v29 =	vmpcnt.ones.xlane vm13;
	v3 =	vadd.s32 v11, v3  }
0x37: {  	v30 =	vmpcnt.ones.xlane vm14;
	v31 =	vmpcnt.ones.xlane vm12;
	v3 =	vadd.s32 v7, v3  }
0x38: {  	vm13 =	veq.s32 v19, $0x4;
	v5 =	vsel vm2, $0x0, v15;
	v3 =	vadd.s32 v9, v3  }
0x39: {  	vm14 =	veq.s32 v28, $0x4;
	v4 =	vsel vm1, $0x0, v13;
	v3 =	vadd.s32 v5, v3  }
0x3a: {  	vm12 =	veq.s32 v19, $0x5;
	v15 =	vsel vm3, $0x0, v23;
	v3 =	vadd.s32 v4, v3  }
0x3b: {  	v13 =	vmpcnt.ones.xlane vm14;
	v11 =	vsel vm7, $0x0, v14;
	v3 =	vadd.s32 v12, v3  }
0x3c: {  	vm14 =	veq.s32 v19, $0x7;
	v12 =	vsel vm6, $0x0, v16;
	v3 =	vadd.s32 v11, v3  }
0x3d: {  	v14 =	vsel vm4, $0x0, v21;
	v3 =	vadd.s32 v12, v3;
	v12 =	vsel vm5, $0x0, v17  }
0x3e: {  	v7 =	vmpcnt.ones.xlane vm15;
	vm15 =	veq.s32 v28, $0x5;
	v3 =	vadd.s32 v12, v3  }
0x3f: {  	v9 =	vmpcnt.ones.xlane vm13;
	vm13 =	veq.s32 v19, $0x6;
	v3 =	vadd.s32 v14, v3  }
0x40: {  	v5 =	vmpcnt.ones.xlane vm15;
	vm15 =	veq.s32 v28, $0x0;
	v3 =	vadd.s32 v15, v3  }
0x41: {  	v7 =	vsel vm2, $0x0, v7;
	v4 =	vmpcnt.ones.xlane vm12;
	v3 =	vadd.s32 v58, v3  }
0x42: {  	vm12 =	veq.s32 v28, $0x1;
	v11 =	vmpcnt.ones.xlane vm13;
	v2 =	vadd.s32 v2, v3  }
0x43: {  	vm13 =	veq.s32 v28, $0x2;
	v3 =	vsel vm7, $0x0, v54;
	v2 =	vadd.s32 v60, v2  }
0x44: {  	v59 =	vmpcnt.ones.xlane vm13;
	vm13 =	veq.s32 v0, $0x0;
	v2 =	vadd.s32 v3, v2  }
0x45: {  	v12 =	vmpcnt.ones.xlane vm14;
	v3 =	vsel vm5, $0x0, v6;
	v2 =	vadd.s32 v10, v2  }
0x46: {  	vm14 =	veq.s32 v28, $0x3;
	v6 =	vsel vm4, $0x0, v9;
	v2 =	vadd.s32 v3, v2  }
0x47: {  	v63 =	vmpcnt.ones.xlane vm13;
	v9 =	vsel vm3, $0x0, v4;
	v2 =	vadd.s32 v6, v2  }
0x48: {  	v14 =	vmpcnt.ones.xlane vm15;
	v10 =	vsel vm2, $0x0, v11;
	v3 =	vadd.s32 v9, v2  }
0x49: {  	v61 =	vmpcnt.ones.xlane vm14;
	v6 =	vsel vm1, $0x0, v12;
	v3 =	vadd.s32 v10, v3  }
0x4a: {  	vm15 =	veq.s32 v28, $0x6;
	v9 =	vnsel vm8, $0x0, v55;
	v3 =	vadd.s32 v6, v3  }
0x4b: {  	vm14 =	veq.s32 v0, $0x1;
	v6 =	vsel vm7, $0x0, v8;
	v3 =	vadd.s32 v9, v3  }
0x4c: {  	s9 =	ssub.s32 $0x2, s9;
	v15 =	vmpcnt.ones.xlane vm12;
	v8 =	vsel vm6, $0x0, v56;
	v3 =	vadd.s32 v6, v3  }
0x4d: {  	s10 =	sshrl.u32 s9, $0x1;
	vm12 =	veq.s32 v28, $0x7;
	v6 =	vsel vm5, $0x0, v57;
	v3 =	vadd.s32 v8, v3  }
0x4e: {  	s9 =	ssub.s32 s9, s10;
	v62 =	vmpcnt.ones.xlane vm12;
	v8 =	vsel vm4, $0x0, v29;
	v3 =	vadd.s32 v6, v3  }
0x4f: {  	s9 =	smax.u32 s9, $0x1;
	v4 =	vmpcnt.ones.xlane vm15;
	v2 =	vld [tilespmem:$0xB0];
	v9 =	vsel vm3, $0x0, v30;
	v3 =	vadd.s32 v8, v3  }
0x50: {  	p0 =	sne.s32 s9, $0x1;
	vm15 =	veq.s32 v0, $0x2;
	v11 =	vmpcnt.ones.xlane vm14;
	v3 =	vadd.s32 v9, v3  }
.Ltmp0:
0x51: {  	v6 =	vsel vm4, $0x0, v13;
	v13 =	vsel vm1, $0x0, v31;
	v3 =	vadd.s32 v7, v3;
	(pc) =	sbr.rel @!p0 .LBB2_3-.Ltmp0, $4  }
0x52: {  	v12 =	vmpcnt.ones.xlane vm15;
	v8 =	vnsel vm8, $0x0, v14;
	v13 =	vadd.s32 v13, v3  }
0x53: {  	v10 =	vsel vm6, $0x0, v59;
	v13 =	vadd.s32 v8, v13;
	v8 =	vimm.s32 $0x0  }
0x54: {  	s8 =	sshll.u32 s8, $0x4;
	vm9 =	veq.s32 v2, $0x5;
	v9 =	vsel vm7, $0x0, v15;
	v8 =	vsel vm8, $0xFFFFFFFF, v8  }
0x55: {  	s7 =	sadd.s32 s7, s8;
	s8 =	simm.s32 $0x100;
	s9 =	sadd.s32 $0xFFFFFFFF, s9;
	v7 =	vsel vm5, $0x0, v61;
	v3 =	vsel vm1, $0x0, v62;
	[tilespmem:$0x1FFF0] =	vst v8;
	v8 =	vnsel vm8, $0x0, v63  }
0x56: {  	vm7 =	vcmask $0x308;
	vm14 =	vcmask $0xF14  }
.LBB2_2:
0x57: {  	v9 =	vadd.s32 v9, v13  }
0x58: {  	vm2 =	vcmask $0x1318;
	vm0 =	veq.s32 v0, $0x4;
	v9 =	vadd.s32 v10, v9  }
0x59: {  	vm8 =	vcmask $0x171C;
	vm1 =	veq.s32 v0, $0x7;
	v7 =	vadd.s32 v7, v9  }
0x5a: {  	v5 =	vsel vm2, $0x0, v5;
	v4 =	vsel vm8, $0x0, v4;
	v6 =	vadd.s32 v6, v7  }
0x5b: {  	v9 =	vmpcnt.ones.xlane vm0;
	vm0 =	veq.s32 v0, $0x5;
	v5 =	vadd.s32 v5, v6  }
0x5c: {  	v7 =	vmpcnt.ones.xlane vm0;
	vm0 =	veq.s32 v0, $0x6;
	v0 =	vadd.s32 v4, v5  }
0x5d: {  	v0 =	vadd.s32 v3, v0  }
0x5e: {  	v11 =	vsel vm7, $0x0, v11;
	vm5 =	vcmask $0x70C;
	v0 =	vadd.s32 v8, v0  }
0x5f: {  	vm4 =	vcmask $0xB10;
	v10 =	vsel vm5, $0x0, v12;
	v0 =	vadd.s32 v11, v0  }
0x60: {  	v1 =	vsel vm4, $0x0, v1;
	v0 =	vadd.s32 v10, v0  }
0x61: {  	v4 =	vmpcnt.ones.xlane vm0;
	v8 =	vsel vm14, $0x0, v9;
	v0 =	vadd.s32 v1, v0  }
0x62: {  	v5 =	vmpcnt.ones.xlane vm1;
	v1 =	vsel vm2, $0x0, v7;
	v0 =	vadd.s32 v8, v0  }
0x63: {  	vm6 =	vcmask $0x1B20;
	v4 =	vsel vm8, $0x0, v4;
	v0 =	vadd.s32 v1, v0  }
0x64: {  	v1 =	vsel vm6, $0x0, v5;
	v0 =	vadd.s32 v4, v0  }
0x65: {  	v0 =	vadd.s32 v1, v0;
	v1 =	vld [tilespmem:$0x1FFF0];
	_ =	sdelay $0x1  }
0x66: {  	vm0 =	veq.s32 v2, $0x0  }
0x67: {  	vm1 =	veq.s32 v2, $0x1;
	v3 =	vmpcnt.ones.xlane vm0;
	vm0 =	veq.s32 v2, $0x2  }
0x68: {  	v6 =	vmpcnt.ones.xlane vm1;
	v9 =	vmpcnt.ones.xlane vm0;
	vm0 =	veq.s32 v2, $0x3  }
0x69: {  	vm1 =	vmmov vm8;
	v7 =	vmpcnt.ones.xlane vm0;
	vm8 =	vnez.u8 v1  }
0x6a: {  	vm0 =	veq.s32 v2, $0x4;
	v5 =	vmpcnt.ones.xlane vm9;
	v1 =	vnsel vm8, $0x0, v3  }
0x6b: {  	v4 =	vmpcnt.ones.xlane vm0;
	v0 =	vadd.s32 v1, v0;
	v1 =	vsel vm7, $0x0, v6  }
0x6c: {  	vm0 =	veq.s32 v2, $0x6;
	v0 =	vadd.s32 v1, v0;
	v1 =	vsel vm5, $0x0, v9  }
0x6d: {  	v3 =	vmpcnt.ones.xlane vm0;
	v0 =	vadd.s32 v1, v0;
	v1 =	vsel vm4, $0x0, v7  }
0x6e: {  	vm0 =	veq.s32 v2, $0x7;
	v0 =	vadd.s32 v1, v0;
	v1 =	vsel vm14, $0x0, v4  }
0x6f: {  	v2 =	vmpcnt.ones.xlane vm0;
	v4 =	vsel vm2, $0x0, v5;
	v0 =	vadd.s32 v1, v0  }
0x70: {  	v1 =	vsel vm1, $0x0, v3;
	v0 =	vadd.s32 v4, v0  }
0x71: {  	v2 =	vsel vm6, $0x0, v2;
	v0 =	vadd.s32 v1, v0  }
0x72: {  	v0 =	vadd.s32 v2, v0  }
0x73: {  	[tilespmem:$0x100] =	vst v0  }
0x74: {  	[hbm4b:s7+s2] =	stream.linear.scatter [tilespmem:s8], [sflag:$0x1], $0x80, $0x38;
	[tilespmem:$0x180] =	vst v63  }
0x75: {  	_ =	swait.ge [sflag:s3], $0x80  }
0x76: {  	[sflag:s3] =	ssyncset.done $0x0  }
0x77: {  	[sflag:s3] =	ssyncadd.s32 $0xFFFFFF80  }
0x78: {  	[tilespmem:s2], [sflag:$0x1] =	stream.linear.gather [hbm4b:s5+s2], $0x40, $0x38;
	[tilespmem:$0x180] =	vst v63  }
0x79: {  	_ =	swait.ge [sflag:s3], $0x40  }
0x7a: {  	[sflag:s3] =	ssyncset.done $0x0  }
0x7b: {  	[sflag:s3] =	ssyncadd.s32 $0xFFFFFFC0  }
0x7c: {  	[tilespmem:s6], [sflag:$0x1] =	stream.linear.gather [hbm4b:s4+s2], $0x40, $0x38;
	[tilespmem:$0x180] =	vst v63  }
0x7d: {  	_ =	swait.ge [sflag:s3], $0x40  }
0x7e: {  	[sflag:s3] =	ssyncset.done $0x0  }
0x7f: {  	[sflag:s3] =	ssyncadd.s32 $0xFFFFFFC0  }
0x80: {  	v5 =	vld [tilespmem:$0x0];
	_ =	sdelay $0x1  }
0x81: {  	v6 =	vld [tilespmem:$0x10]  }
0x82: {  	v2 =	vld [tilespmem:$0xB0]  }
0x83: {  	v13 =	vimm.s32 $0x0;
	v12 =	vimm.s32 $0x0;
	v9 =	vimm.s32 $0x0;
	v8 =	vld [tilespmem:$0x20]  }
0x84: {  	v1 =	vimm.s32 $0x0;
	v0 =	vimm.s32 $0x0;
	vm2 =	veq.s32 v5, $0x1  }
0x85: {  	vm10 =	veq.s32 v5, $0x4;
	vm0 =	veq.s32 v5, $0x6;
	vm13 =	veq.s32 v5, $0x0  }
0x86: {  	vm1 =	veq.s32 v5, $0x5;
	vm3 =	veq.s32 v6, $0x1;
	vm4 =	veq.s32 v5, $0x7  }
0x87: {  	v4 =	vld [tilespmem:$0x30];
	vm9 =	veq.s32 v6, $0x2;
	vm15 =	veq.s32 v6, $0x3;
	vm12 =	veq.s32 v6, $0x4  }
0x88: {  	vm11 =	veq.s32 v8, $0x0;
	v0 =	vsel vm0, $0xFFFFFFFF, v0;
	vm0 =	veq.s32 v2, $0x5  }
0x89: {  	v7 =	vmpcnt.ones.xlane vm1;
	vm1 =	veq.s32 v6, $0x0;
	v10 =	vmpcnt.ones.xlane vm9  }
0x8a: {  	v3 =	vld [tilespmem:$0x90];
	v11 =	vmpcnt.ones.xlane vm12;
	v14 =	vmpcnt.ones.xlane vm4;
	vm4 =	veq.s32 v6, $0x7  }
0x8b: {  	vm12 =	vmmov vm6;
	v20 =	vmpcnt.ones.xlane vm10;
	vm10 =	vcmask $0xB10  }
0x8c: {  	v52 =	vmpcnt.ones.xlane vm15;
	v1 =	vsel vm0, $0xFFFFFFFF, v1;
	vm0 =	veq.s32 v4, $0x7  }
0x8d: {  	[tilespmem:$0x1FF90] =	vst v0;
	v15 =	vmpcnt.ones.xlane vm4;
	vm4 =	veq.s32 v8, $0x1;
	v19 =	vmpcnt.ones.xlane vm1  }
0x8e: {  	v0 =	vld [tilespmem:$0xA0];
	vm1 =	veq.s32 v8, $0x4;
	[tilespmem:$0x1FFE0] =	vst v1;
	v1 =	vmpcnt.ones.xlane vm3;
	vm3 =	veq.s32 v6, $0x5  }
0x8f: {  	v9 =	vsel vm0, $0xFFFFFFFF, v9;
	vm0 =	veq.s32 v3, $0x6;
	v10 =	vsel vm5, $0x0, v10  }
0x90: {  	v11 =	vsel vm14, $0x0, v11;
	vm5 =	veq.s32 v6, $0x6;
	v6 =	vmpcnt.ones.xlane vm13  }
0x91: {  	v14 =	vsel vm6, $0x0, v14;
	v16 =	vmpcnt.ones.xlane vm4;
	vm13 =	veq.s32 v4, $0x4  }
0x92: {  	vm4 =	veq.s32 v8, $0x2;
	v21 =	vmpcnt.ones.xlane vm1;
	[tilespmem:$0x1FFA0] =	vst v9;
	v9 =	vimm.s32 $0x0  }
0x93: {  	v20 =	vsel vm14, $0x0, v20;
	v9 =	vsel vm0, $0xFFFFFFFF, v9;
	vm0 =	veq.s32 v0, $0x1  }
0x94: {  	vm1 =	veq.s32 v4, $0x2;
	v17 =	vmpcnt.ones.xlane vm5;
	v12 =	vsel vm0, $0xFFFFFFFF, v12  }
0x95: {  	v15 =	vsel vm6, $0x0, v15;
	[tilespmem:$0x1FFD0] =	vst v12;
	v12 =	vmpcnt.ones.xlane vm3;
	vm3 =	veq.s32 v3, $0x3  }
0x96: {  	vm6 =	vcmask $0x171C;
	vm5 =	vcmask $0x70C;
	v13 =	vsel vm3, $0xFFFFFFFF, v13  }
0x97: {  	v19 =	vnsel vm8, $0x0, v19;
	v6 =	vnsel vm8, $0x0, v6;
	[tilespmem:$0x1FFB0] =	vst v13;
	v13 =	vmpcnt.ones.xlane vm2  }
0x98: {  	v16 =	vsel vm7, $0x0, v16;
	v21 =	vsel vm14, $0x0, v21;
	[tilespmem:$0x1FFC0] =	vst v9;
	v9 =	vsel vm7, $0x0, v1  }
0x99: {  	v17 =	vsel vm6, $0x0, v17;
	vm9 =	veq.s32 v0, $0x3;
	v13 =	vsel vm7, $0x0, v13  }
0x9a: {  	v1 =	vmpcnt.ones.xlane vm9;
	vm0 =	veq.s32 v8, $0x3;
	v6 =	vadd.s32 v6, v13;
	v13 =	vld [tilespmem:$0x1FF90]  }
0x9b: {  	v18 =	vmpcnt.ones.xlane vm0;
	vm0 =	veq.s32 v8, $0x5;
	vm2 =	veq.s32 v5, $0x2  }
0x9c: {  	vm3 =	veq.s32 v5, $0x3;
	v23 =	vmpcnt.ones.xlane vm0;
	v24 =	vmpcnt.ones.xlane vm2  }
0x9d: {  	vm0 =	veq.s32 v8, $0x7;
	v5 =	vmpcnt.ones.xlane vm4;
	v22 =	vmpcnt.ones.xlane vm3  }
0x9e: {  	vm4 =	veq.s32 v8, $0x6;
	v50 =	vmpcnt.ones.xlane vm0;
	v8 =	vsel vm5, $0x0, v24  }
0x9f: {  	v22 =	vsel vm10, $0x0, v22;
	v6 =	vadd.s32 v8, v6;
	vm0 =	vnez.u8 v13  }
0xa0: {  	vm9 =	vcmask $0x1318;
	v6 =	vadd.s32 v22, v6;
	v13 =	vmpcnt.ones.xlane vm0  }
0xa1: {  	v7 =	vsel vm9, $0x0, v7;
	v12 =	vsel vm9, $0x0, v12;
	v6 =	vadd.s32 v20, v6  }
0xa2: {  	v25 =	vmpcnt.ones.xlane vm4;
	v6 =	vadd.s32 v7, v6;
	v13 =	vsel vm6, $0x0, v13  }
0xa3: {  	v18 =	vsel vm10, $0x0, v18;
	v23 =	vsel vm9, $0x0, v23;
	v6 =	vadd.s32 v13, v6  }
0xa4: {  	v5 =	vsel vm5, $0x0, v5;
	v49 =	vsel vm6, $0x0, v25;
	v6 =	vadd.s32 v14, v6  }
0xa5: {  	v25 =	vsel vm12, $0x0, v50;
	v7 =	vld [tilespmem:$0x80];
	vm0 =	veq.s32 v4, $0x0;
	v6 =	vadd.s32 v19, v6  }
0xa6: {  	v8 =	vmpcnt.ones.xlane vm11;
	v51 =	vmpcnt.ones.xlane vm0;
	v6 =	vadd.s32 v9, v6  }
0xa7: {  	vm0 =	veq.s32 v4, $0x1;
	v13 =	vsel vm10, $0x0, v52;
	v6 =	vadd.s32 v10, v6  }
0xa8: {  	v53 =	vmpcnt.ones.xlane vm0;
	vm0 =	veq.s32 v4, $0x3;
	v6 =	vadd.s32 v13, v6  }
0xa9: {  	v8 =	vnsel vm8, $0x0, v8;
	v55 =	vmpcnt.ones.xlane vm0;
	v6 =	vadd.s32 v11, v6  }
0xaa: {  	vm0 =	veq.s32 v7, $0x0;
	v14 =	vmpcnt.ones.xlane vm1;
	v6 =	vadd.s32 v12, v6  }
0xab: {  	v54 =	vsel vm7, $0x0, v53;
	vm1 =	veq.s32 v7, $0x3;
	v6 =	vadd.s32 v17, v6  }
0xac: {  	v56 =	vmpcnt.ones.xlane vm1;
	vm1 =	veq.s32 v7, $0x5;
	v6 =	vadd.s32 v15, v6  }
0xad: {  	v9 =	vnsel vm8, $0x0, v51;
	v14 =	vsel vm5, $0x0, v14;
	v6 =	vadd.s32 v8, v6  }
0xae: {  	v13 =	vmpcnt.ones.xlane vm0;
	vm0 =	veq.s32 v7, $0x1;
	v6 =	vadd.s32 v16, v6  }
0xaf: {  	v11 =	vmpcnt.ones.xlane vm0;
	vm0 =	veq.s32 v7, $0x2;
	v5 =	vadd.s32 v5, v6  }
0xb0: {  	v10 =	vsel vm10, $0x0, v55;
	v12 =	vmpcnt.ones.xlane vm0;
	v5 =	vadd.s32 v18, v5  }
0xb1: {  	vm0 =	veq.s32 v7, $0x4;
	v15 =	vmpcnt.ones.xlane vm1;
	v5 =	vadd.s32 v21, v5  }
0xb2: {  	vm1 =	veq.s32 v7, $0x7;
	v8 =	vmpcnt.ones.xlane vm0;
	v59 =	vadd.s32 v23, v5  }
0xb3: {  	v62 =	vld [tilespmem:$0x1FFA0];
	vm0 =	veq.s32 v7, $0x6;
	v7 =	vmpcnt.ones.xlane vm13;
	v18 =	vadd.s32 v49, v59  }
0xb4: {  	v57 =	vmpcnt.ones.xlane vm0;
	vm0 =	veq.s32 v3, $0x4;
	v18 =	vadd.s32 v25, v18  }
0xb5: {  	v6 =	vmpcnt.ones.xlane vm0;
	vm0 =	veq.s32 v4, $0x5;
	v9 =	vadd.s32 v9, v18  }
0xb6: {  	v7 =	vsel vm14, $0x0, v7;
	v60 =	vmpcnt.ones.xlane vm0;
	v9 =	vadd.s32 v54, v9  }
0xb7: {  	vm0 =	veq.s32 v4, $0x6;
	v4 =	vnsel vm8, $0x0, v13;
	v9 =	vadd.s32 v14, v9  }
0xb8: {  	v13 =	vmpcnt.ones.xlane vm0;
	vm0 =	vnez.u8 v62;
	v9 =	vadd.s32 v10, v9  }
0xb9: {  	v61 =	vsel vm9, $0x0, v60;
	v19 =	vmpcnt.ones.xlane vm0;
	v7 =	vadd.s32 v7, v9  }
0xba: {  	v13 =	vsel vm6, $0x0, v13;
	v7 =	vadd.s32 v61, v7  }
0xbb: {  	v9 =	vsel vm12, $0x0, v19;
	v7 =	vadd.s32 v13, v7  }
0xbc: {  	v7 =	vadd.s32 v9, v7  }
0xbd: {  	v11 =	vsel vm7, $0x0, v11;
	v4 =	vadd.s32 v4, v7  }
0xbe: {  	v12 =	vsel vm5, $0x0, v12;
	v13 =	vld [tilespmem:$0x1FFB0];
	v4 =	vadd.s32 v11, v4  }
0xbf: {  	v12 =	vadd.s32 v12, v4;
	v4 =	vld [tilespmem:$0x1FFC0]  }
0xc0: {  	v58 =	vmpcnt.ones.xlane vm1;
	vm0 =	veq.s32 v3, $0x0  }
0xc1: {  	vm1 =	veq.s32 v3, $0x5;
	v10 =	vmpcnt.ones.xlane vm0;
	vm0 =	veq.s32 v3, $0x1  }
0xc2: {  	v8 =	vsel vm14, $0x0, v8;
	v14 =	vmpcnt.ones.xlane vm0;
	vm0 =	veq.s32 v3, $0x2  }
0xc3: {  	v63 =	vnsel vm8, $0x0, v10;
	v10 =	vmpcnt.ones.xlane vm0;
	vm0 =	vnez.u8 v13  }
0xc4: {  	v11 =	vsel vm10, $0x0, v56;
	v13 =	vmpcnt.ones.xlane vm0;
	vm0 =	vnez.u8 v4  }
0xc5: {  	v11 =	vadd.s32 v11, v12;
	v4 =	vmpcnt.ones.xlane vm0;
	vm0 =	veq.s32 v3, $0x7  }
0xc6: {  	v12 =	vsel vm9, $0x0, v15;
	v3 =	vadd.s32 v8, v11;
	v11 =	vmpcnt.ones.xlane vm0  }
0xc7: {  	v8 =	vsel vm6, $0x0, v57;
	v3 =	vadd.s32 v12, v3  }
0xc8: {  	v8 =	vadd.s32 v8, v3;
	v3 =	vsel vm12, $0x0, v11;
	v11 =	vld [tilespmem:$0x1FFD0]  }
0xc9: {  	v12 =	vsel vm12, $0x0, v58  }
0xca: {  	p0 =	sne.s32 s9, $0x1;
	v8 =	vadd.s32 v12, v8;
	v12 =	vld [tilespmem:$0x1FFE0]  }
.Ltmp1:
0xcb: {  	v6 =	vsel vm14, $0x0, v6;
	v5 =	vmpcnt.ones.xlane vm1;
	(pc) =	sbr.rel @p0 .LBB2_2-.Ltmp1, $4  }
0xcc: {  	v9 =	vsel vm7, $0x0, v14;
	v10 =	vsel vm5, $0x0, v10;
	vm0 =	veq.s32 v0, $0x0  }
0xcd: {  	v7 =	vsel vm10, $0x0, v13;
	v14 =	vmpcnt.ones.xlane vm0;
	vm0 =	vnez.u8 v11  }
0xce: {  	v13 =	vadd.s32 v63, v8;
	v11 =	vmpcnt.ones.xlane vm0;
	vm0 =	veq.s32 v0, $0x2  }
0xcf: {  	s9 =	sadd.s32 $0xFFFFFFFF, s9;
	v8 =	vnsel vm8, $0x0, v14;
	vm9 =	vnez.u8 v12;
	v12 =	vmpcnt.ones.xlane vm0  }
.LBB2_3:
0xd0: {  	v9 =	vadd.s32 v9, v13;
	vm3 =	vcmask $0x1318;
	vm6 =	vcmask $0x308  }
0xd1: {  	vm5 =	vcmask $0x70C;
	vm0 =	veq.s32 v0, $0x4;
	vm14 =	veq.s32 v0, $0x5  }
0xd2: {  	vm2 =	vcmask $0x171C;
	vm15 =	veq.s32 v0, $0x6;
	vm1 =	veq.s32 v0, $0x7  }
0xd3: {  	vm4 =	veq.s32 v2, $0x0;
	vm7 =	veq.s32 v2, $0x1;
	v9 =	vadd.s32 v10, v9  }
0xd4: {  	vm8 =	veq.s32 v2, $0x2;
	vm10 =	vcmask $0xF14;
	v7 =	vadd.s32 v7, v9  }
0xd5: {  	vm11 =	veq.s32 v2, $0x3;
	v5 =	vsel vm3, $0x0, v5;
	v6 =	vadd.s32 v6, v7  }
0xd6: {  	vm12 =	veq.s32 v2, $0x4;
	v4 =	vsel vm2, $0x0, v4;
	v5 =	vadd.s32 v5, v6  }
0xd7: {  	v57 =	vmpcnt.ones.xlane vm9;
	v11 =	vsel vm6, $0x0, v11;
	v45 =	vadd.s32 v4, v5  }
0xd8: {  	v42 =	vsel vm5, $0x0, v12;
	v43 =	vmpcnt.ones.xlane vm0;
	v0 =	vadd.s32 v3, v45  }
0xd9: {  	v44 =	vmpcnt.ones.xlane vm14;
	v46 =	vmpcnt.ones.xlane vm15;
	v0 =	vadd.s32 v8, v0  }
0xda: {  	v56 =	vld [tilespmem:$0x1FFF0];
	v48 =	vmpcnt.ones.xlane vm4;
	vm4 =	vcmask $0xB10;
	v0 =	vadd.s32 v11, v0  }
0xdb: {  	v47 =	vmpcnt.ones.xlane vm1;
	v1 =	vsel vm4, $0x0, v1;
	v0 =	vadd.s32 v42, v0  }
0xdc: {  	v49 =	vmpcnt.ones.xlane vm7;
	v50 =	vsel vm10, $0x0, v43;
	v0 =	vadd.s32 v1, v0  }
0xdd: {  	v51 =	vmpcnt.ones.xlane vm8;
	v52 =	vsel vm3, $0x0, v44;
	v0 =	vadd.s32 v50, v0  }
0xde: {  	vm7 =	vcmask $0x1B20;
	v4 =	vsel vm2, $0x0, v46;
	v0 =	vadd.s32 v52, v0  }
0xdf: {  	v54 =	vsel vm7, $0x0, v47;
	vm13 =	vnez.u8 v56;
	v0 =	vadd.s32 v4, v0  }
0xe0: {  	v53 =	vmpcnt.ones.xlane vm11;
	v1 =	vnsel vm13, $0x0, v48;
	v0 =	vadd.s32 v54, v0  }
0xe1: {  	v55 =	vmpcnt.ones.xlane vm12;
	v58 =	vsel vm6, $0x0, v49;
	v0 =	vadd.s32 v1, v0  }
0xe2: {  	vm14 =	veq.s32 v2, $0x6;
	v59 =	vsel vm5, $0x0, v51;
	v0 =	vadd.s32 v58, v0  }
0xe3: {  	vm15 =	veq.s32 v2, $0x7;
	v61 =	vsel vm4, $0x0, v53;
	v0 =	vadd.s32 v59, v0  }
0xe4: {  	v60 =	vmpcnt.ones.xlane vm14;
	v62 =	vsel vm10, $0x0, v55;
	v0 =	vadd.s32 v61, v0  }
0xe5: {  	v2 =	vmpcnt.ones.xlane vm15;
	v3 =	vsel vm3, $0x0, v57;
	v0 =	vadd.s32 v62, v0  }
0xe6: {  	v63 =	vsel vm2, $0x0, v60;
	v0 =	vadd.s32 v3, v0  }
0xe7: {  	v2 =	vsel vm7, $0x0, v2;
	v0 =	vadd.s32 v63, v0  }
0xe8: {  	v0 =	vadd.s32 v2, v0  }
0xe9: {  	[tilespmem:$0x100] =	vst v0  }
0xea: {  	[hbm4b:s7+s2] =	stream.linear.scatter [tilespmem:s8], [sflag:$0x1], $0x80, $0x38;
	[tilespmem:$0x180] =	vst v63  }
0xeb: {  	_ =	swait.ge [sflag:s3], $0x80  }
0xec: {  	[sflag:s3] =	ssyncset.done $0x0  }
0xed: {  	[sflag:s3] =	ssyncadd.s32 $0xFFFFFF80  }
0xee: {  	_ =	sfence.sel $0x180000  }
0xef: {  	[bflag:$0x0] =	sbarrier.arrive $0xFFFF  }
0xf0: {  	p0 =	sne.s32 s0, $0x0;
	_ =	strace $0x90000047  }
0xf1: {  	s0 =	sadd.s32 @!p0 $0x100000, s1;
	[bflag:$0x2] =	sbarrier.arrive $0xFFFF  }
0xf2: {  	[sflag:s0] =	ssyncadd.tile.s32 @!p0 $0x1;
	_ =	shalt  }
.Lfunc_end2:
_tile_overlayer_lowered:
.L_overlay_start_2:
0xf3: {  	(tag) =	ssettag $0x2  }
0xf4: {  	s0 =	rddreg [dreg:$0x0];
	s2 =	stileid.u32  }
0xf5: {  	s1 =	rddreg [dreg:$0x1];
	p0 =	sne.s32 s2, $0x0  }
0xf6: {  	s3 =	rddreg [dreg:$0x2];
	[bflag:$0x3] =	sbarrier.arrive $0xFFFF;
	s2 =	simm.s32 @!p0 $0x1C01  }
0xf7: {  	[timem:s3], [sflag:s2] =	dma.local @!p0 [hbm:s0], s1  }
0xf8: {  	s0 =	simm.s32 @!p0 $0x1  }
0xf9: {  	_ =	swait.ge @!p0 [sflag:s0], s1  }
0xfa: {  	s1 =	ssub.s32 @!p0 $0x0, s1;
	[sflag:s0] =	ssyncset.done @!p0 $0x0  }
0xfb: {  	[sflag:s0] =	ssyncadd.s32 @!p0 s1  }
0xfc: {  	[bflag:$0x3] =	sbarrier.arrive $0xFFFF  }
0xfd: {  	_ =	shalt  }

</sc_bundles>
